<compile_context>
chip_gen: v7x
topology: tpu7x:2x2x1
jax: 0.10.2.dev20260603
libtpu: 0.0.44.dev20260713+nightly
codegen_flags: <defaults>
</compile_context>

<pallas_src>
import functools

import jax
import jax.numpy as jnp
from jax import lax
from jax.experimental import pallas as pl
from jax.experimental.pallas import tpu as pltpu
from jax.experimental.pallas import tpu_sc as plsc

N = 50000
E = 800000
F_IN = 33
H = 64
C = 6
G = 512

NC = 2
NS = 16
LANES = 16

BN = 512
NP = 50176
NBLK = NP // BN
N2 = NP // 2
ROWS_PER_TILE = N2 // NS
ACC_ROWS = N2 + 16
ZROWS = ACC_ROWS // NS

EGROUP = 128
GPT = 392
NGROUPS = GPT * NS
NGROUPS_ALLOC = NGROUPS + 4
EP = NGROUPS_ALLOC * EGROUP

DIN1 = 64
HH = 32

PB_GROUPS = 196
STG = 4
FL = 512
CAPB_CH = 26
CAPB = CAPB_CH * FL
BUCKET_G = CAPB // EGROUP
TOTG = 2 * 32 * BUCKET_G
OUT_E = TOTG * EGROUP
GPT2 = 2 * BUCKET_G


def _make_agg(dp, sch, dt):
  nsc = GPT // sch
  assert nsc * sch == GPT and nsc % 2 == 0
  mesh = plsc.VectorSubcoreMesh(
      core_axis_name="c", subcore_axis_name="s", num_cores=NC, num_subcores=NS)

  @functools.partial(
      pl.kernel,
      out_type=jax.ShapeDtypeStruct((NP, dp), dt),
      mesh=mesh,
      compiler_params=pltpu.CompilerParams(use_tc_tiling_on_sc=False),
      scratch_types=[
          pltpu.VMEM((2, sch, 2, EGROUP), jnp.int32),
          pltpu.VMEM((2, sch, EGROUP), jnp.int32),
          pltpu.VMEM((2, sch, EGROUP, dp), dt),
          pltpu.VMEM_SHARED((ACC_ROWS, dp), dt),
          pltpu.SemaphoreType.DMA,
          pltpu.SemaphoreType.DMA,
          pltpu.SemaphoreType.DMA,
          pltpu.SemaphoreType.DMA,
      ],
  )
  def agg(table_hbm, idx2_hbm, zeros_hbm, out_hbm, idx_v, ldst_v, rows_v,
          acc, semg0, semg1, sems0, sems1):
    cid = lax.axis_index("c")
    sid = lax.axis_index("s")
    base = cid * N2
    semg = (semg0, semg1)
    sems = (sems0, sems1)

    pltpu.sync_copy(zeros_hbm, acc.at[pl.ds(sid * ZROWS, ZROWS)])
    plsc.subcore_barrier()

    def load_idx(c, p):
      grow = sid * GPT + c * sch
      pltpu.sync_copy(idx2_hbm.at[pl.ds(grow, sch)], idx_v.at[p])

    def compute_ldst(p):
      for j in range(sch):
        for k in range(EGROUP // LANES):
          d = idx_v[p, j, 1, pl.ds(k * LANES, LANES)]
          ld = d - base
          ok = (ld >= 0) & (ld < N2)
          ldst_v[p, j, pl.ds(k * LANES, LANES)] = jnp.where(ok, ld, N2)

    def fire_gathers(p):
      for j in range(sch):
        pltpu.async_copy(table_hbm.at[idx_v.at[p, j, 0]], rows_v.at[p, j],
                         semg[p])

    def drain_gathers(p):
      for j in range(sch):
        pltpu.make_async_copy(table_hbm.at[idx_v.at[p, j, 0]],
                              rows_v.at[p, j], semg[p]).wait()

    def fire_scatters(p):
      for j in range(sch):
        pltpu.async_copy(rows_v.at[p, j], acc.at[ldst_v.at[p, j]], sems[p],
                         add=True)

    def drain_scatters(p):
      for j in range(sch):
        pltpu.make_async_copy(rows_v.at[p, j], acc.at[ldst_v.at[p, j]],
                              sems[p]).wait()

    trash16 = jnp.full((LANES,), N2, jnp.int32)
    for j in range(sch):
      for k in range(EGROUP // LANES):
        ldst_v[1, j, pl.ds(k * LANES, LANES)] = trash16
    fire_scatters(1)
    load_idx(0, 0)
    compute_ldst(0)
    fire_gathers(0)

    def body(i, carry):
      for p in range(2):
        c = 2 * i + p
        drain_scatters(1 - p)
        load_idx(c + 1, 1 - p)
        compute_ldst(1 - p)
        drain_gathers(p)
        fire_gathers(1 - p)
        fire_scatters(p)
      return carry

    lax.fori_loop(0, nsc // 2, body, 0)
    drain_scatters(1)
    drain_gathers(0)
    plsc.subcore_barrier()

    pltpu.sync_copy(
        acc.at[pl.ds(sid * ROWS_PER_TILE, ROWS_PER_TILE)],
        out_hbm.at[pl.ds(base + sid * ROWS_PER_TILE, ROWS_PER_TILE)])

  return agg


_agg64 = _make_agg(H, 2, jnp.bfloat16)


def _mlp_body(split_h, x_refs, a_refs, b_ref, wa_ref, ba_ref, g_ref, be_ref,
              m_ref, v_ref, wb_ref, bb_ref, *out_refs):
  z = jnp.concatenate([r[...] for r in x_refs], axis=1) + (
      jnp.concatenate([r[...] for r in a_refs], axis=1).astype(jnp.float32))
  h = jnp.dot(z, wa_ref[...], preferred_element_type=jnp.float32) + ba_ref[...]
  scale = g_ref[...] * lax.rsqrt(v_ref[...] + 1e-5)
  h = scale * (h - m_ref[...]) + be_ref[...]
  h = jnp.maximum(h, 0.0)
  h = jnp.dot(h, wb_ref[...], preferred_element_type=jnp.float32) + bb_ref[...]
  h = jnp.maximum(h, 0.0)
  if split_h:
    out_refs[0][...] = h
    out_refs[1][...] = h.astype(jnp.bfloat16)
  p_ref = out_refs[-1]
  bvals = b_ref[0, 0, :]
  ids = lax.broadcasted_iota(jnp.int32, (G, BN), 0)
  onehot = (ids == bvals[None, :]).astype(jnp.float32)
  pp = jnp.dot(onehot, h, preferred_element_type=jnp.float32)

  @pl.when(pl.program_id(0) == 0)
  def _():
    p_ref[...] = pp

  @pl.when(pl.program_id(0) != 0)
  def _():
    p_ref[...] += pp


_FULL = lambda i: (0, 0)
_ROWB = lambda d: pl.BlockSpec((BN, d), lambda i: (i, 0))


def _mlp_specs(din_parts):
  specs = [_ROWB(d) for d in din_parts]
  specs += [_ROWB(d) for d in din_parts]
  specs += [pl.BlockSpec((1, 1, BN), lambda i: (i, 0, 0))]
  din = sum(din_parts)
  specs += [pl.BlockSpec((din, H), _FULL)]
  specs += [pl.BlockSpec((1, H), _FULL)] * 5
  specs += [pl.BlockSpec((H, H), _FULL)]
  specs += [pl.BlockSpec((1, H), _FULL)]
  return specs


def _wrap_mlp(split_h, nparts):
  def body(*refs):
    x_refs = refs[:nparts]
    a_refs = refs[nparts:2 * nparts]
    rest = refs[2 * nparts:]
    _mlp_body(split_h, x_refs, a_refs, *rest)
  return body


_mlp1 = pl.pallas_call(
    _wrap_mlp(True, 1),
    grid=(NBLK,),
    in_specs=_mlp_specs([DIN1]),
    out_specs=[_ROWB(H), _ROWB(H), pl.BlockSpec((G, H), _FULL)],
    out_shape=[
        jax.ShapeDtypeStruct((NP, H), jnp.float32),
        jax.ShapeDtypeStruct((NP, H), jnp.bfloat16),
        jax.ShapeDtypeStruct((G, H), jnp.float32),
    ],
)

_mlp2 = pl.pallas_call(
    _wrap_mlp(False, 1),
    grid=(NBLK,),
    in_specs=_mlp_specs([H]),
    out_specs=[pl.BlockSpec((G, H), _FULL)],
    out_shape=[jax.ShapeDtypeStruct((G, H), jnp.float32)],
)


def _final_body(p1_ref, p2_ref, wl_ref, bl_ref, o_ref):
  o = jnp.dot(p1_ref[...], wl_ref[:H, :], preferred_element_type=jnp.float32)
  o += jnp.dot(p2_ref[...], wl_ref[H:, :], preferred_element_type=jnp.float32)
  o_ref[...] = o + bl_ref[...]


_final = pl.pallas_call(
    _final_body,
    out_shape=jax.ShapeDtypeStruct((G, C), jnp.float32),
)


@jax.jit
def _impl(x, edge_index, batch, W1, b1, g1, be1, m1, v1, W2, b2, W3, b3, g2,
          be2, m2, v2, W4, b4, Wl, bl):
  src = edge_index[0]
  dst = edge_index[1]
  srcp = jnp.concatenate([src, jnp.zeros((EP - E,), jnp.int32)]).reshape(
      NGROUPS_ALLOC, EGROUP)
  dstp = jnp.concatenate([dst, jnp.full((EP - E,), NP, jnp.int32)]).reshape(
      NGROUPS_ALLOC, EGROUP)
  idx2 = jnp.stack([srcp, dstp], axis=1)
  xp = jnp.zeros((NP, DIN1), jnp.float32).at[:N, :F_IN].set(x)
  W1p = jnp.zeros((DIN1, H), jnp.float32).at[:F_IN].set(W1)
  batchp = jnp.concatenate(
      [batch, jnp.full((NP - N,), -1, jnp.int32)]).reshape(NBLK, 1, BN)
  z64 = jnp.zeros((ZROWS, H), jnp.bfloat16)
  r = lambda a: a.reshape(1, H)

  xpbf = xp.astype(jnp.bfloat16)
  agg1 = _agg64(xpbf, idx2, z64)
  h1, h1bf, p1 = _mlp1(xp, agg1, batchp, W1p, r(b1), r(g1), r(be1), r(m1),
                       r(v1), W2, r(b2))
  agg2 = _agg64(h1bf, idx2, z64)
  (p2,) = _mlp2(h1, agg2, batchp, W3, r(b3), r(g2), r(be2),
                r(m2), r(v2), W4, r(b4))
  return _final(p1, p2, Wl, bl.reshape(1, C))


def kernel(x, edge_index, batch, W1, b1, g1, be1, m1, v1, W2, b2, W3, b3, g2,
           be2, m2, v2, W4, b4, Wl, bl):
  return _impl(x, edge_index, batch, W1, b1, g1, be1, m1, v1, W2, b2, W3, b3,
               g2, be2, m2, v2, W4, b4, Wl, bl)

# --- scband reference (transcript-rebuilt; emitter-appended) ---
"""Pipeline reference for scband-gin-35562329211576 (READ-ONLY COPY).

The authoritative reference and input builder live on the scoring server;
editing this copy changes nothing except your own understanding.
"""

import jax, jax.numpy as jnp
import numpy as np

N = 50000
E = 800000
F_IN = 33
H = 64
C = 6
G = 512


def setup_inputs(seed: int = 0) -> dict:
    key = jax.random.key(seed)
    ks = jax.random.split(key, 20)
    x = jax.random.normal(ks[0], (N, F_IN), dtype=jnp.float32)
    edge_index = jax.random.randint(ks[1], (2, E), 0, N, dtype=jnp.int32)
    batch = jnp.sort(jax.random.randint(ks[2], (N,), 0, G, dtype=jnp.int32))

    def lin_init(k, fan_in, fan_out):
        bound = 1.0 / np.sqrt(fan_in)
        kw, kb = jax.random.split(k)
        W = jax.random.uniform(kw, (fan_in, fan_out), minval=-bound, maxval=bound, dtype=jnp.float32)
        b = jax.random.uniform(kb, (fan_out,), minval=-bound, maxval=bound, dtype=jnp.float32)
        return W, b

    W1, b1 = lin_init(ks[3], F_IN, H)
    W2, b2 = lin_init(ks[4], H, H)
    W3, b3 = lin_init(ks[5], H, H)
    W4, b4 = lin_init(ks[6], H, H)
    Wl, bl = lin_init(ks[7], 2 * H, C)
    g1 = jnp.ones((H,), dtype=jnp.float32); be1 = jnp.zeros((H,), dtype=jnp.float32)
    m1 = jnp.zeros((H,), dtype=jnp.float32); v1 = jnp.ones((H,), dtype=jnp.float32)
    g2 = jnp.ones((H,), dtype=jnp.float32); be2 = jnp.zeros((H,), dtype=jnp.float32)
    m2 = jnp.zeros((H,), dtype=jnp.float32); v2 = jnp.ones((H,), dtype=jnp.float32)
    return {
        'x': x, 'edge_index': edge_index, 'batch': batch,
        'W1': W1, 'b1': b1, 'g1': g1, 'be1': be1, 'm1': m1, 'v1': v1, 'W2': W2, 'b2': b2,
        'W3': W3, 'b3': b3, 'g2': g2, 'be2': be2, 'm2': m2, 'v2': v2, 'W4': W4, 'b4': b4,
        'Wl': Wl, 'bl': bl,
    }


def _mlp(h, Wa, ba, g, be, m, v, Wb, bb):
    h = h @ Wa + ba
    h = g * (h - m) / jnp.sqrt(v + 1e-5) + be  # BatchNorm1d, eval mode (running stats)
    h = jax.nn.relu(h)
    h = h @ Wb + bb
    return jax.nn.relu(h)


def reference(x, edge_index, batch, W1, b1, g1, be1, m1, v1, W2, b2, W3, b3, g2, be2, m2, v2, W4, b4, Wl, bl):
    src = edge_index[0]
    dst = edge_index[1]
    # GINConv layer 1: nn((1+eps)*x + sum_{j in N(i)} x_j), eps=0
    agg1 = jax.ops.segment_sum(x[src], dst, num_segments=N)
    h1 = _mlp(x + agg1, W1, b1, g1, be1, m1, v1, W2, b2)
    # GINConv layer 2
    agg2 = jax.ops.segment_sum(h1[src], dst, num_segments=N)
    h2 = _mlp(h1 + agg2, W3, b3, g2, be2, m2, v2, W4, b4)
    # global_add_pool over batch vector
    p1 = jax.ops.segment_sum(h1, batch, num_segments=G)
    p2 = jax.ops.segment_sum(h2, batch, num_segments=G)
    h = jnp.concatenate((p1, p2), axis=1)
    # dropout p=0.5 is identity in eval mode
    out = h @ Wl + bl
    return out

if __name__ == "__main__":
    import jax
    _d = setup_inputs()
    print(jax.jit(kernel)(*tuple(_d.values())))

</pallas_src>

<mosaic_0001>
#map = affine_map<(d0, d1) -> (0, 0)>
#map1 = affine_map<(d0, d1) -> (0, 0, 0)>
module attributes {stable_mosaic.version = 14 : i64} {
  func.func @agg(%arg0: i32, %arg1: i32, %arg2: memref<50176x64xbf16, #tpu.memory_space<hbm>>, %arg3: memref<6276x2x128xi32, #tpu.memory_space<hbm>>, %arg4: memref<1569x64xbf16, #tpu.memory_space<hbm>>, %arg5: memref<50176x64xbf16, #tpu.memory_space<hbm>>, %arg6: memref<2x2x2x128xi32, #tpu.memory_space<vmem>>, %arg7: memref<2x2x128xi32, #tpu.memory_space<vmem>>, %arg8: memref<2x2x128x64xbf16, #tpu.memory_space<vmem>>, %arg9: memref<25104x64xbf16, #tpu.memory_space<vmem_shared>>, %arg10: memref<!tpu.dma_semaphore, #tpu.memory_space<semaphore_mem>>, %arg11: memref<!tpu.dma_semaphore, #tpu.memory_space<semaphore_mem>>, %arg12: memref<!tpu.dma_semaphore, #tpu.memory_space<semaphore_mem>>, %arg13: memref<!tpu.dma_semaphore, #tpu.memory_space<semaphore_mem>>) attributes {dimension_semantics = [#tpu.dimension_semantics<core_parallel>, #tpu.dimension_semantics<subcore_parallel>], iteration_bounds = array<i64: 2, 16>, scalar_prefetch = 0 : i64, scratch_operands = 8 : i64, tpu.core_type = #tpu.core_type<sc_vector_subcore>, window_params = [{transform_indices = #map}, {transform_indices = #map1}, {transform_indices = #map}, {transform_indices = #map}]} {
    %mul3A = arith.constant 25088 : i32
    %mul3A_0 = arith.muli %arg0, %mul3A : i32
    %mul3A_1 = arith.constant 1569 : i32
    %mul3A_2 = arith.muli %arg1, %mul3A_1 : i32
    "tpu.region"() ({
      %run_scoped3A_716 = tpu.sem_alloc : memref<!tpu.dma_semaphore, #tpu.memory_space<semaphore_mem>>
      %dma_start3A_717 = arith.constant 0 : i32
      %dma_start3A_718 = tpu.memref_slice %arg9[%mul3A_2, %dma_start3A_717] : memref<25104x64xbf16, #tpu.memory_space<vmem_shared>> -> memref<1569x64xbf16, #tpu.memory_space<vmem_shared>>
      tpu.enqueue_dma source(%arg4 : memref<1569x64xbf16, #tpu.memory_space<hbm>>) target(%dma_start3A_718 : memref<1569x64xbf16, #tpu.memory_space<vmem_shared>>) target_semaphore(%run_scoped3A_716 : memref<!tpu.dma_semaphore, #tpu.memory_space<semaphore_mem>>)
      %dma_wait3A_719 = arith.constant 0 : i32
      %dma_wait3A_720 = tpu.memref_slice %arg9[%mul3A_2, %dma_wait3A_719] : memref<25104x64xbf16, #tpu.memory_space<vmem_shared>> -> memref<1569x64xbf16, #tpu.memory_space<vmem_shared>>
      tpu.wait_dma2 semaphore(%run_scoped3A_716 : memref<!tpu.dma_semaphore, #tpu.memory_space<semaphore_mem>>) src(%arg4 : memref<1569x64xbf16, #tpu.memory_space<hbm>>) dst(%dma_wait3A_720 : memref<1569x64xbf16, #tpu.memory_space<vmem_shared>>)
      tpu.yield
    }) : () -> ()
    %barrier3A = arith.constant 0 : index
    tpu.barrier barrier_id(%barrier3A)
    %broadcast_in_dim3A = arith.constant 25088 : i32
    %broadcast_in_dim3A_3 = vector.broadcast %broadcast_in_dim3A : i32 to vector<16xi32>
    %swap3A = arith.constant 1 : i32
    %swap3A_4 = arith.constant 0 : i32
    %swap3A_5 = arith.index_cast %swap3A : i32 to index
    %swap3A_6 = arith.index_cast %swap3A_4 : i32 to index
    %swap3A_7 = arith.constant 0 : index
    %swap3A_8 = tpu.vector_load %arg7[%swap3A_5, %swap3A_6, %swap3A_7] {strides = array<i32>} : memref<2x2x128xi32, #tpu.memory_space<vmem>>, vector<1x1x16xi32>,
    %swap3A_9 = vector.shape_cast %swap3A_8 : vector<1x1x16xi32> to vector<16xi32>
    %swap3A_10 = vector.shape_cast %broadcast_in_dim3A_3 : vector<16xi32> to vector<1x1x16xi32>
    tpu.vector_store %arg7[%swap3A_5, %swap3A_6, %swap3A_7], %swap3A_10 {strides = array<i32>} : memref<2x2x128xi32, #tpu.memory_space<vmem>>, vector<1x1x16xi32>,
    %swap3A_11 = arith.constant 1 : i32
    %swap3A_12 = arith.constant 0 : i32
    %swap3A_13 = arith.index_cast %swap3A_11 : i32 to index
    %swap3A_14 = arith.index_cast %swap3A_12 : i32 to index
    %swap3A_15 = arith.constant 16 : index
    %swap3A_16 = tpu.vector_load %arg7[%swap3A_13, %swap3A_14, %swap3A_15] {strides = array<i32>} : memref<2x2x128xi32, #tpu.memory_space<vmem>>, vector<1x1x16xi32>,
    %swap3A_17 = vector.shape_cast %swap3A_16 : vector<1x1x16xi32> to vector<16xi32>
    %swap3A_18 = vector.shape_cast %broadcast_in_dim3A_3 : vector<16xi32> to vector<1x1x16xi32>
    tpu.vector_store %arg7[%swap3A_13, %swap3A_14, %swap3A_15], %swap3A_18 {strides = array<i32>} : memref<2x2x128xi32, #tpu.memory_space<vmem>>, vector<1x1x16xi32>,
    %swap3A_19 = arith.constant 1 : i32
    %swap3A_20 = arith.constant 0 : i32
    %swap3A_21 = arith.index_cast %swap3A_19 : i32 to index
    %swap3A_22 = arith.index_cast %swap3A_20 : i32 to index
    %swap3A_23 = arith.constant 32 : index
    %swap3A_24 = tpu.vector_load %arg7[%swap3A_21, %swap3A_22, %swap3A_23] {strides = array<i32>} : memref<2x2x128xi32, #tpu.memory_space<vmem>>, vector<1x1x16xi32>,
    %swap3A_25 = vector.shape_cast %swap3A_24 : vector<1x1x16xi32> to vector<16xi32>
    %swap3A_26 = vector.shape_cast %broadcast_in_dim3A_3 : vector<16xi32> to vector<1x1x16xi32>
    tpu.vector_store %arg7[%swap3A_21, %swap3A_22, %swap3A_23], %swap3A_26 {strides = array<i32>} : memref<2x2x128xi32, #tpu.memory_space<vmem>>, vector<1x1x16xi32>,
    %swap3A_27 = arith.constant 1 : i32
    %swap3A_28 = arith.constant 0 : i32
    %swap3A_29 = arith.index_cast %swap3A_27 : i32 to index
    %swap3A_30 = arith.index_cast %swap3A_28 : i32 to index
    %swap3A_31 = arith.constant 48 : index
    %swap3A_32 = tpu.vector_load %arg7[%swap3A_29, %swap3A_30, %swap3A_31] {strides = array<i32>} : memref<2x2x128xi32, #tpu.memory_space<vmem>>, vector<1x1x16xi32>,
    %swap3A_33 = vector.shape_cast %swap3A_32 : vector<1x1x16xi32> to vector<16xi32>
    %swap3A_34 = vector.shape_cast %broadcast_in_dim3A_3 : vector<16xi32> to vector<1x1x16xi32>
    tpu.vector_store %arg7[%swap3A_29, %swap3A_30, %swap3A_31], %swap3A_34 {strides = array<i32>} : memref<2x2x128xi32, #tpu.memory_space<vmem>>, vector<1x1x16xi32>,
    %swap3A_35 = arith.constant 1 : i32
    %swap3A_36 = arith.constant 0 : i32
    %swap3A_37 = arith.index_cast %swap3A_35 : i32 to index
    %swap3A_38 = arith.index_cast %swap3A_36 : i32 to index
    %swap3A_39 = arith.constant 64 : index
    %swap3A_40 = tpu.vector_load %arg7[%swap3A_37, %swap3A_38, %swap3A_39] {strides = array<i32>} : memref<2x2x128xi32, #tpu.memory_space<vmem>>, vector<1x1x16xi32>,
    %swap3A_41 = vector.shape_cast %swap3A_40 : vector<1x1x16xi32> to vector<16xi32>
    %swap3A_42 = vector.shape_cast %broadcast_in_dim3A_3 : vector<16xi32> to vector<1x1x16xi32>
    tpu.vector_store %arg7[%swap3A_37, %swap3A_38, %swap3A_39], %swap3A_42 {strides = array<i32>} : memref<2x2x128xi32, #tpu.memory_space<vmem>>, vector<1x1x16xi32>,
    %swap3A_43 = arith.constant 1 : i32
    %swap3A_44 = arith.constant 0 : i32
    %swap3A_45 = arith.index_cast %swap3A_43 : i32 to index
    %swap3A_46 = arith.index_cast %swap3A_44 : i32 to index
    %swap3A_47 = arith.constant 80 : index
    %swap3A_48 = tpu.vector_load %arg7[%swap3A_45, %swap3A_46, %swap3A_47] {strides = array<i32>} : memref<2x2x128xi32, #tpu.memory_space<vmem>>, vector<1x1x16xi32>,
    %swap3A_49 = vector.shape_cast %swap3A_48 : vector<1x1x16xi32> to vector<16xi32>
    %swap3A_50 = vector.shape_cast %broadcast_in_dim3A_3 : vector<16xi32> to vector<1x1x16xi32>
    tpu.vector_store %arg7[%swap3A_45, %swap3A_46, %swap3A_47], %swap3A_50 {strides = array<i32>} : memref<2x2x128xi32, #tpu.memory_space<vmem>>, vector<1x1x16xi32>,
    %swap3A_51 = arith.constant 1 : i32
    %swap3A_52 = arith.constant 0 : i32
    %swap3A_53 = arith.index_cast %swap3A_51 : i32 to index
    %swap3A_54 = arith.index_cast %swap3A_52 : i32 to index
    %swap3A_55 = arith.constant 96 : index
    %swap3A_56 = tpu.vector_load %arg7[%swap3A_53, %swap3A_54, %swap3A_55] {strides = array<i32>} : memref<2x2x128xi32, #tpu.memory_space<vmem>>, vector<1x1x16xi32>,
    %swap3A_57 = vector.shape_cast %swap3A_56 : vector<1x1x16xi32> to vector<16xi32>
    %swap3A_58 = vector.shape_cast %broadcast_in_dim3A_3 : vector<16xi32> to vector<1x1x16xi32>
    tpu.vector_store %arg7[%swap3A_53, %swap3A_54, %swap3A_55], %swap3A_58 {strides = array<i32>} : memref<2x2x128xi32, #tpu.memory_space<vmem>>, vector<1x1x16xi32>,
    %swap3A_59 = arith.constant 1 : i32
    %swap3A_60 = arith.constant 0 : i32
    %swap3A_61 = arith.index_cast %swap3A_59 : i32 to index
    %swap3A_62 = arith.index_cast %swap3A_60 : i32 to index
    %swap3A_63 = arith.constant 112 : index
    %swap3A_64 = tpu.vector_load %arg7[%swap3A_61, %swap3A_62, %swap3A_63] {strides = array<i32>} : memref<2x2x128xi32, #tpu.memory_space<vmem>>, vector<1x1x16xi32>,
    %swap3A_65 = vector.shape_cast %swap3A_64 : vector<1x1x16xi32> to vector<16xi32>
    %swap3A_66 = vector.shape_cast %broadcast_in_dim3A_3 : vector<16xi32> to vector<1x1x16xi32>
    tpu.vector_store %arg7[%swap3A_61, %swap3A_62, %swap3A_63], %swap3A_66 {strides = array<i32>} : memref<2x2x128xi32, #tpu.memory_space<vmem>>, vector<1x1x16xi32>,
    %swap3A_67 = arith.constant 1 : i32
    %swap3A_68 = arith.constant 1 : i32
    %swap3A_69 = arith.index_cast %swap3A_67 : i32 to index
    %swap3A_70 = arith.index_cast %swap3A_68 : i32 to index
    %swap3A_71 = arith.constant 0 : index
    %swap3A_72 = tpu.vector_load %arg7[%swap3A_69, %swap3A_70, %swap3A_71] {strides = array<i32>} : memref<2x2x128xi32, #tpu.memory_space<vmem>>, vector<1x1x16xi32>,
    %swap3A_73 = vector.shape_cast %swap3A_72 : vector<1x1x16xi32> to vector<16xi32>
    %swap3A_74 = vector.shape_cast %broadcast_in_dim3A_3 : vector<16xi32> to vector<1x1x16xi32>
    tpu.vector_store %arg7[%swap3A_69, %swap3A_70, %swap3A_71], %swap3A_74 {strides = array<i32>} : memref<2x2x128xi32, #tpu.memory_space<vmem>>, vector<1x1x16xi32>,
    %swap3A_75 = arith.constant 1 : i32
    %swap3A_76 = arith.constant 1 : i32
    %swap3A_77 = arith.index_cast %swap3A_75 : i32 to index
    %swap3A_78 = arith.index_cast %swap3A_76 : i32 to index
    %swap3A_79 = arith.constant 16 : index
    %swap3A_80 = tpu.vector_load %arg7[%swap3A_77, %swap3A_78, %swap3A_79] {strides = array<i32>} : memref<2x2x128xi32, #tpu.memory_space<vmem>>, vector<1x1x16xi32>,
    %swap3A_81 = vector.shape_cast %swap3A_80 : vector<1x1x16xi32> to vector<16xi32>
    %swap3A_82 = vector.shape_cast %broadcast_in_dim3A_3 : vector<16xi32> to vector<1x1x16xi32>
    tpu.vector_store %arg7[%swap3A_77, %swap3A_78, %swap3A_79], %swap3A_82 {strides = array<i32>} : memref<2x2x128xi32, #tpu.memory_space<vmem>>, vector<1x1x16xi32>,
    %swap3A_83 = arith.constant 1 : i32
    %swap3A_84 = arith.constant 1 : i32
    %swap3A_85 = arith.index_cast %swap3A_83 : i32 to index
    %swap3A_86 = arith.index_cast %swap3A_84 : i32 to index
    %swap3A_87 = arith.constant 32 : index
    %swap3A_88 = tpu.vector_load %arg7[%swap3A_85, %swap3A_86, %swap3A_87] {strides = array<i32>} : memref<2x2x128xi32, #tpu.memory_space<vmem>>, vector<1x1x16xi32>,
    %swap3A_89 = vector.shape_cast %swap3A_88 : vector<1x1x16xi32> to vector<16xi32>
    %swap3A_90 = vector.shape_cast %broadcast_in_dim3A_3 : vector<16xi32> to vector<1x1x16xi32>
    tpu.vector_store %arg7[%swap3A_85, %swap3A_86, %swap3A_87], %swap3A_90 {strides = array<i32>} : memref<2x2x128xi32, #tpu.memory_space<vmem>>, vector<1x1x16xi32>,
    %swap3A_91 = arith.constant 1 : i32
    %swap3A_92 = arith.constant 1 : i32
    %swap3A_93 = arith.index_cast %swap3A_91 : i32 to index
    %swap3A_94 = arith.index_cast %swap3A_92 : i32 to index
    %swap3A_95 = arith.constant 48 : index
    %swap3A_96 = tpu.vector_load %arg7[%swap3A_93, %swap3A_94, %swap3A_95] {strides = array<i32>} : memref<2x2x128xi32, #tpu.memory_space<vmem>>, vector<1x1x16xi32>,
    %swap3A_97 = vector.shape_cast %swap3A_96 : vector<1x1x16xi32> to vector<16xi32>
    %swap3A_98 = vector.shape_cast %broadcast_in_dim3A_3 : vector<16xi32> to vector<1x1x16xi32>
    tpu.vector_store %arg7[%swap3A_93, %swap3A_94, %swap3A_95], %swap3A_98 {strides = array<i32>} : memref<2x2x128xi32, #tpu.memory_space<vmem>>, vector<1x1x16xi32>,
    %swap3A_99 = arith.constant 1 : i32
    %swap3A_100 = arith.constant 1 : i32
    %swap3A_101 = arith.index_cast %swap3A_99 : i32 to index
    %swap3A_102 = arith.index_cast %swap3A_100 : i32 to index
    %swap3A_103 = arith.constant 64 : index
    %swap3A_104 = tpu.vector_load %arg7[%swap3A_101, %swap3A_102, %swap3A_103] {strides = array<i32>} : memref<2x2x128xi32, #tpu.memory_space<vmem>>, vector<1x1x16xi32>,
    %swap3A_105 = vector.shape_cast %swap3A_104 : vector<1x1x16xi32> to vector<16xi32>
    %swap3A_106 = vector.shape_cast %broadcast_in_dim3A_3 : vector<16xi32> to vector<1x1x16xi32>
    tpu.vector_store %arg7[%swap3A_101, %swap3A_102, %swap3A_103], %swap3A_106 {strides = array<i32>} : memref<2x2x128xi32, #tpu.memory_space<vmem>>, vector<1x1x16xi32>,
    %swap3A_107 = arith.constant 1 : i32
    %swap3A_108 = arith.constant 1 : i32
    %swap3A_109 = arith.index_cast %swap3A_107 : i32 to index
    %swap3A_110 = arith.index_cast %swap3A_108 : i32 to index
    %swap3A_111 = arith.constant 80 : index
    %swap3A_112 = tpu.vector_load %arg7[%swap3A_109, %swap3A_110, %swap3A_111] {strides = array<i32>} : memref<2x2x128xi32, #tpu.memory_space<vmem>>, vector<1x1x16xi32>,
    %swap3A_113 = vector.shape_cast %swap3A_112 : vector<1x1x16xi32> to vector<16xi32>
    %swap3A_114 = vector.shape_cast %broadcast_in_dim3A_3 : vector<16xi32> to vector<1x1x16xi32>
    tpu.vector_store %arg7[%swap3A_109, %swap3A_110, %swap3A_111], %swap3A_114 {strides = array<i32>} : memref<2x2x128xi32, #tpu.memory_space<vmem>>, vector<1x1x16xi32>,
    %swap3A_115 = arith.constant 1 : i32
    %swap3A_116 = arith.constant 1 : i32
    %swap3A_117 = arith.index_cast %swap3A_115 : i32 to index
    %swap3A_118 = arith.index_cast %swap3A_116 : i32 to index
    %swap3A_119 = arith.constant 96 : index
    %swap3A_120 = tpu.vector_load %arg7[%swap3A_117, %swap3A_118, %swap3A_119] {strides = array<i32>} : memref<2x2x128xi32, #tpu.memory_space<vmem>>, vector<1x1x16xi32>,
    %swap3A_121 = vector.shape_cast %swap3A_120 : vector<1x1x16xi32> to vector<16xi32>
    %swap3A_122 = vector.shape_cast %broadcast_in_dim3A_3 : vector<16xi32> to vector<1x1x16xi32>
    tpu.vector_store %arg7[%swap3A_117, %swap3A_118, %swap3A_119], %swap3A_122 {strides = array<i32>} : memref<2x2x128xi32, #tpu.memory_space<vmem>>, vector<1x1x16xi32>,
    %swap3A_123 = arith.constant 1 : i32
    %swap3A_124 = arith.constant 1 : i32
    %swap3A_125 = arith.index_cast %swap3A_123 : i32 to index
    %swap3A_126 = arith.index_cast %swap3A_124 : i32 to index
    %swap3A_127 = arith.constant 112 : index
    %swap3A_128 = tpu.vector_load %arg7[%swap3A_125, %swap3A_126, %swap3A_127] {strides = array<i32>} : memref<2x2x128xi32, #tpu.memory_space<vmem>>, vector<1x1x16xi32>,
    %swap3A_129 = vector.shape_cast %swap3A_128 : vector<1x1x16xi32> to vector<16xi32>
    %swap3A_130 = vector.shape_cast %broadcast_in_dim3A_3 : vector<16xi32> to vector<1x1x16xi32>
    tpu.vector_store %arg7[%swap3A_125, %swap3A_126, %swap3A_127], %swap3A_130 {strides = array<i32>} : memref<2x2x128xi32, #tpu.memory_space<vmem>>, vector<1x1x16xi32>,
    %dma_start3A = arith.constant 1 : i32
    %dma_start3A_131 = arith.constant 0 : i32
    %dma_start3A_132 = arith.constant 1 : i32
    %dma_start3A_133 = arith.constant 0 : i32
    %dma_start3A_134 = arith.constant 0 : i32
    %dma_start3A_135 = arith.constant 0 : i32
    %dma_start3A_136 = tpu.memref_slice %arg8[%dma_start3A, %dma_start3A_131, %dma_start3A_134, %dma_start3A_135] : memref<2x2x128x64xbf16, #tpu.memory_space<vmem>> -> memref<1x1x128x64xbf16, #tpu.memory_space<vmem>>
    %dma_start3A_137 = tpu.memref_squeeze %dma_start3A_136 : memref<1x1x128x64xbf16, #tpu.memory_space<vmem>> -> memref<128x64xbf16, #tpu.memory_space<vmem>>
    %dma_start3A_138 = arith.constant 0 : i32
    %dma_start3A_139 = tpu.memref_slice %arg7[%dma_start3A_132, %dma_start3A_133, %dma_start3A_138] : memref<2x2x128xi32, #tpu.memory_space<vmem>> -> memref<1x1x128xi32, #tpu.memory_space<vmem>>
    %dma_start3A_140 = tpu.memref_squeeze %dma_start3A_139 : memref<1x1x128xi32, #tpu.memory_space<vmem>> -> memref<128xi32, #tpu.memory_space<vmem>>
    %dma_start3A_141 = arith.constant 0 : i32
    %dma_start3A_142 = arith.constant 0 : i32
    %dma_start3A_143 = tpu.memref_slice %arg9[%dma_start3A_141, %dma_start3A_142] : memref<25104x64xbf16, #tpu.memory_space<vmem_shared>> -> memref<25104x64xbf16, #tpu.memory_space<vmem_shared>>
    tpu.enqueue_indirect_dma source(%dma_start3A_137 : memref<128x64xbf16, #tpu.memory_space<vmem>>) target(%dma_start3A_143 : memref<25104x64xbf16, #tpu.memory_space<vmem_shared>>) offsets(%dma_start3A_140 : memref<128xi32, #tpu.memory_space<vmem>>) semaphore(%arg13 : memref<!tpu.dma_semaphore, #tpu.memory_space<semaphore_mem>>) {add = true}
    %dma_start3A_144 = arith.constant 1 : i32
    %dma_start3A_145 = arith.constant 1 : i32
    %dma_start3A_146 = arith.constant 1 : i32
    %dma_start3A_147 = arith.constant 1 : i32
    %dma_start3A_148 = arith.constant 0 : i32
    %dma_start3A_149 = arith.constant 0 : i32
    %dma_start3A_150 = tpu.memref_slice %arg8[%dma_start3A_144, %dma_start3A_145, %dma_start3A_148, %dma_start3A_149] : memref<2x2x128x64xbf16, #tpu.memory_space<vmem>> -> memref<1x1x128x64xbf16, #tpu.memory_space<vmem>>
    %dma_start3A_151 = tpu.memref_squeeze %dma_start3A_150 : memref<1x1x128x64xbf16, #tpu.memory_space<vmem>> -> memref<128x64xbf16, #tpu.memory_space<vmem>>
    %dma_start3A_152 = arith.constant 0 : i32
    %dma_start3A_153 = tpu.memref_slice %arg7[%dma_start3A_146, %dma_start3A_147, %dma_start3A_152] : memref<2x2x128xi32, #tpu.memory_space<vmem>> -> memref<1x1x128xi32, #tpu.memory_space<vmem>>
    %dma_start3A_154 = tpu.memref_squeeze %dma_start3A_153 : memref<1x1x128xi32, #tpu.memory_space<vmem>> -> memref<128xi32, #tpu.memory_space<vmem>>
    %dma_start3A_155 = arith.constant 0 : i32
    %dma_start3A_156 = arith.constant 0 : i32
    %dma_start3A_157 = tpu.memref_slice %arg9[%dma_start3A_155, %dma_start3A_156] : memref<25104x64xbf16, #tpu.memory_space<vmem_shared>> -> memref<25104x64xbf16, #tpu.memory_space<vmem_shared>>
    tpu.enqueue_indirect_dma source(%dma_start3A_151 : memref<128x64xbf16, #tpu.memory_space<vmem>>) target(%dma_start3A_157 : memref<25104x64xbf16, #tpu.memory_space<vmem_shared>>) offsets(%dma_start3A_154 : memref<128xi32, #tpu.memory_space<vmem>>) semaphore(%arg13 : memref<!tpu.dma_semaphore, #tpu.memory_space<semaphore_mem>>) {add = true}
    %mul3A_158 = arith.constant 392 : i32
    %mul3A_159 = arith.muli %arg1, %mul3A_158 : i32
    %add3A = arith.constant 0 : i32
    %add3A_160 = arith.addi %mul3A_159, %add3A : i32
    %run_scoped3A = arith.constant 0 : i32
    "tpu.region"() ({
      %run_scoped3A_716 = tpu.sem_alloc : memref<!tpu.dma_semaphore, #tpu.memory_space<semaphore_mem>>
      %dma_start3A_717 = arith.constant 0 : i32
      %dma_start3A_718 = arith.constant 0 : i32
      %dma_start3A_719 = arith.constant 0 : i32
      %dma_start3A_720 = tpu.memref_slice %arg6[%run_scoped3A, %dma_start3A_717, %dma_start3A_718, %dma_start3A_719] : memref<2x2x2x128xi32, #tpu.memory_space<vmem>> -> memref<1x2x2x128xi32, #tpu.memory_space<vmem>>
      %dma_start3A_721 = tpu.memref_squeeze %dma_start3A_720 : memref<1x2x2x128xi32, #tpu.memory_space<vmem>> -> memref<2x2x128xi32, #tpu.memory_space<vmem>>
      %dma_start3A_722 = arith.constant 0 : i32
      %dma_start3A_723 = arith.constant 0 : i32
      %dma_start3A_724 = tpu.memref_slice %arg3[%add3A_160, %dma_start3A_722, %dma_start3A_723] : memref<6276x2x128xi32, #tpu.memory_space<hbm>> -> memref<2x2x128xi32, #tpu.memory_space<hbm>>
      %dma_start3A_725 = arith.constant 0 : i32
      %dma_start3A_726 = arith.constant 0 : i32
      %dma_start3A_727 = arith.constant 0 : i32
      %dma_start3A_728 = tpu.memref_slice %arg6[%run_scoped3A, %dma_start3A_725, %dma_start3A_726, %dma_start3A_727] : memref<2x2x2x128xi32, #tpu.memory_space<vmem>> -> memref<1x2x2x128xi32, #tpu.memory_space<vmem>>
      %dma_start3A_729 = tpu.memref_squeeze %dma_start3A_728 : memref<1x2x2x128xi32, #tpu.memory_space<vmem>> -> memref<2x2x128xi32, #tpu.memory_space<vmem>>
      %dma_start3A_730 = arith.constant 0 : i32
      %dma_start3A_731 = arith.constant 0 : i32
      %dma_start3A_732 = tpu.memref_slice %arg3[%add3A_160, %dma_start3A_730, %dma_start3A_731] : memref<6276x2x128xi32, #tpu.memory_space<hbm>> -> memref<2x2x128xi32, #tpu.memory_space<hbm>>
      tpu.enqueue_dma source(%dma_start3A_732 : memref<2x2x128xi32, #tpu.memory_space<hbm>>) target(%dma_start3A_729 : memref<2x2x128xi32, #tpu.memory_space<vmem>>) target_semaphore(%run_scoped3A_716 : memref<!tpu.dma_semaphore, #tpu.memory_space<semaphore_mem>>)
      %dma_wait3A_733 = arith.constant 0 : i32
      %dma_wait3A_734 = arith.constant 0 : i32
      %dma_wait3A_735 = arith.constant 0 : i32
      %dma_wait3A_736 = tpu.memref_slice %arg6[%run_scoped3A, %dma_wait3A_733, %dma_wait3A_734, %dma_wait3A_735] : memref<2x2x2x128xi32, #tpu.memory_space<vmem>> -> memref<1x2x2x128xi32, #tpu.memory_space<vmem>>
      %dma_wait3A_737 = tpu.memref_squeeze %dma_wait3A_736 : memref<1x2x2x128xi32, #tpu.memory_space<vmem>> -> memref<2x2x128xi32, #tpu.memory_space<vmem>>
      %dma_wait3A_738 = arith.constant 0 : i32
      %dma_wait3A_739 = arith.constant 0 : i32
      %dma_wait3A_740 = tpu.memref_slice %arg3[%add3A_160, %dma_wait3A_738, %dma_wait3A_739] : memref<6276x2x128xi32, #tpu.memory_space<hbm>> -> memref<2x2x128xi32, #tpu.memory_space<hbm>>
      %dma_wait3A_741 = arith.constant 0 : i32
      %dma_wait3A_742 = arith.constant 0 : i32
      %dma_wait3A_743 = arith.constant 0 : i32
      %dma_wait3A_744 = tpu.memref_slice %arg6[%run_scoped3A, %dma_wait3A_741, %dma_wait3A_742, %dma_wait3A_743] : memref<2x2x2x128xi32, #tpu.memory_space<vmem>> -> memref<1x2x2x128xi32, #tpu.memory_space<vmem>>
      %dma_wait3A_745 = tpu.memref_squeeze %dma_wait3A_744 : memref<1x2x2x128xi32, #tpu.memory_space<vmem>> -> memref<2x2x128xi32, #tpu.memory_space<vmem>>
      %dma_wait3A_746 = arith.constant 0 : i32
      %dma_wait3A_747 = arith.constant 0 : i32
      %dma_wait3A_748 = tpu.memref_slice %arg3[%add3A_160, %dma_wait3A_746, %dma_wait3A_747] : memref<6276x2x128xi32, #tpu.memory_space<hbm>> -> memref<2x2x128xi32, #tpu.memory_space<hbm>>
      tpu.wait_dma2 semaphore(%run_scoped3A_716 : memref<!tpu.dma_semaphore, #tpu.memory_space<semaphore_mem>>) src(%dma_wait3A_748 : memref<2x2x128xi32, #tpu.memory_space<hbm>>) dst(%dma_wait3A_745 : memref<2x2x128xi32, #tpu.memory_space<vmem>>)
      tpu.yield
    }) : () -> ()
    %get3A = arith.constant 0 : i32
    %get3A_161 = arith.constant 0 : i32
    %get3A_162 = arith.constant 1 : i32
    %get3A_163 = arith.index_cast %get3A : i32 to index
    %get3A_164 = arith.index_cast %get3A_161 : i32 to index
    %get3A_165 = arith.index_cast %get3A_162 : i32 to index
    %get3A_166 = arith.constant 0 : index
    %get3A_167 = tpu.vector_load %arg6[%get3A_163, %get3A_164, %get3A_165, %get3A_166] {strides = array<i32>} : memref<2x2x2x128xi32, #tpu.memory_space<vmem>>, vector<1x1x1x16xi32>,
    %get3A_168 = vector.shape_cast %get3A_167 : vector<1x1x1x16xi32> to vector<16xi32>
    %sub3A = vector.broadcast %mul3A_0 : i32 to vector<16xi32>
    %sub3A_169 = arith.subi %get3A_168, %sub3A : vector<16xi32>
    %ge3A = arith.constant 0 : i32
    %ge3A_170 = vector.broadcast %ge3A : i32 to vector<16xi32>
    %ge3A_171 = arith.cmpi sge, %sub3A_169, %ge3A_170 : vector<16xi32>
    %lt3A = arith.constant 25088 : i32
    %lt3A_172 = vector.broadcast %lt3A : i32 to vector<16xi32>
    %lt3A_173 = arith.cmpi slt, %sub3A_169, %lt3A_172 : vector<16xi32>
    %and3A = arith.andi %ge3A_171, %lt3A_173 : vector<16xi1>
    %jit3A = arith.constant 25088 : i32
    %broadcast_in_dim3A_174 = vector.broadcast %jit3A : i32 to vector<16xi32>
    %select_n3A = arith.select %and3A, %sub3A_169, %broadcast_in_dim3A_174 : vector<16xi1>, vector<16xi32>
    %swap3A_175 = arith.constant 0 : i32
    %swap3A_176 = arith.constant 0 : i32
    %swap3A_177 = arith.index_cast %swap3A_175 : i32 to index
    %swap3A_178 = arith.index_cast %swap3A_176 : i32 to index
    %swap3A_179 = arith.constant 0 : index
    %swap3A_180 = tpu.vector_load %arg7[%swap3A_177, %swap3A_178, %swap3A_179] {strides = array<i32>} : memref<2x2x128xi32, #tpu.memory_space<vmem>>, vector<1x1x16xi32>,
    %swap3A_181 = vector.shape_cast %swap3A_180 : vector<1x1x16xi32> to vector<16xi32>
    %swap3A_182 = vector.shape_cast %select_n3A : vector<16xi32> to vector<1x1x16xi32>
    tpu.vector_store %arg7[%swap3A_177, %swap3A_178, %swap3A_179], %swap3A_182 {strides = array<i32>} : memref<2x2x128xi32, #tpu.memory_space<vmem>>, vector<1x1x16xi32>,
    %get3A_183 = arith.constant 0 : i32
    %get3A_184 = arith.constant 0 : i32
    %get3A_185 = arith.constant 1 : i32
    %get3A_186 = arith.index_cast %get3A_183 : i32 to index
    %get3A_187 = arith.index_cast %get3A_184 : i32 to index
    %get3A_188 = arith.index_cast %get3A_185 : i32 to index
    %get3A_189 = arith.constant 16 : index
    %get3A_190 = tpu.vector_load %arg6[%get3A_186, %get3A_187, %get3A_188, %get3A_189] {strides = array<i32>} : memref<2x2x2x128xi32, #tpu.memory_space<vmem>>, vector<1x1x1x16xi32>,
    %get3A_191 = vector.shape_cast %get3A_190 : vector<1x1x1x16xi32> to vector<16xi32>
    %sub3A_192 = vector.broadcast %mul3A_0 : i32 to vector<16xi32>
    %sub3A_193 = arith.subi %get3A_191, %sub3A_192 : vector<16xi32>
    %ge3A_194 = arith.constant 0 : i32
    %ge3A_195 = vector.broadcast %ge3A_194 : i32 to vector<16xi32>
    %ge3A_196 = arith.cmpi sge, %sub3A_193, %ge3A_195 : vector<16xi32>
    %lt3A_197 = arith.constant 25088 : i32
    %lt3A_198 = vector.broadcast %lt3A_197 : i32 to vector<16xi32>
    %lt3A_199 = arith.cmpi slt, %sub3A_193, %lt3A_198 : vector<16xi32>
    %and3A_200 = arith.andi %ge3A_196, %lt3A_199 : vector<16xi1>
    %jit3A_201 = arith.constant 25088 : i32
    %broadcast_in_dim3A_202 = vector.broadcast %jit3A_201 : i32 to vector<16xi32>
    %select_n3A_203 = arith.select %and3A_200, %sub3A_193, %broadcast_in_dim3A_202 : vector<16xi1>, vector<16xi32>
    %swap3A_204 = arith.constant 0 : i32
    %swap3A_205 = arith.constant 0 : i32
    %swap3A_206 = arith.index_cast %swap3A_204 : i32 to index
    %swap3A_207 = arith.index_cast %swap3A_205 : i32 to index
    %swap3A_208 = arith.constant 16 : index
    %swap3A_209 = tpu.vector_load %arg7[%swap3A_206, %swap3A_207, %swap3A_208] {strides = array<i32>} : memref<2x2x128xi32, #tpu.memory_space<vmem>>, vector<1x1x16xi32>,
    %swap3A_210 = vector.shape_cast %swap3A_209 : vector<1x1x16xi32> to vector<16xi32>
    %swap3A_211 = vector.shape_cast %select_n3A_203 : vector<16xi32> to vector<1x1x16xi32>
    tpu.vector_store %arg7[%swap3A_206, %swap3A_207, %swap3A_208], %swap3A_211 {strides = array<i32>} : memref<2x2x128xi32, #tpu.memory_space<vmem>>, vector<1x1x16xi32>,
    %get3A_212 = arith.constant 0 : i32
    %get3A_213 = arith.constant 0 : i32
    %get3A_214 = arith.constant 1 : i32
    %get3A_215 = arith.index_cast %get3A_212 : i32 to index
    %get3A_216 = arith.index_cast %get3A_213 : i32 to index
    %get3A_217 = arith.index_cast %get3A_214 : i32 to index
    %get3A_218 = arith.constant 32 : index
    %get3A_219 = tpu.vector_load %arg6[%get3A_215, %get3A_216, %get3A_217, %get3A_218] {strides = array<i32>} : memref<2x2x2x128xi32, #tpu.memory_space<vmem>>, vector<1x1x1x16xi32>,
    %get3A_220 = vector.shape_cast %get3A_219 : vector<1x1x1x16xi32> to vector<16xi32>
    %sub3A_221 = vector.broadcast %mul3A_0 : i32 to vector<16xi32>
    %sub3A_222 = arith.subi %get3A_220, %sub3A_221 : vector<16xi32>
    %ge3A_223 = arith.constant 0 : i32
    %ge3A_224 = vector.broadcast %ge3A_223 : i32 to vector<16xi32>
    %ge3A_225 = arith.cmpi sge, %sub3A_222, %ge3A_224 : vector<16xi32>
    %lt3A_226 = arith.constant 25088 : i32
    %lt3A_227 = vector.broadcast %lt3A_226 : i32 to vector<16xi32>
    %lt3A_228 = arith.cmpi slt, %sub3A_222, %lt3A_227 : vector<16xi32>
    %and3A_229 = arith.andi %ge3A_225, %lt3A_228 : vector<16xi1>
    %jit3A_230 = arith.constant 25088 : i32
    %broadcast_in_dim3A_231 = vector.broadcast %jit3A_230 : i32 to vector<16xi32>
    %select_n3A_232 = arith.select %and3A_229, %sub3A_222, %broadcast_in_dim3A_231 : vector<16xi1>, vector<16xi32>
    %swap3A_233 = arith.constant 0 : i32
    %swap3A_234 = arith.constant 0 : i32
    %swap3A_235 = arith.index_cast %swap3A_233 : i32 to index
    %swap3A_236 = arith.index_cast %swap3A_234 : i32 to index
    %swap3A_237 = arith.constant 32 : index
    %swap3A_238 = tpu.vector_load %arg7[%swap3A_235, %swap3A_236, %swap3A_237] {strides = array<i32>} : memref<2x2x128xi32, #tpu.memory_space<vmem>>, vector<1x1x16xi32>,
    %swap3A_239 = vector.shape_cast %swap3A_238 : vector<1x1x16xi32> to vector<16xi32>
    %swap3A_240 = vector.shape_cast %select_n3A_232 : vector<16xi32> to vector<1x1x16xi32>
    tpu.vector_store %arg7[%swap3A_235, %swap3A_236, %swap3A_237], %swap3A_240 {strides = array<i32>} : memref<2x2x128xi32, #tpu.memory_space<vmem>>, vector<1x1x16xi32>,
    %get3A_241 = arith.constant 0 : i32
    %get3A_242 = arith.constant 0 : i32
    %get3A_243 = arith.constant 1 : i32
    %get3A_244 = arith.index_cast %get3A_241 : i32 to index
    %get3A_245 = arith.index_cast %get3A_242 : i32 to index
    %get3A_246 = arith.index_cast %get3A_243 : i32 to index
    %get3A_247 = arith.constant 48 : index
    %get3A_248 = tpu.vector_load %arg6[%get3A_244, %get3A_245, %get3A_246, %get3A_247] {strides = array<i32>} : memref<2x2x2x128xi32, #tpu.memory_space<vmem>>, vector<1x1x1x16xi32>,
    %get3A_249 = vector.shape_cast %get3A_248 : vector<1x1x1x16xi32> to vector<16xi32>
    %sub3A_250 = vector.broadcast %mul3A_0 : i32 to vector<16xi32>
    %sub3A_251 = arith.subi %get3A_249, %sub3A_250 : vector<16xi32>
    %ge3A_252 = arith.constant 0 : i32
    %ge3A_253 = vector.broadcast %ge3A_252 : i32 to vector<16xi32>
    %ge3A_254 = arith.cmpi sge, %sub3A_251, %ge3A_253 : vector<16xi32>
    %lt3A_255 = arith.constant 25088 : i32
    %lt3A_256 = vector.broadcast %lt3A_255 : i32 to vector<16xi32>
    %lt3A_257 = arith.cmpi slt, %sub3A_251, %lt3A_256 : vector<16xi32>
    %and3A_258 = arith.andi %ge3A_254, %lt3A_257 : vector<16xi1>
    %jit3A_259 = arith.constant 25088 : i32
    %broadcast_in_dim3A_260 = vector.broadcast %jit3A_259 : i32 to vector<16xi32>
    %select_n3A_261 = arith.select %and3A_258, %sub3A_251, %broadcast_in_dim3A_260 : vector<16xi1>, vector<16xi32>
    %swap3A_262 = arith.constant 0 : i32
    %swap3A_263 = arith.constant 0 : i32
    %swap3A_264 = arith.index_cast %swap3A_262 : i32 to index
    %swap3A_265 = arith.index_cast %swap3A_263 : i32 to index
    %swap3A_266 = arith.constant 48 : index
    %swap3A_267 = tpu.vector_load %arg7[%swap3A_264, %swap3A_265, %swap3A_266] {strides = array<i32>} : memref<2x2x128xi32, #tpu.memory_space<vmem>>, vector<1x1x16xi32>,
    %swap3A_268 = vector.shape_cast %swap3A_267 : vector<1x1x16xi32> to vector<16xi32>
    %swap3A_269 = vector.shape_cast %select_n3A_261 : vector<16xi32> to vector<1x1x16xi32>
    tpu.vector_store %arg7[%swap3A_264, %swap3A_265, %swap3A_266], %swap3A_269 {strides = array<i32>} : memref<2x2x128xi32, #tpu.memory_space<vmem>>, vector<1x1x16xi32>,
    %get3A_270 = arith.constant 0 : i32
    %get3A_271 = arith.constant 0 : i32
    %get3A_272 = arith.constant 1 : i32
    %get3A_273 = arith.index_cast %get3A_270 : i32 to index
    %get3A_274 = arith.index_cast %get3A_271 : i32 to index
    %get3A_275 = arith.index_cast %get3A_272 : i32 to index
    %get3A_276 = arith.constant 64 : index
    %get3A_277 = tpu.vector_load %arg6[%get3A_273, %get3A_274, %get3A_275, %get3A_276] {strides = array<i32>} : memref<2x2x2x128xi32, #tpu.memory_space<vmem>>, vector<1x1x1x16xi32>,
    %get3A_278 = vector.shape_cast %get3A_277 : vector<1x1x1x16xi32> to vector<16xi32>
    %sub3A_279 = vector.broadcast %mul3A_0 : i32 to vector<16xi32>
    %sub3A_280 = arith.subi %get3A_278, %sub3A_279 : vector<16xi32>
    %ge3A_281 = arith.constant 0 : i32
    %ge3A_282 = vector.broadcast %ge3A_281 : i32 to vector<16xi32>
    %ge3A_283 = arith.cmpi sge, %sub3A_280, %ge3A_282 : vector<16xi32>
    %lt3A_284 = arith.constant 25088 : i32
    %lt3A_285 = vector.broadcast %lt3A_284 : i32 to vector<16xi32>
    %lt3A_286 = arith.cmpi slt, %sub3A_280, %lt3A_285 : vector<16xi32>
    %and3A_287 = arith.andi %ge3A_283, %lt3A_286 : vector<16xi1>
    %jit3A_288 = arith.constant 25088 : i32
    %broadcast_in_dim3A_289 = vector.broadcast %jit3A_288 : i32 to vector<16xi32>
    %select_n3A_290 = arith.select %and3A_287, %sub3A_280, %broadcast_in_dim3A_289 : vector<16xi1>, vector<16xi32>
    %swap3A_291 = arith.constant 0 : i32
    %swap3A_292 = arith.constant 0 : i32
    %swap3A_293 = arith.index_cast %swap3A_291 : i32 to index
    %swap3A_294 = arith.index_cast %swap3A_292 : i32 to index
    %swap3A_295 = arith.constant 64 : index
    %swap3A_296 = tpu.vector_load %arg7[%swap3A_293, %swap3A_294, %swap3A_295] {strides = array<i32>} : memref<2x2x128xi32, #tpu.memory_space<vmem>>, vector<1x1x16xi32>,
    %swap3A_297 = vector.shape_cast %swap3A_296 : vector<1x1x16xi32> to vector<16xi32>
    %swap3A_298 = vector.shape_cast %select_n3A_290 : vector<16xi32> to vector<1x1x16xi32>
    tpu.vector_store %arg7[%swap3A_293, %swap3A_294, %swap3A_295], %swap3A_298 {strides = array<i32>} : memref<2x2x128xi32, #tpu.memory_space<vmem>>, vector<1x1x16xi32>,
    %get3A_299 = arith.constant 0 : i32
    %get3A_300 = arith.constant 0 : i32
    %get3A_301 = arith.constant 1 : i32
    %get3A_302 = arith.index_cast %get3A_299 : i32 to index
    %get3A_303 = arith.index_cast %get3A_300 : i32 to index
    %get3A_304 = arith.index_cast %get3A_301 : i32 to index
    %get3A_305 = arith.constant 80 : index
    %get3A_306 = tpu.vector_load %arg6[%get3A_302, %get3A_303, %get3A_304, %get3A_305] {strides = array<i32>} : memref<2x2x2x128xi32, #tpu.memory_space<vmem>>, vector<1x1x1x16xi32>,
    %get3A_307 = vector.shape_cast %get3A_306 : vector<1x1x1x16xi32> to vector<16xi32>
    %sub3A_308 = vector.broadcast %mul3A_0 : i32 to vector<16xi32>
    %sub3A_309 = arith.subi %get3A_307, %sub3A_308 : vector<16xi32>
    %ge3A_310 = arith.constant 0 : i32
    %ge3A_311 = vector.broadcast %ge3A_310 : i32 to vector<16xi32>
    %ge3A_312 = arith.cmpi sge, %sub3A_309, %ge3A_311 : vector<16xi32>
    %lt3A_313 = arith.constant 25088 : i32
    %lt3A_314 = vector.broadcast %lt3A_313 : i32 to vector<16xi32>
    %lt3A_315 = arith.cmpi slt, %sub3A_309, %lt3A_314 : vector<16xi32>
    %and3A_316 = arith.andi %ge3A_312, %lt3A_315 : vector<16xi1>
    %jit3A_317 = arith.constant 25088 : i32
    %broadcast_in_dim3A_318 = vector.broadcast %jit3A_317 : i32 to vector<16xi32>
    %select_n3A_319 = arith.select %and3A_316, %sub3A_309, %broadcast_in_dim3A_318 : vector<16xi1>, vector<16xi32>
    %swap3A_320 = arith.constant 0 : i32
    %swap3A_321 = arith.constant 0 : i32
    %swap3A_322 = arith.index_cast %swap3A_320 : i32 to index
    %swap3A_323 = arith.index_cast %swap3A_321 : i32 to index
    %swap3A_324 = arith.constant 80 : index
    %swap3A_325 = tpu.vector_load %arg7[%swap3A_322, %swap3A_323, %swap3A_324] {strides = array<i32>} : memref<2x2x128xi32, #tpu.memory_space<vmem>>, vector<1x1x16xi32>,
    %swap3A_326 = vector.shape_cast %swap3A_325 : vector<1x1x16xi32> to vector<16xi32>
    %swap3A_327 = vector.shape_cast %select_n3A_319 : vector<16xi32> to vector<1x1x16xi32>
    tpu.vector_store %arg7[%swap3A_322, %swap3A_323, %swap3A_324], %swap3A_327 {strides = array<i32>} : memref<2x2x128xi32, #tpu.memory_space<vmem>>, vector<1x1x16xi32>,
    %get3A_328 = arith.constant 0 : i32
    %get3A_329 = arith.constant 0 : i32
    %get3A_330 = arith.constant 1 : i32
    %get3A_331 = arith.index_cast %get3A_328 : i32 to index
    %get3A_332 = arith.index_cast %get3A_329 : i32 to index
    %get3A_333 = arith.index_cast %get3A_330 : i32 to index
    %get3A_334 = arith.constant 96 : index
    %get3A_335 = tpu.vector_load %arg6[%get3A_331, %get3A_332, %get3A_333, %get3A_334] {strides = array<i32>} : memref<2x2x2x128xi32, #tpu.memory_space<vmem>>, vector<1x1x1x16xi32>,
    %get3A_336 = vector.shape_cast %get3A_335 : vector<1x1x1x16xi32> to vector<16xi32>
    %sub3A_337 = vector.broadcast %mul3A_0 : i32 to vector<16xi32>
    %sub3A_338 = arith.subi %get3A_336, %sub3A_337 : vector<16xi32>
    %ge3A_339 = arith.constant 0 : i32
    %ge3A_340 = vector.broadcast %ge3A_339 : i32 to vector<16xi32>
    %ge3A_341 = arith.cmpi sge, %sub3A_338, %ge3A_340 : vector<16xi32>
    %lt3A_342 = arith.constant 25088 : i32
    %lt3A_343 = vector.broadcast %lt3A_342 : i32 to vector<16xi32>
    %lt3A_344 = arith.cmpi slt, %sub3A_338, %lt3A_343 : vector<16xi32>
    %and3A_345 = arith.andi %ge3A_341, %lt3A_344 : vector<16xi1>
    %jit3A_346 = arith.constant 25088 : i32
    %broadcast_in_dim3A_347 = vector.broadcast %jit3A_346 : i32 to vector<16xi32>
    %select_n3A_348 = arith.select %and3A_345, %sub3A_338, %broadcast_in_dim3A_347 : vector<16xi1>, vector<16xi32>
    %swap3A_349 = arith.constant 0 : i32
    %swap3A_350 = arith.constant 0 : i32
    %swap3A_351 = arith.index_cast %swap3A_349 : i32 to index
    %swap3A_352 = arith.index_cast %swap3A_350 : i32 to index
    %swap3A_353 = arith.constant 96 : index
    %swap3A_354 = tpu.vector_load %arg7[%swap3A_351, %swap3A_352, %swap3A_353] {strides = array<i32>} : memref<2x2x128xi32, #tpu.memory_space<vmem>>, vector<1x1x16xi32>,
    %swap3A_355 = vector.shape_cast %swap3A_354 : vector<1x1x16xi32> to vector<16xi32>
    %swap3A_356 = vector.shape_cast %select_n3A_348 : vector<16xi32> to vector<1x1x16xi32>
    tpu.vector_store %arg7[%swap3A_351, %swap3A_352, %swap3A_353], %swap3A_356 {strides = array<i32>} : memref<2x2x128xi32, #tpu.memory_space<vmem>>, vector<1x1x16xi32>,
    %get3A_357 = arith.constant 0 : i32
    %get3A_358 = arith.constant 0 : i32
    %get3A_359 = arith.constant 1 : i32
    %get3A_360 = arith.index_cast %get3A_357 : i32 to index
    %get3A_361 = arith.index_cast %get3A_358 : i32 to index
    %get3A_362 = arith.index_cast %get3A_359 : i32 to index
    %get3A_363 = arith.constant 112 : index
    %get3A_364 = tpu.vector_load %arg6[%get3A_360, %get3A_361, %get3A_362, %get3A_363] {strides = array<i32>} : memref<2x2x2x128xi32, #tpu.memory_space<vmem>>, vector<1x1x1x16xi32>,
    %get3A_365 = vector.shape_cast %get3A_364 : vector<1x1x1x16xi32> to vector<16xi32>
    %sub3A_366 = vector.broadcast %mul3A_0 : i32 to vector<16xi32>
    %sub3A_367 = arith.subi %get3A_365, %sub3A_366 : vector<16xi32>
    %ge3A_368 = arith.constant 0 : i32
    %ge3A_369 = vector.broadcast %ge3A_368 : i32 to vector<16xi32>
    %ge3A_370 = arith.cmpi sge, %sub3A_367, %ge3A_369 : vector<16xi32>
    %lt3A_371 = arith.constant 25088 : i32
    %lt3A_372 = vector.broadcast %lt3A_371 : i32 to vector<16xi32>
    %lt3A_373 = arith.cmpi slt, %sub3A_367, %lt3A_372 : vector<16xi32>
    %and3A_374 = arith.andi %ge3A_370, %lt3A_373 : vector<16xi1>
    %jit3A_375 = arith.constant 25088 : i32
    %broadcast_in_dim3A_376 = vector.broadcast %jit3A_375 : i32 to vector<16xi32>
    %select_n3A_377 = arith.select %and3A_374, %sub3A_367, %broadcast_in_dim3A_376 : vector<16xi1>, vector<16xi32>
    %swap3A_378 = arith.constant 0 : i32
    %swap3A_379 = arith.constant 0 : i32
    %swap3A_380 = arith.index_cast %swap3A_378 : i32 to index
    %swap3A_381 = arith.index_cast %swap3A_379 : i32 to index
    %swap3A_382 = arith.constant 112 : index
    %swap3A_383 = tpu.vector_load %arg7[%swap3A_380, %swap3A_381, %swap3A_382] {strides = array<i32>} : memref<2x2x128xi32, #tpu.memory_space<vmem>>, vector<1x1x16xi32>,
    %swap3A_384 = vector.shape_cast %swap3A_383 : vector<1x1x16xi32> to vector<16xi32>
    %swap3A_385 = vector.shape_cast %select_n3A_377 : vector<16xi32> to vector<1x1x16xi32>
    tpu.vector_store %arg7[%swap3A_380, %swap3A_381, %swap3A_382], %swap3A_385 {strides = array<i32>} : memref<2x2x128xi32, #tpu.memory_space<vmem>>, vector<1x1x16xi32>,
    %get3A_386 = arith.constant 0 : i32
    %get3A_387 = arith.constant 1 : i32
    %get3A_388 = arith.constant 1 : i32
    %get3A_389 = arith.index_cast %get3A_386 : i32 to index
    %get3A_390 = arith.index_cast %get3A_387 : i32 to index
    %get3A_391 = arith.index_cast %get3A_388 : i32 to index
    %get3A_392 = arith.constant 0 : index
    %get3A_393 = tpu.vector_load %arg6[%get3A_389, %get3A_390, %get3A_391, %get3A_392] {strides = array<i32>} : memref<2x2x2x128xi32, #tpu.memory_space<vmem>>, vector<1x1x1x16xi32>,
    %get3A_394 = vector.shape_cast %get3A_393 : vector<1x1x1x16xi32> to vector<16xi32>
    %sub3A_395 = vector.broadcast %mul3A_0 : i32 to vector<16xi32>
    %sub3A_396 = arith.subi %get3A_394, %sub3A_395 : vector<16xi32>
    %ge3A_397 = arith.constant 0 : i32
    %ge3A_398 = vector.broadcast %ge3A_397 : i32 to vector<16xi32>
    %ge3A_399 = arith.cmpi sge, %sub3A_396, %ge3A_398 : vector<16xi32>
    %lt3A_400 = arith.constant 25088 : i32
    %lt3A_401 = vector.broadcast %lt3A_400 : i32 to vector<16xi32>
    %lt3A_402 = arith.cmpi slt, %sub3A_396, %lt3A_401 : vector<16xi32>
    %and3A_403 = arith.andi %ge3A_399, %lt3A_402 : vector<16xi1>
    %jit3A_404 = arith.constant 25088 : i32
    %broadcast_in_dim3A_405 = vector.broadcast %jit3A_404 : i32 to vector<16xi32>
    %select_n3A_406 = arith.select %and3A_403, %sub3A_396, %broadcast_in_dim3A_405 : vector<16xi1>, vector<16xi32>
    %swap3A_407 = arith.constant 0 : i32
    %swap3A_408 = arith.constant 1 : i32
    %swap3A_409 = arith.index_cast %swap3A_407 : i32 to index
    %swap3A_410 = arith.index_cast %swap3A_408 : i32 to index
    %swap3A_411 = arith.constant 0 : index
    %swap3A_412 = tpu.vector_load %arg7[%swap3A_409, %swap3A_410, %swap3A_411] {strides = array<i32>} : memref<2x2x128xi32, #tpu.memory_space<vmem>>, vector<1x1x16xi32>,
    %swap3A_413 = vector.shape_cast %swap3A_412 : vector<1x1x16xi32> to vector<16xi32>
    %swap3A_414 = vector.shape_cast %select_n3A_406 : vector<16xi32> to vector<1x1x16xi32>
    tpu.vector_store %arg7[%swap3A_409, %swap3A_410, %swap3A_411], %swap3A_414 {strides = array<i32>} : memref<2x2x128xi32, #tpu.memory_space<vmem>>, vector<1x1x16xi32>,
    %get3A_415 = arith.constant 0 : i32
    %get3A_416 = arith.constant 1 : i32
    %get3A_417 = arith.constant 1 : i32
    %get3A_418 = arith.index_cast %get3A_415 : i32 to index
    %get3A_419 = arith.index_cast %get3A_416 : i32 to index
    %get3A_420 = arith.index_cast %get3A_417 : i32 to index
    %get3A_421 = arith.constant 16 : index
    %get3A_422 = tpu.vector_load %arg6[%get3A_418, %get3A_419, %get3A_420, %get3A_421] {strides = array<i32>} : memref<2x2x2x128xi32, #tpu.memory_space<vmem>>, vector<1x1x1x16xi32>,
    %get3A_423 = vector.shape_cast %get3A_422 : vector<1x1x1x16xi32> to vector<16xi32>
    %sub3A_424 = vector.broadcast %mul3A_0 : i32 to vector<16xi32>
    %sub3A_425 = arith.subi %get3A_423, %sub3A_424 : vector<16xi32>
    %ge3A_426 = arith.constant 0 : i32
    %ge3A_427 = vector.broadcast %ge3A_426 : i32 to vector<16xi32>
    %ge3A_428 = arith.cmpi sge, %sub3A_425, %ge3A_427 : vector<16xi32>
    %lt3A_429 = arith.constant 25088 : i32
    %lt3A_430 = vector.broadcast %lt3A_429 : i32 to vector<16xi32>
    %lt3A_431 = arith.cmpi slt, %sub3A_425, %lt3A_430 : vector<16xi32>
    %and3A_432 = arith.andi %ge3A_428, %lt3A_431 : vector<16xi1>
    %jit3A_433 = arith.constant 25088 : i32
    %broadcast_in_dim3A_434 = vector.broadcast %jit3A_433 : i32 to vector<16xi32>
    %select_n3A_435 = arith.select %and3A_432, %sub3A_425, %broadcast_in_dim3A_434 : vector<16xi1>, vector<16xi32>
    %swap3A_436 = arith.constant 0 : i32
    %swap3A_437 = arith.constant 1 : i32
    %swap3A_438 = arith.index_cast %swap3A_436 : i32 to index
    %swap3A_439 = arith.index_cast %swap3A_437 : i32 to index
    %swap3A_440 = arith.constant 16 : index
    %swap3A_441 = tpu.vector_load %arg7[%swap3A_438, %swap3A_439, %swap3A_440] {strides = array<i32>} : memref<2x2x128xi32, #tpu.memory_space<vmem>>, vector<1x1x16xi32>,
    %swap3A_442 = vector.shape_cast %swap3A_441 : vector<1x1x16xi32> to vector<16xi32>
    %swap3A_443 = vector.shape_cast %select_n3A_435 : vector<16xi32> to vector<1x1x16xi32>
    tpu.vector_store %arg7[%swap3A_438, %swap3A_439, %swap3A_440], %swap3A_443 {strides = array<i32>} : memref<2x2x128xi32, #tpu.memory_space<vmem>>, vector<1x1x16xi32>,
    %get3A_444 = arith.constant 0 : i32
    %get3A_445 = arith.constant 1 : i32
    %get3A_446 = arith.constant 1 : i32
    %get3A_447 = arith.index_cast %get3A_444 : i32 to index
    %get3A_448 = arith.index_cast %get3A_445 : i32 to index
    %get3A_449 = arith.index_cast %get3A_446 : i32 to index
    %get3A_450 = arith.constant 32 : index
    %get3A_451 = tpu.vector_load %arg6[%get3A_447, %get3A_448, %get3A_449, %get3A_450] {strides = array<i32>} : memref<2x2x2x128xi32, #tpu.memory_space<vmem>>, vector<1x1x1x16xi32>,
    %get3A_452 = vector.shape_cast %get3A_451 : vector<1x1x1x16xi32> to vector<16xi32>
    %sub3A_453 = vector.broadcast %mul3A_0 : i32 to vector<16xi32>
    %sub3A_454 = arith.subi %get3A_452, %sub3A_453 : vector<16xi32>
    %ge3A_455 = arith.constant 0 : i32
    %ge3A_456 = vector.broadcast %ge3A_455 : i32 to vector<16xi32>
    %ge3A_457 = arith.cmpi sge, %sub3A_454, %ge3A_456 : vector<16xi32>
    %lt3A_458 = arith.constant 25088 : i32
    %lt3A_459 = vector.broadcast %lt3A_458 : i32 to vector<16xi32>
    %lt3A_460 = arith.cmpi slt, %sub3A_454, %lt3A_459 : vector<16xi32>
    %and3A_461 = arith.andi %ge3A_457, %lt3A_460 : vector<16xi1>
    %jit3A_462 = arith.constant 25088 : i32
    %broadcast_in_dim3A_463 = vector.broadcast %jit3A_462 : i32 to vector<16xi32>
    %select_n3A_464 = arith.select %and3A_461, %sub3A_454, %broadcast_in_dim3A_463 : vector<16xi1>, vector<16xi32>
    %swap3A_465 = arith.constant 0 : i32
    %swap3A_466 = arith.constant 1 : i32
    %swap3A_467 = arith.index_cast %swap3A_465 : i32 to index
    %swap3A_468 = arith.index_cast %swap3A_466 : i32 to index
    %swap3A_469 = arith.constant 32 : index
    %swap3A_470 = tpu.vector_load %arg7[%swap3A_467, %swap3A_468, %swap3A_469] {strides = array<i32>} : memref<2x2x128xi32, #tpu.memory_space<vmem>>, vector<1x1x16xi32>,
    %swap3A_471 = vector.shape_cast %swap3A_470 : vector<1x1x16xi32> to vector<16xi32>
    %swap3A_472 = vector.shape_cast %select_n3A_464 : vector<16xi32> to vector<1x1x16xi32>
    tpu.vector_store %arg7[%swap3A_467, %swap3A_468, %swap3A_469], %swap3A_472 {strides = array<i32>} : memref<2x2x128xi32, #tpu.memory_space<vmem>>, vector<1x1x16xi32>,
    %get3A_473 = arith.constant 0 : i32
    %get3A_474 = arith.constant 1 : i32
    %get3A_475 = arith.constant 1 : i32
    %get3A_476 = arith.index_cast %get3A_473 : i32 to index
    %get3A_477 = arith.index_cast %get3A_474 : i32 to index
    %get3A_478 = arith.index_cast %get3A_475 : i32 to index
    %get3A_479 = arith.constant 48 : index
    %get3A_480 = tpu.vector_load %arg6[%get3A_476, %get3A_477, %get3A_478, %get3A_479] {strides = array<i32>} : memref<2x2x2x128xi32, #tpu.memory_space<vmem>>, vector<1x1x1x16xi32>,
    %get3A_481 = vector.shape_cast %get3A_480 : vector<1x1x1x16xi32> to vector<16xi32>
    %sub3A_482 = vector.broadcast %mul3A_0 : i32 to vector<16xi32>
    %sub3A_483 = arith.subi %get3A_481, %sub3A_482 : vector<16xi32>
    %ge3A_484 = arith.constant 0 : i32
    %ge3A_485 = vector.broadcast %ge3A_484 : i32 to vector<16xi32>
    %ge3A_486 = arith.cmpi sge, %sub3A_483, %ge3A_485 : vector<16xi32>
    %lt3A_487 = arith.constant 25088 : i32
    %lt3A_488 = vector.broadcast %lt3A_487 : i32 to vector<16xi32>
    %lt3A_489 = arith.cmpi slt, %sub3A_483, %lt3A_488 : vector<16xi32>
    %and3A_490 = arith.andi %ge3A_486, %lt3A_489 : vector<16xi1>
    %jit3A_491 = arith.constant 25088 : i32
    %broadcast_in_dim3A_492 = vector.broadcast %jit3A_491 : i32 to vector<16xi32>
    %select_n3A_493 = arith.select %and3A_490, %sub3A_483, %broadcast_in_dim3A_492 : vector<16xi1>, vector<16xi32>
    %swap3A_494 = arith.constant 0 : i32
    %swap3A_495 = arith.constant 1 : i32
    %swap3A_496 = arith.index_cast %swap3A_494 : i32 to index
    %swap3A_497 = arith.index_cast %swap3A_495 : i32 to index
    %swap3A_498 = arith.constant 48 : index
    %swap3A_499 = tpu.vector_load %arg7[%swap3A_496, %swap3A_497, %swap3A_498] {strides = array<i32>} : memref<2x2x128xi32, #tpu.memory_space<vmem>>, vector<1x1x16xi32>,
    %swap3A_500 = vector.shape_cast %swap3A_499 : vector<1x1x16xi32> to vector<16xi32>
    %swap3A_501 = vector.shape_cast %select_n3A_493 : vector<16xi32> to vector<1x1x16xi32>
    tpu.vector_store %arg7[%swap3A_496, %swap3A_497, %swap3A_498], %swap3A_501 {strides = array<i32>} : memref<2x2x128xi32, #tpu.memory_space<vmem>>, vector<1x1x16xi32>,
    %get3A_502 = arith.constant 0 : i32
    %get3A_503 = arith.constant 1 : i32
    %get3A_504 = arith.constant 1 : i32
    %get3A_505 = arith.index_cast %get3A_502 : i32 to index
    %get3A_506 = arith.index_cast %get3A_503 : i32 to index
    %get3A_507 = arith.index_cast %get3A_504 : i32 to index
    %get3A_508 = arith.constant 64 : index
    %get3A_509 = tpu.vector_load %arg6[%get3A_505, %get3A_506, %get3A_507, %get3A_508] {strides = array<i32>} : memref<2x2x2x128xi32, #tpu.memory_space<vmem>>, vector<1x1x1x16xi32>,
    %get3A_510 = vector.shape_cast %get3A_509 : vector<1x1x1x16xi32> to vector<16xi32>
    %sub3A_511 = vector.broadcast %mul3A_0 : i32 to vector<16xi32>
    %sub3A_512 = arith.subi %get3A_510, %sub3A_511 : vector<16xi32>
    %ge3A_513 = arith.constant 0 : i32
    %ge3A_514 = vector.broadcast %ge3A_513 : i32 to vector<16xi32>
    %ge3A_515 = arith.cmpi sge, %sub3A_512, %ge3A_514 : vector<16xi32>
    %lt3A_516 = arith.constant 25088 : i32
    %lt3A_517 = vector.broadcast %lt3A_516 : i32 to vector<16xi32>
    %lt3A_518 = arith.cmpi slt, %sub3A_512, %lt3A_517 : vector<16xi32>
    %and3A_519 = arith.andi %ge3A_515, %lt3A_518 : vector<16xi1>
    %jit3A_520 = arith.constant 25088 : i32
    %broadcast_in_dim3A_521 = vector.broadcast %jit3A_520 : i32 to vector<16xi32>
    %select_n3A_522 = arith.select %and3A_519, %sub3A_512, %broadcast_in_dim3A_521 : vector<16xi1>, vector<16xi32>
    %swap3A_523 = arith.constant 0 : i32
    %swap3A_524 = arith.constant 1 : i32
    %swap3A_525 = arith.index_cast %swap3A_523 : i32 to index
    %swap3A_526 = arith.index_cast %swap3A_524 : i32 to index
    %swap3A_527 = arith.constant 64 : index
    %swap3A_528 = tpu.vector_load %arg7[%swap3A_525, %swap3A_526, %swap3A_527] {strides = array<i32>} : memref<2x2x128xi32, #tpu.memory_space<vmem>>, vector<1x1x16xi32>,
    %swap3A_529 = vector.shape_cast %swap3A_528 : vector<1x1x16xi32> to vector<16xi32>
    %swap3A_530 = vector.shape_cast %select_n3A_522 : vector<16xi32> to vector<1x1x16xi32>
    tpu.vector_store %arg7[%swap3A_525, %swap3A_526, %swap3A_527], %swap3A_530 {strides = array<i32>} : memref<2x2x128xi32, #tpu.memory_space<vmem>>, vector<1x1x16xi32>,
    %get3A_531 = arith.constant 0 : i32
    %get3A_532 = arith.constant 1 : i32
    %get3A_533 = arith.constant 1 : i32
    %get3A_534 = arith.index_cast %get3A_531 : i32 to index
    %get3A_535 = arith.index_cast %get3A_532 : i32 to index
    %get3A_536 = arith.index_cast %get3A_533 : i32 to index
    %get3A_537 = arith.constant 80 : index
    %get3A_538 = tpu.vector_load %arg6[%get3A_534, %get3A_535, %get3A_536, %get3A_537] {strides = array<i32>} : memref<2x2x2x128xi32, #tpu.memory_space<vmem>>, vector<1x1x1x16xi32>,
    %get3A_539 = vector.shape_cast %get3A_538 : vector<1x1x1x16xi32> to vector<16xi32>
    %sub3A_540 = vector.broadcast %mul3A_0 : i32 to vector<16xi32>
    %sub3A_541 = arith.subi %get3A_539, %sub3A_540 : vector<16xi32>
    %ge3A_542 = arith.constant 0 : i32
    %ge3A_543 = vector.broadcast %ge3A_542 : i32 to vector<16xi32>
    %ge3A_544 = arith.cmpi sge, %sub3A_541, %ge3A_543 : vector<16xi32>
    %lt3A_545 = arith.constant 25088 : i32
    %lt3A_546 = vector.broadcast %lt3A_545 : i32 to vector<16xi32>
    %lt3A_547 = arith.cmpi slt, %sub3A_541, %lt3A_546 : vector<16xi32>
    %and3A_548 = arith.andi %ge3A_544, %lt3A_547 : vector<16xi1>
    %jit3A_549 = arith.constant 25088 : i32
    %broadcast_in_dim3A_550 = vector.broadcast %jit3A_549 : i32 to vector<16xi32>
    %select_n3A_551 = arith.select %and3A_548, %sub3A_541, %broadcast_in_dim3A_550 : vector<16xi1>, vector<16xi32>
    %swap3A_552 = arith.constant 0 : i32
    %swap3A_553 = arith.constant 1 : i32
    %swap3A_554 = arith.index_cast %swap3A_552 : i32 to index
    %swap3A_555 = arith.index_cast %swap3A_553 : i32 to index
    %swap3A_556 = arith.constant 80 : index
    %swap3A_557 = tpu.vector_load %arg7[%swap3A_554, %swap3A_555, %swap3A_556] {strides = array<i32>} : memref<2x2x128xi32, #tpu.memory_space<vmem>>, vector<1x1x16xi32>,
    %swap3A_558 = vector.shape_cast %swap3A_557 : vector<1x1x16xi32> to vector<16xi32>
    %swap3A_559 = vector.shape_cast %select_n3A_551 : vector<16xi32> to vector<1x1x16xi32>
    tpu.vector_store %arg7[%swap3A_554, %swap3A_555, %swap3A_556], %swap3A_559 {strides = array<i32>} : memref<2x2x128xi32, #tpu.memory_space<vmem>>, vector<1x1x16xi32>,
    %get3A_560 = arith.constant 0 : i32
    %get3A_561 = arith.constant 1 : i32
    %get3A_562 = arith.constant 1 : i32
    %get3A_563 = arith.index_cast %get3A_560 : i32 to index
    %get3A_564 = arith.index_cast %get3A_561 : i32 to index
    %get3A_565 = arith.index_cast %get3A_562 : i32 to index
    %get3A_566 = arith.constant 96 : index
    %get3A_567 = tpu.vector_load %arg6[%get3A_563, %get3A_564, %get3A_565, %get3A_566] {strides = array<i32>} : memref<2x2x2x128xi32, #tpu.memory_space<vmem>>, vector<1x1x1x16xi32>,
    %get3A_568 = vector.shape_cast %get3A_567 : vector<1x1x1x16xi32> to vector<16xi32>
    %sub3A_569 = vector.broadcast %mul3A_0 : i32 to vector<16xi32>
    %sub3A_570 = arith.subi %get3A_568, %sub3A_569 : vector<16xi32>
    %ge3A_571 = arith.constant 0 : i32
    %ge3A_572 = vector.broadcast %ge3A_571 : i32 to vector<16xi32>
    %ge3A_573 = arith.cmpi sge, %sub3A_570, %ge3A_572 : vector<16xi32>
    %lt3A_574 = arith.constant 25088 : i32
    %lt3A_575 = vector.broadcast %lt3A_574 : i32 to vector<16xi32>
    %lt3A_576 = arith.cmpi slt, %sub3A_570, %lt3A_575 : vector<16xi32>
    %and3A_577 = arith.andi %ge3A_573, %lt3A_576 : vector<16xi1>
    %jit3A_578 = arith.constant 25088 : i32
    %broadcast_in_dim3A_579 = vector.broadcast %jit3A_578 : i32 to vector<16xi32>
    %select_n3A_580 = arith.select %and3A_577, %sub3A_570, %broadcast_in_dim3A_579 : vector<16xi1>, vector<16xi32>
    %swap3A_581 = arith.constant 0 : i32
    %swap3A_582 = arith.constant 1 : i32
    %swap3A_583 = arith.index_cast %swap3A_581 : i32 to index
    %swap3A_584 = arith.index_cast %swap3A_582 : i32 to index
    %swap3A_585 = arith.constant 96 : index
    %swap3A_586 = tpu.vector_load %arg7[%swap3A_583, %swap3A_584, %swap3A_585] {strides = array<i32>} : memref<2x2x128xi32, #tpu.memory_space<vmem>>, vector<1x1x16xi32>,
    %swap3A_587 = vector.shape_cast %swap3A_586 : vector<1x1x16xi32> to vector<16xi32>
    %swap3A_588 = vector.shape_cast %select_n3A_580 : vector<16xi32> to vector<1x1x16xi32>
    tpu.vector_store %arg7[%swap3A_583, %swap3A_584, %swap3A_585], %swap3A_588 {strides = array<i32>} : memref<2x2x128xi32, #tpu.memory_space<vmem>>, vector<1x1x16xi32>,
    %get3A_589 = arith.constant 0 : i32
    %get3A_590 = arith.constant 1 : i32
    %get3A_591 = arith.constant 1 : i32
    %get3A_592 = arith.index_cast %get3A_589 : i32 to index
    %get3A_593 = arith.index_cast %get3A_590 : i32 to index
    %get3A_594 = arith.index_cast %get3A_591 : i32 to index
    %get3A_595 = arith.constant 112 : index
    %get3A_596 = tpu.vector_load %arg6[%get3A_592, %get3A_593, %get3A_594, %get3A_595] {strides = array<i32>} : memref<2x2x2x128xi32, #tpu.memory_space<vmem>>, vector<1x1x1x16xi32>,
    %get3A_597 = vector.shape_cast %get3A_596 : vector<1x1x1x16xi32> to vector<16xi32>
    %sub3A_598 = vector.broadcast %mul3A_0 : i32 to vector<16xi32>
    %sub3A_599 = arith.subi %get3A_597, %sub3A_598 : vector<16xi32>
    %ge3A_600 = arith.constant 0 : i32
    %ge3A_601 = vector.broadcast %ge3A_600 : i32 to vector<16xi32>
    %ge3A_602 = arith.cmpi sge, %sub3A_599, %ge3A_601 : vector<16xi32>
    %lt3A_603 = arith.constant 25088 : i32
    %lt3A_604 = vector.broadcast %lt3A_603 : i32 to vector<16xi32>
    %lt3A_605 = arith.cmpi slt, %sub3A_599, %lt3A_604 : vector<16xi32>
    %and3A_606 = arith.andi %ge3A_602, %lt3A_605 : vector<16xi1>
    %jit3A_607 = arith.constant 25088 : i32
    %broadcast_in_dim3A_608 = vector.broadcast %jit3A_607 : i32 to vector<16xi32>
    %select_n3A_609 = arith.select %and3A_606, %sub3A_599, %broadcast_in_dim3A_608 : vector<16xi1>, vector<16xi32>
    %swap3A_610 = arith.constant 0 : i32
    %swap3A_611 = arith.constant 1 : i32
    %swap3A_612 = arith.index_cast %swap3A_610 : i32 to index
    %swap3A_613 = arith.index_cast %swap3A_611 : i32 to index
    %swap3A_614 = arith.constant 112 : index
    %swap3A_615 = tpu.vector_load %arg7[%swap3A_612, %swap3A_613, %swap3A_614] {strides = array<i32>} : memref<2x2x128xi32, #tpu.memory_space<vmem>>, vector<1x1x16xi32>,
    %swap3A_616 = vector.shape_cast %swap3A_615 : vector<1x1x16xi32> to vector<16xi32>
    %swap3A_617 = vector.shape_cast %select_n3A_609 : vector<16xi32> to vector<1x1x16xi32>
    tpu.vector_store %arg7[%swap3A_612, %swap3A_613, %swap3A_614], %swap3A_617 {strides = array<i32>} : memref<2x2x128xi32, #tpu.memory_space<vmem>>, vector<1x1x16xi32>,
    %dma_start3A_618 = arith.constant 0 : i32
    %dma_start3A_619 = arith.constant 0 : i32
    %dma_start3A_620 = arith.constant 0 : i32
    %dma_start3A_621 = arith.constant 0 : i32
    %dma_start3A_622 = arith.constant 0 : i32
    %dma_start3A_623 = arith.constant 0 : i32
    %dma_start3A_624 = arith.constant 0 : i32
    %dma_start3A_625 = tpu.memref_slice %arg8[%dma_start3A_621, %dma_start3A_622, %dma_start3A_623, %dma_start3A_624] : memref<2x2x128x64xbf16, #tpu.memory_space<vmem>> -> memref<1x1x128x64xbf16, #tpu.memory_space<vmem>>
    %dma_start3A_626 = tpu.memref_squeeze %dma_start3A_625 : memref<1x1x128x64xbf16, #tpu.memory_space<vmem>> -> memref<128x64xbf16, #tpu.memory_space<vmem>>
    %dma_start3A_627 = arith.constant 0 : i32
    %dma_start3A_628 = tpu.memref_slice %arg6[%dma_start3A_618, %dma_start3A_619, %dma_start3A_620, %dma_start3A_627] : memref<2x2x2x128xi32, #tpu.memory_space<vmem>> -> memref<1x1x1x128xi32, #tpu.memory_space<vmem>>
    %dma_start3A_629 = tpu.memref_squeeze %dma_start3A_628 : memref<1x1x1x128xi32, #tpu.memory_space<vmem>> -> memref<128xi32, #tpu.memory_space<vmem>>
    %dma_start3A_630 = arith.constant 0 : i32
    %dma_start3A_631 = arith.constant 0 : i32
    %dma_start3A_632 = tpu.memref_slice %arg2[%dma_start3A_630, %dma_start3A_631] : memref<50176x64xbf16, #tpu.memory_space<hbm>> -> memref<50176x64xbf16, #tpu.memory_space<hbm>>
    tpu.enqueue_indirect_dma source(%dma_start3A_632 : memref<50176x64xbf16, #tpu.memory_space<hbm>>) target(%dma_start3A_626 : memref<128x64xbf16, #tpu.memory_space<vmem>>) offsets(%dma_start3A_629 : memref<128xi32, #tpu.memory_space<vmem>>) semaphore(%arg10 : memref<!tpu.dma_semaphore, #tpu.memory_space<semaphore_mem>>)
    %dma_start3A_633 = arith.constant 0 : i32
    %dma_start3A_634 = arith.constant 1 : i32
    %dma_start3A_635 = arith.constant 0 : i32
    %dma_start3A_636 = arith.constant 0 : i32
    %dma_start3A_637 = arith.constant 1 : i32
    %dma_start3A_638 = arith.constant 0 : i32
    %dma_start3A_639 = arith.constant 0 : i32
    %dma_start3A_640 = tpu.memref_slice %arg8[%dma_start3A_636, %dma_start3A_637, %dma_start3A_638, %dma_start3A_639] : memref<2x2x128x64xbf16, #tpu.memory_space<vmem>> -> memref<1x1x128x64xbf16, #tpu.memory_space<vmem>>
    %dma_start3A_641 = tpu.memref_squeeze %dma_start3A_640 : memref<1x1x128x64xbf16, #tpu.memory_space<vmem>> -> memref<128x64xbf16, #tpu.memory_space<vmem>>
    %dma_start3A_642 = arith.constant 0 : i32
    %dma_start3A_643 = tpu.memref_slice %arg6[%dma_start3A_633, %dma_start3A_634, %dma_start3A_635, %dma_start3A_642] : memref<2x2x2x128xi32, #tpu.memory_space<vmem>> -> memref<1x1x1x128xi32, #tpu.memory_space<vmem>>
    %dma_start3A_644 = tpu.memref_squeeze %dma_start3A_643 : memref<1x1x1x128xi32, #tpu.memory_space<vmem>> -> memref<128xi32, #tpu.memory_space<vmem>>
    %dma_start3A_645 = arith.constant 0 : i32
    %dma_start3A_646 = arith.constant 0 : i32
    %dma_start3A_647 = tpu.memref_slice %arg2[%dma_start3A_645, %dma_start3A_646] : memref<50176x64xbf16, #tpu.memory_space<hbm>> -> memref<50176x64xbf16, #tpu.memory_space<hbm>>
    tpu.enqueue_indirect_dma source(%dma_start3A_647 : memref<50176x64xbf16, #tpu.memory_space<hbm>>) target(%dma_start3A_641 : memref<128x64xbf16, #tpu.memory_space<vmem>>) offsets(%dma_start3A_644 : memref<128xi32, #tpu.memory_space<vmem>>) semaphore(%arg10 : memref<!tpu.dma_semaphore, #tpu.memory_space<semaphore_mem>>)
    %scan3A = arith.constant 0 : i32
    %scan3A_648 = arith.constant 0 : i32
    %scan3A_649 = arith.constant 98 : i32
    %scan3A_650 = arith.addi %scan3A_648, %scan3A_649 : i32
    %scan3A_651 = arith.constant 1 : i32
    scf.for %scan3A_716 = %scan3A_648 to %scan3A_650 step %scan3A_651  : i32 {
      %mul3A_717 = arith.constant 2 : i32
      %mul3A_718 = arith.muli %mul3A_717, %scan3A_716 : i32
      %add3A_719 = arith.constant 0 : i32
      %add3A_720 = arith.addi %mul3A_718, %add3A_719 : i32
      %dma_wait3A_721 = arith.constant 1 : i32
      %dma_wait3A_722 = arith.constant 0 : i32
      %dma_wait3A_723 = arith.constant 1 : i32
      %dma_wait3A_724 = arith.constant 0 : i32
      %dma_wait3A_725 = arith.constant 0 : i32
      %dma_wait3A_726 = arith.constant 0 : i32
      %dma_wait3A_727 = tpu.memref_slice %arg8[%dma_wait3A_721, %dma_wait3A_722, %dma_wait3A_725, %dma_wait3A_726] : memref<2x2x128x64xbf16, #tpu.memory_space<vmem>> -> memref<1x1x128x64xbf16, #tpu.memory_space<vmem>>
      %dma_wait3A_728 = tpu.memref_squeeze %dma_wait3A_727 : memref<1x1x128x64xbf16, #tpu.memory_space<vmem>> -> memref<128x64xbf16, #tpu.memory_space<vmem>>
      %dma_wait3A_729 = arith.constant 0 : i32
      %dma_wait3A_730 = tpu.memref_slice %arg7[%dma_wait3A_723, %dma_wait3A_724, %dma_wait3A_729] : memref<2x2x128xi32, #tpu.memory_space<vmem>> -> memref<1x1x128xi32, #tpu.memory_space<vmem>>
      %dma_wait3A_731 = tpu.memref_squeeze %dma_wait3A_730 : memref<1x1x128xi32, #tpu.memory_space<vmem>> -> memref<128xi32, #tpu.memory_space<vmem>>
      %dma_wait3A_732 = arith.constant 0 : i32
      %dma_wait3A_733 = arith.constant 0 : i32
      %dma_wait3A_734 = tpu.memref_slice %arg9[%dma_wait3A_732, %dma_wait3A_733] : memref<25104x64xbf16, #tpu.memory_space<vmem_shared>> -> memref<25104x64xbf16, #tpu.memory_space<vmem_shared>>
      tpu.wait_indirect_dma semaphore(%arg13 : memref<!tpu.dma_semaphore, #tpu.memory_space<semaphore_mem>>) src(%dma_wait3A_728 : memref<128x64xbf16, #tpu.memory_space<vmem>>) dst(%dma_wait3A_734 : memref<25104x64xbf16, #tpu.memory_space<vmem_shared>>)
      %dma_wait3A_735 = arith.constant 1 : i32
      %dma_wait3A_736 = arith.constant 1 : i32
      %dma_wait3A_737 = arith.constant 1 : i32
      %dma_wait3A_738 = arith.constant 1 : i32
      %dma_wait3A_739 = arith.constant 0 : i32
      %dma_wait3A_740 = arith.constant 0 : i32
      %dma_wait3A_741 = tpu.memref_slice %arg8[%dma_wait3A_735, %dma_wait3A_736, %dma_wait3A_739, %dma_wait3A_740] : memref<2x2x128x64xbf16, #tpu.memory_space<vmem>> -> memref<1x1x128x64xbf16, #tpu.memory_space<vmem>>
      %dma_wait3A_742 = tpu.memref_squeeze %dma_wait3A_741 : memref<1x1x128x64xbf16, #tpu.memory_space<vmem>> -> memref<128x64xbf16, #tpu.memory_space<vmem>>
      %dma_wait3A_743 = arith.constant 0 : i32
      %dma_wait3A_744 = tpu.memref_slice %arg7[%dma_wait3A_737, %dma_wait3A_738, %dma_wait3A_743] : memref<2x2x128xi32, #tpu.memory_space<vmem>> -> memref<1x1x128xi32, #tpu.memory_space<vmem>>
      %dma_wait3A_745 = tpu.memref_squeeze %dma_wait3A_744 : memref<1x1x128xi32, #tpu.memory_space<vmem>> -> memref<128xi32, #tpu.memory_space<vmem>>
      %dma_wait3A_746 = arith.constant 0 : i32
      %dma_wait3A_747 = arith.constant 0 : i32
      %dma_wait3A_748 = tpu.memref_slice %arg9[%dma_wait3A_746, %dma_wait3A_747] : memref<25104x64xbf16, #tpu.memory_space<vmem_shared>> -> memref<25104x64xbf16, #tpu.memory_space<vmem_shared>>
      tpu.wait_indirect_dma semaphore(%arg13 : memref<!tpu.dma_semaphore, #tpu.memory_space<semaphore_mem>>) src(%dma_wait3A_742 : memref<128x64xbf16, #tpu.memory_space<vmem>>) dst(%dma_wait3A_748 : memref<25104x64xbf16, #tpu.memory_space<vmem_shared>>)
      %add3A_749 = arith.constant 1 : i32
      %add3A_750 = arith.addi %add3A_720, %add3A_749 : i32
      %mul3A_751 = arith.constant 392 : i32
      %mul3A_752 = arith.muli %arg1, %mul3A_751 : i32
      %mul3A_753 = arith.constant 2 : i32
      %mul3A_754 = arith.muli %add3A_750, %mul3A_753 : i32
      %add3A_755 = arith.addi %mul3A_752, %mul3A_754 : i32
      %run_scoped3A_756 = arith.constant 1 : i32
      "tpu.region"() ({
        %run_scoped3A_1901 = tpu.sem_alloc : memref<!tpu.dma_semaphore, #tpu.memory_space<semaphore_mem>>
        %dma_start3A_1902 = arith.constant 0 : i32
        %dma_start3A_1903 = arith.constant 0 : i32
        %dma_start3A_1904 = arith.constant 0 : i32
        %dma_start3A_1905 = tpu.memref_slice %arg6[%run_scoped3A_756, %dma_start3A_1902, %dma_start3A_1903, %dma_start3A_1904] : memref<2x2x2x128xi32, #tpu.memory_space<vmem>> -> memref<1x2x2x128xi32, #tpu.memory_space<vmem>>
        %dma_start3A_1906 = tpu.memref_squeeze %dma_start3A_1905 : memref<1x2x2x128xi32, #tpu.memory_space<vmem>> -> memref<2x2x128xi32, #tpu.memory_space<vmem>>
        %dma_start3A_1907 = arith.constant 0 : i32
        %dma_start3A_1908 = arith.constant 0 : i32
        %dma_start3A_1909 = tpu.memref_slice %arg3[%add3A_755, %dma_start3A_1907, %dma_start3A_1908] : memref<6276x2x128xi32, #tpu.memory_space<hbm>> -> memref<2x2x128xi32, #tpu.memory_space<hbm>>
        %dma_start3A_1910 = arith.constant 0 : i32
        %dma_start3A_1911 = arith.constant 0 : i32
        %dma_start3A_1912 = arith.constant 0 : i32
        %dma_start3A_1913 = tpu.memref_slice %arg6[%run_scoped3A_756, %dma_start3A_1910, %dma_start3A_1911, %dma_start3A_1912] : memref<2x2x2x128xi32, #tpu.memory_space<vmem>> -> memref<1x2x2x128xi32, #tpu.memory_space<vmem>>
        %dma_start3A_1914 = tpu.memref_squeeze %dma_start3A_1913 : memref<1x2x2x128xi32, #tpu.memory_space<vmem>> -> memref<2x2x128xi32, #tpu.memory_space<vmem>>
        %dma_start3A_1915 = arith.constant 0 : i32
        %dma_start3A_1916 = arith.constant 0 : i32
        %dma_start3A_1917 = tpu.memref_slice %arg3[%add3A_755, %dma_start3A_1915, %dma_start3A_1916] : memref<6276x2x128xi32, #tpu.memory_space<hbm>> -> memref<2x2x128xi32, #tpu.memory_space<hbm>>
        tpu.enqueue_dma source(%dma_start3A_1917 : memref<2x2x128xi32, #tpu.memory_space<hbm>>) target(%dma_start3A_1914 : memref<2x2x128xi32, #tpu.memory_space<vmem>>) target_semaphore(%run_scoped3A_1901 : memref<!tpu.dma_semaphore, #tpu.memory_space<semaphore_mem>>)
        %dma_wait3A_1918 = arith.constant 0 : i32
        %dma_wait3A_1919 = arith.constant 0 : i32
        %dma_wait3A_1920 = arith.constant 0 : i32
        %dma_wait3A_1921 = tpu.memref_slice %arg6[%run_scoped3A_756, %dma_wait3A_1918, %dma_wait3A_1919, %dma_wait3A_1920] : memref<2x2x2x128xi32, #tpu.memory_space<vmem>> -> memref<1x2x2x128xi32, #tpu.memory_space<vmem>>
        %dma_wait3A_1922 = tpu.memref_squeeze %dma_wait3A_1921 : memref<1x2x2x128xi32, #tpu.memory_space<vmem>> -> memref<2x2x128xi32, #tpu.memory_space<vmem>>
        %dma_wait3A_1923 = arith.constant 0 : i32
        %dma_wait3A_1924 = arith.constant 0 : i32
        %dma_wait3A_1925 = tpu.memref_slice %arg3[%add3A_755, %dma_wait3A_1923, %dma_wait3A_1924] : memref<6276x2x128xi32, #tpu.memory_space<hbm>> -> memref<2x2x128xi32, #tpu.memory_space<hbm>>
        %dma_wait3A_1926 = arith.constant 0 : i32
        %dma_wait3A_1927 = arith.constant 0 : i32
        %dma_wait3A_1928 = arith.constant 0 : i32
        %dma_wait3A_1929 = tpu.memref_slice %arg6[%run_scoped3A_756, %dma_wait3A_1926, %dma_wait3A_1927, %dma_wait3A_1928] : memref<2x2x2x128xi32, #tpu.memory_space<vmem>> -> memref<1x2x2x128xi32, #tpu.memory_space<vmem>>
        %dma_wait3A_1930 = tpu.memref_squeeze %dma_wait3A_1929 : memref<1x2x2x128xi32, #tpu.memory_space<vmem>> -> memref<2x2x128xi32, #tpu.memory_space<vmem>>
        %dma_wait3A_1931 = arith.constant 0 : i32
        %dma_wait3A_1932 = arith.constant 0 : i32
        %dma_wait3A_1933 = tpu.memref_slice %arg3[%add3A_755, %dma_wait3A_1931, %dma_wait3A_1932] : memref<6276x2x128xi32, #tpu.memory_space<hbm>> -> memref<2x2x128xi32, #tpu.memory_space<hbm>>
        tpu.wait_dma2 semaphore(%run_scoped3A_1901 : memref<!tpu.dma_semaphore, #tpu.memory_space<semaphore_mem>>) src(%dma_wait3A_1933 : memref<2x2x128xi32, #tpu.memory_space<hbm>>) dst(%dma_wait3A_1930 : memref<2x2x128xi32, #tpu.memory_space<vmem>>)
        tpu.yield
      }) : () -> ()
      %get3A_757 = arith.constant 1 : i32
      %get3A_758 = arith.constant 0 : i32
      %get3A_759 = arith.constant 1 : i32
      %get3A_760 = arith.index_cast %get3A_757 : i32 to index
      %get3A_761 = arith.index_cast %get3A_758 : i32 to index
      %get3A_762 = arith.index_cast %get3A_759 : i32 to index
      %get3A_763 = arith.constant 0 : index
      %get3A_764 = tpu.vector_load %arg6[%get3A_760, %get3A_761, %get3A_762, %get3A_763] {strides = array<i32>} : memref<2x2x2x128xi32, #tpu.memory_space<vmem>>, vector<1x1x1x16xi32>,
      %get3A_765 = vector.shape_cast %get3A_764 : vector<1x1x1x16xi32> to vector<16xi32>
      %sub3A_766 = vector.broadcast %mul3A_0 : i32 to vector<16xi32>
      %sub3A_767 = arith.subi %get3A_765, %sub3A_766 : vector<16xi32>
      %ge3A_768 = arith.constant 0 : i32
      %ge3A_769 = vector.broadcast %ge3A_768 : i32 to vector<16xi32>
      %ge3A_770 = arith.cmpi sge, %sub3A_767, %ge3A_769 : vector<16xi32>
      %lt3A_771 = arith.constant 25088 : i32
      %lt3A_772 = vector.broadcast %lt3A_771 : i32 to vector<16xi32>
      %lt3A_773 = arith.cmpi slt, %sub3A_767, %lt3A_772 : vector<16xi32>
      %and3A_774 = arith.andi %ge3A_770, %lt3A_773 : vector<16xi1>
      %jit3A_775 = arith.constant 25088 : i32
      %broadcast_in_dim3A_776 = vector.broadcast %jit3A_775 : i32 to vector<16xi32>
      %select_n3A_777 = arith.select %and3A_774, %sub3A_767, %broadcast_in_dim3A_776 : vector<16xi1>, vector<16xi32>
      %swap3A_778 = arith.constant 1 : i32
      %swap3A_779 = arith.constant 0 : i32
      %swap3A_780 = arith.index_cast %swap3A_778 : i32 to index
      %swap3A_781 = arith.index_cast %swap3A_779 : i32 to index
      %swap3A_782 = arith.constant 0 : index
      %swap3A_783 = tpu.vector_load %arg7[%swap3A_780, %swap3A_781, %swap3A_782] {strides = array<i32>} : memref<2x2x128xi32, #tpu.memory_space<vmem>>, vector<1x1x16xi32>,
      %swap3A_784 = vector.shape_cast %swap3A_783 : vector<1x1x16xi32> to vector<16xi32>
      %swap3A_785 = vector.shape_cast %select_n3A_777 : vector<16xi32> to vector<1x1x16xi32>
      tpu.vector_store %arg7[%swap3A_780, %swap3A_781, %swap3A_782], %swap3A_785 {strides = array<i32>} : memref<2x2x128xi32, #tpu.memory_space<vmem>>, vector<1x1x16xi32>,
      %get3A_786 = arith.constant 1 : i32
      %get3A_787 = arith.constant 0 : i32
      %get3A_788 = arith.constant 1 : i32
      %get3A_789 = arith.index_cast %get3A_786 : i32 to index
      %get3A_790 = arith.index_cast %get3A_787 : i32 to index
      %get3A_791 = arith.index_cast %get3A_788 : i32 to index
      %get3A_792 = arith.constant 16 : index
      %get3A_793 = tpu.vector_load %arg6[%get3A_789, %get3A_790, %get3A_791, %get3A_792] {strides = array<i32>} : memref<2x2x2x128xi32, #tpu.memory_space<vmem>>, vector<1x1x1x16xi32>,
      %get3A_794 = vector.shape_cast %get3A_793 : vector<1x1x1x16xi32> to vector<16xi32>
      %sub3A_795 = vector.broadcast %mul3A_0 : i32 to vector<16xi32>
      %sub3A_796 = arith.subi %get3A_794, %sub3A_795 : vector<16xi32>
      %ge3A_797 = arith.constant 0 : i32
      %ge3A_798 = vector.broadcast %ge3A_797 : i32 to vector<16xi32>
      %ge3A_799 = arith.cmpi sge, %sub3A_796, %ge3A_798 : vector<16xi32>
      %lt3A_800 = arith.constant 25088 : i32
      %lt3A_801 = vector.broadcast %lt3A_800 : i32 to vector<16xi32>
      %lt3A_802 = arith.cmpi slt, %sub3A_796, %lt3A_801 : vector<16xi32>
      %and3A_803 = arith.andi %ge3A_799, %lt3A_802 : vector<16xi1>
      %jit3A_804 = arith.constant 25088 : i32
      %broadcast_in_dim3A_805 = vector.broadcast %jit3A_804 : i32 to vector<16xi32>
      %select_n3A_806 = arith.select %and3A_803, %sub3A_796, %broadcast_in_dim3A_805 : vector<16xi1>, vector<16xi32>
      %swap3A_807 = arith.constant 1 : i32
      %swap3A_808 = arith.constant 0 : i32
      %swap3A_809 = arith.index_cast %swap3A_807 : i32 to index
      %swap3A_810 = arith.index_cast %swap3A_808 : i32 to index
      %swap3A_811 = arith.constant 16 : index
      %swap3A_812 = tpu.vector_load %arg7[%swap3A_809, %swap3A_810, %swap3A_811] {strides = array<i32>} : memref<2x2x128xi32, #tpu.memory_space<vmem>>, vector<1x1x16xi32>,
      %swap3A_813 = vector.shape_cast %swap3A_812 : vector<1x1x16xi32> to vector<16xi32>
      %swap3A_814 = vector.shape_cast %select_n3A_806 : vector<16xi32> to vector<1x1x16xi32>
      tpu.vector_store %arg7[%swap3A_809, %swap3A_810, %swap3A_811], %swap3A_814 {strides = array<i32>} : memref<2x2x128xi32, #tpu.memory_space<vmem>>, vector<1x1x16xi32>,
      %get3A_815 = arith.constant 1 : i32
      %get3A_816 = arith.constant 0 : i32
      %get3A_817 = arith.constant 1 : i32
      %get3A_818 = arith.index_cast %get3A_815 : i32 to index
      %get3A_819 = arith.index_cast %get3A_816 : i32 to index
      %get3A_820 = arith.index_cast %get3A_817 : i32 to index
      %get3A_821 = arith.constant 32 : index
      %get3A_822 = tpu.vector_load %arg6[%get3A_818, %get3A_819, %get3A_820, %get3A_821] {strides = array<i32>} : memref<2x2x2x128xi32, #tpu.memory_space<vmem>>, vector<1x1x1x16xi32>,
      %get3A_823 = vector.shape_cast %get3A_822 : vector<1x1x1x16xi32> to vector<16xi32>
      %sub3A_824 = vector.broadcast %mul3A_0 : i32 to vector<16xi32>
      %sub3A_825 = arith.subi %get3A_823, %sub3A_824 : vector<16xi32>
      %ge3A_826 = arith.constant 0 : i32
      %ge3A_827 = vector.broadcast %ge3A_826 : i32 to vector<16xi32>
      %ge3A_828 = arith.cmpi sge, %sub3A_825, %ge3A_827 : vector<16xi32>
      %lt3A_829 = arith.constant 25088 : i32
      %lt3A_830 = vector.broadcast %lt3A_829 : i32 to vector<16xi32>
      %lt3A_831 = arith.cmpi slt, %sub3A_825, %lt3A_830 : vector<16xi32>
      %and3A_832 = arith.andi %ge3A_828, %lt3A_831 : vector<16xi1>
      %jit3A_833 = arith.constant 25088 : i32
      %broadcast_in_dim3A_834 = vector.broadcast %jit3A_833 : i32 to vector<16xi32>
      %select_n3A_835 = arith.select %and3A_832, %sub3A_825, %broadcast_in_dim3A_834 : vector<16xi1>, vector<16xi32>
      %swap3A_836 = arith.constant 1 : i32
      %swap3A_837 = arith.constant 0 : i32
      %swap3A_838 = arith.index_cast %swap3A_836 : i32 to index
      %swap3A_839 = arith.index_cast %swap3A_837 : i32 to index
      %swap3A_840 = arith.constant 32 : index
      %swap3A_841 = tpu.vector_load %arg7[%swap3A_838, %swap3A_839, %swap3A_840] {strides = array<i32>} : memref<2x2x128xi32, #tpu.memory_space<vmem>>, vector<1x1x16xi32>,
      %swap3A_842 = vector.shape_cast %swap3A_841 : vector<1x1x16xi32> to vector<16xi32>
      %swap3A_843 = vector.shape_cast %select_n3A_835 : vector<16xi32> to vector<1x1x16xi32>
      tpu.vector_store %arg7[%swap3A_838, %swap3A_839, %swap3A_840], %swap3A_843 {strides = array<i32>} : memref<2x2x128xi32, #tpu.memory_space<vmem>>, vector<1x1x16xi32>,
      %get3A_844 = arith.constant 1 : i32
      %get3A_845 = arith.constant 0 : i32
      %get3A_846 = arith.constant 1 : i32
      %get3A_847 = arith.index_cast %get3A_844 : i32 to index
      %get3A_848 = arith.index_cast %get3A_845 : i32 to index
      %get3A_849 = arith.index_cast %get3A_846 : i32 to index
      %get3A_850 = arith.constant 48 : index
      %get3A_851 = tpu.vector_load %arg6[%get3A_847, %get3A_848, %get3A_849, %get3A_850] {strides = array<i32>} : memref<2x2x2x128xi32, #tpu.memory_space<vmem>>, vector<1x1x1x16xi32>,
      %get3A_852 = vector.shape_cast %get3A_851 : vector<1x1x1x16xi32> to vector<16xi32>
      %sub3A_853 = vector.broadcast %mul3A_0 : i32 to vector<16xi32>
      %sub3A_854 = arith.subi %get3A_852, %sub3A_853 : vector<16xi32>
      %ge3A_855 = arith.constant 0 : i32
      %ge3A_856 = vector.broadcast %ge3A_855 : i32 to vector<16xi32>
      %ge3A_857 = arith.cmpi sge, %sub3A_854, %ge3A_856 : vector<16xi32>
      %lt3A_858 = arith.constant 25088 : i32
      %lt3A_859 = vector.broadcast %lt3A_858 : i32 to vector<16xi32>
      %lt3A_860 = arith.cmpi slt, %sub3A_854, %lt3A_859 : vector<16xi32>
      %and3A_861 = arith.andi %ge3A_857, %lt3A_860 : vector<16xi1>
      %jit3A_862 = arith.constant 25088 : i32
      %broadcast_in_dim3A_863 = vector.broadcast %jit3A_862 : i32 to vector<16xi32>
      %select_n3A_864 = arith.select %and3A_861, %sub3A_854, %broadcast_in_dim3A_863 : vector<16xi1>, vector<16xi32>
      %swap3A_865 = arith.constant 1 : i32
      %swap3A_866 = arith.constant 0 : i32
      %swap3A_867 = arith.index_cast %swap3A_865 : i32 to index
      %swap3A_868 = arith.index_cast %swap3A_866 : i32 to index
      %swap3A_869 = arith.constant 48 : index
      %swap3A_870 = tpu.vector_load %arg7[%swap3A_867, %swap3A_868, %swap3A_869] {strides = array<i32>} : memref<2x2x128xi32, #tpu.memory_space<vmem>>, vector<1x1x16xi32>,
      %swap3A_871 = vector.shape_cast %swap3A_870 : vector<1x1x16xi32> to vector<16xi32>
      %swap3A_872 = vector.shape_cast %select_n3A_864 : vector<16xi32> to vector<1x1x16xi32>
      tpu.vector_store %arg7[%swap3A_867, %swap3A_868, %swap3A_869], %swap3A_872 {strides = array<i32>} : memref<2x2x128xi32, #tpu.memory_space<vmem>>, vector<1x1x16xi32>,
      %get3A_873 = arith.constant 1 : i32
      %get3A_874 = arith.constant 0 : i32
      %get3A_875 = arith.constant 1 : i32
      %get3A_876 = arith.index_cast %get3A_873 : i32 to index
      %get3A_877 = arith.index_cast %get3A_874 : i32 to index
      %get3A_878 = arith.index_cast %get3A_875 : i32 to index
      %get3A_879 = arith.constant 64 : index
      %get3A_880 = tpu.vector_load %arg6[%get3A_876, %get3A_877, %get3A_878, %get3A_879] {strides = array<i32>} : memref<2x2x2x128xi32, #tpu.memory_space<vmem>>, vector<1x1x1x16xi32>,
      %get3A_881 = vector.shape_cast %get3A_880 : vector<1x1x1x16xi32> to vector<16xi32>
      %sub3A_882 = vector.broadcast %mul3A_0 : i32 to vector<16xi32>
      %sub3A_883 = arith.subi %get3A_881, %sub3A_882 : vector<16xi32>
      %ge3A_884 = arith.constant 0 : i32
      %ge3A_885 = vector.broadcast %ge3A_884 : i32 to vector<16xi32>
      %ge3A_886 = arith.cmpi sge, %sub3A_883, %ge3A_885 : vector<16xi32>
      %lt3A_887 = arith.constant 25088 : i32
      %lt3A_888 = vector.broadcast %lt3A_887 : i32 to vector<16xi32>
      %lt3A_889 = arith.cmpi slt, %sub3A_883, %lt3A_888 : vector<16xi32>
      %and3A_890 = arith.andi %ge3A_886, %lt3A_889 : vector<16xi1>
      %jit3A_891 = arith.constant 25088 : i32
      %broadcast_in_dim3A_892 = vector.broadcast %jit3A_891 : i32 to vector<16xi32>
      %select_n3A_893 = arith.select %and3A_890, %sub3A_883, %broadcast_in_dim3A_892 : vector<16xi1>, vector<16xi32>
      %swap3A_894 = arith.constant 1 : i32
      %swap3A_895 = arith.constant 0 : i32
      %swap3A_896 = arith.index_cast %swap3A_894 : i32 to index
      %swap3A_897 = arith.index_cast %swap3A_895 : i32 to index
      %swap3A_898 = arith.constant 64 : index
      %swap3A_899 = tpu.vector_load %arg7[%swap3A_896, %swap3A_897, %swap3A_898] {strides = array<i32>} : memref<2x2x128xi32, #tpu.memory_space<vmem>>, vector<1x1x16xi32>,
      %swap3A_900 = vector.shape_cast %swap3A_899 : vector<1x1x16xi32> to vector<16xi32>
      %swap3A_901 = vector.shape_cast %select_n3A_893 : vector<16xi32> to vector<1x1x16xi32>
      tpu.vector_store %arg7[%swap3A_896, %swap3A_897, %swap3A_898], %swap3A_901 {strides = array<i32>} : memref<2x2x128xi32, #tpu.memory_space<vmem>>, vector<1x1x16xi32>,
      %get3A_902 = arith.constant 1 : i32
      %get3A_903 = arith.constant 0 : i32
      %get3A_904 = arith.constant 1 : i32
      %get3A_905 = arith.index_cast %get3A_902 : i32 to index
      %get3A_906 = arith.index_cast %get3A_903 : i32 to index
      %get3A_907 = arith.index_cast %get3A_904 : i32 to index
      %get3A_908 = arith.constant 80 : index
      %get3A_909 = tpu.vector_load %arg6[%get3A_905, %get3A_906, %get3A_907, %get3A_908] {strides = array<i32>} : memref<2x2x2x128xi32, #tpu.memory_space<vmem>>, vector<1x1x1x16xi32>,
      %get3A_910 = vector.shape_cast %get3A_909 : vector<1x1x1x16xi32> to vector<16xi32>
      %sub3A_911 = vector.broadcast %mul3A_0 : i32 to vector<16xi32>
      %sub3A_912 = arith.subi %get3A_910, %sub3A_911 : vector<16xi32>
      %ge3A_913 = arith.constant 0 : i32
      %ge3A_914 = vector.broadcast %ge3A_913 : i32 to vector<16xi32>
      %ge3A_915 = arith.cmpi sge, %sub3A_912, %ge3A_914 : vector<16xi32>
      %lt3A_916 = arith.constant 25088 : i32
      %lt3A_917 = vector.broadcast %lt3A_916 : i32 to vector<16xi32>
      %lt3A_918 = arith.cmpi slt, %sub3A_912, %lt3A_917 : vector<16xi32>
      %and3A_919 = arith.andi %ge3A_915, %lt3A_918 : vector<16xi1>
      %jit3A_920 = arith.constant 25088 : i32
      %broadcast_in_dim3A_921 = vector.broadcast %jit3A_920 : i32 to vector<16xi32>
      %select_n3A_922 = arith.select %and3A_919, %sub3A_912, %broadcast_in_dim3A_921 : vector<16xi1>, vector<16xi32>
      %swap3A_923 = arith.constant 1 : i32
      %swap3A_924 = arith.constant 0 : i32
      %swap3A_925 = arith.index_cast %swap3A_923 : i32 to index
      %swap3A_926 = arith.index_cast %swap3A_924 : i32 to index
      %swap3A_927 = arith.constant 80 : index
      %swap3A_928 = tpu.vector_load %arg7[%swap3A_925, %swap3A_926, %swap3A_927] {strides = array<i32>} : memref<2x2x128xi32, #tpu.memory_space<vmem>>, vector<1x1x16xi32>,
      %swap3A_929 = vector.shape_cast %swap3A_928 : vector<1x1x16xi32> to vector<16xi32>
      %swap3A_930 = vector.shape_cast %select_n3A_922 : vector<16xi32> to vector<1x1x16xi32>
      tpu.vector_store %arg7[%swap3A_925, %swap3A_926, %swap3A_927], %swap3A_930 {strides = array<i32>} : memref<2x2x128xi32, #tpu.memory_space<vmem>>, vector<1x1x16xi32>,
      %get3A_931 = arith.constant 1 : i32
      %get3A_932 = arith.constant 0 : i32
      %get3A_933 = arith.constant 1 : i32
      %get3A_934 = arith.index_cast %get3A_931 : i32 to index
      %get3A_935 = arith.index_cast %get3A_932 : i32 to index
      %get3A_936 = arith.index_cast %get3A_933 : i32 to index
      %get3A_937 = arith.constant 96 : index
      %get3A_938 = tpu.vector_load %arg6[%get3A_934, %get3A_935, %get3A_936, %get3A_937] {strides = array<i32>} : memref<2x2x2x128xi32, #tpu.memory_space<vmem>>, vector<1x1x1x16xi32>,
      %get3A_939 = vector.shape_cast %get3A_938 : vector<1x1x1x16xi32> to vector<16xi32>
      %sub3A_940 = vector.broadcast %mul3A_0 : i32 to vector<16xi32>
      %sub3A_941 = arith.subi %get3A_939, %sub3A_940 : vector<16xi32>
      %ge3A_942 = arith.constant 0 : i32
      %ge3A_943 = vector.broadcast %ge3A_942 : i32 to vector<16xi32>
      %ge3A_944 = arith.cmpi sge, %sub3A_941, %ge3A_943 : vector<16xi32>
      %lt3A_945 = arith.constant 25088 : i32
      %lt3A_946 = vector.broadcast %lt3A_945 : i32 to vector<16xi32>
      %lt3A_947 = arith.cmpi slt, %sub3A_941, %lt3A_946 : vector<16xi32>
      %and3A_948 = arith.andi %ge3A_944, %lt3A_947 : vector<16xi1>
      %jit3A_949 = arith.constant 25088 : i32
      %broadcast_in_dim3A_950 = vector.broadcast %jit3A_949 : i32 to vector<16xi32>
      %select_n3A_951 = arith.select %and3A_948, %sub3A_941, %broadcast_in_dim3A_950 : vector<16xi1>, vector<16xi32>
      %swap3A_952 = arith.constant 1 : i32
      %swap3A_953 = arith.constant 0 : i32
      %swap3A_954 = arith.index_cast %swap3A_952 : i32 to index
      %swap3A_955 = arith.index_cast %swap3A_953 : i32 to index
      %swap3A_956 = arith.constant 96 : index
      %swap3A_957 = tpu.vector_load %arg7[%swap3A_954, %swap3A_955, %swap3A_956] {strides = array<i32>} : memref<2x2x128xi32, #tpu.memory_space<vmem>>, vector<1x1x16xi32>,
      %swap3A_958 = vector.shape_cast %swap3A_957 : vector<1x1x16xi32> to vector<16xi32>
      %swap3A_959 = vector.shape_cast %select_n3A_951 : vector<16xi32> to vector<1x1x16xi32>
      tpu.vector_store %arg7[%swap3A_954, %swap3A_955, %swap3A_956], %swap3A_959 {strides = array<i32>} : memref<2x2x128xi32, #tpu.memory_space<vmem>>, vector<1x1x16xi32>,
      %get3A_960 = arith.constant 1 : i32
      %get3A_961 = arith.constant 0 : i32
      %get3A_962 = arith.constant 1 : i32
      %get3A_963 = arith.index_cast %get3A_960 : i32 to index
      %get3A_964 = arith.index_cast %get3A_961 : i32 to index
      %get3A_965 = arith.index_cast %get3A_962 : i32 to index
      %get3A_966 = arith.constant 112 : index
      %get3A_967 = tpu.vector_load %arg6[%get3A_963, %get3A_964, %get3A_965, %get3A_966] {strides = array<i32>} : memref<2x2x2x128xi32, #tpu.memory_space<vmem>>, vector<1x1x1x16xi32>,
      %get3A_968 = vector.shape_cast %get3A_967 : vector<1x1x1x16xi32> to vector<16xi32>
      %sub3A_969 = vector.broadcast %mul3A_0 : i32 to vector<16xi32>
      %sub3A_970 = arith.subi %get3A_968, %sub3A_969 : vector<16xi32>
      %ge3A_971 = arith.constant 0 : i32
      %ge3A_972 = vector.broadcast %ge3A_971 : i32 to vector<16xi32>
      %ge3A_973 = arith.cmpi sge, %sub3A_970, %ge3A_972 : vector<16xi32>
      %lt3A_974 = arith.constant 25088 : i32
      %lt3A_975 = vector.broadcast %lt3A_974 : i32 to vector<16xi32>
      %lt3A_976 = arith.cmpi slt, %sub3A_970, %lt3A_975 : vector<16xi32>
      %and3A_977 = arith.andi %ge3A_973, %lt3A_976 : vector<16xi1>
      %jit3A_978 = arith.constant 25088 : i32
      %broadcast_in_dim3A_979 = vector.broadcast %jit3A_978 : i32 to vector<16xi32>
      %select_n3A_980 = arith.select %and3A_977, %sub3A_970, %broadcast_in_dim3A_979 : vector<16xi1>, vector<16xi32>
      %swap3A_981 = arith.constant 1 : i32
      %swap3A_982 = arith.constant 0 : i32
      %swap3A_983 = arith.index_cast %swap3A_981 : i32 to index
      %swap3A_984 = arith.index_cast %swap3A_982 : i32 to index
      %swap3A_985 = arith.constant 112 : index
      %swap3A_986 = tpu.vector_load %arg7[%swap3A_983, %swap3A_984, %swap3A_985] {strides = array<i32>} : memref<2x2x128xi32, #tpu.memory_space<vmem>>, vector<1x1x16xi32>,
      %swap3A_987 = vector.shape_cast %swap3A_986 : vector<1x1x16xi32> to vector<16xi32>
      %swap3A_988 = vector.shape_cast %select_n3A_980 : vector<16xi32> to vector<1x1x16xi32>
      tpu.vector_store %arg7[%swap3A_983, %swap3A_984, %swap3A_985], %swap3A_988 {strides = array<i32>} : memref<2x2x128xi32, #tpu.memory_space<vmem>>, vector<1x1x16xi32>,
      %get3A_989 = arith.constant 1 : i32
      %get3A_990 = arith.constant 1 : i32
      %get3A_991 = arith.constant 1 : i32
      %get3A_992 = arith.index_cast %get3A_989 : i32 to index
      %get3A_993 = arith.index_cast %get3A_990 : i32 to index
      %get3A_994 = arith.index_cast %get3A_991 : i32 to index
      %get3A_995 = arith.constant 0 : index
      %get3A_996 = tpu.vector_load %arg6[%get3A_992, %get3A_993, %get3A_994, %get3A_995] {strides = array<i32>} : memref<2x2x2x128xi32, #tpu.memory_space<vmem>>, vector<1x1x1x16xi32>,
      %get3A_997 = vector.shape_cast %get3A_996 : vector<1x1x1x16xi32> to vector<16xi32>
      %sub3A_998 = vector.broadcast %mul3A_0 : i32 to vector<16xi32>
      %sub3A_999 = arith.subi %get3A_997, %sub3A_998 : vector<16xi32>
      %ge3A_1000 = arith.constant 0 : i32
      %ge3A_1001 = vector.broadcast %ge3A_1000 : i32 to vector<16xi32>
      %ge3A_1002 = arith.cmpi sge, %sub3A_999, %ge3A_1001 : vector<16xi32>
      %lt3A_1003 = arith.constant 25088 : i32
      %lt3A_1004 = vector.broadcast %lt3A_1003 : i32 to vector<16xi32>
      %lt3A_1005 = arith.cmpi slt, %sub3A_999, %lt3A_1004 : vector<16xi32>
      %and3A_1006 = arith.andi %ge3A_1002, %lt3A_1005 : vector<16xi1>
      %jit3A_1007 = arith.constant 25088 : i32
      %broadcast_in_dim3A_1008 = vector.broadcast %jit3A_1007 : i32 to vector<16xi32>
      %select_n3A_1009 = arith.select %and3A_1006, %sub3A_999, %broadcast_in_dim3A_1008 : vector<16xi1>, vector<16xi32>
      %swap3A_1010 = arith.constant 1 : i32
      %swap3A_1011 = arith.constant 1 : i32
      %swap3A_1012 = arith.index_cast %swap3A_1010 : i32 to index
      %swap3A_1013 = arith.index_cast %swap3A_1011 : i32 to index
      %swap3A_1014 = arith.constant 0 : index
      %swap3A_1015 = tpu.vector_load %arg7[%swap3A_1012, %swap3A_1013, %swap3A_1014] {strides = array<i32>} : memref<2x2x128xi32, #tpu.memory_space<vmem>>, vector<1x1x16xi32>,
      %swap3A_1016 = vector.shape_cast %swap3A_1015 : vector<1x1x16xi32> to vector<16xi32>
      %swap3A_1017 = vector.shape_cast %select_n3A_1009 : vector<16xi32> to vector<1x1x16xi32>
      tpu.vector_store %arg7[%swap3A_1012, %swap3A_1013, %swap3A_1014], %swap3A_1017 {strides = array<i32>} : memref<2x2x128xi32, #tpu.memory_space<vmem>>, vector<1x1x16xi32>,
      %get3A_1018 = arith.constant 1 : i32
      %get3A_1019 = arith.constant 1 : i32
      %get3A_1020 = arith.constant 1 : i32
      %get3A_1021 = arith.index_cast %get3A_1018 : i32 to index
      %get3A_1022 = arith.index_cast %get3A_1019 : i32 to index
      %get3A_1023 = arith.index_cast %get3A_1020 : i32 to index
      %get3A_1024 = arith.constant 16 : index
      %get3A_1025 = tpu.vector_load %arg6[%get3A_1021, %get3A_1022, %get3A_1023, %get3A_1024] {strides = array<i32>} : memref<2x2x2x128xi32, #tpu.memory_space<vmem>>, vector<1x1x1x16xi32>,
      %get3A_1026 = vector.shape_cast %get3A_1025 : vector<1x1x1x16xi32> to vector<16xi32>
      %sub3A_1027 = vector.broadcast %mul3A_0 : i32 to vector<16xi32>
      %sub3A_1028 = arith.subi %get3A_1026, %sub3A_1027 : vector<16xi32>
      %ge3A_1029 = arith.constant 0 : i32
      %ge3A_1030 = vector.broadcast %ge3A_1029 : i32 to vector<16xi32>
      %ge3A_1031 = arith.cmpi sge, %sub3A_1028, %ge3A_1030 : vector<16xi32>
      %lt3A_1032 = arith.constant 25088 : i32
      %lt3A_1033 = vector.broadcast %lt3A_1032 : i32 to vector<16xi32>
      %lt3A_1034 = arith.cmpi slt, %sub3A_1028, %lt3A_1033 : vector<16xi32>
      %and3A_1035 = arith.andi %ge3A_1031, %lt3A_1034 : vector<16xi1>
      %jit3A_1036 = arith.constant 25088 : i32
      %broadcast_in_dim3A_1037 = vector.broadcast %jit3A_1036 : i32 to vector<16xi32>
      %select_n3A_1038 = arith.select %and3A_1035, %sub3A_1028, %broadcast_in_dim3A_1037 : vector<16xi1>, vector<16xi32>
      %swap3A_1039 = arith.constant 1 : i32
      %swap3A_1040 = arith.constant 1 : i32
      %swap3A_1041 = arith.index_cast %swap3A_1039 : i32 to index
      %swap3A_1042 = arith.index_cast %swap3A_1040 : i32 to index
      %swap3A_1043 = arith.constant 16 : index
      %swap3A_1044 = tpu.vector_load %arg7[%swap3A_1041, %swap3A_1042, %swap3A_1043] {strides = array<i32>} : memref<2x2x128xi32, #tpu.memory_space<vmem>>, vector<1x1x16xi32>,
      %swap3A_1045 = vector.shape_cast %swap3A_1044 : vector<1x1x16xi32> to vector<16xi32>
      %swap3A_1046 = vector.shape_cast %select_n3A_1038 : vector<16xi32> to vector<1x1x16xi32>
      tpu.vector_store %arg7[%swap3A_1041, %swap3A_1042, %swap3A_1043], %swap3A_1046 {strides = array<i32>} : memref<2x2x128xi32, #tpu.memory_space<vmem>>, vector<1x1x16xi32>,
      %get3A_1047 = arith.constant 1 : i32
      %get3A_1048 = arith.constant 1 : i32
      %get3A_1049 = arith.constant 1 : i32
      %get3A_1050 = arith.index_cast %get3A_1047 : i32 to index
      %get3A_1051 = arith.index_cast %get3A_1048 : i32 to index
      %get3A_1052 = arith.index_cast %get3A_1049 : i32 to index
      %get3A_1053 = arith.constant 32 : index
      %get3A_1054 = tpu.vector_load %arg6[%get3A_1050, %get3A_1051, %get3A_1052, %get3A_1053] {strides = array<i32>} : memref<2x2x2x128xi32, #tpu.memory_space<vmem>>, vector<1x1x1x16xi32>,
      %get3A_1055 = vector.shape_cast %get3A_1054 : vector<1x1x1x16xi32> to vector<16xi32>
      %sub3A_1056 = vector.broadcast %mul3A_0 : i32 to vector<16xi32>
      %sub3A_1057 = arith.subi %get3A_1055, %sub3A_1056 : vector<16xi32>
      %ge3A_1058 = arith.constant 0 : i32
      %ge3A_1059 = vector.broadcast %ge3A_1058 : i32 to vector<16xi32>
      %ge3A_1060 = arith.cmpi sge, %sub3A_1057, %ge3A_1059 : vector<16xi32>
      %lt3A_1061 = arith.constant 25088 : i32
      %lt3A_1062 = vector.broadcast %lt3A_1061 : i32 to vector<16xi32>
      %lt3A_1063 = arith.cmpi slt, %sub3A_1057, %lt3A_1062 : vector<16xi32>
      %and3A_1064 = arith.andi %ge3A_1060, %lt3A_1063 : vector<16xi1>
      %jit3A_1065 = arith.constant 25088 : i32
      %broadcast_in_dim3A_1066 = vector.broadcast %jit3A_1065 : i32 to vector<16xi32>
      %select_n3A_1067 = arith.select %and3A_1064, %sub3A_1057, %broadcast_in_dim3A_1066 : vector<16xi1>, vector<16xi32>
      %swap3A_1068 = arith.constant 1 : i32
      %swap3A_1069 = arith.constant 1 : i32
      %swap3A_1070 = arith.index_cast %swap3A_1068 : i32 to index
      %swap3A_1071 = arith.index_cast %swap3A_1069 : i32 to index
      %swap3A_1072 = arith.constant 32 : index
      %swap3A_1073 = tpu.vector_load %arg7[%swap3A_1070, %swap3A_1071, %swap3A_1072] {strides = array<i32>} : memref<2x2x128xi32, #tpu.memory_space<vmem>>, vector<1x1x16xi32>,
      %swap3A_1074 = vector.shape_cast %swap3A_1073 : vector<1x1x16xi32> to vector<16xi32>
      %swap3A_1075 = vector.shape_cast %select_n3A_1067 : vector<16xi32> to vector<1x1x16xi32>
      tpu.vector_store %arg7[%swap3A_1070, %swap3A_1071, %swap3A_1072], %swap3A_1075 {strides = array<i32>} : memref<2x2x128xi32, #tpu.memory_space<vmem>>, vector<1x1x16xi32>,
      %get3A_1076 = arith.constant 1 : i32
      %get3A_1077 = arith.constant 1 : i32
      %get3A_1078 = arith.constant 1 : i32
      %get3A_1079 = arith.index_cast %get3A_1076 : i32 to index
      %get3A_1080 = arith.index_cast %get3A_1077 : i32 to index
      %get3A_1081 = arith.index_cast %get3A_1078 : i32 to index
      %get3A_1082 = arith.constant 48 : index
      %get3A_1083 = tpu.vector_load %arg6[%get3A_1079, %get3A_1080, %get3A_1081, %get3A_1082] {strides = array<i32>} : memref<2x2x2x128xi32, #tpu.memory_space<vmem>>, vector<1x1x1x16xi32>,
      %get3A_1084 = vector.shape_cast %get3A_1083 : vector<1x1x1x16xi32> to vector<16xi32>
      %sub3A_1085 = vector.broadcast %mul3A_0 : i32 to vector<16xi32>
      %sub3A_1086 = arith.subi %get3A_1084, %sub3A_1085 : vector<16xi32>
      %ge3A_1087 = arith.constant 0 : i32
      %ge3A_1088 = vector.broadcast %ge3A_1087 : i32 to vector<16xi32>
      %ge3A_1089 = arith.cmpi sge, %sub3A_1086, %ge3A_1088 : vector<16xi32>
      %lt3A_1090 = arith.constant 25088 : i32
      %lt3A_1091 = vector.broadcast %lt3A_1090 : i32 to vector<16xi32>
      %lt3A_1092 = arith.cmpi slt, %sub3A_1086, %lt3A_1091 : vector<16xi32>
      %and3A_1093 = arith.andi %ge3A_1089, %lt3A_1092 : vector<16xi1>
      %jit3A_1094 = arith.constant 25088 : i32
      %broadcast_in_dim3A_1095 = vector.broadcast %jit3A_1094 : i32 to vector<16xi32>
      %select_n3A_1096 = arith.select %and3A_1093, %sub3A_1086, %broadcast_in_dim3A_1095 : vector<16xi1>, vector<16xi32>
      %swap3A_1097 = arith.constant 1 : i32
      %swap3A_1098 = arith.constant 1 : i32
      %swap3A_1099 = arith.index_cast %swap3A_1097 : i32 to index
      %swap3A_1100 = arith.index_cast %swap3A_1098 : i32 to index
      %swap3A_1101 = arith.constant 48 : index
      %swap3A_1102 = tpu.vector_load %arg7[%swap3A_1099, %swap3A_1100, %swap3A_1101] {strides = array<i32>} : memref<2x2x128xi32, #tpu.memory_space<vmem>>, vector<1x1x16xi32>,
      %swap3A_1103 = vector.shape_cast %swap3A_1102 : vector<1x1x16xi32> to vector<16xi32>
      %swap3A_1104 = vector.shape_cast %select_n3A_1096 : vector<16xi32> to vector<1x1x16xi32>
      tpu.vector_store %arg7[%swap3A_1099, %swap3A_1100, %swap3A_1101], %swap3A_1104 {strides = array<i32>} : memref<2x2x128xi32, #tpu.memory_space<vmem>>, vector<1x1x16xi32>,
      %get3A_1105 = arith.constant 1 : i32
      %get3A_1106 = arith.constant 1 : i32
      %get3A_1107 = arith.constant 1 : i32
      %get3A_1108 = arith.index_cast %get3A_1105 : i32 to index
      %get3A_1109 = arith.index_cast %get3A_1106 : i32 to index
      %get3A_1110 = arith.index_cast %get3A_1107 : i32 to index
      %get3A_1111 = arith.constant 64 : index
      %get3A_1112 = tpu.vector_load %arg6[%get3A_1108, %get3A_1109, %get3A_1110, %get3A_1111] {strides = array<i32>} : memref<2x2x2x128xi32, #tpu.memory_space<vmem>>, vector<1x1x1x16xi32>,
      %get3A_1113 = vector.shape_cast %get3A_1112 : vector<1x1x1x16xi32> to vector<16xi32>
      %sub3A_1114 = vector.broadcast %mul3A_0 : i32 to vector<16xi32>
      %sub3A_1115 = arith.subi %get3A_1113, %sub3A_1114 : vector<16xi32>
      %ge3A_1116 = arith.constant 0 : i32
      %ge3A_1117 = vector.broadcast %ge3A_1116 : i32 to vector<16xi32>
      %ge3A_1118 = arith.cmpi sge, %sub3A_1115, %ge3A_1117 : vector<16xi32>
      %lt3A_1119 = arith.constant 25088 : i32
      %lt3A_1120 = vector.broadcast %lt3A_1119 : i32 to vector<16xi32>
      %lt3A_1121 = arith.cmpi slt, %sub3A_1115, %lt3A_1120 : vector<16xi32>
      %and3A_1122 = arith.andi %ge3A_1118, %lt3A_1121 : vector<16xi1>
      %jit3A_1123 = arith.constant 25088 : i32
      %broadcast_in_dim3A_1124 = vector.broadcast %jit3A_1123 : i32 to vector<16xi32>
      %select_n3A_1125 = arith.select %and3A_1122, %sub3A_1115, %broadcast_in_dim3A_1124 : vector<16xi1>, vector<16xi32>
      %swap3A_1126 = arith.constant 1 : i32
      %swap3A_1127 = arith.constant 1 : i32
      %swap3A_1128 = arith.index_cast %swap3A_1126 : i32 to index
      %swap3A_1129 = arith.index_cast %swap3A_1127 : i32 to index
      %swap3A_1130 = arith.constant 64 : index
      %swap3A_1131 = tpu.vector_load %arg7[%swap3A_1128, %swap3A_1129, %swap3A_1130] {strides = array<i32>} : memref<2x2x128xi32, #tpu.memory_space<vmem>>, vector<1x1x16xi32>,
      %swap3A_1132 = vector.shape_cast %swap3A_1131 : vector<1x1x16xi32> to vector<16xi32>
      %swap3A_1133 = vector.shape_cast %select_n3A_1125 : vector<16xi32> to vector<1x1x16xi32>
      tpu.vector_store %arg7[%swap3A_1128, %swap3A_1129, %swap3A_1130], %swap3A_1133 {strides = array<i32>} : memref<2x2x128xi32, #tpu.memory_space<vmem>>, vector<1x1x16xi32>,
      %get3A_1134 = arith.constant 1 : i32
      %get3A_1135 = arith.constant 1 : i32
      %get3A_1136 = arith.constant 1 : i32
      %get3A_1137 = arith.index_cast %get3A_1134 : i32 to index
      %get3A_1138 = arith.index_cast %get3A_1135 : i32 to index
      %get3A_1139 = arith.index_cast %get3A_1136 : i32 to index
      %get3A_1140 = arith.constant 80 : index
      %get3A_1141 = tpu.vector_load %arg6[%get3A_1137, %get3A_1138, %get3A_1139, %get3A_1140] {strides = array<i32>} : memref<2x2x2x128xi32, #tpu.memory_space<vmem>>, vector<1x1x1x16xi32>,
      %get3A_1142 = vector.shape_cast %get3A_1141 : vector<1x1x1x16xi32> to vector<16xi32>
      %sub3A_1143 = vector.broadcast %mul3A_0 : i32 to vector<16xi32>
      %sub3A_1144 = arith.subi %get3A_1142, %sub3A_1143 : vector<16xi32>
      %ge3A_1145 = arith.constant 0 : i32
      %ge3A_1146 = vector.broadcast %ge3A_1145 : i32 to vector<16xi32>
      %ge3A_1147 = arith.cmpi sge, %sub3A_1144, %ge3A_1146 : vector<16xi32>
      %lt3A_1148 = arith.constant 25088 : i32
      %lt3A_1149 = vector.broadcast %lt3A_1148 : i32 to vector<16xi32>
      %lt3A_1150 = arith.cmpi slt, %sub3A_1144, %lt3A_1149 : vector<16xi32>
      %and3A_1151 = arith.andi %ge3A_1147, %lt3A_1150 : vector<16xi1>
      %jit3A_1152 = arith.constant 25088 : i32
      %broadcast_in_dim3A_1153 = vector.broadcast %jit3A_1152 : i32 to vector<16xi32>
      %select_n3A_1154 = arith.select %and3A_1151, %sub3A_1144, %broadcast_in_dim3A_1153 : vector<16xi1>, vector<16xi32>
      %swap3A_1155 = arith.constant 1 : i32
      %swap3A_1156 = arith.constant 1 : i32
      %swap3A_1157 = arith.index_cast %swap3A_1155 : i32 to index
      %swap3A_1158 = arith.index_cast %swap3A_1156 : i32 to index
      %swap3A_1159 = arith.constant 80 : index
      %swap3A_1160 = tpu.vector_load %arg7[%swap3A_1157, %swap3A_1158, %swap3A_1159] {strides = array<i32>} : memref<2x2x128xi32, #tpu.memory_space<vmem>>, vector<1x1x16xi32>,
      %swap3A_1161 = vector.shape_cast %swap3A_1160 : vector<1x1x16xi32> to vector<16xi32>
      %swap3A_1162 = vector.shape_cast %select_n3A_1154 : vector<16xi32> to vector<1x1x16xi32>
      tpu.vector_store %arg7[%swap3A_1157, %swap3A_1158, %swap3A_1159], %swap3A_1162 {strides = array<i32>} : memref<2x2x128xi32, #tpu.memory_space<vmem>>, vector<1x1x16xi32>,
      %get3A_1163 = arith.constant 1 : i32
      %get3A_1164 = arith.constant 1 : i32
      %get3A_1165 = arith.constant 1 : i32
      %get3A_1166 = arith.index_cast %get3A_1163 : i32 to index
      %get3A_1167 = arith.index_cast %get3A_1164 : i32 to index
      %get3A_1168 = arith.index_cast %get3A_1165 : i32 to index
      %get3A_1169 = arith.constant 96 : index
      %get3A_1170 = tpu.vector_load %arg6[%get3A_1166, %get3A_1167, %get3A_1168, %get3A_1169] {strides = array<i32>} : memref<2x2x2x128xi32, #tpu.memory_space<vmem>>, vector<1x1x1x16xi32>,
      %get3A_1171 = vector.shape_cast %get3A_1170 : vector<1x1x1x16xi32> to vector<16xi32>
      %sub3A_1172 = vector.broadcast %mul3A_0 : i32 to vector<16xi32>
      %sub3A_1173 = arith.subi %get3A_1171, %sub3A_1172 : vector<16xi32>
      %ge3A_1174 = arith.constant 0 : i32
      %ge3A_1175 = vector.broadcast %ge3A_1174 : i32 to vector<16xi32>
      %ge3A_1176 = arith.cmpi sge, %sub3A_1173, %ge3A_1175 : vector<16xi32>
      %lt3A_1177 = arith.constant 25088 : i32
      %lt3A_1178 = vector.broadcast %lt3A_1177 : i32 to vector<16xi32>
      %lt3A_1179 = arith.cmpi slt, %sub3A_1173, %lt3A_1178 : vector<16xi32>
      %and3A_1180 = arith.andi %ge3A_1176, %lt3A_1179 : vector<16xi1>
      %jit3A_1181 = arith.constant 25088 : i32
      %broadcast_in_dim3A_1182 = vector.broadcast %jit3A_1181 : i32 to vector<16xi32>
      %select_n3A_1183 = arith.select %and3A_1180, %sub3A_1173, %broadcast_in_dim3A_1182 : vector<16xi1>, vector<16xi32>
      %swap3A_1184 = arith.constant 1 : i32
      %swap3A_1185 = arith.constant 1 : i32
      %swap3A_1186 = arith.index_cast %swap3A_1184 : i32 to index
      %swap3A_1187 = arith.index_cast %swap3A_1185 : i32 to index
      %swap3A_1188 = arith.constant 96 : index
      %swap3A_1189 = tpu.vector_load %arg7[%swap3A_1186, %swap3A_1187, %swap3A_1188] {strides = array<i32>} : memref<2x2x128xi32, #tpu.memory_space<vmem>>, vector<1x1x16xi32>,
      %swap3A_1190 = vector.shape_cast %swap3A_1189 : vector<1x1x16xi32> to vector<16xi32>
      %swap3A_1191 = vector.shape_cast %select_n3A_1183 : vector<16xi32> to vector<1x1x16xi32>
      tpu.vector_store %arg7[%swap3A_1186, %swap3A_1187, %swap3A_1188], %swap3A_1191 {strides = array<i32>} : memref<2x2x128xi32, #tpu.memory_space<vmem>>, vector<1x1x16xi32>,
      %get3A_1192 = arith.constant 1 : i32
      %get3A_1193 = arith.constant 1 : i32
      %get3A_1194 = arith.constant 1 : i32
      %get3A_1195 = arith.index_cast %get3A_1192 : i32 to index
      %get3A_1196 = arith.index_cast %get3A_1193 : i32 to index
      %get3A_1197 = arith.index_cast %get3A_1194 : i32 to index
      %get3A_1198 = arith.constant 112 : index
      %get3A_1199 = tpu.vector_load %arg6[%get3A_1195, %get3A_1196, %get3A_1197, %get3A_1198] {strides = array<i32>} : memref<2x2x2x128xi32, #tpu.memory_space<vmem>>, vector<1x1x1x16xi32>,
      %get3A_1200 = vector.shape_cast %get3A_1199 : vector<1x1x1x16xi32> to vector<16xi32>
      %sub3A_1201 = vector.broadcast %mul3A_0 : i32 to vector<16xi32>
      %sub3A_1202 = arith.subi %get3A_1200, %sub3A_1201 : vector<16xi32>
      %ge3A_1203 = arith.constant 0 : i32
      %ge3A_1204 = vector.broadcast %ge3A_1203 : i32 to vector<16xi32>
      %ge3A_1205 = arith.cmpi sge, %sub3A_1202, %ge3A_1204 : vector<16xi32>
      %lt3A_1206 = arith.constant 25088 : i32
      %lt3A_1207 = vector.broadcast %lt3A_1206 : i32 to vector<16xi32>
      %lt3A_1208 = arith.cmpi slt, %sub3A_1202, %lt3A_1207 : vector<16xi32>
      %and3A_1209 = arith.andi %ge3A_1205, %lt3A_1208 : vector<16xi1>
      %jit3A_1210 = arith.constant 25088 : i32
      %broadcast_in_dim3A_1211 = vector.broadcast %jit3A_1210 : i32 to vector<16xi32>
      %select_n3A_1212 = arith.select %and3A_1209, %sub3A_1202, %broadcast_in_dim3A_1211 : vector<16xi1>, vector<16xi32>
      %swap3A_1213 = arith.constant 1 : i32
      %swap3A_1214 = arith.constant 1 : i32
      %swap3A_1215 = arith.index_cast %swap3A_1213 : i32 to index
      %swap3A_1216 = arith.index_cast %swap3A_1214 : i32 to index
      %swap3A_1217 = arith.constant 112 : index
      %swap3A_1218 = tpu.vector_load %arg7[%swap3A_1215, %swap3A_1216, %swap3A_1217] {strides = array<i32>} : memref<2x2x128xi32, #tpu.memory_space<vmem>>, vector<1x1x16xi32>,
      %swap3A_1219 = vector.shape_cast %swap3A_1218 : vector<1x1x16xi32> to vector<16xi32>
      %swap3A_1220 = vector.shape_cast %select_n3A_1212 : vector<16xi32> to vector<1x1x16xi32>
      tpu.vector_store %arg7[%swap3A_1215, %swap3A_1216, %swap3A_1217], %swap3A_1220 {strides = array<i32>} : memref<2x2x128xi32, #tpu.memory_space<vmem>>, vector<1x1x16xi32>,
      %dma_wait3A_1221 = arith.constant 0 : i32
      %dma_wait3A_1222 = arith.constant 0 : i32
      %dma_wait3A_1223 = arith.constant 0 : i32
      %dma_wait3A_1224 = arith.constant 0 : i32
      %dma_wait3A_1225 = arith.constant 0 : i32
      %dma_wait3A_1226 = arith.constant 0 : i32
      %dma_wait3A_1227 = arith.constant 0 : i32
      %dma_wait3A_1228 = tpu.memref_slice %arg8[%dma_wait3A_1224, %dma_wait3A_1225, %dma_wait3A_1226, %dma_wait3A_1227] : memref<2x2x128x64xbf16, #tpu.memory_space<vmem>> -> memref<1x1x128x64xbf16, #tpu.memory_space<vmem>>
      %dma_wait3A_1229 = tpu.memref_squeeze %dma_wait3A_1228 : memref<1x1x128x64xbf16, #tpu.memory_space<vmem>> -> memref<128x64xbf16, #tpu.memory_space<vmem>>
      %dma_wait3A_1230 = arith.constant 0 : i32
      %dma_wait3A_1231 = tpu.memref_slice %arg6[%dma_wait3A_1221, %dma_wait3A_1222, %dma_wait3A_1223, %dma_wait3A_1230] : memref<2x2x2x128xi32, #tpu.memory_space<vmem>> -> memref<1x1x1x128xi32, #tpu.memory_space<vmem>>
      %dma_wait3A_1232 = tpu.memref_squeeze %dma_wait3A_1231 : memref<1x1x1x128xi32, #tpu.memory_space<vmem>> -> memref<128xi32, #tpu.memory_space<vmem>>
      %dma_wait3A_1233 = arith.constant 0 : i32
      %dma_wait3A_1234 = arith.constant 0 : i32
      %dma_wait3A_1235 = tpu.memref_slice %arg2[%dma_wait3A_1233, %dma_wait3A_1234] : memref<50176x64xbf16, #tpu.memory_space<hbm>> -> memref<50176x64xbf16, #tpu.memory_space<hbm>>
      tpu.wait_indirect_dma semaphore(%arg10 : memref<!tpu.dma_semaphore, #tpu.memory_space<semaphore_mem>>) src(%dma_wait3A_1235 : memref<50176x64xbf16, #tpu.memory_space<hbm>>) dst(%dma_wait3A_1229 : memref<128x64xbf16, #tpu.memory_space<vmem>>)
      %dma_wait3A_1236 = arith.constant 0 : i32
      %dma_wait3A_1237 = arith.constant 1 : i32
      %dma_wait3A_1238 = arith.constant 0 : i32
      %dma_wait3A_1239 = arith.constant 0 : i32
      %dma_wait3A_1240 = arith.constant 1 : i32
      %dma_wait3A_1241 = arith.constant 0 : i32
      %dma_wait3A_1242 = arith.constant 0 : i32
      %dma_wait3A_1243 = tpu.memref_slice %arg8[%dma_wait3A_1239, %dma_wait3A_1240, %dma_wait3A_1241, %dma_wait3A_1242] : memref<2x2x128x64xbf16, #tpu.memory_space<vmem>> -> memref<1x1x128x64xbf16, #tpu.memory_space<vmem>>
      %dma_wait3A_1244 = tpu.memref_squeeze %dma_wait3A_1243 : memref<1x1x128x64xbf16, #tpu.memory_space<vmem>> -> memref<128x64xbf16, #tpu.memory_space<vmem>>
      %dma_wait3A_1245 = arith.constant 0 : i32
      %dma_wait3A_1246 = tpu.memref_slice %arg6[%dma_wait3A_1236, %dma_wait3A_1237, %dma_wait3A_1238, %dma_wait3A_1245] : memref<2x2x2x128xi32, #tpu.memory_space<vmem>> -> memref<1x1x1x128xi32, #tpu.memory_space<vmem>>
      %dma_wait3A_1247 = tpu.memref_squeeze %dma_wait3A_1246 : memref<1x1x1x128xi32, #tpu.memory_space<vmem>> -> memref<128xi32, #tpu.memory_space<vmem>>
      %dma_wait3A_1248 = arith.constant 0 : i32
      %dma_wait3A_1249 = arith.constant 0 : i32
      %dma_wait3A_1250 = tpu.memref_slice %arg2[%dma_wait3A_1248, %dma_wait3A_1249] : memref<50176x64xbf16, #tpu.memory_space<hbm>> -> memref<50176x64xbf16, #tpu.memory_space<hbm>>
      tpu.wait_indirect_dma semaphore(%arg10 : memref<!tpu.dma_semaphore, #tpu.memory_space<semaphore_mem>>) src(%dma_wait3A_1250 : memref<50176x64xbf16, #tpu.memory_space<hbm>>) dst(%dma_wait3A_1244 : memref<128x64xbf16, #tpu.memory_space<vmem>>)
      %dma_start3A_1251 = arith.constant 1 : i32
      %dma_start3A_1252 = arith.constant 0 : i32
      %dma_start3A_1253 = arith.constant 0 : i32
      %dma_start3A_1254 = arith.constant 1 : i32
      %dma_start3A_1255 = arith.constant 0 : i32
      %dma_start3A_1256 = arith.constant 0 : i32
      %dma_start3A_1257 = arith.constant 0 : i32
      %dma_start3A_1258 = tpu.memref_slice %arg8[%dma_start3A_1254, %dma_start3A_1255, %dma_start3A_1256, %dma_start3A_1257] : memref<2x2x128x64xbf16, #tpu.memory_space<vmem>> -> memref<1x1x128x64xbf16, #tpu.memory_space<vmem>>
      %dma_start3A_1259 = tpu.memref_squeeze %dma_start3A_1258 : memref<1x1x128x64xbf16, #tpu.memory_space<vmem>> -> memref<128x64xbf16, #tpu.memory_space<vmem>>
      %dma_start3A_1260 = arith.constant 0 : i32
      %dma_start3A_1261 = tpu.memref_slice %arg6[%dma_start3A_1251, %dma_start3A_1252, %dma_start3A_1253, %dma_start3A_1260] : memref<2x2x2x128xi32, #tpu.memory_space<vmem>> -> memref<1x1x1x128xi32, #tpu.memory_space<vmem>>
      %dma_start3A_1262 = tpu.memref_squeeze %dma_start3A_1261 : memref<1x1x1x128xi32, #tpu.memory_space<vmem>> -> memref<128xi32, #tpu.memory_space<vmem>>
      %dma_start3A_1263 = arith.constant 0 : i32
      %dma_start3A_1264 = arith.constant 0 : i32
      %dma_start3A_1265 = tpu.memref_slice %arg2[%dma_start3A_1263, %dma_start3A_1264] : memref<50176x64xbf16, #tpu.memory_space<hbm>> -> memref<50176x64xbf16, #tpu.memory_space<hbm>>
      tpu.enqueue_indirect_dma source(%dma_start3A_1265 : memref<50176x64xbf16, #tpu.memory_space<hbm>>) target(%dma_start3A_1259 : memref<128x64xbf16, #tpu.memory_space<vmem>>) offsets(%dma_start3A_1262 : memref<128xi32, #tpu.memory_space<vmem>>) semaphore(%arg11 : memref<!tpu.dma_semaphore, #tpu.memory_space<semaphore_mem>>)
      %dma_start3A_1266 = arith.constant 1 : i32
      %dma_start3A_1267 = arith.constant 1 : i32
      %dma_start3A_1268 = arith.constant 0 : i32
      %dma_start3A_1269 = arith.constant 1 : i32
      %dma_start3A_1270 = arith.constant 1 : i32
      %dma_start3A_1271 = arith.constant 0 : i32
      %dma_start3A_1272 = arith.constant 0 : i32
      %dma_start3A_1273 = tpu.memref_slice %arg8[%dma_start3A_1269, %dma_start3A_1270, %dma_start3A_1271, %dma_start3A_1272] : memref<2x2x128x64xbf16, #tpu.memory_space<vmem>> -> memref<1x1x128x64xbf16, #tpu.memory_space<vmem>>
      %dma_start3A_1274 = tpu.memref_squeeze %dma_start3A_1273 : memref<1x1x128x64xbf16, #tpu.memory_space<vmem>> -> memref<128x64xbf16, #tpu.memory_space<vmem>>
      %dma_start3A_1275 = arith.constant 0 : i32
      %dma_start3A_1276 = tpu.memref_slice %arg6[%dma_start3A_1266, %dma_start3A_1267, %dma_start3A_1268, %dma_start3A_1275] : memref<2x2x2x128xi32, #tpu.memory_space<vmem>> -> memref<1x1x1x128xi32, #tpu.memory_space<vmem>>
      %dma_start3A_1277 = tpu.memref_squeeze %dma_start3A_1276 : memref<1x1x1x128xi32, #tpu.memory_space<vmem>> -> memref<128xi32, #tpu.memory_space<vmem>>
      %dma_start3A_1278 = arith.constant 0 : i32
      %dma_start3A_1279 = arith.constant 0 : i32
      %dma_start3A_1280 = tpu.memref_slice %arg2[%dma_start3A_1278, %dma_start3A_1279] : memref<50176x64xbf16, #tpu.memory_space<hbm>> -> memref<50176x64xbf16, #tpu.memory_space<hbm>>
      tpu.enqueue_indirect_dma source(%dma_start3A_1280 : memref<50176x64xbf16, #tpu.memory_space<hbm>>) target(%dma_start3A_1274 : memref<128x64xbf16, #tpu.memory_space<vmem>>) offsets(%dma_start3A_1277 : memref<128xi32, #tpu.memory_space<vmem>>) semaphore(%arg11 : memref<!tpu.dma_semaphore, #tpu.memory_space<semaphore_mem>>)
      %dma_start3A_1281 = arith.constant 0 : i32
      %dma_start3A_1282 = arith.constant 0 : i32
      %dma_start3A_1283 = arith.constant 0 : i32
      %dma_start3A_1284 = arith.constant 0 : i32
      %dma_start3A_1285 = arith.constant 0 : i32
      %dma_start3A_1286 = arith.constant 0 : i32
      %dma_start3A_1287 = tpu.memref_slice %arg8[%dma_start3A_1281, %dma_start3A_1282, %dma_start3A_1285, %dma_start3A_1286] : memref<2x2x128x64xbf16, #tpu.memory_space<vmem>> -> memref<1x1x128x64xbf16, #tpu.memory_space<vmem>>
      %dma_start3A_1288 = tpu.memref_squeeze %dma_start3A_1287 : memref<1x1x128x64xbf16, #tpu.memory_space<vmem>> -> memref<128x64xbf16, #tpu.memory_space<vmem>>
      %dma_start3A_1289 = arith.constant 0 : i32
      %dma_start3A_1290 = tpu.memref_slice %arg7[%dma_start3A_1283, %dma_start3A_1284, %dma_start3A_1289] : memref<2x2x128xi32, #tpu.memory_space<vmem>> -> memref<1x1x128xi32, #tpu.memory_space<vmem>>
      %dma_start3A_1291 = tpu.memref_squeeze %dma_start3A_1290 : memref<1x1x128xi32, #tpu.memory_space<vmem>> -> memref<128xi32, #tpu.memory_space<vmem>>
      %dma_start3A_1292 = arith.constant 0 : i32
      %dma_start3A_1293 = arith.constant 0 : i32
      %dma_start3A_1294 = tpu.memref_slice %arg9[%dma_start3A_1292, %dma_start3A_1293] : memref<25104x64xbf16, #tpu.memory_space<vmem_shared>> -> memref<25104x64xbf16, #tpu.memory_space<vmem_shared>>
      tpu.enqueue_indirect_dma source(%dma_start3A_1288 : memref<128x64xbf16, #tpu.memory_space<vmem>>) target(%dma_start3A_1294 : memref<25104x64xbf16, #tpu.memory_space<vmem_shared>>) offsets(%dma_start3A_1291 : memref<128xi32, #tpu.memory_space<vmem>>) semaphore(%arg12 : memref<!tpu.dma_semaphore, #tpu.memory_space<semaphore_mem>>) {add = true}
      %dma_start3A_1295 = arith.constant 0 : i32
      %dma_start3A_1296 = arith.constant 1 : i32
      %dma_start3A_1297 = arith.constant 0 : i32
      %dma_start3A_1298 = arith.constant 1 : i32
      %dma_start3A_1299 = arith.constant 0 : i32
      %dma_start3A_1300 = arith.constant 0 : i32
      %dma_start3A_1301 = tpu.memref_slice %arg8[%dma_start3A_1295, %dma_start3A_1296, %dma_start3A_1299, %dma_start3A_1300] : memref<2x2x128x64xbf16, #tpu.memory_space<vmem>> -> memref<1x1x128x64xbf16, #tpu.memory_space<vmem>>
      %dma_start3A_1302 = tpu.memref_squeeze %dma_start3A_1301 : memref<1x1x128x64xbf16, #tpu.memory_space<vmem>> -> memref<128x64xbf16, #tpu.memory_space<vmem>>
      %dma_start3A_1303 = arith.constant 0 : i32
      %dma_start3A_1304 = tpu.memref_slice %arg7[%dma_start3A_1297, %dma_start3A_1298, %dma_start3A_1303] : memref<2x2x128xi32, #tpu.memory_space<vmem>> -> memref<1x1x128xi32, #tpu.memory_space<vmem>>
      %dma_start3A_1305 = tpu.memref_squeeze %dma_start3A_1304 : memref<1x1x128xi32, #tpu.memory_space<vmem>> -> memref<128xi32, #tpu.memory_space<vmem>>
      %dma_start3A_1306 = arith.constant 0 : i32
      %dma_start3A_1307 = arith.constant 0 : i32
      %dma_start3A_1308 = tpu.memref_slice %arg9[%dma_start3A_1306, %dma_start3A_1307] : memref<25104x64xbf16, #tpu.memory_space<vmem_shared>> -> memref<25104x64xbf16, #tpu.memory_space<vmem_shared>>
      tpu.enqueue_indirect_dma source(%dma_start3A_1302 : memref<128x64xbf16, #tpu.memory_space<vmem>>) target(%dma_start3A_1308 : memref<25104x64xbf16, #tpu.memory_space<vmem_shared>>) offsets(%dma_start3A_1305 : memref<128xi32, #tpu.memory_space<vmem>>) semaphore(%arg12 : memref<!tpu.dma_semaphore, #tpu.memory_space<semaphore_mem>>) {add = true}
      %mul3A_1309 = arith.constant 2 : i32
      %mul3A_1310 = arith.muli %mul3A_1309, %scan3A_716 : i32
      %add3A_1311 = arith.constant 1 : i32
      %add3A_1312 = arith.addi %mul3A_1310, %add3A_1311 : i32
      %dma_wait3A_1313 = arith.constant 0 : i32
      %dma_wait3A_1314 = arith.constant 0 : i32
      %dma_wait3A_1315 = arith.constant 0 : i32
      %dma_wait3A_1316 = arith.constant 0 : i32
      %dma_wait3A_1317 = arith.constant 0 : i32
      %dma_wait3A_1318 = arith.constant 0 : i32
      %dma_wait3A_1319 = tpu.memref_slice %arg8[%dma_wait3A_1313, %dma_wait3A_1314, %dma_wait3A_1317, %dma_wait3A_1318] : memref<2x2x128x64xbf16, #tpu.memory_space<vmem>> -> memref<1x1x128x64xbf16, #tpu.memory_space<vmem>>
      %dma_wait3A_1320 = tpu.memref_squeeze %dma_wait3A_1319 : memref<1x1x128x64xbf16, #tpu.memory_space<vmem>> -> memref<128x64xbf16, #tpu.memory_space<vmem>>
      %dma_wait3A_1321 = arith.constant 0 : i32
      %dma_wait3A_1322 = tpu.memref_slice %arg7[%dma_wait3A_1315, %dma_wait3A_1316, %dma_wait3A_1321] : memref<2x2x128xi32, #tpu.memory_space<vmem>> -> memref<1x1x128xi32, #tpu.memory_space<vmem>>
      %dma_wait3A_1323 = tpu.memref_squeeze %dma_wait3A_1322 : memref<1x1x128xi32, #tpu.memory_space<vmem>> -> memref<128xi32, #tpu.memory_space<vmem>>
      %dma_wait3A_1324 = arith.constant 0 : i32
      %dma_wait3A_1325 = arith.constant 0 : i32
      %dma_wait3A_1326 = tpu.memref_slice %arg9[%dma_wait3A_1324, %dma_wait3A_1325] : memref<25104x64xbf16, #tpu.memory_space<vmem_shared>> -> memref<25104x64xbf16, #tpu.memory_space<vmem_shared>>
      tpu.wait_indirect_dma semaphore(%arg12 : memref<!tpu.dma_semaphore, #tpu.memory_space<semaphore_mem>>) src(%dma_wait3A_1320 : memref<128x64xbf16, #tpu.memory_space<vmem>>) dst(%dma_wait3A_1326 : memref<25104x64xbf16, #tpu.memory_space<vmem_shared>>)
      %dma_wait3A_1327 = arith.constant 0 : i32
      %dma_wait3A_1328 = arith.constant 1 : i32
      %dma_wait3A_1329 = arith.constant 0 : i32
      %dma_wait3A_1330 = arith.constant 1 : i32
      %dma_wait3A_1331 = arith.constant 0 : i32
      %dma_wait3A_1332 = arith.constant 0 : i32
      %dma_wait3A_1333 = tpu.memref_slice %arg8[%dma_wait3A_1327, %dma_wait3A_1328, %dma_wait3A_1331, %dma_wait3A_1332] : memref<2x2x128x64xbf16, #tpu.memory_space<vmem>> -> memref<1x1x128x64xbf16, #tpu.memory_space<vmem>>
      %dma_wait3A_1334 = tpu.memref_squeeze %dma_wait3A_1333 : memref<1x1x128x64xbf16, #tpu.memory_space<vmem>> -> memref<128x64xbf16, #tpu.memory_space<vmem>>
      %dma_wait3A_1335 = arith.constant 0 : i32
      %dma_wait3A_1336 = tpu.memref_slice %arg7[%dma_wait3A_1329, %dma_wait3A_1330, %dma_wait3A_1335] : memref<2x2x128xi32, #tpu.memory_space<vmem>> -> memref<1x1x128xi32, #tpu.memory_space<vmem>>
      %dma_wait3A_1337 = tpu.memref_squeeze %dma_wait3A_1336 : memref<1x1x128xi32, #tpu.memory_space<vmem>> -> memref<128xi32, #tpu.memory_space<vmem>>
      %dma_wait3A_1338 = arith.constant 0 : i32
      %dma_wait3A_1339 = arith.constant 0 : i32
      %dma_wait3A_1340 = tpu.memref_slice %arg9[%dma_wait3A_1338, %dma_wait3A_1339] : memref<25104x64xbf16, #tpu.memory_space<vmem_shared>> -> memref<25104x64xbf16, #tpu.memory_space<vmem_shared>>
      tpu.wait_indirect_dma semaphore(%arg12 : memref<!tpu.dma_semaphore, #tpu.memory_space<semaphore_mem>>) src(%dma_wait3A_1334 : memref<128x64xbf16, #tpu.memory_space<vmem>>) dst(%dma_wait3A_1340 : memref<25104x64xbf16, #tpu.memory_space<vmem_shared>>)
      %add3A_1341 = arith.constant 1 : i32
      %add3A_1342 = arith.addi %add3A_1312, %add3A_1341 : i32
      %mul3A_1343 = arith.constant 392 : i32
      %mul3A_1344 = arith.muli %arg1, %mul3A_1343 : i32
      %mul3A_1345 = arith.constant 2 : i32
      %mul3A_1346 = arith.muli %add3A_1342, %mul3A_1345 : i32
      %add3A_1347 = arith.addi %mul3A_1344, %mul3A_1346 : i32
      %run_scoped3A_1348 = arith.constant 0 : i32
      "tpu.region"() ({
        %run_scoped3A_1901 = tpu.sem_alloc : memref<!tpu.dma_semaphore, #tpu.memory_space<semaphore_mem>>
        %dma_start3A_1902 = arith.constant 0 : i32
        %dma_start3A_1903 = arith.constant 0 : i32
        %dma_start3A_1904 = arith.constant 0 : i32
        %dma_start3A_1905 = tpu.memref_slice %arg6[%run_scoped3A_1348, %dma_start3A_1902, %dma_start3A_1903, %dma_start3A_1904] : memref<2x2x2x128xi32, #tpu.memory_space<vmem>> -> memref<1x2x2x128xi32, #tpu.memory_space<vmem>>
        %dma_start3A_1906 = tpu.memref_squeeze %dma_start3A_1905 : memref<1x2x2x128xi32, #tpu.memory_space<vmem>> -> memref<2x2x128xi32, #tpu.memory_space<vmem>>
        %dma_start3A_1907 = arith.constant 0 : i32
        %dma_start3A_1908 = arith.constant 0 : i32
        %dma_start3A_1909 = tpu.memref_slice %arg3[%add3A_1347, %dma_start3A_1907, %dma_start3A_1908] : memref<6276x2x128xi32, #tpu.memory_space<hbm>> -> memref<2x2x128xi32, #tpu.memory_space<hbm>>
        %dma_start3A_1910 = arith.constant 0 : i32
        %dma_start3A_1911 = arith.constant 0 : i32
        %dma_start3A_1912 = arith.constant 0 : i32
        %dma_start3A_1913 = tpu.memref_slice %arg6[%run_scoped3A_1348, %dma_start3A_1910, %dma_start3A_1911, %dma_start3A_1912] : memref<2x2x2x128xi32, #tpu.memory_space<vmem>> -> memref<1x2x2x128xi32, #tpu.memory_space<vmem>>
        %dma_start3A_1914 = tpu.memref_squeeze %dma_start3A_1913 : memref<1x2x2x128xi32, #tpu.memory_space<vmem>> -> memref<2x2x128xi32, #tpu.memory_space<vmem>>
        %dma_start3A_1915 = arith.constant 0 : i32
        %dma_start3A_1916 = arith.constant 0 : i32
        %dma_start3A_1917 = tpu.memref_slice %arg3[%add3A_1347, %dma_start3A_1915, %dma_start3A_1916] : memref<6276x2x128xi32, #tpu.memory_space<hbm>> -> memref<2x2x128xi32, #tpu.memory_space<hbm>>
        tpu.enqueue_dma source(%dma_start3A_1917 : memref<2x2x128xi32, #tpu.memory_space<hbm>>) target(%dma_start3A_1914 : memref<2x2x128xi32, #tpu.memory_space<vmem>>) target_semaphore(%run_scoped3A_1901 : memref<!tpu.dma_semaphore, #tpu.memory_space<semaphore_mem>>)
        %dma_wait3A_1918 = arith.constant 0 : i32
        %dma_wait3A_1919 = arith.constant 0 : i32
        %dma_wait3A_1920 = arith.constant 0 : i32
        %dma_wait3A_1921 = tpu.memref_slice %arg6[%run_scoped3A_1348, %dma_wait3A_1918, %dma_wait3A_1919, %dma_wait3A_1920] : memref<2x2x2x128xi32, #tpu.memory_space<vmem>> -> memref<1x2x2x128xi32, #tpu.memory_space<vmem>>
        %dma_wait3A_1922 = tpu.memref_squeeze %dma_wait3A_1921 : memref<1x2x2x128xi32, #tpu.memory_space<vmem>> -> memref<2x2x128xi32, #tpu.memory_space<vmem>>
        %dma_wait3A_1923 = arith.constant 0 : i32
        %dma_wait3A_1924 = arith.constant 0 : i32
        %dma_wait3A_1925 = tpu.memref_slice %arg3[%add3A_1347, %dma_wait3A_1923, %dma_wait3A_1924] : memref<6276x2x128xi32, #tpu.memory_space<hbm>> -> memref<2x2x128xi32, #tpu.memory_space<hbm>>
        %dma_wait3A_1926 = arith.constant 0 : i32
        %dma_wait3A_1927 = arith.constant 0 : i32
        %dma_wait3A_1928 = arith.constant 0 : i32
        %dma_wait3A_1929 = tpu.memref_slice %arg6[%run_scoped3A_1348, %dma_wait3A_1926, %dma_wait3A_1927, %dma_wait3A_1928] : memref<2x2x2x128xi32, #tpu.memory_space<vmem>> -> memref<1x2x2x128xi32, #tpu.memory_space<vmem>>
        %dma_wait3A_1930 = tpu.memref_squeeze %dma_wait3A_1929 : memref<1x2x2x128xi32, #tpu.memory_space<vmem>> -> memref<2x2x128xi32, #tpu.memory_space<vmem>>
        %dma_wait3A_1931 = arith.constant 0 : i32
        %dma_wait3A_1932 = arith.constant 0 : i32
        %dma_wait3A_1933 = tpu.memref_slice %arg3[%add3A_1347, %dma_wait3A_1931, %dma_wait3A_1932] : memref<6276x2x128xi32, #tpu.memory_space<hbm>> -> memref<2x2x128xi32, #tpu.memory_space<hbm>>
        tpu.wait_dma2 semaphore(%run_scoped3A_1901 : memref<!tpu.dma_semaphore, #tpu.memory_space<semaphore_mem>>) src(%dma_wait3A_1933 : memref<2x2x128xi32, #tpu.memory_space<hbm>>) dst(%dma_wait3A_1930 : memref<2x2x128xi32, #tpu.memory_space<vmem>>)
        tpu.yield
      }) : () -> ()
      %get3A_1349 = arith.constant 0 : i32
      %get3A_1350 = arith.constant 0 : i32
      %get3A_1351 = arith.constant 1 : i32
      %get3A_1352 = arith.index_cast %get3A_1349 : i32 to index
      %get3A_1353 = arith.index_cast %get3A_1350 : i32 to index
      %get3A_1354 = arith.index_cast %get3A_1351 : i32 to index
      %get3A_1355 = arith.constant 0 : index
      %get3A_1356 = tpu.vector_load %arg6[%get3A_1352, %get3A_1353, %get3A_1354, %get3A_1355] {strides = array<i32>} : memref<2x2x2x128xi32, #tpu.memory_space<vmem>>, vector<1x1x1x16xi32>,
      %get3A_1357 = vector.shape_cast %get3A_1356 : vector<1x1x1x16xi32> to vector<16xi32>
      %sub3A_1358 = vector.broadcast %mul3A_0 : i32 to vector<16xi32>
      %sub3A_1359 = arith.subi %get3A_1357, %sub3A_1358 : vector<16xi32>
      %ge3A_1360 = arith.constant 0 : i32
      %ge3A_1361 = vector.broadcast %ge3A_1360 : i32 to vector<16xi32>
      %ge3A_1362 = arith.cmpi sge, %sub3A_1359, %ge3A_1361 : vector<16xi32>
      %lt3A_1363 = arith.constant 25088 : i32
      %lt3A_1364 = vector.broadcast %lt3A_1363 : i32 to vector<16xi32>
      %lt3A_1365 = arith.cmpi slt, %sub3A_1359, %lt3A_1364 : vector<16xi32>
      %and3A_1366 = arith.andi %ge3A_1362, %lt3A_1365 : vector<16xi1>
      %jit3A_1367 = arith.constant 25088 : i32
      %broadcast_in_dim3A_1368 = vector.broadcast %jit3A_1367 : i32 to vector<16xi32>
      %select_n3A_1369 = arith.select %and3A_1366, %sub3A_1359, %broadcast_in_dim3A_1368 : vector<16xi1>, vector<16xi32>
      %swap3A_1370 = arith.constant 0 : i32
      %swap3A_1371 = arith.constant 0 : i32
      %swap3A_1372 = arith.index_cast %swap3A_1370 : i32 to index
      %swap3A_1373 = arith.index_cast %swap3A_1371 : i32 to index
      %swap3A_1374 = arith.constant 0 : index
      %swap3A_1375 = tpu.vector_load %arg7[%swap3A_1372, %swap3A_1373, %swap3A_1374] {strides = array<i32>} : memref<2x2x128xi32, #tpu.memory_space<vmem>>, vector<1x1x16xi32>,
      %swap3A_1376 = vector.shape_cast %swap3A_1375 : vector<1x1x16xi32> to vector<16xi32>
      %swap3A_1377 = vector.shape_cast %select_n3A_1369 : vector<16xi32> to vector<1x1x16xi32>
      tpu.vector_store %arg7[%swap3A_1372, %swap3A_1373, %swap3A_1374], %swap3A_1377 {strides = array<i32>} : memref<2x2x128xi32, #tpu.memory_space<vmem>>, vector<1x1x16xi32>,
      %get3A_1378 = arith.constant 0 : i32
      %get3A_1379 = arith.constant 0 : i32
      %get3A_1380 = arith.constant 1 : i32
      %get3A_1381 = arith.index_cast %get3A_1378 : i32 to index
      %get3A_1382 = arith.index_cast %get3A_1379 : i32 to index
      %get3A_1383 = arith.index_cast %get3A_1380 : i32 to index
      %get3A_1384 = arith.constant 16 : index
      %get3A_1385 = tpu.vector_load %arg6[%get3A_1381, %get3A_1382, %get3A_1383, %get3A_1384] {strides = array<i32>} : memref<2x2x2x128xi32, #tpu.memory_space<vmem>>, vector<1x1x1x16xi32>,
      %get3A_1386 = vector.shape_cast %get3A_1385 : vector<1x1x1x16xi32> to vector<16xi32>
      %sub3A_1387 = vector.broadcast %mul3A_0 : i32 to vector<16xi32>
      %sub3A_1388 = arith.subi %get3A_1386, %sub3A_1387 : vector<16xi32>
      %ge3A_1389 = arith.constant 0 : i32
      %ge3A_1390 = vector.broadcast %ge3A_1389 : i32 to vector<16xi32>
      %ge3A_1391 = arith.cmpi sge, %sub3A_1388, %ge3A_1390 : vector<16xi32>
      %lt3A_1392 = arith.constant 25088 : i32
      %lt3A_1393 = vector.broadcast %lt3A_1392 : i32 to vector<16xi32>
      %lt3A_1394 = arith.cmpi slt, %sub3A_1388, %lt3A_1393 : vector<16xi32>
      %and3A_1395 = arith.andi %ge3A_1391, %lt3A_1394 : vector<16xi1>
      %jit3A_1396 = arith.constant 25088 : i32
      %broadcast_in_dim3A_1397 = vector.broadcast %jit3A_1396 : i32 to vector<16xi32>
      %select_n3A_1398 = arith.select %and3A_1395, %sub3A_1388, %broadcast_in_dim3A_1397 : vector<16xi1>, vector<16xi32>
      %swap3A_1399 = arith.constant 0 : i32
      %swap3A_1400 = arith.constant 0 : i32
      %swap3A_1401 = arith.index_cast %swap3A_1399 : i32 to index
      %swap3A_1402 = arith.index_cast %swap3A_1400 : i32 to index
      %swap3A_1403 = arith.constant 16 : index
      %swap3A_1404 = tpu.vector_load %arg7[%swap3A_1401, %swap3A_1402, %swap3A_1403] {strides = array<i32>} : memref<2x2x128xi32, #tpu.memory_space<vmem>>, vector<1x1x16xi32>,
      %swap3A_1405 = vector.shape_cast %swap3A_1404 : vector<1x1x16xi32> to vector<16xi32>
      %swap3A_1406 = vector.shape_cast %select_n3A_1398 : vector<16xi32> to vector<1x1x16xi32>
      tpu.vector_store %arg7[%swap3A_1401, %swap3A_1402, %swap3A_1403], %swap3A_1406 {strides = array<i32>} : memref<2x2x128xi32, #tpu.memory_space<vmem>>, vector<1x1x16xi32>,
      %get3A_1407 = arith.constant 0 : i32
      %get3A_1408 = arith.constant 0 : i32
      %get3A_1409 = arith.constant 1 : i32
      %get3A_1410 = arith.index_cast %get3A_1407 : i32 to index
      %get3A_1411 = arith.index_cast %get3A_1408 : i32 to index
      %get3A_1412 = arith.index_cast %get3A_1409 : i32 to index
      %get3A_1413 = arith.constant 32 : index
      %get3A_1414 = tpu.vector_load %arg6[%get3A_1410, %get3A_1411, %get3A_1412, %get3A_1413] {strides = array<i32>} : memref<2x2x2x128xi32, #tpu.memory_space<vmem>>, vector<1x1x1x16xi32>,
      %get3A_1415 = vector.shape_cast %get3A_1414 : vector<1x1x1x16xi32> to vector<16xi32>
      %sub3A_1416 = vector.broadcast %mul3A_0 : i32 to vector<16xi32>
      %sub3A_1417 = arith.subi %get3A_1415, %sub3A_1416 : vector<16xi32>
      %ge3A_1418 = arith.constant 0 : i32
      %ge3A_1419 = vector.broadcast %ge3A_1418 : i32 to vector<16xi32>
      %ge3A_1420 = arith.cmpi sge, %sub3A_1417, %ge3A_1419 : vector<16xi32>
      %lt3A_1421 = arith.constant 25088 : i32
      %lt3A_1422 = vector.broadcast %lt3A_1421 : i32 to vector<16xi32>
      %lt3A_1423 = arith.cmpi slt, %sub3A_1417, %lt3A_1422 : vector<16xi32>
      %and3A_1424 = arith.andi %ge3A_1420, %lt3A_1423 : vector<16xi1>
      %jit3A_1425 = arith.constant 25088 : i32
      %broadcast_in_dim3A_1426 = vector.broadcast %jit3A_1425 : i32 to vector<16xi32>
      %select_n3A_1427 = arith.select %and3A_1424, %sub3A_1417, %broadcast_in_dim3A_1426 : vector<16xi1>, vector<16xi32>
      %swap3A_1428 = arith.constant 0 : i32
      %swap3A_1429 = arith.constant 0 : i32
      %swap3A_1430 = arith.index_cast %swap3A_1428 : i32 to index
      %swap3A_1431 = arith.index_cast %swap3A_1429 : i32 to index
      %swap3A_1432 = arith.constant 32 : index
      %swap3A_1433 = tpu.vector_load %arg7[%swap3A_1430, %swap3A_1431, %swap3A_1432] {strides = array<i32>} : memref<2x2x128xi32, #tpu.memory_space<vmem>>, vector<1x1x16xi32>,
      %swap3A_1434 = vector.shape_cast %swap3A_1433 : vector<1x1x16xi32> to vector<16xi32>
      %swap3A_1435 = vector.shape_cast %select_n3A_1427 : vector<16xi32> to vector<1x1x16xi32>
      tpu.vector_store %arg7[%swap3A_1430, %swap3A_1431, %swap3A_1432], %swap3A_1435 {strides = array<i32>} : memref<2x2x128xi32, #tpu.memory_space<vmem>>, vector<1x1x16xi32>,
      %get3A_1436 = arith.constant 0 : i32
      %get3A_1437 = arith.constant 0 : i32
      %get3A_1438 = arith.constant 1 : i32
      %get3A_1439 = arith.index_cast %get3A_1436 : i32 to index
      %get3A_1440 = arith.index_cast %get3A_1437 : i32 to index
      %get3A_1441 = arith.index_cast %get3A_1438 : i32 to index
      %get3A_1442 = arith.constant 48 : index
      %get3A_1443 = tpu.vector_load %arg6[%get3A_1439, %get3A_1440, %get3A_1441, %get3A_1442] {strides = array<i32>} : memref<2x2x2x128xi32, #tpu.memory_space<vmem>>, vector<1x1x1x16xi32>,
      %get3A_1444 = vector.shape_cast %get3A_1443 : vector<1x1x1x16xi32> to vector<16xi32>
      %sub3A_1445 = vector.broadcast %mul3A_0 : i32 to vector<16xi32>
      %sub3A_1446 = arith.subi %get3A_1444, %sub3A_1445 : vector<16xi32>
      %ge3A_1447 = arith.constant 0 : i32
      %ge3A_1448 = vector.broadcast %ge3A_1447 : i32 to vector<16xi32>
      %ge3A_1449 = arith.cmpi sge, %sub3A_1446, %ge3A_1448 : vector<16xi32>
      %lt3A_1450 = arith.constant 25088 : i32
      %lt3A_1451 = vector.broadcast %lt3A_1450 : i32 to vector<16xi32>
      %lt3A_1452 = arith.cmpi slt, %sub3A_1446, %lt3A_1451 : vector<16xi32>
      %and3A_1453 = arith.andi %ge3A_1449, %lt3A_1452 : vector<16xi1>
      %jit3A_1454 = arith.constant 25088 : i32
      %broadcast_in_dim3A_1455 = vector.broadcast %jit3A_1454 : i32 to vector<16xi32>
      %select_n3A_1456 = arith.select %and3A_1453, %sub3A_1446, %broadcast_in_dim3A_1455 : vector<16xi1>, vector<16xi32>
      %swap3A_1457 = arith.constant 0 : i32
      %swap3A_1458 = arith.constant 0 : i32
      %swap3A_1459 = arith.index_cast %swap3A_1457 : i32 to index
      %swap3A_1460 = arith.index_cast %swap3A_1458 : i32 to index
      %swap3A_1461 = arith.constant 48 : index
      %swap3A_1462 = tpu.vector_load %arg7[%swap3A_1459, %swap3A_1460, %swap3A_1461] {strides = array<i32>} : memref<2x2x128xi32, #tpu.memory_space<vmem>>, vector<1x1x16xi32>,
      %swap3A_1463 = vector.shape_cast %swap3A_1462 : vector<1x1x16xi32> to vector<16xi32>
      %swap3A_1464 = vector.shape_cast %select_n3A_1456 : vector<16xi32> to vector<1x1x16xi32>
      tpu.vector_store %arg7[%swap3A_1459, %swap3A_1460, %swap3A_1461], %swap3A_1464 {strides = array<i32>} : memref<2x2x128xi32, #tpu.memory_space<vmem>>, vector<1x1x16xi32>,
      %get3A_1465 = arith.constant 0 : i32
      %get3A_1466 = arith.constant 0 : i32
      %get3A_1467 = arith.constant 1 : i32
      %get3A_1468 = arith.index_cast %get3A_1465 : i32 to index
      %get3A_1469 = arith.index_cast %get3A_1466 : i32 to index
      %get3A_1470 = arith.index_cast %get3A_1467 : i32 to index
      %get3A_1471 = arith.constant 64 : index
      %get3A_1472 = tpu.vector_load %arg6[%get3A_1468, %get3A_1469, %get3A_1470, %get3A_1471] {strides = array<i32>} : memref<2x2x2x128xi32, #tpu.memory_space<vmem>>, vector<1x1x1x16xi32>,
      %get3A_1473 = vector.shape_cast %get3A_1472 : vector<1x1x1x16xi32> to vector<16xi32>
      %sub3A_1474 = vector.broadcast %mul3A_0 : i32 to vector<16xi32>
      %sub3A_1475 = arith.subi %get3A_1473, %sub3A_1474 : vector<16xi32>
      %ge3A_1476 = arith.constant 0 : i32
      %ge3A_1477 = vector.broadcast %ge3A_1476 : i32 to vector<16xi32>
      %ge3A_1478 = arith.cmpi sge, %sub3A_1475, %ge3A_1477 : vector<16xi32>
      %lt3A_1479 = arith.constant 25088 : i32
      %lt3A_1480 = vector.broadcast %lt3A_1479 : i32 to vector<16xi32>
      %lt3A_1481 = arith.cmpi slt, %sub3A_1475, %lt3A_1480 : vector<16xi32>
      %and3A_1482 = arith.andi %ge3A_1478, %lt3A_1481 : vector<16xi1>
      %jit3A_1483 = arith.constant 25088 : i32
      %broadcast_in_dim3A_1484 = vector.broadcast %jit3A_1483 : i32 to vector<16xi32>
      %select_n3A_1485 = arith.select %and3A_1482, %sub3A_1475, %broadcast_in_dim3A_1484 : vector<16xi1>, vector<16xi32>
      %swap3A_1486 = arith.constant 0 : i32
      %swap3A_1487 = arith.constant 0 : i32
      %swap3A_1488 = arith.index_cast %swap3A_1486 : i32 to index
      %swap3A_1489 = arith.index_cast %swap3A_1487 : i32 to index
      %swap3A_1490 = arith.constant 64 : index
      %swap3A_1491 = tpu.vector_load %arg7[%swap3A_1488, %swap3A_1489, %swap3A_1490] {strides = array<i32>} : memref<2x2x128xi32, #tpu.memory_space<vmem>>, vector<1x1x16xi32>,
      %swap3A_1492 = vector.shape_cast %swap3A_1491 : vector<1x1x16xi32> to vector<16xi32>
      %swap3A_1493 = vector.shape_cast %select_n3A_1485 : vector<16xi32> to vector<1x1x16xi32>
      tpu.vector_store %arg7[%swap3A_1488, %swap3A_1489, %swap3A_1490], %swap3A_1493 {strides = array<i32>} : memref<2x2x128xi32, #tpu.memory_space<vmem>>, vector<1x1x16xi32>,
      %get3A_1494 = arith.constant 0 : i32
      %get3A_1495 = arith.constant 0 : i32
      %get3A_1496 = arith.constant 1 : i32
      %get3A_1497 = arith.index_cast %get3A_1494 : i32 to index
      %get3A_1498 = arith.index_cast %get3A_1495 : i32 to index
      %get3A_1499 = arith.index_cast %get3A_1496 : i32 to index
      %get3A_1500 = arith.constant 80 : index
      %get3A_1501 = tpu.vector_load %arg6[%get3A_1497, %get3A_1498, %get3A_1499, %get3A_1500] {strides = array<i32>} : memref<2x2x2x128xi32, #tpu.memory_space<vmem>>, vector<1x1x1x16xi32>,
      %get3A_1502 = vector.shape_cast %get3A_1501 : vector<1x1x1x16xi32> to vector<16xi32>
      %sub3A_1503 = vector.broadcast %mul3A_0 : i32 to vector<16xi32>
      %sub3A_1504 = arith.subi %get3A_1502, %sub3A_1503 : vector<16xi32>
      %ge3A_1505 = arith.constant 0 : i32
      %ge3A_1506 = vector.broadcast %ge3A_1505 : i32 to vector<16xi32>
      %ge3A_1507 = arith.cmpi sge, %sub3A_1504, %ge3A_1506 : vector<16xi32>
      %lt3A_1508 = arith.constant 25088 : i32
      %lt3A_1509 = vector.broadcast %lt3A_1508 : i32 to vector<16xi32>
      %lt3A_1510 = arith.cmpi slt, %sub3A_1504, %lt3A_1509 : vector<16xi32>
      %and3A_1511 = arith.andi %ge3A_1507, %lt3A_1510 : vector<16xi1>
      %jit3A_1512 = arith.constant 25088 : i32
      %broadcast_in_dim3A_1513 = vector.broadcast %jit3A_1512 : i32 to vector<16xi32>
      %select_n3A_1514 = arith.select %and3A_1511, %sub3A_1504, %broadcast_in_dim3A_1513 : vector<16xi1>, vector<16xi32>
      %swap3A_1515 = arith.constant 0 : i32
      %swap3A_1516 = arith.constant 0 : i32
      %swap3A_1517 = arith.index_cast %swap3A_1515 : i32 to index
      %swap3A_1518 = arith.index_cast %swap3A_1516 : i32 to index
      %swap3A_1519 = arith.constant 80 : index
      %swap3A_1520 = tpu.vector_load %arg7[%swap3A_1517, %swap3A_1518, %swap3A_1519] {strides = array<i32>} : memref<2x2x128xi32, #tpu.memory_space<vmem>>, vector<1x1x16xi32>,
      %swap3A_1521 = vector.shape_cast %swap3A_1520 : vector<1x1x16xi32> to vector<16xi32>
      %swap3A_1522 = vector.shape_cast %select_n3A_1514 : vector<16xi32> to vector<1x1x16xi32>
      tpu.vector_store %arg7[%swap3A_1517, %swap3A_1518, %swap3A_1519], %swap3A_1522 {strides = array<i32>} : memref<2x2x128xi32, #tpu.memory_space<vmem>>, vector<1x1x16xi32>,
      %get3A_1523 = arith.constant 0 : i32
      %get3A_1524 = arith.constant 0 : i32
      %get3A_1525 = arith.constant 1 : i32
      %get3A_1526 = arith.index_cast %get3A_1523 : i32 to index
      %get3A_1527 = arith.index_cast %get3A_1524 : i32 to index
      %get3A_1528 = arith.index_cast %get3A_1525 : i32 to index
      %get3A_1529 = arith.constant 96 : index
      %get3A_1530 = tpu.vector_load %arg6[%get3A_1526, %get3A_1527, %get3A_1528, %get3A_1529] {strides = array<i32>} : memref<2x2x2x128xi32, #tpu.memory_space<vmem>>, vector<1x1x1x16xi32>,
      %get3A_1531 = vector.shape_cast %get3A_1530 : vector<1x1x1x16xi32> to vector<16xi32>
      %sub3A_1532 = vector.broadcast %mul3A_0 : i32 to vector<16xi32>
      %sub3A_1533 = arith.subi %get3A_1531, %sub3A_1532 : vector<16xi32>
      %ge3A_1534 = arith.constant 0 : i32
      %ge3A_1535 = vector.broadcast %ge3A_1534 : i32 to vector<16xi32>
      %ge3A_1536 = arith.cmpi sge, %sub3A_1533, %ge3A_1535 : vector<16xi32>
      %lt3A_1537 = arith.constant 25088 : i32
      %lt3A_1538 = vector.broadcast %lt3A_1537 : i32 to vector<16xi32>
      %lt3A_1539 = arith.cmpi slt, %sub3A_1533, %lt3A_1538 : vector<16xi32>
      %and3A_1540 = arith.andi %ge3A_1536, %lt3A_1539 : vector<16xi1>
      %jit3A_1541 = arith.constant 25088 : i32
      %broadcast_in_dim3A_1542 = vector.broadcast %jit3A_1541 : i32 to vector<16xi32>
      %select_n3A_1543 = arith.select %and3A_1540, %sub3A_1533, %broadcast_in_dim3A_1542 : vector<16xi1>, vector<16xi32>
      %swap3A_1544 = arith.constant 0 : i32
      %swap3A_1545 = arith.constant 0 : i32
      %swap3A_1546 = arith.index_cast %swap3A_1544 : i32 to index
      %swap3A_1547 = arith.index_cast %swap3A_1545 : i32 to index
      %swap3A_1548 = arith.constant 96 : index
      %swap3A_1549 = tpu.vector_load %arg7[%swap3A_1546, %swap3A_1547, %swap3A_1548] {strides = array<i32>} : memref<2x2x128xi32, #tpu.memory_space<vmem>>, vector<1x1x16xi32>,
      %swap3A_1550 = vector.shape_cast %swap3A_1549 : vector<1x1x16xi32> to vector<16xi32>
      %swap3A_1551 = vector.shape_cast %select_n3A_1543 : vector<16xi32> to vector<1x1x16xi32>
      tpu.vector_store %arg7[%swap3A_1546, %swap3A_1547, %swap3A_1548], %swap3A_1551 {strides = array<i32>} : memref<2x2x128xi32, #tpu.memory_space<vmem>>, vector<1x1x16xi32>,
      %get3A_1552 = arith.constant 0 : i32
      %get3A_1553 = arith.constant 0 : i32
      %get3A_1554 = arith.constant 1 : i32
      %get3A_1555 = arith.index_cast %get3A_1552 : i32 to index
      %get3A_1556 = arith.index_cast %get3A_1553 : i32 to index
      %get3A_1557 = arith.index_cast %get3A_1554 : i32 to index
      %get3A_1558 = arith.constant 112 : index
      %get3A_1559 = tpu.vector_load %arg6[%get3A_1555, %get3A_1556, %get3A_1557, %get3A_1558] {strides = array<i32>} : memref<2x2x2x128xi32, #tpu.memory_space<vmem>>, vector<1x1x1x16xi32>,
      %get3A_1560 = vector.shape_cast %get3A_1559 : vector<1x1x1x16xi32> to vector<16xi32>
      %sub3A_1561 = vector.broadcast %mul3A_0 : i32 to vector<16xi32>
      %sub3A_1562 = arith.subi %get3A_1560, %sub3A_1561 : vector<16xi32>
      %ge3A_1563 = arith.constant 0 : i32
      %ge3A_1564 = vector.broadcast %ge3A_1563 : i32 to vector<16xi32>
      %ge3A_1565 = arith.cmpi sge, %sub3A_1562, %ge3A_1564 : vector<16xi32>
      %lt3A_1566 = arith.constant 25088 : i32
      %lt3A_1567 = vector.broadcast %lt3A_1566 : i32 to vector<16xi32>
      %lt3A_1568 = arith.cmpi slt, %sub3A_1562, %lt3A_1567 : vector<16xi32>
      %and3A_1569 = arith.andi %ge3A_1565, %lt3A_1568 : vector<16xi1>
      %jit3A_1570 = arith.constant 25088 : i32
      %broadcast_in_dim3A_1571 = vector.broadcast %jit3A_1570 : i32 to vector<16xi32>
      %select_n3A_1572 = arith.select %and3A_1569, %sub3A_1562, %broadcast_in_dim3A_1571 : vector<16xi1>, vector<16xi32>
      %swap3A_1573 = arith.constant 0 : i32
      %swap3A_1574 = arith.constant 0 : i32
      %swap3A_1575 = arith.index_cast %swap3A_1573 : i32 to index
      %swap3A_1576 = arith.index_cast %swap3A_1574 : i32 to index
      %swap3A_1577 = arith.constant 112 : index
      %swap3A_1578 = tpu.vector_load %arg7[%swap3A_1575, %swap3A_1576, %swap3A_1577] {strides = array<i32>} : memref<2x2x128xi32, #tpu.memory_space<vmem>>, vector<1x1x16xi32>,
      %swap3A_1579 = vector.shape_cast %swap3A_1578 : vector<1x1x16xi32> to vector<16xi32>
      %swap3A_1580 = vector.shape_cast %select_n3A_1572 : vector<16xi32> to vector<1x1x16xi32>
      tpu.vector_store %arg7[%swap3A_1575, %swap3A_1576, %swap3A_1577], %swap3A_1580 {strides = array<i32>} : memref<2x2x128xi32, #tpu.memory_space<vmem>>, vector<1x1x16xi32>,
      %get3A_1581 = arith.constant 0 : i32
      %get3A_1582 = arith.constant 1 : i32
      %get3A_1583 = arith.constant 1 : i32
      %get3A_1584 = arith.index_cast %get3A_1581 : i32 to index
      %get3A_1585 = arith.index_cast %get3A_1582 : i32 to index
      %get3A_1586 = arith.index_cast %get3A_1583 : i32 to index
      %get3A_1587 = arith.constant 0 : index
      %get3A_1588 = tpu.vector_load %arg6[%get3A_1584, %get3A_1585, %get3A_1586, %get3A_1587] {strides = array<i32>} : memref<2x2x2x128xi32, #tpu.memory_space<vmem>>, vector<1x1x1x16xi32>,
      %get3A_1589 = vector.shape_cast %get3A_1588 : vector<1x1x1x16xi32> to vector<16xi32>
      %sub3A_1590 = vector.broadcast %mul3A_0 : i32 to vector<16xi32>
      %sub3A_1591 = arith.subi %get3A_1589, %sub3A_1590 : vector<16xi32>
      %ge3A_1592 = arith.constant 0 : i32
      %ge3A_1593 = vector.broadcast %ge3A_1592 : i32 to vector<16xi32>
      %ge3A_1594 = arith.cmpi sge, %sub3A_1591, %ge3A_1593 : vector<16xi32>
      %lt3A_1595 = arith.constant 25088 : i32
      %lt3A_1596 = vector.broadcast %lt3A_1595 : i32 to vector<16xi32>
      %lt3A_1597 = arith.cmpi slt, %sub3A_1591, %lt3A_1596 : vector<16xi32>
      %and3A_1598 = arith.andi %ge3A_1594, %lt3A_1597 : vector<16xi1>
      %jit3A_1599 = arith.constant 25088 : i32
      %broadcast_in_dim3A_1600 = vector.broadcast %jit3A_1599 : i32 to vector<16xi32>
      %select_n3A_1601 = arith.select %and3A_1598, %sub3A_1591, %broadcast_in_dim3A_1600 : vector<16xi1>, vector<16xi32>
      %swap3A_1602 = arith.constant 0 : i32
      %swap3A_1603 = arith.constant 1 : i32
      %swap3A_1604 = arith.index_cast %swap3A_1602 : i32 to index
      %swap3A_1605 = arith.index_cast %swap3A_1603 : i32 to index
      %swap3A_1606 = arith.constant 0 : index
      %swap3A_1607 = tpu.vector_load %arg7[%swap3A_1604, %swap3A_1605, %swap3A_1606] {strides = array<i32>} : memref<2x2x128xi32, #tpu.memory_space<vmem>>, vector<1x1x16xi32>,
      %swap3A_1608 = vector.shape_cast %swap3A_1607 : vector<1x1x16xi32> to vector<16xi32>
      %swap3A_1609 = vector.shape_cast %select_n3A_1601 : vector<16xi32> to vector<1x1x16xi32>
      tpu.vector_store %arg7[%swap3A_1604, %swap3A_1605, %swap3A_1606], %swap3A_1609 {strides = array<i32>} : memref<2x2x128xi32, #tpu.memory_space<vmem>>, vector<1x1x16xi32>,
      %get3A_1610 = arith.constant 0 : i32
      %get3A_1611 = arith.constant 1 : i32
      %get3A_1612 = arith.constant 1 : i32
      %get3A_1613 = arith.index_cast %get3A_1610 : i32 to index
      %get3A_1614 = arith.index_cast %get3A_1611 : i32 to index
      %get3A_1615 = arith.index_cast %get3A_1612 : i32 to index
      %get3A_1616 = arith.constant 16 : index
      %get3A_1617 = tpu.vector_load %arg6[%get3A_1613, %get3A_1614, %get3A_1615, %get3A_1616] {strides = array<i32>} : memref<2x2x2x128xi32, #tpu.memory_space<vmem>>, vector<1x1x1x16xi32>,
      %get3A_1618 = vector.shape_cast %get3A_1617 : vector<1x1x1x16xi32> to vector<16xi32>
      %sub3A_1619 = vector.broadcast %mul3A_0 : i32 to vector<16xi32>
      %sub3A_1620 = arith.subi %get3A_1618, %sub3A_1619 : vector<16xi32>
      %ge3A_1621 = arith.constant 0 : i32
      %ge3A_1622 = vector.broadcast %ge3A_1621 : i32 to vector<16xi32>
      %ge3A_1623 = arith.cmpi sge, %sub3A_1620, %ge3A_1622 : vector<16xi32>
      %lt3A_1624 = arith.constant 25088 : i32
      %lt3A_1625 = vector.broadcast %lt3A_1624 : i32 to vector<16xi32>
      %lt3A_1626 = arith.cmpi slt, %sub3A_1620, %lt3A_1625 : vector<16xi32>
      %and3A_1627 = arith.andi %ge3A_1623, %lt3A_1626 : vector<16xi1>
      %jit3A_1628 = arith.constant 25088 : i32
      %broadcast_in_dim3A_1629 = vector.broadcast %jit3A_1628 : i32 to vector<16xi32>
      %select_n3A_1630 = arith.select %and3A_1627, %sub3A_1620, %broadcast_in_dim3A_1629 : vector<16xi1>, vector<16xi32>
      %swap3A_1631 = arith.constant 0 : i32
      %swap3A_1632 = arith.constant 1 : i32
      %swap3A_1633 = arith.index_cast %swap3A_1631 : i32 to index
      %swap3A_1634 = arith.index_cast %swap3A_1632 : i32 to index
      %swap3A_1635 = arith.constant 16 : index
      %swap3A_1636 = tpu.vector_load %arg7[%swap3A_1633, %swap3A_1634, %swap3A_1635] {strides = array<i32>} : memref<2x2x128xi32, #tpu.memory_space<vmem>>, vector<1x1x16xi32>,
      %swap3A_1637 = vector.shape_cast %swap3A_1636 : vector<1x1x16xi32> to vector<16xi32>
      %swap3A_1638 = vector.shape_cast %select_n3A_1630 : vector<16xi32> to vector<1x1x16xi32>
      tpu.vector_store %arg7[%swap3A_1633, %swap3A_1634, %swap3A_1635], %swap3A_1638 {strides = array<i32>} : memref<2x2x128xi32, #tpu.memory_space<vmem>>, vector<1x1x16xi32>,
      %get3A_1639 = arith.constant 0 : i32
      %get3A_1640 = arith.constant 1 : i32
      %get3A_1641 = arith.constant 1 : i32
      %get3A_1642 = arith.index_cast %get3A_1639 : i32 to index
      %get3A_1643 = arith.index_cast %get3A_1640 : i32 to index
      %get3A_1644 = arith.index_cast %get3A_1641 : i32 to index
      %get3A_1645 = arith.constant 32 : index
      %get3A_1646 = tpu.vector_load %arg6[%get3A_1642, %get3A_1643, %get3A_1644, %get3A_1645] {strides = array<i32>} : memref<2x2x2x128xi32, #tpu.memory_space<vmem>>, vector<1x1x1x16xi32>,
      %get3A_1647 = vector.shape_cast %get3A_1646 : vector<1x1x1x16xi32> to vector<16xi32>
      %sub3A_1648 = vector.broadcast %mul3A_0 : i32 to vector<16xi32>
      %sub3A_1649 = arith.subi %get3A_1647, %sub3A_1648 : vector<16xi32>
      %ge3A_1650 = arith.constant 0 : i32
      %ge3A_1651 = vector.broadcast %ge3A_1650 : i32 to vector<16xi32>
      %ge3A_1652 = arith.cmpi sge, %sub3A_1649, %ge3A_1651 : vector<16xi32>
      %lt3A_1653 = arith.constant 25088 : i32
      %lt3A_1654 = vector.broadcast %lt3A_1653 : i32 to vector<16xi32>
      %lt3A_1655 = arith.cmpi slt, %sub3A_1649, %lt3A_1654 : vector<16xi32>
      %and3A_1656 = arith.andi %ge3A_1652, %lt3A_1655 : vector<16xi1>
      %jit3A_1657 = arith.constant 25088 : i32
      %broadcast_in_dim3A_1658 = vector.broadcast %jit3A_1657 : i32 to vector<16xi32>
      %select_n3A_1659 = arith.select %and3A_1656, %sub3A_1649, %broadcast_in_dim3A_1658 : vector<16xi1>, vector<16xi32>
      %swap3A_1660 = arith.constant 0 : i32
      %swap3A_1661 = arith.constant 1 : i32
      %swap3A_1662 = arith.index_cast %swap3A_1660 : i32 to index
      %swap3A_1663 = arith.index_cast %swap3A_1661 : i32 to index
      %swap3A_1664 = arith.constant 32 : index
      %swap3A_1665 = tpu.vector_load %arg7[%swap3A_1662, %swap3A_1663, %swap3A_1664] {strides = array<i32>} : memref<2x2x128xi32, #tpu.memory_space<vmem>>, vector<1x1x16xi32>,
      %swap3A_1666 = vector.shape_cast %swap3A_1665 : vector<1x1x16xi32> to vector<16xi32>
      %swap3A_1667 = vector.shape_cast %select_n3A_1659 : vector<16xi32> to vector<1x1x16xi32>
      tpu.vector_store %arg7[%swap3A_1662, %swap3A_1663, %swap3A_1664], %swap3A_1667 {strides = array<i32>} : memref<2x2x128xi32, #tpu.memory_space<vmem>>, vector<1x1x16xi32>,
      %get3A_1668 = arith.constant 0 : i32
      %get3A_1669 = arith.constant 1 : i32
      %get3A_1670 = arith.constant 1 : i32
      %get3A_1671 = arith.index_cast %get3A_1668 : i32 to index
      %get3A_1672 = arith.index_cast %get3A_1669 : i32 to index
      %get3A_1673 = arith.index_cast %get3A_1670 : i32 to index
      %get3A_1674 = arith.constant 48 : index
      %get3A_1675 = tpu.vector_load %arg6[%get3A_1671, %get3A_1672, %get3A_1673, %get3A_1674] {strides = array<i32>} : memref<2x2x2x128xi32, #tpu.memory_space<vmem>>, vector<1x1x1x16xi32>,
      %get3A_1676 = vector.shape_cast %get3A_1675 : vector<1x1x1x16xi32> to vector<16xi32>
      %sub3A_1677 = vector.broadcast %mul3A_0 : i32 to vector<16xi32>
      %sub3A_1678 = arith.subi %get3A_1676, %sub3A_1677 : vector<16xi32>
      %ge3A_1679 = arith.constant 0 : i32
      %ge3A_1680 = vector.broadcast %ge3A_1679 : i32 to vector<16xi32>
      %ge3A_1681 = arith.cmpi sge, %sub3A_1678, %ge3A_1680 : vector<16xi32>
      %lt3A_1682 = arith.constant 25088 : i32
      %lt3A_1683 = vector.broadcast %lt3A_1682 : i32 to vector<16xi32>
      %lt3A_1684 = arith.cmpi slt, %sub3A_1678, %lt3A_1683 : vector<16xi32>
      %and3A_1685 = arith.andi %ge3A_1681, %lt3A_1684 : vector<16xi1>
      %jit3A_1686 = arith.constant 25088 : i32
      %broadcast_in_dim3A_1687 = vector.broadcast %jit3A_1686 : i32 to vector<16xi32>
      %select_n3A_1688 = arith.select %and3A_1685, %sub3A_1678, %broadcast_in_dim3A_1687 : vector<16xi1>, vector<16xi32>
      %swap3A_1689 = arith.constant 0 : i32
      %swap3A_1690 = arith.constant 1 : i32
      %swap3A_1691 = arith.index_cast %swap3A_1689 : i32 to index
      %swap3A_1692 = arith.index_cast %swap3A_1690 : i32 to index
      %swap3A_1693 = arith.constant 48 : index
      %swap3A_1694 = tpu.vector_load %arg7[%swap3A_1691, %swap3A_1692, %swap3A_1693] {strides = array<i32>} : memref<2x2x128xi32, #tpu.memory_space<vmem>>, vector<1x1x16xi32>,
      %swap3A_1695 = vector.shape_cast %swap3A_1694 : vector<1x1x16xi32> to vector<16xi32>
      %swap3A_1696 = vector.shape_cast %select_n3A_1688 : vector<16xi32> to vector<1x1x16xi32>
      tpu.vector_store %arg7[%swap3A_1691, %swap3A_1692, %swap3A_1693], %swap3A_1696 {strides = array<i32>} : memref<2x2x128xi32, #tpu.memory_space<vmem>>, vector<1x1x16xi32>,
      %get3A_1697 = arith.constant 0 : i32
      %get3A_1698 = arith.constant 1 : i32
      %get3A_1699 = arith.constant 1 : i32
      %get3A_1700 = arith.index_cast %get3A_1697 : i32 to index
      %get3A_1701 = arith.index_cast %get3A_1698 : i32 to index
      %get3A_1702 = arith.index_cast %get3A_1699 : i32 to index
      %get3A_1703 = arith.constant 64 : index
      %get3A_1704 = tpu.vector_load %arg6[%get3A_1700, %get3A_1701, %get3A_1702, %get3A_1703] {strides = array<i32>} : memref<2x2x2x128xi32, #tpu.memory_space<vmem>>, vector<1x1x1x16xi32>,
      %get3A_1705 = vector.shape_cast %get3A_1704 : vector<1x1x1x16xi32> to vector<16xi32>
      %sub3A_1706 = vector.broadcast %mul3A_0 : i32 to vector<16xi32>
      %sub3A_1707 = arith.subi %get3A_1705, %sub3A_1706 : vector<16xi32>
      %ge3A_1708 = arith.constant 0 : i32
      %ge3A_1709 = vector.broadcast %ge3A_1708 : i32 to vector<16xi32>
      %ge3A_1710 = arith.cmpi sge, %sub3A_1707, %ge3A_1709 : vector<16xi32>
      %lt3A_1711 = arith.constant 25088 : i32
      %lt3A_1712 = vector.broadcast %lt3A_1711 : i32 to vector<16xi32>
      %lt3A_1713 = arith.cmpi slt, %sub3A_1707, %lt3A_1712 : vector<16xi32>
      %and3A_1714 = arith.andi %ge3A_1710, %lt3A_1713 : vector<16xi1>
      %jit3A_1715 = arith.constant 25088 : i32
      %broadcast_in_dim3A_1716 = vector.broadcast %jit3A_1715 : i32 to vector<16xi32>
      %select_n3A_1717 = arith.select %and3A_1714, %sub3A_1707, %broadcast_in_dim3A_1716 : vector<16xi1>, vector<16xi32>
      %swap3A_1718 = arith.constant 0 : i32
      %swap3A_1719 = arith.constant 1 : i32
      %swap3A_1720 = arith.index_cast %swap3A_1718 : i32 to index
      %swap3A_1721 = arith.index_cast %swap3A_1719 : i32 to index
      %swap3A_1722 = arith.constant 64 : index
      %swap3A_1723 = tpu.vector_load %arg7[%swap3A_1720, %swap3A_1721, %swap3A_1722] {strides = array<i32>} : memref<2x2x128xi32, #tpu.memory_space<vmem>>, vector<1x1x16xi32>,
      %swap3A_1724 = vector.shape_cast %swap3A_1723 : vector<1x1x16xi32> to vector<16xi32>
      %swap3A_1725 = vector.shape_cast %select_n3A_1717 : vector<16xi32> to vector<1x1x16xi32>
      tpu.vector_store %arg7[%swap3A_1720, %swap3A_1721, %swap3A_1722], %swap3A_1725 {strides = array<i32>} : memref<2x2x128xi32, #tpu.memory_space<vmem>>, vector<1x1x16xi32>,
      %get3A_1726 = arith.constant 0 : i32
      %get3A_1727 = arith.constant 1 : i32
      %get3A_1728 = arith.constant 1 : i32
      %get3A_1729 = arith.index_cast %get3A_1726 : i32 to index
      %get3A_1730 = arith.index_cast %get3A_1727 : i32 to index
      %get3A_1731 = arith.index_cast %get3A_1728 : i32 to index
      %get3A_1732 = arith.constant 80 : index
      %get3A_1733 = tpu.vector_load %arg6[%get3A_1729, %get3A_1730, %get3A_1731, %get3A_1732] {strides = array<i32>} : memref<2x2x2x128xi32, #tpu.memory_space<vmem>>, vector<1x1x1x16xi32>,
      %get3A_1734 = vector.shape_cast %get3A_1733 : vector<1x1x1x16xi32> to vector<16xi32>
      %sub3A_1735 = vector.broadcast %mul3A_0 : i32 to vector<16xi32>
      %sub3A_1736 = arith.subi %get3A_1734, %sub3A_1735 : vector<16xi32>
      %ge3A_1737 = arith.constant 0 : i32
      %ge3A_1738 = vector.broadcast %ge3A_1737 : i32 to vector<16xi32>
      %ge3A_1739 = arith.cmpi sge, %sub3A_1736, %ge3A_1738 : vector<16xi32>
      %lt3A_1740 = arith.constant 25088 : i32
      %lt3A_1741 = vector.broadcast %lt3A_1740 : i32 to vector<16xi32>
      %lt3A_1742 = arith.cmpi slt, %sub3A_1736, %lt3A_1741 : vector<16xi32>
      %and3A_1743 = arith.andi %ge3A_1739, %lt3A_1742 : vector<16xi1>
      %jit3A_1744 = arith.constant 25088 : i32
      %broadcast_in_dim3A_1745 = vector.broadcast %jit3A_1744 : i32 to vector<16xi32>
      %select_n3A_1746 = arith.select %and3A_1743, %sub3A_1736, %broadcast_in_dim3A_1745 : vector<16xi1>, vector<16xi32>
      %swap3A_1747 = arith.constant 0 : i32
      %swap3A_1748 = arith.constant 1 : i32
      %swap3A_1749 = arith.index_cast %swap3A_1747 : i32 to index
      %swap3A_1750 = arith.index_cast %swap3A_1748 : i32 to index
      %swap3A_1751 = arith.constant 80 : index
      %swap3A_1752 = tpu.vector_load %arg7[%swap3A_1749, %swap3A_1750, %swap3A_1751] {strides = array<i32>} : memref<2x2x128xi32, #tpu.memory_space<vmem>>, vector<1x1x16xi32>,
      %swap3A_1753 = vector.shape_cast %swap3A_1752 : vector<1x1x16xi32> to vector<16xi32>
      %swap3A_1754 = vector.shape_cast %select_n3A_1746 : vector<16xi32> to vector<1x1x16xi32>
      tpu.vector_store %arg7[%swap3A_1749, %swap3A_1750, %swap3A_1751], %swap3A_1754 {strides = array<i32>} : memref<2x2x128xi32, #tpu.memory_space<vmem>>, vector<1x1x16xi32>,
      %get3A_1755 = arith.constant 0 : i32
      %get3A_1756 = arith.constant 1 : i32
      %get3A_1757 = arith.constant 1 : i32
      %get3A_1758 = arith.index_cast %get3A_1755 : i32 to index
      %get3A_1759 = arith.index_cast %get3A_1756 : i32 to index
      %get3A_1760 = arith.index_cast %get3A_1757 : i32 to index
      %get3A_1761 = arith.constant 96 : index
      %get3A_1762 = tpu.vector_load %arg6[%get3A_1758, %get3A_1759, %get3A_1760, %get3A_1761] {strides = array<i32>} : memref<2x2x2x128xi32, #tpu.memory_space<vmem>>, vector<1x1x1x16xi32>,
      %get3A_1763 = vector.shape_cast %get3A_1762 : vector<1x1x1x16xi32> to vector<16xi32>
      %sub3A_1764 = vector.broadcast %mul3A_0 : i32 to vector<16xi32>
      %sub3A_1765 = arith.subi %get3A_1763, %sub3A_1764 : vector<16xi32>
      %ge3A_1766 = arith.constant 0 : i32
      %ge3A_1767 = vector.broadcast %ge3A_1766 : i32 to vector<16xi32>
      %ge3A_1768 = arith.cmpi sge, %sub3A_1765, %ge3A_1767 : vector<16xi32>
      %lt3A_1769 = arith.constant 25088 : i32
      %lt3A_1770 = vector.broadcast %lt3A_1769 : i32 to vector<16xi32>
      %lt3A_1771 = arith.cmpi slt, %sub3A_1765, %lt3A_1770 : vector<16xi32>
      %and3A_1772 = arith.andi %ge3A_1768, %lt3A_1771 : vector<16xi1>
      %jit3A_1773 = arith.constant 25088 : i32
      %broadcast_in_dim3A_1774 = vector.broadcast %jit3A_1773 : i32 to vector<16xi32>
      %select_n3A_1775 = arith.select %and3A_1772, %sub3A_1765, %broadcast_in_dim3A_1774 : vector<16xi1>, vector<16xi32>
      %swap3A_1776 = arith.constant 0 : i32
      %swap3A_1777 = arith.constant 1 : i32
      %swap3A_1778 = arith.index_cast %swap3A_1776 : i32 to index
      %swap3A_1779 = arith.index_cast %swap3A_1777 : i32 to index
      %swap3A_1780 = arith.constant 96 : index
      %swap3A_1781 = tpu.vector_load %arg7[%swap3A_1778, %swap3A_1779, %swap3A_1780] {strides = array<i32>} : memref<2x2x128xi32, #tpu.memory_space<vmem>>, vector<1x1x16xi32>,
      %swap3A_1782 = vector.shape_cast %swap3A_1781 : vector<1x1x16xi32> to vector<16xi32>
      %swap3A_1783 = vector.shape_cast %select_n3A_1775 : vector<16xi32> to vector<1x1x16xi32>
      tpu.vector_store %arg7[%swap3A_1778, %swap3A_1779, %swap3A_1780], %swap3A_1783 {strides = array<i32>} : memref<2x2x128xi32, #tpu.memory_space<vmem>>, vector<1x1x16xi32>,
      %get3A_1784 = arith.constant 0 : i32
      %get3A_1785 = arith.constant 1 : i32
      %get3A_1786 = arith.constant 1 : i32
      %get3A_1787 = arith.index_cast %get3A_1784 : i32 to index
      %get3A_1788 = arith.index_cast %get3A_1785 : i32 to index
      %get3A_1789 = arith.index_cast %get3A_1786 : i32 to index
      %get3A_1790 = arith.constant 112 : index
      %get3A_1791 = tpu.vector_load %arg6[%get3A_1787, %get3A_1788, %get3A_1789, %get3A_1790] {strides = array<i32>} : memref<2x2x2x128xi32, #tpu.memory_space<vmem>>, vector<1x1x1x16xi32>,
      %get3A_1792 = vector.shape_cast %get3A_1791 : vector<1x1x1x16xi32> to vector<16xi32>
      %sub3A_1793 = vector.broadcast %mul3A_0 : i32 to vector<16xi32>
      %sub3A_1794 = arith.subi %get3A_1792, %sub3A_1793 : vector<16xi32>
      %ge3A_1795 = arith.constant 0 : i32
      %ge3A_1796 = vector.broadcast %ge3A_1795 : i32 to vector<16xi32>
      %ge3A_1797 = arith.cmpi sge, %sub3A_1794, %ge3A_1796 : vector<16xi32>
      %lt3A_1798 = arith.constant 25088 : i32
      %lt3A_1799 = vector.broadcast %lt3A_1798 : i32 to vector<16xi32>
      %lt3A_1800 = arith.cmpi slt, %sub3A_1794, %lt3A_1799 : vector<16xi32>
      %and3A_1801 = arith.andi %ge3A_1797, %lt3A_1800 : vector<16xi1>
      %jit3A_1802 = arith.constant 25088 : i32
      %broadcast_in_dim3A_1803 = vector.broadcast %jit3A_1802 : i32 to vector<16xi32>
      %select_n3A_1804 = arith.select %and3A_1801, %sub3A_1794, %broadcast_in_dim3A_1803 : vector<16xi1>, vector<16xi32>
      %swap3A_1805 = arith.constant 0 : i32
      %swap3A_1806 = arith.constant 1 : i32
      %swap3A_1807 = arith.index_cast %swap3A_1805 : i32 to index
      %swap3A_1808 = arith.index_cast %swap3A_1806 : i32 to index
      %swap3A_1809 = arith.constant 112 : index
      %swap3A_1810 = tpu.vector_load %arg7[%swap3A_1807, %swap3A_1808, %swap3A_1809] {strides = array<i32>} : memref<2x2x128xi32, #tpu.memory_space<vmem>>, vector<1x1x16xi32>,
      %swap3A_1811 = vector.shape_cast %swap3A_1810 : vector<1x1x16xi32> to vector<16xi32>
      %swap3A_1812 = vector.shape_cast %select_n3A_1804 : vector<16xi32> to vector<1x1x16xi32>
      tpu.vector_store %arg7[%swap3A_1807, %swap3A_1808, %swap3A_1809], %swap3A_1812 {strides = array<i32>} : memref<2x2x128xi32, #tpu.memory_space<vmem>>, vector<1x1x16xi32>,
      %dma_wait3A_1813 = arith.constant 1 : i32
      %dma_wait3A_1814 = arith.constant 0 : i32
      %dma_wait3A_1815 = arith.constant 0 : i32
      %dma_wait3A_1816 = arith.constant 1 : i32
      %dma_wait3A_1817 = arith.constant 0 : i32
      %dma_wait3A_1818 = arith.constant 0 : i32
      %dma_wait3A_1819 = arith.constant 0 : i32
      %dma_wait3A_1820 = tpu.memref_slice %arg8[%dma_wait3A_1816, %dma_wait3A_1817, %dma_wait3A_1818, %dma_wait3A_1819] : memref<2x2x128x64xbf16, #tpu.memory_space<vmem>> -> memref<1x1x128x64xbf16, #tpu.memory_space<vmem>>
      %dma_wait3A_1821 = tpu.memref_squeeze %dma_wait3A_1820 : memref<1x1x128x64xbf16, #tpu.memory_space<vmem>> -> memref<128x64xbf16, #tpu.memory_space<vmem>>
      %dma_wait3A_1822 = arith.constant 0 : i32
      %dma_wait3A_1823 = tpu.memref_slice %arg6[%dma_wait3A_1813, %dma_wait3A_1814, %dma_wait3A_1815, %dma_wait3A_1822] : memref<2x2x2x128xi32, #tpu.memory_space<vmem>> -> memref<1x1x1x128xi32, #tpu.memory_space<vmem>>
      %dma_wait3A_1824 = tpu.memref_squeeze %dma_wait3A_1823 : memref<1x1x1x128xi32, #tpu.memory_space<vmem>> -> memref<128xi32, #tpu.memory_space<vmem>>
      %dma_wait3A_1825 = arith.constant 0 : i32
      %dma_wait3A_1826 = arith.constant 0 : i32
      %dma_wait3A_1827 = tpu.memref_slice %arg2[%dma_wait3A_1825, %dma_wait3A_1826] : memref<50176x64xbf16, #tpu.memory_space<hbm>> -> memref<50176x64xbf16, #tpu.memory_space<hbm>>
      tpu.wait_indirect_dma semaphore(%arg11 : memref<!tpu.dma_semaphore, #tpu.memory_space<semaphore_mem>>) src(%dma_wait3A_1827 : memref<50176x64xbf16, #tpu.memory_space<hbm>>) dst(%dma_wait3A_1821 : memref<128x64xbf16, #tpu.memory_space<vmem>>)
      %dma_wait3A_1828 = arith.constant 1 : i32
      %dma_wait3A_1829 = arith.constant 1 : i32
      %dma_wait3A_1830 = arith.constant 0 : i32
      %dma_wait3A_1831 = arith.constant 1 : i32
      %dma_wait3A_1832 = arith.constant 1 : i32
      %dma_wait3A_1833 = arith.constant 0 : i32
      %dma_wait3A_1834 = arith.constant 0 : i32
      %dma_wait3A_1835 = tpu.memref_slice %arg8[%dma_wait3A_1831, %dma_wait3A_1832, %dma_wait3A_1833, %dma_wait3A_1834] : memref<2x2x128x64xbf16, #tpu.memory_space<vmem>> -> memref<1x1x128x64xbf16, #tpu.memory_space<vmem>>
      %dma_wait3A_1836 = tpu.memref_squeeze %dma_wait3A_1835 : memref<1x1x128x64xbf16, #tpu.memory_space<vmem>> -> memref<128x64xbf16, #tpu.memory_space<vmem>>
      %dma_wait3A_1837 = arith.constant 0 : i32
      %dma_wait3A_1838 = tpu.memref_slice %arg6[%dma_wait3A_1828, %dma_wait3A_1829, %dma_wait3A_1830, %dma_wait3A_1837] : memref<2x2x2x128xi32, #tpu.memory_space<vmem>> -> memref<1x1x1x128xi32, #tpu.memory_space<vmem>>
      %dma_wait3A_1839 = tpu.memref_squeeze %dma_wait3A_1838 : memref<1x1x1x128xi32, #tpu.memory_space<vmem>> -> memref<128xi32, #tpu.memory_space<vmem>>
      %dma_wait3A_1840 = arith.constant 0 : i32
      %dma_wait3A_1841 = arith.constant 0 : i32
      %dma_wait3A_1842 = tpu.memref_slice %arg2[%dma_wait3A_1840, %dma_wait3A_1841] : memref<50176x64xbf16, #tpu.memory_space<hbm>> -> memref<50176x64xbf16, #tpu.memory_space<hbm>>
      tpu.wait_indirect_dma semaphore(%arg11 : memref<!tpu.dma_semaphore, #tpu.memory_space<semaphore_mem>>) src(%dma_wait3A_1842 : memref<50176x64xbf16, #tpu.memory_space<hbm>>) dst(%dma_wait3A_1836 : memref<128x64xbf16, #tpu.memory_space<vmem>>)
      %dma_start3A_1843 = arith.constant 0 : i32
      %dma_start3A_1844 = arith.constant 0 : i32
      %dma_start3A_1845 = arith.constant 0 : i32
      %dma_start3A_1846 = arith.constant 0 : i32
      %dma_start3A_1847 = arith.constant 0 : i32
      %dma_start3A_1848 = arith.constant 0 : i32
      %dma_start3A_1849 = arith.constant 0 : i32
      %dma_start3A_1850 = tpu.memref_slice %arg8[%dma_start3A_1846, %dma_start3A_1847, %dma_start3A_1848, %dma_start3A_1849] : memref<2x2x128x64xbf16, #tpu.memory_space<vmem>> -> memref<1x1x128x64xbf16, #tpu.memory_space<vmem>>
      %dma_start3A_1851 = tpu.memref_squeeze %dma_start3A_1850 : memref<1x1x128x64xbf16, #tpu.memory_space<vmem>> -> memref<128x64xbf16, #tpu.memory_space<vmem>>
      %dma_start3A_1852 = arith.constant 0 : i32
      %dma_start3A_1853 = tpu.memref_slice %arg6[%dma_start3A_1843, %dma_start3A_1844, %dma_start3A_1845, %dma_start3A_1852] : memref<2x2x2x128xi32, #tpu.memory_space<vmem>> -> memref<1x1x1x128xi32, #tpu.memory_space<vmem>>
      %dma_start3A_1854 = tpu.memref_squeeze %dma_start3A_1853 : memref<1x1x1x128xi32, #tpu.memory_space<vmem>> -> memref<128xi32, #tpu.memory_space<vmem>>
      %dma_start3A_1855 = arith.constant 0 : i32
      %dma_start3A_1856 = arith.constant 0 : i32
      %dma_start3A_1857 = tpu.memref_slice %arg2[%dma_start3A_1855, %dma_start3A_1856] : memref<50176x64xbf16, #tpu.memory_space<hbm>> -> memref<50176x64xbf16, #tpu.memory_space<hbm>>
      tpu.enqueue_indirect_dma source(%dma_start3A_1857 : memref<50176x64xbf16, #tpu.memory_space<hbm>>) target(%dma_start3A_1851 : memref<128x64xbf16, #tpu.memory_space<vmem>>) offsets(%dma_start3A_1854 : memref<128xi32, #tpu.memory_space<vmem>>) semaphore(%arg10 : memref<!tpu.dma_semaphore, #tpu.memory_space<semaphore_mem>>)
      %dma_start3A_1858 = arith.constant 0 : i32
      %dma_start3A_1859 = arith.constant 1 : i32
      %dma_start3A_1860 = arith.constant 0 : i32
      %dma_start3A_1861 = arith.constant 0 : i32
      %dma_start3A_1862 = arith.constant 1 : i32
      %dma_start3A_1863 = arith.constant 0 : i32
      %dma_start3A_1864 = arith.constant 0 : i32
      %dma_start3A_1865 = tpu.memref_slice %arg8[%dma_start3A_1861, %dma_start3A_1862, %dma_start3A_1863, %dma_start3A_1864] : memref<2x2x128x64xbf16, #tpu.memory_space<vmem>> -> memref<1x1x128x64xbf16, #tpu.memory_space<vmem>>
      %dma_start3A_1866 = tpu.memref_squeeze %dma_start3A_1865 : memref<1x1x128x64xbf16, #tpu.memory_space<vmem>> -> memref<128x64xbf16, #tpu.memory_space<vmem>>
      %dma_start3A_1867 = arith.constant 0 : i32
      %dma_start3A_1868 = tpu.memref_slice %arg6[%dma_start3A_1858, %dma_start3A_1859, %dma_start3A_1860, %dma_start3A_1867] : memref<2x2x2x128xi32, #tpu.memory_space<vmem>> -> memref<1x1x1x128xi32, #tpu.memory_space<vmem>>
      %dma_start3A_1869 = tpu.memref_squeeze %dma_start3A_1868 : memref<1x1x1x128xi32, #tpu.memory_space<vmem>> -> memref<128xi32, #tpu.memory_space<vmem>>
      %dma_start3A_1870 = arith.constant 0 : i32
      %dma_start3A_1871 = arith.constant 0 : i32
      %dma_start3A_1872 = tpu.memref_slice %arg2[%dma_start3A_1870, %dma_start3A_1871] : memref<50176x64xbf16, #tpu.memory_space<hbm>> -> memref<50176x64xbf16, #tpu.memory_space<hbm>>
      tpu.enqueue_indirect_dma source(%dma_start3A_1872 : memref<50176x64xbf16, #tpu.memory_space<hbm>>) target(%dma_start3A_1866 : memref<128x64xbf16, #tpu.memory_space<vmem>>) offsets(%dma_start3A_1869 : memref<128xi32, #tpu.memory_space<vmem>>) semaphore(%arg10 : memref<!tpu.dma_semaphore, #tpu.memory_space<semaphore_mem>>)
      %dma_start3A_1873 = arith.constant 1 : i32
      %dma_start3A_1874 = arith.constant 0 : i32
      %dma_start3A_1875 = arith.constant 1 : i32
      %dma_start3A_1876 = arith.constant 0 : i32
      %dma_start3A_1877 = arith.constant 0 : i32
      %dma_start3A_1878 = arith.constant 0 : i32
      %dma_start3A_1879 = tpu.memref_slice %arg8[%dma_start3A_1873, %dma_start3A_1874, %dma_start3A_1877, %dma_start3A_1878] : memref<2x2x128x64xbf16, #tpu.memory_space<vmem>> -> memref<1x1x128x64xbf16, #tpu.memory_space<vmem>>
      %dma_start3A_1880 = tpu.memref_squeeze %dma_start3A_1879 : memref<1x1x128x64xbf16, #tpu.memory_space<vmem>> -> memref<128x64xbf16, #tpu.memory_space<vmem>>
      %dma_start3A_1881 = arith.constant 0 : i32
      %dma_start3A_1882 = tpu.memref_slice %arg7[%dma_start3A_1875, %dma_start3A_1876, %dma_start3A_1881] : memref<2x2x128xi32, #tpu.memory_space<vmem>> -> memref<1x1x128xi32, #tpu.memory_space<vmem>>
      %dma_start3A_1883 = tpu.memref_squeeze %dma_start3A_1882 : memref<1x1x128xi32, #tpu.memory_space<vmem>> -> memref<128xi32, #tpu.memory_space<vmem>>
      %dma_start3A_1884 = arith.constant 0 : i32
      %dma_start3A_1885 = arith.constant 0 : i32
      %dma_start3A_1886 = tpu.memref_slice %arg9[%dma_start3A_1884, %dma_start3A_1885] : memref<25104x64xbf16, #tpu.memory_space<vmem_shared>> -> memref<25104x64xbf16, #tpu.memory_space<vmem_shared>>
      tpu.enqueue_indirect_dma source(%dma_start3A_1880 : memref<128x64xbf16, #tpu.memory_space<vmem>>) target(%dma_start3A_1886 : memref<25104x64xbf16, #tpu.memory_space<vmem_shared>>) offsets(%dma_start3A_1883 : memref<128xi32, #tpu.memory_space<vmem>>) semaphore(%arg13 : memref<!tpu.dma_semaphore, #tpu.memory_space<semaphore_mem>>) {add = true}
      %dma_start3A_1887 = arith.constant 1 : i32
      %dma_start3A_1888 = arith.constant 1 : i32
      %dma_start3A_1889 = arith.constant 1 : i32
      %dma_start3A_1890 = arith.constant 1 : i32
      %dma_start3A_1891 = arith.constant 0 : i32
      %dma_start3A_1892 = arith.constant 0 : i32
      %dma_start3A_1893 = tpu.memref_slice %arg8[%dma_start3A_1887, %dma_start3A_1888, %dma_start3A_1891, %dma_start3A_1892] : memref<2x2x128x64xbf16, #tpu.memory_space<vmem>> -> memref<1x1x128x64xbf16, #tpu.memory_space<vmem>>
      %dma_start3A_1894 = tpu.memref_squeeze %dma_start3A_1893 : memref<1x1x128x64xbf16, #tpu.memory_space<vmem>> -> memref<128x64xbf16, #tpu.memory_space<vmem>>
      %dma_start3A_1895 = arith.constant 0 : i32
      %dma_start3A_1896 = tpu.memref_slice %arg7[%dma_start3A_1889, %dma_start3A_1890, %dma_start3A_1895] : memref<2x2x128xi32, #tpu.memory_space<vmem>> -> memref<1x1x128xi32, #tpu.memory_space<vmem>>
      %dma_start3A_1897 = tpu.memref_squeeze %dma_start3A_1896 : memref<1x1x128xi32, #tpu.memory_space<vmem>> -> memref<128xi32, #tpu.memory_space<vmem>>
      %dma_start3A_1898 = arith.constant 0 : i32
      %dma_start3A_1899 = arith.constant 0 : i32
      %dma_start3A_1900 = tpu.memref_slice %arg9[%dma_start3A_1898, %dma_start3A_1899] : memref<25104x64xbf16, #tpu.memory_space<vmem_shared>> -> memref<25104x64xbf16, #tpu.memory_space<vmem_shared>>
      tpu.enqueue_indirect_dma source(%dma_start3A_1894 : memref<128x64xbf16, #tpu.memory_space<vmem>>) target(%dma_start3A_1900 : memref<25104x64xbf16, #tpu.memory_space<vmem_shared>>) offsets(%dma_start3A_1897 : memref<128xi32, #tpu.memory_space<vmem>>) semaphore(%arg13 : memref<!tpu.dma_semaphore, #tpu.memory_space<semaphore_mem>>) {add = true}
    }
    %scan3A_652 = arith.constant 98 : i32
    %dma_wait3A = arith.constant 1 : i32
    %dma_wait3A_653 = arith.constant 0 : i32
    %dma_wait3A_654 = arith.constant 1 : i32
    %dma_wait3A_655 = arith.constant 0 : i32
    %dma_wait3A_656 = arith.constant 0 : i32
    %dma_wait3A_657 = arith.constant 0 : i32
    %dma_wait3A_658 = tpu.memref_slice %arg8[%dma_wait3A, %dma_wait3A_653, %dma_wait3A_656, %dma_wait3A_657] : memref<2x2x128x64xbf16, #tpu.memory_space<vmem>> -> memref<1x1x128x64xbf16, #tpu.memory_space<vmem>>
    %dma_wait3A_659 = tpu.memref_squeeze %dma_wait3A_658 : memref<1x1x128x64xbf16, #tpu.memory_space<vmem>> -> memref<128x64xbf16, #tpu.memory_space<vmem>>
    %dma_wait3A_660 = arith.constant 0 : i32
    %dma_wait3A_661 = tpu.memref_slice %arg7[%dma_wait3A_654, %dma_wait3A_655, %dma_wait3A_660] : memref<2x2x128xi32, #tpu.memory_space<vmem>> -> memref<1x1x128xi32, #tpu.memory_space<vmem>>
    %dma_wait3A_662 = tpu.memref_squeeze %dma_wait3A_661 : memref<1x1x128xi32, #tpu.memory_space<vmem>> -> memref<128xi32, #tpu.memory_space<vmem>>
    %dma_wait3A_663 = arith.constant 0 : i32
    %dma_wait3A_664 = arith.constant 0 : i32
    %dma_wait3A_665 = tpu.memref_slice %arg9[%dma_wait3A_663, %dma_wait3A_664] : memref<25104x64xbf16, #tpu.memory_space<vmem_shared>> -> memref<25104x64xbf16, #tpu.memory_space<vmem_shared>>
    tpu.wait_indirect_dma semaphore(%arg13 : memref<!tpu.dma_semaphore, #tpu.memory_space<semaphore_mem>>) src(%dma_wait3A_659 : memref<128x64xbf16, #tpu.memory_space<vmem>>) dst(%dma_wait3A_665 : memref<25104x64xbf16, #tpu.memory_space<vmem_shared>>)
    %dma_wait3A_666 = arith.constant 1 : i32
    %dma_wait3A_667 = arith.constant 1 : i32
    %dma_wait3A_668 = arith.constant 1 : i32
    %dma_wait3A_669 = arith.constant 1 : i32
    %dma_wait3A_670 = arith.constant 0 : i32
    %dma_wait3A_671 = arith.constant 0 : i32
    %dma_wait3A_672 = tpu.memref_slice %arg8[%dma_wait3A_666, %dma_wait3A_667, %dma_wait3A_670, %dma_wait3A_671] : memref<2x2x128x64xbf16, #tpu.memory_space<vmem>> -> memref<1x1x128x64xbf16, #tpu.memory_space<vmem>>
    %dma_wait3A_673 = tpu.memref_squeeze %dma_wait3A_672 : memref<1x1x128x64xbf16, #tpu.memory_space<vmem>> -> memref<128x64xbf16, #tpu.memory_space<vmem>>
    %dma_wait3A_674 = arith.constant 0 : i32
    %dma_wait3A_675 = tpu.memref_slice %arg7[%dma_wait3A_668, %dma_wait3A_669, %dma_wait3A_674] : memref<2x2x128xi32, #tpu.memory_space<vmem>> -> memref<1x1x128xi32, #tpu.memory_space<vmem>>
    %dma_wait3A_676 = tpu.memref_squeeze %dma_wait3A_675 : memref<1x1x128xi32, #tpu.memory_space<vmem>> -> memref<128xi32, #tpu.memory_space<vmem>>
    %dma_wait3A_677 = arith.constant 0 : i32
    %dma_wait3A_678 = arith.constant 0 : i32
    %dma_wait3A_679 = tpu.memref_slice %arg9[%dma_wait3A_677, %dma_wait3A_678] : memref<25104x64xbf16, #tpu.memory_space<vmem_shared>> -> memref<25104x64xbf16, #tpu.memory_space<vmem_shared>>
    tpu.wait_indirect_dma semaphore(%arg13 : memref<!tpu.dma_semaphore, #tpu.memory_space<semaphore_mem>>) src(%dma_wait3A_673 : memref<128x64xbf16, #tpu.memory_space<vmem>>) dst(%dma_wait3A_679 : memref<25104x64xbf16, #tpu.memory_space<vmem_shared>>)
    %dma_wait3A_680 = arith.constant 0 : i32
    %dma_wait3A_681 = arith.constant 0 : i32
    %dma_wait3A_682 = arith.constant 0 : i32
    %dma_wait3A_683 = arith.constant 0 : i32
    %dma_wait3A_684 = arith.constant 0 : i32
    %dma_wait3A_685 = arith.constant 0 : i32
    %dma_wait3A_686 = arith.constant 0 : i32
    %dma_wait3A_687 = tpu.memref_slice %arg8[%dma_wait3A_683, %dma_wait3A_684, %dma_wait3A_685, %dma_wait3A_686] : memref<2x2x128x64xbf16, #tpu.memory_space<vmem>> -> memref<1x1x128x64xbf16, #tpu.memory_space<vmem>>
    %dma_wait3A_688 = tpu.memref_squeeze %dma_wait3A_687 : memref<1x1x128x64xbf16, #tpu.memory_space<vmem>> -> memref<128x64xbf16, #tpu.memory_space<vmem>>
    %dma_wait3A_689 = arith.constant 0 : i32
    %dma_wait3A_690 = tpu.memref_slice %arg6[%dma_wait3A_680, %dma_wait3A_681, %dma_wait3A_682, %dma_wait3A_689] : memref<2x2x2x128xi32, #tpu.memory_space<vmem>> -> memref<1x1x1x128xi32, #tpu.memory_space<vmem>>
    %dma_wait3A_691 = tpu.memref_squeeze %dma_wait3A_690 : memref<1x1x1x128xi32, #tpu.memory_space<vmem>> -> memref<128xi32, #tpu.memory_space<vmem>>
    %dma_wait3A_692 = arith.constant 0 : i32
    %dma_wait3A_693 = arith.constant 0 : i32
    %dma_wait3A_694 = tpu.memref_slice %arg2[%dma_wait3A_692, %dma_wait3A_693] : memref<50176x64xbf16, #tpu.memory_space<hbm>> -> memref<50176x64xbf16, #tpu.memory_space<hbm>>
    tpu.wait_indirect_dma semaphore(%arg10 : memref<!tpu.dma_semaphore, #tpu.memory_space<semaphore_mem>>) src(%dma_wait3A_694 : memref<50176x64xbf16, #tpu.memory_space<hbm>>) dst(%dma_wait3A_688 : memref<128x64xbf16, #tpu.memory_space<vmem>>)
    %dma_wait3A_695 = arith.constant 0 : i32
    %dma_wait3A_696 = arith.constant 1 : i32
    %dma_wait3A_697 = arith.constant 0 : i32
    %dma_wait3A_698 = arith.constant 0 : i32
    %dma_wait3A_699 = arith.constant 1 : i32
    %dma_wait3A_700 = arith.constant 0 : i32
    %dma_wait3A_701 = arith.constant 0 : i32
    %dma_wait3A_702 = tpu.memref_slice %arg8[%dma_wait3A_698, %dma_wait3A_699, %dma_wait3A_700, %dma_wait3A_701] : memref<2x2x128x64xbf16, #tpu.memory_space<vmem>> -> memref<1x1x128x64xbf16, #tpu.memory_space<vmem>>
    %dma_wait3A_703 = tpu.memref_squeeze %dma_wait3A_702 : memref<1x1x128x64xbf16, #tpu.memory_space<vmem>> -> memref<128x64xbf16, #tpu.memory_space<vmem>>
    %dma_wait3A_704 = arith.constant 0 : i32
    %dma_wait3A_705 = tpu.memref_slice %arg6[%dma_wait3A_695, %dma_wait3A_696, %dma_wait3A_697, %dma_wait3A_704] : memref<2x2x2x128xi32, #tpu.memory_space<vmem>> -> memref<1x1x1x128xi32, #tpu.memory_space<vmem>>
    %dma_wait3A_706 = tpu.memref_squeeze %dma_wait3A_705 : memref<1x1x1x128xi32, #tpu.memory_space<vmem>> -> memref<128xi32, #tpu.memory_space<vmem>>
    %dma_wait3A_707 = arith.constant 0 : i32
    %dma_wait3A_708 = arith.constant 0 : i32
    %dma_wait3A_709 = tpu.memref_slice %arg2[%dma_wait3A_707, %dma_wait3A_708] : memref<50176x64xbf16, #tpu.memory_space<hbm>> -> memref<50176x64xbf16, #tpu.memory_space<hbm>>
    tpu.wait_indirect_dma semaphore(%arg10 : memref<!tpu.dma_semaphore, #tpu.memory_space<semaphore_mem>>) src(%dma_wait3A_709 : memref<50176x64xbf16, #tpu.memory_space<hbm>>) dst(%dma_wait3A_703 : memref<128x64xbf16, #tpu.memory_space<vmem>>)
    %barrier3A_710 = arith.constant 0 : index
    tpu.barrier barrier_id(%barrier3A_710)
    %mul3A_711 = arith.constant 1568 : i32
    %mul3A_712 = arith.muli %arg1, %mul3A_711 : i32
    %mul3A_713 = arith.constant 1568 : i32
    %mul3A_714 = arith.muli %arg1, %mul3A_713 : i32
    %add3A_715 = arith.addi %mul3A_0, %mul3A_714 : i32
    "tpu.region"() ({
      %run_scoped3A_716 = tpu.sem_alloc : memref<!tpu.dma_semaphore, #tpu.memory_space<semaphore_mem>>
      %dma_start3A_717 = arith.constant 0 : i32
      %dma_start3A_718 = tpu.memref_slice %arg5[%add3A_715, %dma_start3A_717] : memref<50176x64xbf16, #tpu.memory_space<hbm>> -> memref<1568x64xbf16, #tpu.memory_space<hbm>>
      %dma_start3A_719 = arith.constant 0 : i32
      %dma_start3A_720 = tpu.memref_slice %arg9[%mul3A_712, %dma_start3A_719] : memref<25104x64xbf16, #tpu.memory_space<vmem_shared>> -> memref<1568x64xbf16, #tpu.memory_space<vmem_shared>>
      tpu.enqueue_dma source(%dma_start3A_720 : memref<1568x64xbf16, #tpu.memory_space<vmem_shared>>) target(%dma_start3A_718 : memref<1568x64xbf16, #tpu.memory_space<hbm>>) target_semaphore(%run_scoped3A_716 : memref<!tpu.dma_semaphore, #tpu.memory_space<semaphore_mem>>)
      %dma_wait3A_721 = arith.constant 0 : i32
      %dma_wait3A_722 = tpu.memref_slice %arg5[%add3A_715, %dma_wait3A_721] : memref<50176x64xbf16, #tpu.memory_space<hbm>> -> memref<1568x64xbf16, #tpu.memory_space<hbm>>
      %dma_wait3A_723 = arith.constant 0 : i32
      %dma_wait3A_724 = tpu.memref_slice %arg9[%mul3A_712, %dma_wait3A_723] : memref<25104x64xbf16, #tpu.memory_space<vmem_shared>> -> memref<1568x64xbf16, #tpu.memory_space<vmem_shared>>
      tpu.wait_dma2 semaphore(%run_scoped3A_716 : memref<!tpu.dma_semaphore, #tpu.memory_space<semaphore_mem>>) src(%dma_wait3A_724 : memref<1568x64xbf16, #tpu.memory_space<vmem_shared>>) dst(%dma_wait3A_722 : memref<1568x64xbf16, #tpu.memory_space<hbm>>)
      tpu.yield
    }) : () -> ()
    return
  }
}

#map = affine_map<(d0, d1) -> (0, 0)>
#map1 = affine_map<(d0, d1) -> (0, 0, 0)>
module attributes {stable_mosaic.version = 14 : i64} {
  func.func @agg(%arg0: i32, %arg1: i32, %arg2: memref<50176x64xbf16, #tpu.memory_space<hbm>>, %arg3: memref<6276x2x128xi32, #tpu.memory_space<hbm>>, %arg4: memref<1569x64xbf16, #tpu.memory_space<hbm>>, %arg5: memref<50176x64xbf16, #tpu.memory_space<hbm>>, %arg6: memref<2x2x2x128xi32, #tpu.memory_space<vmem>>, %arg7: memref<2x2x128xi32, #tpu.memory_space<vmem>>, %arg8: memref<2x2x128x64xbf16, #tpu.memory_space<vmem>>, %arg9: memref<25104x64xbf16, #tpu.memory_space<vmem_shared>>, %arg10: memref<!tpu.dma_semaphore, #tpu.memory_space<semaphore_mem>>, %arg11: memref<!tpu.dma_semaphore, #tpu.memory_space<semaphore_mem>>, %arg12: memref<!tpu.dma_semaphore, #tpu.memory_space<semaphore_mem>>, %arg13: memref<!tpu.dma_semaphore, #tpu.memory_space<semaphore_mem>>) attributes {dimension_semantics = [#tpu.dimension_semantics<core_parallel>, #tpu.dimension_semantics<subcore_parallel>], iteration_bounds = array<i64: 2, 16>, scalar_prefetch = 0 : i64, scratch_operands = 8 : i64, tpu.core_type = #tpu.core_type<sc_vector_subcore>, window_params = [{transform_indices = #map}, {transform_indices = #map1}, {transform_indices = #map}, {transform_indices = #map}]} {
    %mul3A = arith.constant 25088 : i32
    %mul3A_0 = arith.muli %arg0, %mul3A : i32
    %mul3A_1 = arith.constant 1569 : i32
    %mul3A_2 = arith.muli %arg1, %mul3A_1 : i32
    "tpu.region"() ({
      %run_scoped3A_716 = tpu.sem_alloc : memref<!tpu.dma_semaphore, #tpu.memory_space<semaphore_mem>>
      %dma_start3A_717 = arith.constant 0 : i32
      %dma_start3A_718 = tpu.memref_slice %arg9[%mul3A_2, %dma_start3A_717] : memref<25104x64xbf16, #tpu.memory_space<vmem_shared>> -> memref<1569x64xbf16, #tpu.memory_space<vmem_shared>>
      tpu.enqueue_dma source(%arg4 : memref<1569x64xbf16, #tpu.memory_space<hbm>>) target(%dma_start3A_718 : memref<1569x64xbf16, #tpu.memory_space<vmem_shared>>) target_semaphore(%run_scoped3A_716 : memref<!tpu.dma_semaphore, #tpu.memory_space<semaphore_mem>>)
      %dma_wait3A_719 = arith.constant 0 : i32
      %dma_wait3A_720 = tpu.memref_slice %arg9[%mul3A_2, %dma_wait3A_719] : memref<25104x64xbf16, #tpu.memory_space<vmem_shared>> -> memref<1569x64xbf16, #tpu.memory_space<vmem_shared>>
      tpu.wait_dma2 semaphore(%run_scoped3A_716 : memref<!tpu.dma_semaphore, #tpu.memory_space<semaphore_mem>>) src(%arg4 : memref<1569x64xbf16, #tpu.memory_space<hbm>>) dst(%dma_wait3A_720 : memref<1569x64xbf16, #tpu.memory_space<vmem_shared>>)
      tpu.yield
    }) : () -> ()
    %barrier3A = arith.constant 0 : index
    tpu.barrier barrier_id(%barrier3A)
    %broadcast_in_dim3A = arith.constant 25088 : i32
    %broadcast_in_dim3A_3 = vector.broadcast %broadcast_in_dim3A : i32 to vector<16xi32>
    %swap3A = arith.constant 1 : i32
    %swap3A_4 = arith.constant 0 : i32
    %swap3A_5 = arith.index_cast %swap3A : i32 to index
    %swap3A_6 = arith.index_cast %swap3A_4 : i32 to index
    %swap3A_7 = arith.constant 0 : index
    %swap3A_8 = tpu.vector_load %arg7[%swap3A_5, %swap3A_6, %swap3A_7] {strides = array<i32>} : memref<2x2x128xi32, #tpu.memory_space<vmem>>, vector<1x1x16xi32>,
    %swap3A_9 = vector.shape_cast %swap3A_8 : vector<1x1x16xi32> to vector<16xi32>
    %swap3A_10 = vector.shape_cast %broadcast_in_dim3A_3 : vector<16xi32> to vector<1x1x16xi32>
    tpu.vector_store %arg7[%swap3A_5, %swap3A_6, %swap3A_7], %swap3A_10 {strides = array<i32>} : memref<2x2x128xi32, #tpu.memory_space<vmem>>, vector<1x1x16xi32>,
    %swap3A_11 = arith.constant 1 : i32
    %swap3A_12 = arith.constant 0 : i32
    %swap3A_13 = arith.index_cast %swap3A_11 : i32 to index
    %swap3A_14 = arith.index_cast %swap3A_12 : i32 to index
    %swap3A_15 = arith.constant 16 : index
    %swap3A_16 = tpu.vector_load %arg7[%swap3A_13, %swap3A_14, %swap3A_15] {strides = array<i32>} : memref<2x2x128xi32, #tpu.memory_space<vmem>>, vector<1x1x16xi32>,
    %swap3A_17 = vector.shape_cast %swap3A_16 : vector<1x1x16xi32> to vector<16xi32>
    %swap3A_18 = vector.shape_cast %broadcast_in_dim3A_3 : vector<16xi32> to vector<1x1x16xi32>
    tpu.vector_store %arg7[%swap3A_13, %swap3A_14, %swap3A_15], %swap3A_18 {strides = array<i32>} : memref<2x2x128xi32, #tpu.memory_space<vmem>>, vector<1x1x16xi32>,
    %swap3A_19 = arith.constant 1 : i32
    %swap3A_20 = arith.constant 0 : i32
    %swap3A_21 = arith.index_cast %swap3A_19 : i32 to index
    %swap3A_22 = arith.index_cast %swap3A_20 : i32 to index
    %swap3A_23 = arith.constant 32 : index
    %swap3A_24 = tpu.vector_load %arg7[%swap3A_21, %swap3A_22, %swap3A_23] {strides = array<i32>} : memref<2x2x128xi32, #tpu.memory_space<vmem>>, vector<1x1x16xi32>,
    %swap3A_25 = vector.shape_cast %swap3A_24 : vector<1x1x16xi32> to vector<16xi32>
    %swap3A_26 = vector.shape_cast %broadcast_in_dim3A_3 : vector<16xi32> to vector<1x1x16xi32>
    tpu.vector_store %arg7[%swap3A_21, %swap3A_22, %swap3A_23], %swap3A_26 {strides = array<i32>} : memref<2x2x128xi32, #tpu.memory_space<vmem>>, vector<1x1x16xi32>,
    %swap3A_27 = arith.constant 1 : i32
    %swap3A_28 = arith.constant 0 : i32
    %swap3A_29 = arith.index_cast %swap3A_27 : i32 to index
    %swap3A_30 = arith.index_cast %swap3A_28 : i32 to index
    %swap3A_31 = arith.constant 48 : index
    %swap3A_32 = tpu.vector_load %arg7[%swap3A_29, %swap3A_30, %swap3A_31] {strides = array<i32>} : memref<2x2x128xi32, #tpu.memory_space<vmem>>, vector<1x1x16xi32>,
    %swap3A_33 = vector.shape_cast %swap3A_32 : vector<1x1x16xi32> to vector<16xi32>
    %swap3A_34 = vector.shape_cast %broadcast_in_dim3A_3 : vector<16xi32> to vector<1x1x16xi32>
    tpu.vector_store %arg7[%swap3A_29, %swap3A_30, %swap3A_31], %swap3A_34 {strides = array<i32>} : memref<2x2x128xi32, #tpu.memory_space<vmem>>, vector<1x1x16xi32>,
    %swap3A_35 = arith.constant 1 : i32
    %swap3A_36 = arith.constant 0 : i32
    %swap3A_37 = arith.index_cast %swap3A_35 : i32 to index
    %swap3A_38 = arith.index_cast %swap3A_36 : i32 to index
    %swap3A_39 = arith.constant 64 : index
    %swap3A_40 = tpu.vector_load %arg7[%swap3A_37, %swap3A_38, %swap3A_39] {strides = array<i32>} : memref<2x2x128xi32, #tpu.memory_space<vmem>>, vector<1x1x16xi32>,
    %swap3A_41 = vector.shape_cast %swap3A_40 : vector<1x1x16xi32> to vector<16xi32>
    %swap3A_42 = vector.shape_cast %broadcast_in_dim3A_3 : vector<16xi32> to vector<1x1x16xi32>
    tpu.vector_store %arg7[%swap3A_37, %swap3A_38, %swap3A_39], %swap3A_42 {strides = array<i32>} : memref<2x2x128xi32, #tpu.memory_space<vmem>>, vector<1x1x16xi32>,
    %swap3A_43 = arith.constant 1 : i32
    %swap3A_44 = arith.constant 0 : i32
    %swap3A_45 = arith.index_cast %swap3A_43 : i32 to index
    %swap3A_46 = arith.index_cast %swap3A_44 : i32 to index
    %swap3A_47 = arith.constant 80 : index
    %swap3A_48 = tpu.vector_load %arg7[%swap3A_45, %swap3A_46, %swap3A_47] {strides = array<i32>} : memref<2x2x128xi32, #tpu.memory_space<vmem>>, vector<1x1x16xi32>,
    %swap3A_49 = vector.shape_cast %swap3A_48 : vector<1x1x16xi32> to vector<16xi32>
    %swap3A_50 = vector.shape_cast %broadcast_in_dim3A_3 : vector<16xi32> to vector<1x1x16xi32>
    tpu.vector_store %arg7[%swap3A_45, %swap3A_46, %swap3A_47], %swap3A_50 {strides = array<i32>} : memref<2x2x128xi32, #tpu.memory_space<vmem>>, vector<1x1x16xi32>,
    %swap3A_51 = arith.constant 1 : i32
    %swap3A_52 = arith.constant 0 : i32
    %swap3A_53 = arith.index_cast %swap3A_51 : i32 to index
    %swap3A_54 = arith.index_cast %swap3A_52 : i32 to index
    %swap3A_55 = arith.constant 96 : index
    %swap3A_56 = tpu.vector_load %arg7[%swap3A_53, %swap3A_54, %swap3A_55] {strides = array<i32>} : memref<2x2x128xi32, #tpu.memory_space<vmem>>, vector<1x1x16xi32>,
    %swap3A_57 = vector.shape_cast %swap3A_56 : vector<1x1x16xi32> to vector<16xi32>
    %swap3A_58 = vector.shape_cast %broadcast_in_dim3A_3 : vector<16xi32> to vector<1x1x16xi32>
    tpu.vector_store %arg7[%swap3A_53, %swap3A_54, %swap3A_55], %swap3A_58 {strides = array<i32>} : memref<2x2x128xi32, #tpu.memory_space<vmem>>, vector<1x1x16xi32>,
    %swap3A_59 = arith.constant 1 : i32
    %swap3A_60 = arith.constant 0 : i32
    %swap3A_61 = arith.index_cast %swap3A_59 : i32 to index
    %swap3A_62 = arith.index_cast %swap3A_60 : i32 to index
    %swap3A_63 = arith.constant 112 : index
    %swap3A_64 = tpu.vector_load %arg7[%swap3A_61, %swap3A_62, %swap3A_63] {strides = array<i32>} : memref<2x2x128xi32, #tpu.memory_space<vmem>>, vector<1x1x16xi32>,
    %swap3A_65 = vector.shape_cast %swap3A_64 : vector<1x1x16xi32> to vector<16xi32>
    %swap3A_66 = vector.shape_cast %broadcast_in_dim3A_3 : vector<16xi32> to vector<1x1x16xi32>
    tpu.vector_store %arg7[%swap3A_61, %swap3A_62, %swap3A_63], %swap3A_66 {strides = array<i32>} : memref<2x2x128xi32, #tpu.memory_space<vmem>>, vector<1x1x16xi32>,
    %swap3A_67 = arith.constant 1 : i32
    %swap3A_68 = arith.constant 1 : i32
    %swap3A_69 = arith.index_cast %swap3A_67 : i32 to index
    %swap3A_70 = arith.index_cast %swap3A_68 : i32 to index
    %swap3A_71 = arith.constant 0 : index
    %swap3A_72 = tpu.vector_load %arg7[%swap3A_69, %swap3A_70, %swap3A_71] {strides = array<i32>} : memref<2x2x128xi32, #tpu.memory_space<vmem>>, vector<1x1x16xi32>,
    %swap3A_73 = vector.shape_cast %swap3A_72 : vector<1x1x16xi32> to vector<16xi32>
    %swap3A_74 = vector.shape_cast %broadcast_in_dim3A_3 : vector<16xi32> to vector<1x1x16xi32>
    tpu.vector_store %arg7[%swap3A_69, %swap3A_70, %swap3A_71], %swap3A_74 {strides = array<i32>} : memref<2x2x128xi32, #tpu.memory_space<vmem>>, vector<1x1x16xi32>,
    %swap3A_75 = arith.constant 1 : i32
    %swap3A_76 = arith.constant 1 : i32
    %swap3A_77 = arith.index_cast %swap3A_75 : i32 to index
    %swap3A_78 = arith.index_cast %swap3A_76 : i32 to index
    %swap3A_79 = arith.constant 16 : index
    %swap3A_80 = tpu.vector_load %arg7[%swap3A_77, %swap3A_78, %swap3A_79] {strides = array<i32>} : memref<2x2x128xi32, #tpu.memory_space<vmem>>, vector<1x1x16xi32>,
    %swap3A_81 = vector.shape_cast %swap3A_80 : vector<1x1x16xi32> to vector<16xi32>
    %swap3A_82 = vector.shape_cast %broadcast_in_dim3A_3 : vector<16xi32> to vector<1x1x16xi32>
    tpu.vector_store %arg7[%swap3A_77, %swap3A_78, %swap3A_79], %swap3A_82 {strides = array<i32>} : memref<2x2x128xi32, #tpu.memory_space<vmem>>, vector<1x1x16xi32>,
    %swap3A_83 = arith.constant 1 : i32
    %swap3A_84 = arith.constant 1 : i32
    %swap3A_85 = arith.index_cast %swap3A_83 : i32 to index
    %swap3A_86 = arith.index_cast %swap3A_84 : i32 to index
    %swap3A_87 = arith.constant 32 : index
    %swap3A_88 = tpu.vector_load %arg7[%swap3A_85, %swap3A_86, %swap3A_87] {strides = array<i32>} : memref<2x2x128xi32, #tpu.memory_space<vmem>>, vector<1x1x16xi32>,
    %swap3A_89 = vector.shape_cast %swap3A_88 : vector<1x1x16xi32> to vector<16xi32>
    %swap3A_90 = vector.shape_cast %broadcast_in_dim3A_3 : vector<16xi32> to vector<1x1x16xi32>
    tpu.vector_store %arg7[%swap3A_85, %swap3A_86, %swap3A_87], %swap3A_90 {strides = array<i32>} : memref<2x2x128xi32, #tpu.memory_space<vmem>>, vector<1x1x16xi32>,
    %swap3A_91 = arith.constant 1 : i32
    %swap3A_92 = arith.constant 1 : i32
    %swap3A_93 = arith.index_cast %swap3A_91 : i32 to index
    %swap3A_94 = arith.index_cast %swap3A_92 : i32 to index
    %swap3A_95 = arith.constant 48 : index
    %swap3A_96 = tpu.vector_load %arg7[%swap3A_93, %swap3A_94, %swap3A_95] {strides = array<i32>} : memref<2x2x128xi32, #tpu.memory_space<vmem>>, vector<1x1x16xi32>,
    %swap3A_97 = vector.shape_cast %swap3A_96 : vector<1x1x16xi32> to vector<16xi32>
    %swap3A_98 = vector.shape_cast %broadcast_in_dim3A_3 : vector<16xi32> to vector<1x1x16xi32>
    tpu.vector_store %arg7[%swap3A_93, %swap3A_94, %swap3A_95], %swap3A_98 {strides = array<i32>} : memref<2x2x128xi32, #tpu.memory_space<vmem>>, vector<1x1x16xi32>,
    %swap3A_99 = arith.constant 1 : i32
    %swap3A_100 = arith.constant 1 : i32
    %swap3A_101 = arith.index_cast %swap3A_99 : i32 to index
    %swap3A_102 = arith.index_cast %swap3A_100 : i32 to index
    %swap3A_103 = arith.constant 64 : index
    %swap3A_104 = tpu.vector_load %arg7[%swap3A_101, %swap3A_102, %swap3A_103] {strides = array<i32>} : memref<2x2x128xi32, #tpu.memory_space<vmem>>, vector<1x1x16xi32>,
    %swap3A_105 = vector.shape_cast %swap3A_104 : vector<1x1x16xi32> to vector<16xi32>
    %swap3A_106 = vector.shape_cast %broadcast_in_dim3A_3 : vector<16xi32> to vector<1x1x16xi32>
    tpu.vector_store %arg7[%swap3A_101, %swap3A_102, %swap3A_103], %swap3A_106 {strides = array<i32>} : memref<2x2x128xi32, #tpu.memory_space<vmem>>, vector<1x1x16xi32>,
    %swap3A_107 = arith.constant 1 : i32
    %swap3A_108 = arith.constant 1 : i32
    %swap3A_109 = arith.index_cast %swap3A_107 : i32 to index
    %swap3A_110 = arith.index_cast %swap3A_108 : i32 to index
    %swap3A_111 = arith.constant 80 : index
    %swap3A_112 = tpu.vector_load %arg7[%swap3A_109, %swap3A_110, %swap3A_111] {strides = array<i32>} : memref<2x2x128xi32, #tpu.memory_space<vmem>>, vector<1x1x16xi32>,
    %swap3A_113 = vector.shape_cast %swap3A_112 : vector<1x1x16xi32> to vector<16xi32>
    %swap3A_114 = vector.shape_cast %broadcast_in_dim3A_3 : vector<16xi32> to vector<1x1x16xi32>
    tpu.vector_store %arg7[%swap3A_109, %swap3A_110, %swap3A_111], %swap3A_114 {strides = array<i32>} : memref<2x2x128xi32, #tpu.memory_space<vmem>>, vector<1x1x16xi32>,
    %swap3A_115 = arith.constant 1 : i32
    %swap3A_116 = arith.constant 1 : i32
    %swap3A_117 = arith.index_cast %swap3A_115 : i32 to index
    %swap3A_118 = arith.index_cast %swap3A_116 : i32 to index
    %swap3A_119 = arith.constant 96 : index
    %swap3A_120 = tpu.vector_load %arg7[%swap3A_117, %swap3A_118, %swap3A_119] {strides = array<i32>} : memref<2x2x128xi32, #tpu.memory_space<vmem>>, vector<1x1x16xi32>,
    %swap3A_121 = vector.shape_cast %swap3A_120 : vector<1x1x16xi32> to vector<16xi32>
    %swap3A_122 = vector.shape_cast %broadcast_in_dim3A_3 : vector<16xi32> to vector<1x1x16xi32>
    tpu.vector_store %arg7[%swap3A_117, %swap3A_118, %swap3A_119], %swap3A_122 {strides = array<i32>} : memref<2x2x128xi32, #tpu.memory_space<vmem>>, vector<1x1x16xi32>,
    %swap3A_123 = arith.constant 1 : i32
    %swap3A_124 = arith.constant 1 : i32
    %swap3A_125 = arith.index_cast %swap3A_123 : i32 to index
    %swap3A_126 = arith.index_cast %swap3A_124 : i32 to index
    %swap3A_127 = arith.constant 112 : index
    %swap3A_128 = tpu.vector_load %arg7[%swap3A_125, %swap3A_126, %swap3A_127] {strides = array<i32>} : memref<2x2x128xi32, #tpu.memory_space<vmem>>, vector<1x1x16xi32>,
    %swap3A_129 = vector.shape_cast %swap3A_128 : vector<1x1x16xi32> to vector<16xi32>
    %swap3A_130 = vector.shape_cast %broadcast_in_dim3A_3 : vector<16xi32> to vector<1x1x16xi32>
    tpu.vector_store %arg7[%swap3A_125, %swap3A_126, %swap3A_127], %swap3A_130 {strides = array<i32>} : memref<2x2x128xi32, #tpu.memory_space<vmem>>, vector<1x1x16xi32>,
    %dma_start3A = arith.constant 1 : i32
    %dma_start3A_131 = arith.constant 0 : i32
    %dma_start3A_132 = arith.constant 1 : i32
    %dma_start3A_133 = arith.constant 0 : i32
    %dma_start3A_134 = arith.constant 0 : i32
    %dma_start3A_135 = arith.constant 0 : i32
    %dma_start3A_136 = tpu.memref_slice %arg8[%dma_start3A, %dma_start3A_131, %dma_start3A_134, %dma_start3A_135] : memref<2x2x128x64xbf16, #tpu.memory_space<vmem>> -> memref<1x1x128x64xbf16, #tpu.memory_space<vmem>>
    %dma_start3A_137 = tpu.memref_squeeze %dma_start3A_136 : memref<1x1x128x64xbf16, #tpu.memory_space<vmem>> -> memref<128x64xbf16, #tpu.memory_space<vmem>>
    %dma_start3A_138 = arith.constant 0 : i32
    %dma_start3A_139 = tpu.memref_slice %arg7[%dma_start3A_132, %dma_start3A_133, %dma_start3A_138] : memref<2x2x128xi32, #tpu.memory_space<vmem>> -> memref<1x1x128xi32, #tpu.memory_space<vmem>>
    %dma_start3A_140 = tpu.memref_squeeze %dma_start3A_139 : memref<1x1x128xi32, #tpu.memory_space<vmem>> -> memref<128xi32, #tpu.memory_space<vmem>>
    %dma_start3A_141 = arith.constant 0 : i32
    %dma_start3A_142 = arith.constant 0 : i32
    %dma_start3A_143 = tpu.memref_slice %arg9[%dma_start3A_141, %dma_start3A_142] : memref<25104x64xbf16, #tpu.memory_space<vmem_shared>> -> memref<25104x64xbf16, #tpu.memory_space<vmem_shared>>
    tpu.enqueue_indirect_dma source(%dma_start3A_137 : memref<128x64xbf16, #tpu.memory_space<vmem>>) target(%dma_start3A_143 : memref<25104x64xbf16, #tpu.memory_space<vmem_shared>>) offsets(%dma_start3A_140 : memref<128xi32, #tpu.memory_space<vmem>>) semaphore(%arg13 : memref<!tpu.dma_semaphore, #tpu.memory_space<semaphore_mem>>) {add = true}
    %dma_start3A_144 = arith.constant 1 : i32
    %dma_start3A_145 = arith.constant 1 : i32
    %dma_start3A_146 = arith.constant 1 : i32
    %dma_start3A_147 = arith.constant 1 : i32
    %dma_start3A_148 = arith.constant 0 : i32
    %dma_start3A_149 = arith.constant 0 : i32
    %dma_start3A_150 = tpu.memref_slice %arg8[%dma_start3A_144, %dma_start3A_145, %dma_start3A_148, %dma_start3A_149] : memref<2x2x128x64xbf16, #tpu.memory_space<vmem>> -> memref<1x1x128x64xbf16, #tpu.memory_space<vmem>>
    %dma_start3A_151 = tpu.memref_squeeze %dma_start3A_150 : memref<1x1x128x64xbf16, #tpu.memory_space<vmem>> -> memref<128x64xbf16, #tpu.memory_space<vmem>>
    %dma_start3A_152 = arith.constant 0 : i32
    %dma_start3A_153 = tpu.memref_slice %arg7[%dma_start3A_146, %dma_start3A_147, %dma_start3A_152] : memref<2x2x128xi32, #tpu.memory_space<vmem>> -> memref<1x1x128xi32, #tpu.memory_space<vmem>>
    %dma_start3A_154 = tpu.memref_squeeze %dma_start3A_153 : memref<1x1x128xi32, #tpu.memory_space<vmem>> -> memref<128xi32, #tpu.memory_space<vmem>>
    %dma_start3A_155 = arith.constant 0 : i32
    %dma_start3A_156 = arith.constant 0 : i32
    %dma_start3A_157 = tpu.memref_slice %arg9[%dma_start3A_155, %dma_start3A_156] : memref<25104x64xbf16, #tpu.memory_space<vmem_shared>> -> memref<25104x64xbf16, #tpu.memory_space<vmem_shared>>
    tpu.enqueue_indirect_dma source(%dma_start3A_151 : memref<128x64xbf16, #tpu.memory_space<vmem>>) target(%dma_start3A_157 : memref<25104x64xbf16, #tpu.memory_space<vmem_shared>>) offsets(%dma_start3A_154 : memref<128xi32, #tpu.memory_space<vmem>>) semaphore(%arg13 : memref<!tpu.dma_semaphore, #tpu.memory_space<semaphore_mem>>) {add = true}
    %mul3A_158 = arith.constant 392 : i32
    %mul3A_159 = arith.muli %arg1, %mul3A_158 : i32
    %add3A = arith.constant 0 : i32
    %add3A_160 = arith.addi %mul3A_159, %add3A : i32
    %run_scoped3A = arith.constant 0 : i32
    "tpu.region"() ({
      %run_scoped3A_716 = tpu.sem_alloc : memref<!tpu.dma_semaphore, #tpu.memory_space<semaphore_mem>>
      %dma_start3A_717 = arith.constant 0 : i32
      %dma_start3A_718 = arith.constant 0 : i32
      %dma_start3A_719 = arith.constant 0 : i32
      %dma_start3A_720 = tpu.memref_slice %arg6[%run_scoped3A, %dma_start3A_717, %dma_start3A_718, %dma_start3A_719] : memref<2x2x2x128xi32, #tpu.memory_space<vmem>> -> memref<1x2x2x128xi32, #tpu.memory_space<vmem>>
      %dma_start3A_721 = tpu.memref_squeeze %dma_start3A_720 : memref<1x2x2x128xi32, #tpu.memory_space<vmem>> -> memref<2x2x128xi32, #tpu.memory_space<vmem>>
      %dma_start3A_722 = arith.constant 0 : i32
      %dma_start3A_723 = arith.constant 0 : i32
      %dma_start3A_724 = tpu.memref_slice %arg3[%add3A_160, %dma_start3A_722, %dma_start3A_723] : memref<6276x2x128xi32, #tpu.memory_space<hbm>> -> memref<2x2x128xi32, #tpu.memory_space<hbm>>
      %dma_start3A_725 = arith.constant 0 : i32
      %dma_start3A_726 = arith.constant 0 : i32
      %dma_start3A_727 = arith.constant 0 : i32
      %dma_start3A_728 = tpu.memref_slice %arg6[%run_scoped3A, %dma_start3A_725, %dma_start3A_726, %dma_start3A_727] : memref<2x2x2x128xi32, #tpu.memory_space<vmem>> -> memref<1x2x2x128xi32, #tpu.memory_space<vmem>>
      %dma_start3A_729 = tpu.memref_squeeze %dma_start3A_728 : memref<1x2x2x128xi32, #tpu.memory_space<vmem>> -> memref<2x2x128xi32, #tpu.memory_space<vmem>>
      %dma_start3A_730 = arith.constant 0 : i32
      %dma_start3A_731 = arith.constant 0 : i32
      %dma_start3A_732 = tpu.memref_slice %arg3[%add3A_160, %dma_start3A_730, %dma_start3A_731] : memref<6276x2x128xi32, #tpu.memory_space<hbm>> -> memref<2x2x128xi32, #tpu.memory_space<hbm>>
      tpu.enqueue_dma source(%dma_start3A_732 : memref<2x2x128xi32, #tpu.memory_space<hbm>>) target(%dma_start3A_729 : memref<2x2x128xi32, #tpu.memory_space<vmem>>) target_semaphore(%run_scoped3A_716 : memref<!tpu.dma_semaphore, #tpu.memory_space<semaphore_mem>>)
      %dma_wait3A_733 = arith.constant 0 : i32
      %dma_wait3A_734 = arith.constant 0 : i32
      %dma_wait3A_735 = arith.constant 0 : i32
      %dma_wait3A_736 = tpu.memref_slice %arg6[%run_scoped3A, %dma_wait3A_733, %dma_wait3A_734, %dma_wait3A_735] : memref<2x2x2x128xi32, #tpu.memory_space<vmem>> -> memref<1x2x2x128xi32, #tpu.memory_space<vmem>>
      %dma_wait3A_737 = tpu.memref_squeeze %dma_wait3A_736 : memref<1x2x2x128xi32, #tpu.memory_space<vmem>> -> memref<2x2x128xi32, #tpu.memory_space<vmem>>
      %dma_wait3A_738 = arith.constant 0 : i32
      %dma_wait3A_739 = arith.constant 0 : i32
      %dma_wait3A_740 = tpu.memref_slice %arg3[%add3A_160, %dma_wait3A_738, %dma_wait3A_739] : memref<6276x2x128xi32, #tpu.memory_space<hbm>> -> memref<2x2x128xi32, #tpu.memory_space<hbm>>
      %dma_wait3A_741 = arith.constant 0 : i32
      %dma_wait3A_742 = arith.constant 0 : i32
      %dma_wait3A_743 = arith.constant 0 : i32
      %dma_wait3A_744 = tpu.memref_slice %arg6[%run_scoped3A, %dma_wait3A_741, %dma_wait3A_742, %dma_wait3A_743] : memref<2x2x2x128xi32, #tpu.memory_space<vmem>> -> memref<1x2x2x128xi32, #tpu.memory_space<vmem>>
      %dma_wait3A_745 = tpu.memref_squeeze %dma_wait3A_744 : memref<1x2x2x128xi32, #tpu.memory_space<vmem>> -> memref<2x2x128xi32, #tpu.memory_space<vmem>>
      %dma_wait3A_746 = arith.constant 0 : i32
      %dma_wait3A_747 = arith.constant 0 : i32
      %dma_wait3A_748 = tpu.memref_slice %arg3[%add3A_160, %dma_wait3A_746, %dma_wait3A_747] : memref<6276x2x128xi32, #tpu.memory_space<hbm>> -> memref<2x2x128xi32, #tpu.memory_space<hbm>>
      tpu.wait_dma2 semaphore(%run_scoped3A_716 : memref<!tpu.dma_semaphore, #tpu.memory_space<semaphore_mem>>) src(%dma_wait3A_748 : memref<2x2x128xi32, #tpu.memory_space<hbm>>) dst(%dma_wait3A_745 : memref<2x2x128xi32, #tpu.memory_space<vmem>>)
      tpu.yield
    }) : () -> ()
    %get3A = arith.constant 0 : i32
    %get3A_161 = arith.constant 0 : i32
    %get3A_162 = arith.constant 1 : i32
    %get3A_163 = arith.index_cast %get3A : i32 to index
    %get3A_164 = arith.index_cast %get3A_161 : i32 to index
    %get3A_165 = arith.index_cast %get3A_162 : i32 to index
    %get3A_166 = arith.constant 0 : index
    %get3A_167 = tpu.vector_load %arg6[%get3A_163, %get3A_164, %get3A_165, %get3A_166] {strides = array<i32>} : memref<2x2x2x128xi32, #tpu.memory_space<vmem>>, vector<1x1x1x16xi32>,
    %get3A_168 = vector.shape_cast %get3A_167 : vector<1x1x1x16xi32> to vector<16xi32>
    %sub3A = vector.broadcast %mul3A_0 : i32 to vector<16xi32>
    %sub3A_169 = arith.subi %get3A_168, %sub3A : vector<16xi32>
    %ge3A = arith.constant 0 : i32
    %ge3A_170 = vector.broadcast %ge3A : i32 to vector<16xi32>
    %ge3A_171 = arith.cmpi sge, %sub3A_169, %ge3A_170 : vector<16xi32>
    %lt3A = arith.constant 25088 : i32
    %lt3A_172 = vector.broadcast %lt3A : i32 to vector<16xi32>
    %lt3A_173 = arith.cmpi slt, %sub3A_169, %lt3A_172 : vector<16xi32>
    %and3A = arith.andi %ge3A_171, %lt3A_173 : vector<16xi1>
    %jit3A = arith.constant 25088 : i32
    %broadcast_in_dim3A_174 = vector.broadcast %jit3A : i32 to vector<16xi32>
    %select_n3A = arith.select %and3A, %sub3A_169, %broadcast_in_dim3A_174 : vector<16xi1>, vector<16xi32>
    %swap3A_175 = arith.constant 0 : i32
    %swap3A_176 = arith.constant 0 : i32
    %swap3A_177 = arith.index_cast %swap3A_175 : i32 to index
    %swap3A_178 = arith.index_cast %swap3A_176 : i32 to index
    %swap3A_179 = arith.constant 0 : index
    %swap3A_180 = tpu.vector_load %arg7[%swap3A_177, %swap3A_178, %swap3A_179] {strides = array<i32>} : memref<2x2x128xi32, #tpu.memory_space<vmem>>, vector<1x1x16xi32>,
    %swap3A_181 = vector.shape_cast %swap3A_180 : vector<1x1x16xi32> to vector<16xi32>
    %swap3A_182 = vector.shape_cast %select_n3A : vector<16xi32> to vector<1x1x16xi32>
    tpu.vector_store %arg7[%swap3A_177, %swap3A_178, %swap3A_179], %swap3A_182 {strides = array<i32>} : memref<2x2x128xi32, #tpu.memory_space<vmem>>, vector<1x1x16xi32>,
    %get3A_183 = arith.constant 0 : i32
    %get3A_184 = arith.constant 0 : i32
    %get3A_185 = arith.constant 1 : i32
    %get3A_186 = arith.index_cast %get3A_183 : i32 to index
    %get3A_187 = arith.index_cast %get3A_184 : i32 to index
    %get3A_188 = arith.index_cast %get3A_185 : i32 to index
    %get3A_189 = arith.constant 16 : index
    %get3A_190 = tpu.vector_load %arg6[%get3A_186, %get3A_187, %get3A_188, %get3A_189] {strides = array<i32>} : memref<2x2x2x128xi32, #tpu.memory_space<vmem>>, vector<1x1x1x16xi32>,
    %get3A_191 = vector.shape_cast %get3A_190 : vector<1x1x1x16xi32> to vector<16xi32>
    %sub3A_192 = vector.broadcast %mul3A_0 : i32 to vector<16xi32>
    %sub3A_193 = arith.subi %get3A_191, %sub3A_192 : vector<16xi32>
    %ge3A_194 = arith.constant 0 : i32
    %ge3A_195 = vector.broadcast %ge3A_194 : i32 to vector<16xi32>
    %ge3A_196 = arith.cmpi sge, %sub3A_193, %ge3A_195 : vector<16xi32>
    %lt3A_197 = arith.constant 25088 : i32
    %lt3A_198 = vector.broadcast %lt3A_197 : i32 to vector<16xi32>
    %lt3A_199 = arith.cmpi slt, %sub3A_193, %lt3A_198 : vector<16xi32>
    %and3A_200 = arith.andi %ge3A_196, %lt3A_199 : vector<16xi1>
    %jit3A_201 = arith.constant 25088 : i32
    %broadcast_in_dim3A_202 = vector.broadcast %jit3A_201 : i32 to vector<16xi32>
    %select_n3A_203 = arith.select %and3A_200, %sub3A_193, %broadcast_in_dim3A_202 : vector<16xi1>, vector<16xi32>
    %swap3A_204 = arith.constant 0 : i32
    %swap3A_205 = arith.constant 0 : i32
    %swap3A_206 = arith.index_cast %swap3A_204 : i32 to index
    %swap3A_207 = arith.index_cast %swap3A_205 : i32 to index
    %swap3A_208 = arith.constant 16 : index
    %swap3A_209 = tpu.vector_load %arg7[%swap3A_206, %swap3A_207, %swap3A_208] {strides = array<i32>} : memref<2x2x128xi32, #tpu.memory_space<vmem>>, vector<1x1x16xi32>,
    %swap3A_210 = vector.shape_cast %swap3A_209 : vector<1x1x16xi32> to vector<16xi32>
    %swap3A_211 = vector.shape_cast %select_n3A_203 : vector<16xi32> to vector<1x1x16xi32>
    tpu.vector_store %arg7[%swap3A_206, %swap3A_207, %swap3A_208], %swap3A_211 {strides = array<i32>} : memref<2x2x128xi32, #tpu.memory_space<vmem>>, vector<1x1x16xi32>,
    %get3A_212 = arith.constant 0 : i32
    %get3A_213 = arith.constant 0 : i32
    %get3A_214 = arith.constant 1 : i32
    %get3A_215 = arith.index_cast %get3A_212 : i32 to index
    %get3A_216 = arith.index_cast %get3A_213 : i32 to index
    %get3A_217 = arith.index_cast %get3A_214 : i32 to index
    %get3A_218 = arith.constant 32 : index
    %get3A_219 = tpu.vector_load %arg6[%get3A_215, %get3A_216, %get3A_217, %get3A_218] {strides = array<i32>} : memref<2x2x2x128xi32, #tpu.memory_space<vmem>>, vector<1x1x1x16xi32>,
    %get3A_220 = vector.shape_cast %get3A_219 : vector<1x1x1x16xi32> to vector<16xi32>
    %sub3A_221 = vector.broadcast %mul3A_0 : i32 to vector<16xi32>
    %sub3A_222 = arith.subi %get3A_220, %sub3A_221 : vector<16xi32>
    %ge3A_223 = arith.constant 0 : i32
    %ge3A_224 = vector.broadcast %ge3A_223 : i32 to vector<16xi32>
    %ge3A_225 = arith.cmpi sge, %sub3A_222, %ge3A_224 : vector<16xi32>
    %lt3A_226 = arith.constant 25088 : i32
    %lt3A_227 = vector.broadcast %lt3A_226 : i32 to vector<16xi32>
    %lt3A_228 = arith.cmpi slt, %sub3A_222, %lt3A_227 : vector<16xi32>
    %and3A_229 = arith.andi %ge3A_225, %lt3A_228 : vector<16xi1>
    %jit3A_230 = arith.constant 25088 : i32
    %broadcast_in_dim3A_231 = vector.broadcast %jit3A_230 : i32 to vector<16xi32>
    %select_n3A_232 = arith.select %and3A_229, %sub3A_222, %broadcast_in_dim3A_231 : vector<16xi1>, vector<16xi32>
    %swap3A_233 = arith.constant 0 : i32
    %swap3A_234 = arith.constant 0 : i32
    %swap3A_235 = arith.index_cast %swap3A_233 : i32 to index
    %swap3A_236 = arith.index_cast %swap3A_234 : i32 to index
    %swap3A_237 = arith.constant 32 : index
    %swap3A_238 = tpu.vector_load %arg7[%swap3A_235, %swap3A_236, %swap3A_237] {strides = array<i32>} : memref<2x2x128xi32, #tpu.memory_space<vmem>>, vector<1x1x16xi32>,
    %swap3A_239 = vector.shape_cast %swap3A_238 : vector<1x1x16xi32> to vector<16xi32>
    %swap3A_240 = vector.shape_cast %select_n3A_232 : vector<16xi32> to vector<1x1x16xi32>
    tpu.vector_store %arg7[%swap3A_235, %swap3A_236, %swap3A_237], %swap3A_240 {strides = array<i32>} : memref<2x2x128xi32, #tpu.memory_space<vmem>>, vector<1x1x16xi32>,
    %get3A_241 = arith.constant 0 : i32
    %get3A_242 = arith.constant 0 : i32
    %get3A_243 = arith.constant 1 : i32
    %get3A_244 = arith.index_cast %get3A_241 : i32 to index
    %get3A_245 = arith.index_cast %get3A_242 : i32 to index
    %get3A_246 = arith.index_cast %get3A_243 : i32 to index
    %get3A_247 = arith.constant 48 : index
    %get3A_248 = tpu.vector_load %arg6[%get3A_244, %get3A_245, %get3A_246, %get3A_247] {strides = array<i32>} : memref<2x2x2x128xi32, #tpu.memory_space<vmem>>, vector<1x1x1x16xi32>,
    %get3A_249 = vector.shape_cast %get3A_248 : vector<1x1x1x16xi32> to vector<16xi32>
    %sub3A_250 = vector.broadcast %mul3A_0 : i32 to vector<16xi32>
    %sub3A_251 = arith.subi %get3A_249, %sub3A_250 : vector<16xi32>
    %ge3A_252 = arith.constant 0 : i32
    %ge3A_253 = vector.broadcast %ge3A_252 : i32 to vector<16xi32>
    %ge3A_254 = arith.cmpi sge, %sub3A_251, %ge3A_253 : vector<16xi32>
    %lt3A_255 = arith.constant 25088 : i32
    %lt3A_256 = vector.broadcast %lt3A_255 : i32 to vector<16xi32>
    %lt3A_257 = arith.cmpi slt, %sub3A_251, %lt3A_256 : vector<16xi32>
    %and3A_258 = arith.andi %ge3A_254, %lt3A_257 : vector<16xi1>
    %jit3A_259 = arith.constant 25088 : i32
    %broadcast_in_dim3A_260 = vector.broadcast %jit3A_259 : i32 to vector<16xi32>
    %select_n3A_261 = arith.select %and3A_258, %sub3A_251, %broadcast_in_dim3A_260 : vector<16xi1>, vector<16xi32>
    %swap3A_262 = arith.constant 0 : i32
    %swap3A_263 = arith.constant 0 : i32
    %swap3A_264 = arith.index_cast %swap3A_262 : i32 to index
    %swap3A_265 = arith.index_cast %swap3A_263 : i32 to index
    %swap3A_266 = arith.constant 48 : index
    %swap3A_267 = tpu.vector_load %arg7[%swap3A_264, %swap3A_265, %swap3A_266] {strides = array<i32>} : memref<2x2x128xi32, #tpu.memory_space<vmem>>, vector<1x1x16xi32>,
    %swap3A_268 = vector.shape_cast %swap3A_267 : vector<1x1x16xi32> to vector<16xi32>
    %swap3A_269 = vector.shape_cast %select_n3A_261 : vector<16xi32> to vector<1x1x16xi32>
    tpu.vector_store %arg7[%swap3A_264, %swap3A_265, %swap3A_266], %swap3A_269 {strides = array<i32>} : memref<2x2x128xi32, #tpu.memory_space<vmem>>, vector<1x1x16xi32>,
    %get3A_270 = arith.constant 0 : i32
    %get3A_271 = arith.constant 0 : i32
    %get3A_272 = arith.constant 1 : i32
    %get3A_273 = arith.index_cast %get3A_270 : i32 to index
    %get3A_274 = arith.index_cast %get3A_271 : i32 to index
    %get3A_275 = arith.index_cast %get3A_272 : i32 to index
    %get3A_276 = arith.constant 64 : index
    %get3A_277 = tpu.vector_load %arg6[%get3A_273, %get3A_274, %get3A_275, %get3A_276] {strides = array<i32>} : memref<2x2x2x128xi32, #tpu.memory_space<vmem>>, vector<1x1x1x16xi32>,
    %get3A_278 = vector.shape_cast %get3A_277 : vector<1x1x1x16xi32> to vector<16xi32>
    %sub3A_279 = vector.broadcast %mul3A_0 : i32 to vector<16xi32>
    %sub3A_280 = arith.subi %get3A_278, %sub3A_279 : vector<16xi32>
    %ge3A_281 = arith.constant 0 : i32
    %ge3A_282 = vector.broadcast %ge3A_281 : i32 to vector<16xi32>
    %ge3A_283 = arith.cmpi sge, %sub3A_280, %ge3A_282 : vector<16xi32>
    %lt3A_284 = arith.constant 25088 : i32
    %lt3A_285 = vector.broadcast %lt3A_284 : i32 to vector<16xi32>
    %lt3A_286 = arith.cmpi slt, %sub3A_280, %lt3A_285 : vector<16xi32>
    %and3A_287 = arith.andi %ge3A_283, %lt3A_286 : vector<16xi1>
    %jit3A_288 = arith.constant 25088 : i32
    %broadcast_in_dim3A_289 = vector.broadcast %jit3A_288 : i32 to vector<16xi32>
    %select_n3A_290 = arith.select %and3A_287, %sub3A_280, %broadcast_in_dim3A_289 : vector<16xi1>, vector<16xi32>
    %swap3A_291 = arith.constant 0 : i32
    %swap3A_292 = arith.constant 0 : i32
    %swap3A_293 = arith.index_cast %swap3A_291 : i32 to index
    %swap3A_294 = arith.index_cast %swap3A_292 : i32 to index
    %swap3A_295 = arith.constant 64 : index
    %swap3A_296 = tpu.vector_load %arg7[%swap3A_293, %swap3A_294, %swap3A_295] {strides = array<i32>} : memref<2x2x128xi32, #tpu.memory_space<vmem>>, vector<1x1x16xi32>,
    %swap3A_297 = vector.shape_cast %swap3A_296 : vector<1x1x16xi32> to vector<16xi32>
    %swap3A_298 = vector.shape_cast %select_n3A_290 : vector<16xi32> to vector<1x1x16xi32>
    tpu.vector_store %arg7[%swap3A_293, %swap3A_294, %swap3A_295], %swap3A_298 {strides = array<i32>} : memref<2x2x128xi32, #tpu.memory_space<vmem>>, vector<1x1x16xi32>,
    %get3A_299 = arith.constant 0 : i32
    %get3A_300 = arith.constant 0 : i32
    %get3A_301 = arith.constant 1 : i32
    %get3A_302 = arith.index_cast %get3A_299 : i32 to index
    %get3A_303 = arith.index_cast %get3A_300 : i32 to index
    %get3A_304 = arith.index_cast %get3A_301 : i32 to index
    %get3A_305 = arith.constant 80 : index
    %get3A_306 = tpu.vector_load %arg6[%get3A_302, %get3A_303, %get3A_304, %get3A_305] {strides = array<i32>} : memref<2x2x2x128xi32, #tpu.memory_space<vmem>>, vector<1x1x1x16xi32>,
    %get3A_307 = vector.shape_cast %get3A_306 : vector<1x1x1x16xi32> to vector<16xi32>
    %sub3A_308 = vector.broadcast %mul3A_0 : i32 to vector<16xi32>
    %sub3A_309 = arith.subi %get3A_307, %sub3A_308 : vector<16xi32>
    %ge3A_310 = arith.constant 0 : i32
    %ge3A_311 = vector.broadcast %ge3A_310 : i32 to vector<16xi32>
    %ge3A_312 = arith.cmpi sge, %sub3A_309, %ge3A_311 : vector<16xi32>
    %lt3A_313 = arith.constant 25088 : i32
    %lt3A_314 = vector.broadcast %lt3A_313 : i32 to vector<16xi32>
    %lt3A_315 = arith.cmpi slt, %sub3A_309, %lt3A_314 : vector<16xi32>
    %and3A_316 = arith.andi %ge3A_312, %lt3A_315 : vector<16xi1>
    %jit3A_317 = arith.constant 25088 : i32
    %broadcast_in_dim3A_318 = vector.broadcast %jit3A_317 : i32 to vector<16xi32>
    %select_n3A_319 = arith.select %and3A_316, %sub3A_309, %broadcast_in_dim3A_318 : vector<16xi1>, vector<16xi32>
    %swap3A_320 = arith.constant 0 : i32
    %swap3A_321 = arith.constant 0 : i32
    %swap3A_322 = arith.index_cast %swap3A_320 : i32 to index
    %swap3A_323 = arith.index_cast %swap3A_321 : i32 to index
    %swap3A_324 = arith.constant 80 : index
    %swap3A_325 = tpu.vector_load %arg7[%swap3A_322, %swap3A_323, %swap3A_324] {strides = array<i32>} : memref<2x2x128xi32, #tpu.memory_space<vmem>>, vector<1x1x16xi32>,
    %swap3A_326 = vector.shape_cast %swap3A_325 : vector<1x1x16xi32> to vector<16xi32>
    %swap3A_327 = vector.shape_cast %select_n3A_319 : vector<16xi32> to vector<1x1x16xi32>
    tpu.vector_store %arg7[%swap3A_322, %swap3A_323, %swap3A_324], %swap3A_327 {strides = array<i32>} : memref<2x2x128xi32, #tpu.memory_space<vmem>>, vector<1x1x16xi32>,
    %get3A_328 = arith.constant 0 : i32
    %get3A_329 = arith.constant 0 : i32
    %get3A_330 = arith.constant 1 : i32
    %get3A_331 = arith.index_cast %get3A_328 : i32 to index
    %get3A_332 = arith.index_cast %get3A_329 : i32 to index
    %get3A_333 = arith.index_cast %get3A_330 : i32 to index
    %get3A_334 = arith.constant 96 : index
    %get3A_335 = tpu.vector_load %arg6[%get3A_331, %get3A_332, %get3A_333, %get3A_334] {strides = array<i32>} : memref<2x2x2x128xi32, #tpu.memory_space<vmem>>, vector<1x1x1x16xi32>,
    %get3A_336 = vector.shape_cast %get3A_335 : vector<1x1x1x16xi32> to vector<16xi32>
    %sub3A_337 = vector.broadcast %mul3A_0 : i32 to vector<16xi32>
    %sub3A_338 = arith.subi %get3A_336, %sub3A_337 : vector<16xi32>
    %ge3A_339 = arith.constant 0 : i32
    %ge3A_340 = vector.broadcast %ge3A_339 : i32 to vector<16xi32>
    %ge3A_341 = arith.cmpi sge, %sub3A_338, %ge3A_340 : vector<16xi32>
    %lt3A_342 = arith.constant 25088 : i32
    %lt3A_343 = vector.broadcast %lt3A_342 : i32 to vector<16xi32>
    %lt3A_344 = arith.cmpi slt, %sub3A_338, %lt3A_343 : vector<16xi32>
    %and3A_345 = arith.andi %ge3A_341, %lt3A_344 : vector<16xi1>
    %jit3A_346 = arith.constant 25088 : i32
    %broadcast_in_dim3A_347 = vector.broadcast %jit3A_346 : i32 to vector<16xi32>
    %select_n3A_348 = arith.select %and3A_345, %sub3A_338, %broadcast_in_dim3A_347 : vector<16xi1>, vector<16xi32>
    %swap3A_349 = arith.constant 0 : i32
    %swap3A_350 = arith.constant 0 : i32
    %swap3A_351 = arith.index_cast %swap3A_349 : i32 to index
    %swap3A_352 = arith.index_cast %swap3A_350 : i32 to index
    %swap3A_353 = arith.constant 96 : index
    %swap3A_354 = tpu.vector_load %arg7[%swap3A_351, %swap3A_352, %swap3A_353] {strides = array<i32>} : memref<2x2x128xi32, #tpu.memory_space<vmem>>, vector<1x1x16xi32>,
    %swap3A_355 = vector.shape_cast %swap3A_354 : vector<1x1x16xi32> to vector<16xi32>
    %swap3A_356 = vector.shape_cast %select_n3A_348 : vector<16xi32> to vector<1x1x16xi32>
    tpu.vector_store %arg7[%swap3A_351, %swap3A_352, %swap3A_353], %swap3A_356 {strides = array<i32>} : memref<2x2x128xi32, #tpu.memory_space<vmem>>, vector<1x1x16xi32>,
    %get3A_357 = arith.constant 0 : i32
    %get3A_358 = arith.constant 0 : i32
    %get3A_359 = arith.constant 1 : i32
    %get3A_360 = arith.index_cast %get3A_357 : i32 to index
    %get3A_361 = arith.index_cast %get3A_358 : i32 to index
    %get3A_362 = arith.index_cast %get3A_359 : i32 to index
    %get3A_363 = arith.constant 112 : index
    %get3A_364 = tpu.vector_load %arg6[%get3A_360, %get3A_361, %get3A_362, %get3A_363] {strides = array<i32>} : memref<2x2x2x128xi32, #tpu.memory_space<vmem>>, vector<1x1x1x16xi32>,
    %get3A_365 = vector.shape_cast %get3A_364 : vector<1x1x1x16xi32> to vector<16xi32>
    %sub3A_366 = vector.broadcast %mul3A_0 : i32 to vector<16xi32>
    %sub3A_367 = arith.subi %get3A_365, %sub3A_366 : vector<16xi32>
    %ge3A_368 = arith.constant 0 : i32
    %ge3A_369 = vector.broadcast %ge3A_368 : i32 to vector<16xi32>
    %ge3A_370 = arith.cmpi sge, %sub3A_367, %ge3A_369 : vector<16xi32>
    %lt3A_371 = arith.constant 25088 : i32
    %lt3A_372 = vector.broadcast %lt3A_371 : i32 to vector<16xi32>
    %lt3A_373 = arith.cmpi slt, %sub3A_367, %lt3A_372 : vector<16xi32>
    %and3A_374 = arith.andi %ge3A_370, %lt3A_373 : vector<16xi1>
    %jit3A_375 = arith.constant 25088 : i32
    %broadcast_in_dim3A_376 = vector.broadcast %jit3A_375 : i32 to vector<16xi32>
    %select_n3A_377 = arith.select %and3A_374, %sub3A_367, %broadcast_in_dim3A_376 : vector<16xi1>, vector<16xi32>
    %swap3A_378 = arith.constant 0 : i32
    %swap3A_379 = arith.constant 0 : i32
    %swap3A_380 = arith.index_cast %swap3A_378 : i32 to index
    %swap3A_381 = arith.index_cast %swap3A_379 : i32 to index
    %swap3A_382 = arith.constant 112 : index
    %swap3A_383 = tpu.vector_load %arg7[%swap3A_380, %swap3A_381, %swap3A_382] {strides = array<i32>} : memref<2x2x128xi32, #tpu.memory_space<vmem>>, vector<1x1x16xi32>,
    %swap3A_384 = vector.shape_cast %swap3A_383 : vector<1x1x16xi32> to vector<16xi32>
    %swap3A_385 = vector.shape_cast %select_n3A_377 : vector<16xi32> to vector<1x1x16xi32>
    tpu.vector_store %arg7[%swap3A_380, %swap3A_381, %swap3A_382], %swap3A_385 {strides = array<i32>} : memref<2x2x128xi32, #tpu.memory_space<vmem>>, vector<1x1x16xi32>,
    %get3A_386 = arith.constant 0 : i32
    %get3A_387 = arith.constant 1 : i32
    %get3A_388 = arith.constant 1 : i32
    %get3A_389 = arith.index_cast %get3A_386 : i32 to index
    %get3A_390 = arith.index_cast %get3A_387 : i32 to index
    %get3A_391 = arith.index_cast %get3A_388 : i32 to index
    %get3A_392 = arith.constant 0 : index
    %get3A_393 = tpu.vector_load %arg6[%get3A_389, %get3A_390, %get3A_391, %get3A_392] {strides = array<i32>} : memref<2x2x2x128xi32, #tpu.memory_space<vmem>>, vector<1x1x1x16xi32>,
    %get3A_394 = vector.shape_cast %get3A_393 : vector<1x1x1x16xi32> to vector<16xi32>
    %sub3A_395 = vector.broadcast %mul3A_0 : i32 to vector<16xi32>
    %sub3A_396 = arith.subi %get3A_394, %sub3A_395 : vector<16xi32>
    %ge3A_397 = arith.constant 0 : i32
    %ge3A_398 = vector.broadcast %ge3A_397 : i32 to vector<16xi32>
    %ge3A_399 = arith.cmpi sge, %sub3A_396, %ge3A_398 : vector<16xi32>
    %lt3A_400 = arith.constant 25088 : i32
    %lt3A_401 = vector.broadcast %lt3A_400 : i32 to vector<16xi32>
    %lt3A_402 = arith.cmpi slt, %sub3A_396, %lt3A_401 : vector<16xi32>
    %and3A_403 = arith.andi %ge3A_399, %lt3A_402 : vector<16xi1>
    %jit3A_404 = arith.constant 25088 : i32
    %broadcast_in_dim3A_405 = vector.broadcast %jit3A_404 : i32 to vector<16xi32>
    %select_n3A_406 = arith.select %and3A_403, %sub3A_396, %broadcast_in_dim3A_405 : vector<16xi1>, vector<16xi32>
    %swap3A_407 = arith.constant 0 : i32
    %swap3A_408 = arith.constant 1 : i32
    %swap3A_409 = arith.index_cast %swap3A_407 : i32 to index
    %swap3A_410 = arith.index_cast %swap3A_408 : i32 to index
    %swap3A_411 = arith.constant 0 : index
    %swap3A_412 = tpu.vector_load %arg7[%swap3A_409, %swap3A_410, %swap3A_411] {strides = array<i32>} : memref<2x2x128xi32, #tpu.memory_space<vmem>>, vector<1x1x16xi32>,
    %swap3A_413 = vector.shape_cast %swap3A_412 : vector<1x1x16xi32> to vector<16xi32>
    %swap3A_414 = vector.shape_cast %select_n3A_406 : vector<16xi32> to vector<1x1x16xi32>
    tpu.vector_store %arg7[%swap3A_409, %swap3A_410, %swap3A_411], %swap3A_414 {strides = array<i32>} : memref<2x2x128xi32, #tpu.memory_space<vmem>>, vector<1x1x16xi32>,
    %get3A_415 = arith.constant 0 : i32
    %get3A_416 = arith.constant 1 : i32
    %get3A_417 = arith.constant 1 : i32
    %get3A_418 = arith.index_cast %get3A_415 : i32 to index
    %get3A_419 = arith.index_cast %get3A_416 : i32 to index
    %get3A_420 = arith.index_cast %get3A_417 : i32 to index
    %get3A_421 = arith.constant 16 : index
    %get3A_422 = tpu.vector_load %arg6[%get3A_418, %get3A_419, %get3A_420, %get3A_421] {strides = array<i32>} : memref<2x2x2x128xi32, #tpu.memory_space<vmem>>, vector<1x1x1x16xi32>,
    %get3A_423 = vector.shape_cast %get3A_422 : vector<1x1x1x16xi32> to vector<16xi32>
    %sub3A_424 = vector.broadcast %mul3A_0 : i32 to vector<16xi32>
    %sub3A_425 = arith.subi %get3A_423, %sub3A_424 : vector<16xi32>
    %ge3A_426 = arith.constant 0 : i32
    %ge3A_427 = vector.broadcast %ge3A_426 : i32 to vector<16xi32>
    %ge3A_428 = arith.cmpi sge, %sub3A_425, %ge3A_427 : vector<16xi32>
    %lt3A_429 = arith.constant 25088 : i32
    %lt3A_430 = vector.broadcast %lt3A_429 : i32 to vector<16xi32>
    %lt3A_431 = arith.cmpi slt, %sub3A_425, %lt3A_430 : vector<16xi32>
    %and3A_432 = arith.andi %ge3A_428, %lt3A_431 : vector<16xi1>
    %jit3A_433 = arith.constant 25088 : i32
    %broadcast_in_dim3A_434 = vector.broadcast %jit3A_433 : i32 to vector<16xi32>
    %select_n3A_435 = arith.select %and3A_432, %sub3A_425, %broadcast_in_dim3A_434 : vector<16xi1>, vector<16xi32>
    %swap3A_436 = arith.constant 0 : i32
    %swap3A_437 = arith.constant 1 : i32
    %swap3A_438 = arith.index_cast %swap3A_436 : i32 to index
    %swap3A_439 = arith.index_cast %swap3A_437 : i32 to index
    %swap3A_440 = arith.constant 16 : index
    %swap3A_441 = tpu.vector_load %arg7[%swap3A_438, %swap3A_439, %swap3A_440] {strides = array<i32>} : memref<2x2x128xi32, #tpu.memory_space<vmem>>, vector<1x1x16xi32>,
    %swap3A_442 = vector.shape_cast %swap3A_441 : vector<1x1x16xi32> to vector<16xi32>
    %swap3A_443 = vector.shape_cast %select_n3A_435 : vector<16xi32> to vector<1x1x16xi32>
    tpu.vector_store %arg7[%swap3A_438, %swap3A_439, %swap3A_440], %swap3A_443 {strides = array<i32>} : memref<2x2x128xi32, #tpu.memory_space<vmem>>, vector<1x1x16xi32>,
    %get3A_444 = arith.constant 0 : i32
    %get3A_445 = arith.constant 1 : i32
    %get3A_446 = arith.constant 1 : i32
    %get3A_447 = arith.index_cast %get3A_444 : i32 to index
    %get3A_448 = arith.index_cast %get3A_445 : i32 to index
    %get3A_449 = arith.index_cast %get3A_446 : i32 to index
    %get3A_450 = arith.constant 32 : index
    %get3A_451 = tpu.vector_load %arg6[%get3A_447, %get3A_448, %get3A_449, %get3A_450] {strides = array<i32>} : memref<2x2x2x128xi32, #tpu.memory_space<vmem>>, vector<1x1x1x16xi32>,
    %get3A_452 = vector.shape_cast %get3A_451 : vector<1x1x1x16xi32> to vector<16xi32>
    %sub3A_453 = vector.broadcast %mul3A_0 : i32 to vector<16xi32>
    %sub3A_454 = arith.subi %get3A_452, %sub3A_453 : vector<16xi32>
    %ge3A_455 = arith.constant 0 : i32
    %ge3A_456 = vector.broadcast %ge3A_455 : i32 to vector<16xi32>
    %ge3A_457 = arith.cmpi sge, %sub3A_454, %ge3A_456 : vector<16xi32>
    %lt3A_458 = arith.constant 25088 : i32
    %lt3A_459 = vector.broadcast %lt3A_458 : i32 to vector<16xi32>
    %lt3A_460 = arith.cmpi slt, %sub3A_454, %lt3A_459 : vector<16xi32>
    %and3A_461 = arith.andi %ge3A_457, %lt3A_460 : vector<16xi1>
    %jit3A_462 = arith.constant 25088 : i32
    %broadcast_in_dim3A_463 = vector.broadcast %jit3A_462 : i32 to vector<16xi32>
    %select_n3A_464 = arith.select %and3A_461, %sub3A_454, %broadcast_in_dim3A_463 : vector<16xi1>, vector<16xi32>
    %swap3A_465 = arith.constant 0 : i32
    %swap3A_466 = arith.constant 1 : i32
    %swap3A_467 = arith.index_cast %swap3A_465 : i32 to index
    %swap3A_468 = arith.index_cast %swap3A_466 : i32 to index
    %swap3A_469 = arith.constant 32 : index
    %swap3A_470 = tpu.vector_load %arg7[%swap3A_467, %swap3A_468, %swap3A_469] {strides = array<i32>} : memref<2x2x128xi32, #tpu.memory_space<vmem>>, vector<1x1x16xi32>,
    %swap3A_471 = vector.shape_cast %swap3A_470 : vector<1x1x16xi32> to vector<16xi32>
    %swap3A_472 = vector.shape_cast %select_n3A_464 : vector<16xi32> to vector<1x1x16xi32>
    tpu.vector_store %arg7[%swap3A_467, %swap3A_468, %swap3A_469], %swap3A_472 {strides = array<i32>} : memref<2x2x128xi32, #tpu.memory_space<vmem>>, vector<1x1x16xi32>,
    %get3A_473 = arith.constant 0 : i32
    %get3A_474 = arith.constant 1 : i32
    %get3A_475 = arith.constant 1 : i32
    %get3A_476 = arith.index_cast %get3A_473 : i32 to index
    %get3A_477 = arith.index_cast %get3A_474 : i32 to index
    %get3A_478 = arith.index_cast %get3A_475 : i32 to index
    %get3A_479 = arith.constant 48 : index
    %get3A_480 = tpu.vector_load %arg6[%get3A_476, %get3A_477, %get3A_478, %get3A_479] {strides = array<i32>} : memref<2x2x2x128xi32, #tpu.memory_space<vmem>>, vector<1x1x1x16xi32>,
    %get3A_481 = vector.shape_cast %get3A_480 : vector<1x1x1x16xi32> to vector<16xi32>
    %sub3A_482 = vector.broadcast %mul3A_0 : i32 to vector<16xi32>
    %sub3A_483 = arith.subi %get3A_481, %sub3A_482 : vector<16xi32>
    %ge3A_484 = arith.constant 0 : i32
    %ge3A_485 = vector.broadcast %ge3A_484 : i32 to vector<16xi32>
    %ge3A_486 = arith.cmpi sge, %sub3A_483, %ge3A_485 : vector<16xi32>
    %lt3A_487 = arith.constant 25088 : i32
    %lt3A_488 = vector.broadcast %lt3A_487 : i32 to vector<16xi32>
    %lt3A_489 = arith.cmpi slt, %sub3A_483, %lt3A_488 : vector<16xi32>
    %and3A_490 = arith.andi %ge3A_486, %lt3A_489 : vector<16xi1>
    %jit3A_491 = arith.constant 25088 : i32
    %broadcast_in_dim3A_492 = vector.broadcast %jit3A_491 : i32 to vector<16xi32>
    %select_n3A_493 = arith.select %and3A_490, %sub3A_483, %broadcast_in_dim3A_492 : vector<16xi1>, vector<16xi32>
    %swap3A_494 = arith.constant 0 : i32
    %swap3A_495 = arith.constant 1 : i32
    %swap3A_496 = arith.index_cast %swap3A_494 : i32 to index
    %swap3A_497 = arith.index_cast %swap3A_495 : i32 to index
    %swap3A_498 = arith.constant 48 : index
    %swap3A_499 = tpu.vector_load %arg7[%swap3A_496, %swap3A_497, %swap3A_498] {strides = array<i32>} : memref<2x2x128xi32, #tpu.memory_space<vmem>>, vector<1x1x16xi32>,
    %swap3A_500 = vector.shape_cast %swap3A_499 : vector<1x1x16xi32> to vector<16xi32>
    %swap3A_501 = vector.shape_cast %select_n3A_493 : vector<16xi32> to vector<1x1x16xi32>
    tpu.vector_store %arg7[%swap3A_496, %swap3A_497, %swap3A_498], %swap3A_501 {strides = array<i32>} : memref<2x2x128xi32, #tpu.memory_space<vmem>>, vector<1x1x16xi32>,
    %get3A_502 = arith.constant 0 : i32
    %get3A_503 = arith.constant 1 : i32
    %get3A_504 = arith.constant 1 : i32
    %get3A_505 = arith.index_cast %get3A_502 : i32 to index
    %get3A_506 = arith.index_cast %get3A_503 : i32 to index
    %get3A_507 = arith.index_cast %get3A_504 : i32 to index
    %get3A_508 = arith.constant 64 : index
    %get3A_509 = tpu.vector_load %arg6[%get3A_505, %get3A_506, %get3A_507, %get3A_508] {strides = array<i32>} : memref<2x2x2x128xi32, #tpu.memory_space<vmem>>, vector<1x1x1x16xi32>,
    %get3A_510 = vector.shape_cast %get3A_509 : vector<1x1x1x16xi32> to vector<16xi32>
    %sub3A_511 = vector.broadcast %mul3A_0 : i32 to vector<16xi32>
    %sub3A_512 = arith.subi %get3A_510, %sub3A_511 : vector<16xi32>
    %ge3A_513 = arith.constant 0 : i32
    %ge3A_514 = vector.broadcast %ge3A_513 : i32 to vector<16xi32>
    %ge3A_515 = arith.cmpi sge, %sub3A_512, %ge3A_514 : vector<16xi32>
    %lt3A_516 = arith.constant 25088 : i32
    %lt3A_517 = vector.broadcast %lt3A_516 : i32 to vector<16xi32>
    %lt3A_518 = arith.cmpi slt, %sub3A_512, %lt3A_517 : vector<16xi32>
    %and3A_519 = arith.andi %ge3A_515, %lt3A_518 : vector<16xi1>
    %jit3A_520 = arith.constant 25088 : i32
    %broadcast_in_dim3A_521 = vector.broadcast %jit3A_520 : i32 to vector<16xi32>
    %select_n3A_522 = arith.select %and3A_519, %sub3A_512, %broadcast_in_dim3A_521 : vector<16xi1>, vector<16xi32>
    %swap3A_523 = arith.constant 0 : i32
    %swap3A_524 = arith.constant 1 : i32
    %swap3A_525 = arith.index_cast %swap3A_523 : i32 to index
    %swap3A_526 = arith.index_cast %swap3A_524 : i32 to index
    %swap3A_527 = arith.constant 64 : index
    %swap3A_528 = tpu.vector_load %arg7[%swap3A_525, %swap3A_526, %swap3A_527] {strides = array<i32>} : memref<2x2x128xi32, #tpu.memory_space<vmem>>, vector<1x1x16xi32>,
    %swap3A_529 = vector.shape_cast %swap3A_528 : vector<1x1x16xi32> to vector<16xi32>
    %swap3A_530 = vector.shape_cast %select_n3A_522 : vector<16xi32> to vector<1x1x16xi32>
    tpu.vector_store %arg7[%swap3A_525, %swap3A_526, %swap3A_527], %swap3A_530 {strides = array<i32>} : memref<2x2x128xi32, #tpu.memory_space<vmem>>, vector<1x1x16xi32>,
    %get3A_531 = arith.constant 0 : i32
    %get3A_532 = arith.constant 1 : i32
    %get3A_533 = arith.constant 1 : i32
    %get3A_534 = arith.index_cast %get3A_531 : i32 to index
    %get3A_535 = arith.index_cast %get3A_532 : i32 to index
    %get3A_536 = arith.index_cast %get3A_533 : i32 to index
    %get3A_537 = arith.constant 80 : index
    %get3A_538 = tpu.vector_load %arg6[%get3A_534, %get3A_535, %get3A_536, %get3A_537] {strides = array<i32>} : memref<2x2x2x128xi32, #tpu.memory_space<vmem>>, vector<1x1x1x16xi32>,
    %get3A_539 = vector.shape_cast %get3A_538 : vector<1x1x1x16xi32> to vector<16xi32>
    %sub3A_540 = vector.broadcast %mul3A_0 : i32 to vector<16xi32>
    %sub3A_541 = arith.subi %get3A_539, %sub3A_540 : vector<16xi32>
    %ge3A_542 = arith.constant 0 : i32
    %ge3A_543 = vector.broadcast %ge3A_542 : i32 to vector<16xi32>
    %ge3A_544 = arith.cmpi sge, %sub3A_541, %ge3A_543 : vector<16xi32>
    %lt3A_545 = arith.constant 25088 : i32
    %lt3A_546 = vector.broadcast %lt3A_545 : i32 to vector<16xi32>
    %lt3A_547 = arith.cmpi slt, %sub3A_541, %lt3A_546 : vector<16xi32>
    %and3A_548 = arith.andi %ge3A_544, %lt3A_547 : vector<16xi1>
    %jit3A_549 = arith.constant 25088 : i32
    %broadcast_in_dim3A_550 = vector.broadcast %jit3A_549 : i32 to vector<16xi32>
    %select_n3A_551 = arith.select %and3A_548, %sub3A_541, %broadcast_in_dim3A_550 : vector<16xi1>, vector<16xi32>
    %swap3A_552 = arith.constant 0 : i32
    %swap3A_553 = arith.constant 1 : i32
    %swap3A_554 = arith.index_cast %swap3A_552 : i32 to index
    %swap3A_555 = arith.index_cast %swap3A_553 : i32 to index
    %swap3A_556 = arith.constant 80 : index
    %swap3A_557 = tpu.vector_load %arg7[%swap3A_554, %swap3A_555, %swap3A_556] {strides = array<i32>} : memref<2x2x128xi32, #tpu.memory_space<vmem>>, vector<1x1x16xi32>,
    %swap3A_558 = vector.shape_cast %swap3A_557 : vector<1x1x16xi32> to vector<16xi32>
    %swap3A_559 = vector.shape_cast %select_n3A_551 : vector<16xi32> to vector<1x1x16xi32>
    tpu.vector_store %arg7[%swap3A_554, %swap3A_555, %swap3A_556], %swap3A_559 {strides = array<i32>} : memref<2x2x128xi32, #tpu.memory_space<vmem>>, vector<1x1x16xi32>,
    %get3A_560 = arith.constant 0 : i32
    %get3A_561 = arith.constant 1 : i32
    %get3A_562 = arith.constant 1 : i32
    %get3A_563 = arith.index_cast %get3A_560 : i32 to index
    %get3A_564 = arith.index_cast %get3A_561 : i32 to index
    %get3A_565 = arith.index_cast %get3A_562 : i32 to index
    %get3A_566 = arith.constant 96 : index
    %get3A_567 = tpu.vector_load %arg6[%get3A_563, %get3A_564, %get3A_565, %get3A_566] {strides = array<i32>} : memref<2x2x2x128xi32, #tpu.memory_space<vmem>>, vector<1x1x1x16xi32>,
    %get3A_568 = vector.shape_cast %get3A_567 : vector<1x1x1x16xi32> to vector<16xi32>
    %sub3A_569 = vector.broadcast %mul3A_0 : i32 to vector<16xi32>
    %sub3A_570 = arith.subi %get3A_568, %sub3A_569 : vector<16xi32>
    %ge3A_571 = arith.constant 0 : i32
    %ge3A_572 = vector.broadcast %ge3A_571 : i32 to vector<16xi32>
    %ge3A_573 = arith.cmpi sge, %sub3A_570, %ge3A_572 : vector<16xi32>
    %lt3A_574 = arith.constant 25088 : i32
    %lt3A_575 = vector.broadcast %lt3A_574 : i32 to vector<16xi32>
    %lt3A_576 = arith.cmpi slt, %sub3A_570, %lt3A_575 : vector<16xi32>
    %and3A_577 = arith.andi %ge3A_573, %lt3A_576 : vector<16xi1>
    %jit3A_578 = arith.constant 25088 : i32
    %broadcast_in_dim3A_579 = vector.broadcast %jit3A_578 : i32 to vector<16xi32>
    %select_n3A_580 = arith.select %and3A_577, %sub3A_570, %broadcast_in_dim3A_579 : vector<16xi1>, vector<16xi32>
    %swap3A_581 = arith.constant 0 : i32
    %swap3A_582 = arith.constant 1 : i32
    %swap3A_583 = arith.index_cast %swap3A_581 : i32 to index
    %swap3A_584 = arith.index_cast %swap3A_582 : i32 to index
    %swap3A_585 = arith.constant 96 : index
    %swap3A_586 = tpu.vector_load %arg7[%swap3A_583, %swap3A_584, %swap3A_585] {strides = array<i32>} : memref<2x2x128xi32, #tpu.memory_space<vmem>>, vector<1x1x16xi32>,
    %swap3A_587 = vector.shape_cast %swap3A_586 : vector<1x1x16xi32> to vector<16xi32>
    %swap3A_588 = vector.shape_cast %select_n3A_580 : vector<16xi32> to vector<1x1x16xi32>
    tpu.vector_store %arg7[%swap3A_583, %swap3A_584, %swap3A_585], %swap3A_588 {strides = array<i32>} : memref<2x2x128xi32, #tpu.memory_space<vmem>>, vector<1x1x16xi32>,
    %get3A_589 = arith.constant 0 : i32
    %get3A_590 = arith.constant 1 : i32
    %get3A_591 = arith.constant 1 : i32
    %get3A_592 = arith.index_cast %get3A_589 : i32 to index
    %get3A_593 = arith.index_cast %get3A_590 : i32 to index
    %get3A_594 = arith.index_cast %get3A_591 : i32 to index
    %get3A_595 = arith.constant 112 : index
    %get3A_596 = tpu.vector_load %arg6[%get3A_592, %get3A_593, %get3A_594, %get3A_595] {strides = array<i32>} : memref<2x2x2x128xi32, #tpu.memory_space<vmem>>, vector<1x1x1x16xi32>,
    %get3A_597 = vector.shape_cast %get3A_596 : vector<1x1x1x16xi32> to vector<16xi32>
    %sub3A_598 = vector.broadcast %mul3A_0 : i32 to vector<16xi32>
    %sub3A_599 = arith.subi %get3A_597, %sub3A_598 : vector<16xi32>
    %ge3A_600 = arith.constant 0 : i32
    %ge3A_601 = vector.broadcast %ge3A_600 : i32 to vector<16xi32>
    %ge3A_602 = arith.cmpi sge, %sub3A_599, %ge3A_601 : vector<16xi32>
    %lt3A_603 = arith.constant 25088 : i32
    %lt3A_604 = vector.broadcast %lt3A_603 : i32 to vector<16xi32>
    %lt3A_605 = arith.cmpi slt, %sub3A_599, %lt3A_604 : vector<16xi32>
    %and3A_606 = arith.andi %ge3A_602, %lt3A_605 : vector<16xi1>
    %jit3A_607 = arith.constant 25088 : i32
    %broadcast_in_dim3A_608 = vector.broadcast %jit3A_607 : i32 to vector<16xi32>
    %select_n3A_609 = arith.select %and3A_606, %sub3A_599, %broadcast_in_dim3A_608 : vector<16xi1>, vector<16xi32>
    %swap3A_610 = arith.constant 0 : i32
    %swap3A_611 = arith.constant 1 : i32
    %swap3A_612 = arith.index_cast %swap3A_610 : i32 to index
    %swap3A_613 = arith.index_cast %swap3A_611 : i32 to index
    %swap3A_614 = arith.constant 112 : index
    %swap3A_615 = tpu.vector_load %arg7[%swap3A_612, %swap3A_613, %swap3A_614] {strides = array<i32>} : memref<2x2x128xi32, #tpu.memory_space<vmem>>, vector<1x1x16xi32>,
    %swap3A_616 = vector.shape_cast %swap3A_615 : vector<1x1x16xi32> to vector<16xi32>
    %swap3A_617 = vector.shape_cast %select_n3A_609 : vector<16xi32> to vector<1x1x16xi32>
    tpu.vector_store %arg7[%swap3A_612, %swap3A_613, %swap3A_614], %swap3A_617 {strides = array<i32>} : memref<2x2x128xi32, #tpu.memory_space<vmem>>, vector<1x1x16xi32>,
    %dma_start3A_618 = arith.constant 0 : i32
    %dma_start3A_619 = arith.constant 0 : i32
    %dma_start3A_620 = arith.constant 0 : i32
    %dma_start3A_621 = arith.constant 0 : i32
    %dma_start3A_622 = arith.constant 0 : i32
    %dma_start3A_623 = arith.constant 0 : i32
    %dma_start3A_624 = arith.constant 0 : i32
    %dma_start3A_625 = tpu.memref_slice %arg8[%dma_start3A_621, %dma_start3A_622, %dma_start3A_623, %dma_start3A_624] : memref<2x2x128x64xbf16, #tpu.memory_space<vmem>> -> memref<1x1x128x64xbf16, #tpu.memory_space<vmem>>
    %dma_start3A_626 = tpu.memref_squeeze %dma_start3A_625 : memref<1x1x128x64xbf16, #tpu.memory_space<vmem>> -> memref<128x64xbf16, #tpu.memory_space<vmem>>
    %dma_start3A_627 = arith.constant 0 : i32
    %dma_start3A_628 = tpu.memref_slice %arg6[%dma_start3A_618, %dma_start3A_619, %dma_start3A_620, %dma_start3A_627] : memref<2x2x2x128xi32, #tpu.memory_space<vmem>> -> memref<1x1x1x128xi32, #tpu.memory_space<vmem>>
    %dma_start3A_629 = tpu.memref_squeeze %dma_start3A_628 : memref<1x1x1x128xi32, #tpu.memory_space<vmem>> -> memref<128xi32, #tpu.memory_space<vmem>>
    %dma_start3A_630 = arith.constant 0 : i32
    %dma_start3A_631 = arith.constant 0 : i32
    %dma_start3A_632 = tpu.memref_slice %arg2[%dma_start3A_630, %dma_start3A_631] : memref<50176x64xbf16, #tpu.memory_space<hbm>> -> memref<50176x64xbf16, #tpu.memory_space<hbm>>
    tpu.enqueue_indirect_dma source(%dma_start3A_632 : memref<50176x64xbf16, #tpu.memory_space<hbm>>) target(%dma_start3A_626 : memref<128x64xbf16, #tpu.memory_space<vmem>>) offsets(%dma_start3A_629 : memref<128xi32, #tpu.memory_space<vmem>>) semaphore(%arg10 : memref<!tpu.dma_semaphore, #tpu.memory_space<semaphore_mem>>)
    %dma_start3A_633 = arith.constant 0 : i32
    %dma_start3A_634 = arith.constant 1 : i32
    %dma_start3A_635 = arith.constant 0 : i32
    %dma_start3A_636 = arith.constant 0 : i32
    %dma_start3A_637 = arith.constant 1 : i32
    %dma_start3A_638 = arith.constant 0 : i32
    %dma_start3A_639 = arith.constant 0 : i32
    %dma_start3A_640 = tpu.memref_slice %arg8[%dma_start3A_636, %dma_start3A_637, %dma_start3A_638, %dma_start3A_639] : memref<2x2x128x64xbf16, #tpu.memory_space<vmem>> -> memref<1x1x128x64xbf16, #tpu.memory_space<vmem>>
    %dma_start3A_641 = tpu.memref_squeeze %dma_start3A_640 : memref<1x1x128x64xbf16, #tpu.memory_space<vmem>> -> memref<128x64xbf16, #tpu.memory_space<vmem>>
    %dma_start3A_642 = arith.constant 0 : i32
    %dma_start3A_643 = tpu.memref_slice %arg6[%dma_start3A_633, %dma_start3A_634, %dma_start3A_635, %dma_start3A_642] : memref<2x2x2x128xi32, #tpu.memory_space<vmem>> -> memref<1x1x1x128xi32, #tpu.memory_space<vmem>>
    %dma_start3A_644 = tpu.memref_squeeze %dma_start3A_643 : memref<1x1x1x128xi32, #tpu.memory_space<vmem>> -> memref<128xi32, #tpu.memory_space<vmem>>
    %dma_start3A_645 = arith.constant 0 : i32
    %dma_start3A_646 = arith.constant 0 : i32
    %dma_start3A_647 = tpu.memref_slice %arg2[%dma_start3A_645, %dma_start3A_646] : memref<50176x64xbf16, #tpu.memory_space<hbm>> -> memref<50176x64xbf16, #tpu.memory_space<hbm>>
    tpu.enqueue_indirect_dma source(%dma_start3A_647 : memref<50176x64xbf16, #tpu.memory_space<hbm>>) target(%dma_start3A_641 : memref<128x64xbf16, #tpu.memory_space<vmem>>) offsets(%dma_start3A_644 : memref<128xi32, #tpu.memory_space<vmem>>) semaphore(%arg10 : memref<!tpu.dma_semaphore, #tpu.memory_space<semaphore_mem>>)
    %scan3A = arith.constant 0 : i32
    %scan3A_648 = arith.constant 0 : i32
    %scan3A_649 = arith.constant 98 : i32
    %scan3A_650 = arith.addi %scan3A_648, %scan3A_649 : i32
    %scan3A_651 = arith.constant 1 : i32
    scf.for %scan3A_716 = %scan3A_648 to %scan3A_650 step %scan3A_651  : i32 {
      %mul3A_717 = arith.constant 2 : i32
      %mul3A_718 = arith.muli %mul3A_717, %scan3A_716 : i32
      %add3A_719 = arith.constant 0 : i32
      %add3A_720 = arith.addi %mul3A_718, %add3A_719 : i32
      %dma_wait3A_721 = arith.constant 1 : i32
      %dma_wait3A_722 = arith.constant 0 : i32
      %dma_wait3A_723 = arith.constant 1 : i32
      %dma_wait3A_724 = arith.constant 0 : i32
      %dma_wait3A_725 = arith.constant 0 : i32
      %dma_wait3A_726 = arith.constant 0 : i32
      %dma_wait3A_727 = tpu.memref_slice %arg8[%dma_wait3A_721, %dma_wait3A_722, %dma_wait3A_725, %dma_wait3A_726] : memref<2x2x128x64xbf16, #tpu.memory_space<vmem>> -> memref<1x1x128x64xbf16, #tpu.memory_space<vmem>>
      %dma_wait3A_728 = tpu.memref_squeeze %dma_wait3A_727 : memref<1x1x128x64xbf16, #tpu.memory_space<vmem>> -> memref<128x64xbf16, #tpu.memory_space<vmem>>
      %dma_wait3A_729 = arith.constant 0 : i32
      %dma_wait3A_730 = tpu.memref_slice %arg7[%dma_wait3A_723, %dma_wait3A_724, %dma_wait3A_729] : memref<2x2x128xi32, #tpu.memory_space<vmem>> -> memref<1x1x128xi32, #tpu.memory_space<vmem>>
      %dma_wait3A_731 = tpu.memref_squeeze %dma_wait3A_730 : memref<1x1x128xi32, #tpu.memory_space<vmem>> -> memref<128xi32, #tpu.memory_space<vmem>>
      %dma_wait3A_732 = arith.constant 0 : i32
      %dma_wait3A_733 = arith.constant 0 : i32
      %dma_wait3A_734 = tpu.memref_slice %arg9[%dma_wait3A_732, %dma_wait3A_733] : memref<25104x64xbf16, #tpu.memory_space<vmem_shared>> -> memref<25104x64xbf16, #tpu.memory_space<vmem_shared>>
      tpu.wait_indirect_dma semaphore(%arg13 : memref<!tpu.dma_semaphore, #tpu.memory_space<semaphore_mem>>) src(%dma_wait3A_728 : memref<128x64xbf16, #tpu.memory_space<vmem>>) dst(%dma_wait3A_734 : memref<25104x64xbf16, #tpu.memory_space<vmem_shared>>)
      %dma_wait3A_735 = arith.constant 1 : i32
      %dma_wait3A_736 = arith.constant 1 : i32
      %dma_wait3A_737 = arith.constant 1 : i32
      %dma_wait3A_738 = arith.constant 1 : i32
      %dma_wait3A_739 = arith.constant 0 : i32
      %dma_wait3A_740 = arith.constant 0 : i32
      %dma_wait3A_741 = tpu.memref_slice %arg8[%dma_wait3A_735, %dma_wait3A_736, %dma_wait3A_739, %dma_wait3A_740] : memref<2x2x128x64xbf16, #tpu.memory_space<vmem>> -> memref<1x1x128x64xbf16, #tpu.memory_space<vmem>>
      %dma_wait3A_742 = tpu.memref_squeeze %dma_wait3A_741 : memref<1x1x128x64xbf16, #tpu.memory_space<vmem>> -> memref<128x64xbf16, #tpu.memory_space<vmem>>
      %dma_wait3A_743 = arith.constant 0 : i32
      %dma_wait3A_744 = tpu.memref_slice %arg7[%dma_wait3A_737, %dma_wait3A_738, %dma_wait3A_743] : memref<2x2x128xi32, #tpu.memory_space<vmem>> -> memref<1x1x128xi32, #tpu.memory_space<vmem>>
      %dma_wait3A_745 = tpu.memref_squeeze %dma_wait3A_744 : memref<1x1x128xi32, #tpu.memory_space<vmem>> -> memref<128xi32, #tpu.memory_space<vmem>>
      %dma_wait3A_746 = arith.constant 0 : i32
      %dma_wait3A_747 = arith.constant 0 : i32
      %dma_wait3A_748 = tpu.memref_slice %arg9[%dma_wait3A_746, %dma_wait3A_747] : memref<25104x64xbf16, #tpu.memory_space<vmem_shared>> -> memref<25104x64xbf16, #tpu.memory_space<vmem_shared>>
      tpu.wait_indirect_dma semaphore(%arg13 : memref<!tpu.dma_semaphore, #tpu.memory_space<semaphore_mem>>) src(%dma_wait3A_742 : memref<128x64xbf16, #tpu.memory_space<vmem>>) dst(%dma_wait3A_748 : memref<25104x64xbf16, #tpu.memory_space<vmem_shared>>)
      %add3A_749 = arith.constant 1 : i32
      %add3A_750 = arith.addi %add3A_720, %add3A_749 : i32
      %mul3A_751 = arith.constant 392 : i32
      %mul3A_752 = arith.muli %arg1, %mul3A_751 : i32
      %mul3A_753 = arith.constant 2 : i32
      %mul3A_754 = arith.muli %add3A_750, %mul3A_753 : i32
      %add3A_755 = arith.addi %mul3A_752, %mul3A_754 : i32
      %run_scoped3A_756 = arith.constant 1 : i32
      "tpu.region"() ({
        %run_scoped3A_1901 = tpu.sem_alloc : memref<!tpu.dma_semaphore, #tpu.memory_space<semaphore_mem>>
        %dma_start3A_1902 = arith.constant 0 : i32
        %dma_start3A_1903 = arith.constant 0 : i32
        %dma_start3A_1904 = arith.constant 0 : i32
        %dma_start3A_1905 = tpu.memref_slice %arg6[%run_scoped3A_756, %dma_start3A_1902, %dma_start3A_1903, %dma_start3A_1904] : memref<2x2x2x128xi32, #tpu.memory_space<vmem>> -> memref<1x2x2x128xi32, #tpu.memory_space<vmem>>
        %dma_start3A_1906 = tpu.memref_squeeze %dma_start3A_1905 : memref<1x2x2x128xi32, #tpu.memory_space<vmem>> -> memref<2x2x128xi32, #tpu.memory_space<vmem>>
        %dma_start3A_1907 = arith.constant 0 : i32
        %dma_start3A_1908 = arith.constant 0 : i32
        %dma_start3A_1909 = tpu.memref_slice %arg3[%add3A_755, %dma_start3A_1907, %dma_start3A_1908] : memref<6276x2x128xi32, #tpu.memory_space<hbm>> -> memref<2x2x128xi32, #tpu.memory_space<hbm>>
        %dma_start3A_1910 = arith.constant 0 : i32
        %dma_start3A_1911 = arith.constant 0 : i32
        %dma_start3A_1912 = arith.constant 0 : i32
        %dma_start3A_1913 = tpu.memref_slice %arg6[%run_scoped3A_756, %dma_start3A_1910, %dma_start3A_1911, %dma_start3A_1912] : memref<2x2x2x128xi32, #tpu.memory_space<vmem>> -> memref<1x2x2x128xi32, #tpu.memory_space<vmem>>
        %dma_start3A_1914 = tpu.memref_squeeze %dma_start3A_1913 : memref<1x2x2x128xi32, #tpu.memory_space<vmem>> -> memref<2x2x128xi32, #tpu.memory_space<vmem>>
        %dma_start3A_1915 = arith.constant 0 : i32
        %dma_start3A_1916 = arith.constant 0 : i32
        %dma_start3A_1917 = tpu.memref_slice %arg3[%add3A_755, %dma_start3A_1915, %dma_start3A_1916] : memref<6276x2x128xi32, #tpu.memory_space<hbm>> -> memref<2x2x128xi32, #tpu.memory_space<hbm>>
        tpu.enqueue_dma source(%dma_start3A_1917 : memref<2x2x128xi32, #tpu.memory_space<hbm>>) target(%dma_start3A_1914 : memref<2x2x128xi32, #tpu.memory_space<vmem>>) target_semaphore(%run_scoped3A_1901 : memref<!tpu.dma_semaphore, #tpu.memory_space<semaphore_mem>>)
        %dma_wait3A_1918 = arith.constant 0 : i32
        %dma_wait3A_1919 = arith.constant 0 : i32
        %dma_wait3A_1920 = arith.constant 0 : i32
        %dma_wait3A_1921 = tpu.memref_slice %arg6[%run_scoped3A_756, %dma_wait3A_1918, %dma_wait3A_1919, %dma_wait3A_1920] : memref<2x2x2x128xi32, #tpu.memory_space<vmem>> -> memref<1x2x2x128xi32, #tpu.memory_space<vmem>>
        %dma_wait3A_1922 = tpu.memref_squeeze %dma_wait3A_1921 : memref<1x2x2x128xi32, #tpu.memory_space<vmem>> -> memref<2x2x128xi32, #tpu.memory_space<vmem>>
        %dma_wait3A_1923 = arith.constant 0 : i32
        %dma_wait3A_1924 = arith.constant 0 : i32
        %dma_wait3A_1925 = tpu.memref_slice %arg3[%add3A_755, %dma_wait3A_1923, %dma_wait3A_1924] : memref<6276x2x128xi32, #tpu.memory_space<hbm>> -> memref<2x2x128xi32, #tpu.memory_space<hbm>>
        %dma_wait3A_1926 = arith.constant 0 : i32
        %dma_wait3A_1927 = arith.constant 0 : i32
        %dma_wait3A_1928 = arith.constant 0 : i32
        %dma_wait3A_1929 = tpu.memref_slice %arg6[%run_scoped3A_756, %dma_wait3A_1926, %dma_wait3A_1927, %dma_wait3A_1928] : memref<2x2x2x128xi32, #tpu.memory_space<vmem>> -> memref<1x2x2x128xi32, #tpu.memory_space<vmem>>
        %dma_wait3A_1930 = tpu.memref_squeeze %dma_wait3A_1929 : memref<1x2x2x128xi32, #tpu.memory_space<vmem>> -> memref<2x2x128xi32, #tpu.memory_space<vmem>>
        %dma_wait3A_1931 = arith.constant 0 : i32
        %dma_wait3A_1932 = arith.constant 0 : i32
        %dma_wait3A_1933 = tpu.memref_slice %arg3[%add3A_755, %dma_wait3A_1931, %dma_wait3A_1932] : memref<6276x2x128xi32, #tpu.memory_space<hbm>> -> memref<2x2x128xi32, #tpu.memory_space<hbm>>
        tpu.wait_dma2 semaphore(%run_scoped3A_1901 : memref<!tpu.dma_semaphore, #tpu.memory_space<semaphore_mem>>) src(%dma_wait3A_1933 : memref<2x2x128xi32, #tpu.memory_space<hbm>>) dst(%dma_wait3A_1930 : memref<2x2x128xi32, #tpu.memory_space<vmem>>)
        tpu.yield
      }) : () -> ()
      %get3A_757 = arith.constant 1 : i32
      %get3A_758 = arith.constant 0 : i32
      %get3A_759 = arith.constant 1 : i32
      %get3A_760 = arith.index_cast %get3A_757 : i32 to index
      %get3A_761 = arith.index_cast %get3A_758 : i32 to index
      %get3A_762 = arith.index_cast %get3A_759 : i32 to index
      %get3A_763 = arith.constant 0 : index
      %get3A_764 = tpu.vector_load %arg6[%get3A_760, %get3A_761, %get3A_762, %get3A_763] {strides = array<i32>} : memref<2x2x2x128xi32, #tpu.memory_space<vmem>>, vector<1x1x1x16xi32>,
      %get3A_765 = vector.shape_cast %get3A_764 : vector<1x1x1x16xi32> to vector<16xi32>
      %sub3A_766 = vector.broadcast %mul3A_0 : i32 to vector<16xi32>
      %sub3A_767 = arith.subi %get3A_765, %sub3A_766 : vector<16xi32>
      %ge3A_768 = arith.constant 0 : i32
      %ge3A_769 = vector.broadcast %ge3A_768 : i32 to vector<16xi32>
      %ge3A_770 = arith.cmpi sge, %sub3A_767, %ge3A_769 : vector<16xi32>
      %lt3A_771 = arith.constant 25088 : i32
      %lt3A_772 = vector.broadcast %lt3A_771 : i32 to vector<16xi32>
      %lt3A_773 = arith.cmpi slt, %sub3A_767, %lt3A_772 : vector<16xi32>
      %and3A_774 = arith.andi %ge3A_770, %lt3A_773 : vector<16xi1>
      %jit3A_775 = arith.constant 25088 : i32
      %broadcast_in_dim3A_776 = vector.broadcast %jit3A_775 : i32 to vector<16xi32>
      %select_n3A_777 = arith.select %and3A_774, %sub3A_767, %broadcast_in_dim3A_776 : vector<16xi1>, vector<16xi32>
      %swap3A_778 = arith.constant 1 : i32
      %swap3A_779 = arith.constant 0 : i32
      %swap3A_780 = arith.index_cast %swap3A_778 : i32 to index
      %swap3A_781 = arith.index_cast %swap3A_779 : i32 to index
      %swap3A_782 = arith.constant 0 : index
      %swap3A_783 = tpu.vector_load %arg7[%swap3A_780, %swap3A_781, %swap3A_782] {strides = array<i32>} : memref<2x2x128xi32, #tpu.memory_space<vmem>>, vector<1x1x16xi32>,
      %swap3A_784 = vector.shape_cast %swap3A_783 : vector<1x1x16xi32> to vector<16xi32>
      %swap3A_785 = vector.shape_cast %select_n3A_777 : vector<16xi32> to vector<1x1x16xi32>
      tpu.vector_store %arg7[%swap3A_780, %swap3A_781, %swap3A_782], %swap3A_785 {strides = array<i32>} : memref<2x2x128xi32, #tpu.memory_space<vmem>>, vector<1x1x16xi32>,
      %get3A_786 = arith.constant 1 : i32
      %get3A_787 = arith.constant 0 : i32
      %get3A_788 = arith.constant 1 : i32
      %get3A_789 = arith.index_cast %get3A_786 : i32 to index
      %get3A_790 = arith.index_cast %get3A_787 : i32 to index
      %get3A_791 = arith.index_cast %get3A_788 : i32 to index
      %get3A_792 = arith.constant 16 : index
      %get3A_793 = tpu.vector_load %arg6[%get3A_789, %get3A_790, %get3A_791, %get3A_792] {strides = array<i32>} : memref<2x2x2x128xi32, #tpu.memory_space<vmem>>, vector<1x1x1x16xi32>,
      %get3A_794 = vector.shape_cast %get3A_793 : vector<1x1x1x16xi32> to vector<16xi32>
      %sub3A_795 = vector.broadcast %mul3A_0 : i32 to vector<16xi32>
      %sub3A_796 = arith.subi %get3A_794, %sub3A_795 : vector<16xi32>
      %ge3A_797 = arith.constant 0 : i32
      %ge3A_798 = vector.broadcast %ge3A_797 : i32 to vector<16xi32>
      %ge3A_799 = arith.cmpi sge, %sub3A_796, %ge3A_798 : vector<16xi32>
      %lt3A_800 = arith.constant 25088 : i32
      %lt3A_801 = vector.broadcast %lt3A_800 : i32 to vector<16xi32>
      %lt3A_802 = arith.cmpi slt, %sub3A_796, %lt3A_801 : vector<16xi32>
      %and3A_803 = arith.andi %ge3A_799, %lt3A_802 : vector<16xi1>
      %jit3A_804 = arith.constant 25088 : i32
      %broadcast_in_dim3A_805 = vector.broadcast %jit3A_804 : i32 to vector<16xi32>
      %select_n3A_806 = arith.select %and3A_803, %sub3A_796, %broadcast_in_dim3A_805 : vector<16xi1>, vector<16xi32>
      %swap3A_807 = arith.constant 1 : i32
      %swap3A_808 = arith.constant 0 : i32
      %swap3A_809 = arith.index_cast %swap3A_807 : i32 to index
      %swap3A_810 = arith.index_cast %swap3A_808 : i32 to index
      %swap3A_811 = arith.constant 16 : index
      %swap3A_812 = tpu.vector_load %arg7[%swap3A_809, %swap3A_810, %swap3A_811] {strides = array<i32>} : memref<2x2x128xi32, #tpu.memory_space<vmem>>, vector<1x1x16xi32>,
      %swap3A_813 = vector.shape_cast %swap3A_812 : vector<1x1x16xi32> to vector<16xi32>
      %swap3A_814 = vector.shape_cast %select_n3A_806 : vector<16xi32> to vector<1x1x16xi32>
      tpu.vector_store %arg7[%swap3A_809, %swap3A_810, %swap3A_811], %swap3A_814 {strides = array<i32>} : memref<2x2x128xi32, #tpu.memory_space<vmem>>, vector<1x1x16xi32>,
      %get3A_815 = arith.constant 1 : i32
      %get3A_816 = arith.constant 0 : i32
      %get3A_817 = arith.constant 1 : i32
      %get3A_818 = arith.index_cast %get3A_815 : i32 to index
      %get3A_819 = arith.index_cast %get3A_816 : i32 to index
      %get3A_820 = arith.index_cast %get3A_817 : i32 to index
      %get3A_821 = arith.constant 32 : index
      %get3A_822 = tpu.vector_load %arg6[%get3A_818, %get3A_819, %get3A_820, %get3A_821] {strides = array<i32>} : memref<2x2x2x128xi32, #tpu.memory_space<vmem>>, vector<1x1x1x16xi32>,
      %get3A_823 = vector.shape_cast %get3A_822 : vector<1x1x1x16xi32> to vector<16xi32>
      %sub3A_824 = vector.broadcast %mul3A_0 : i32 to vector<16xi32>
      %sub3A_825 = arith.subi %get3A_823, %sub3A_824 : vector<16xi32>
      %ge3A_826 = arith.constant 0 : i32
      %ge3A_827 = vector.broadcast %ge3A_826 : i32 to vector<16xi32>
      %ge3A_828 = arith.cmpi sge, %sub3A_825, %ge3A_827 : vector<16xi32>
      %lt3A_829 = arith.constant 25088 : i32
      %lt3A_830 = vector.broadcast %lt3A_829 : i32 to vector<16xi32>
      %lt3A_831 = arith.cmpi slt, %sub3A_825, %lt3A_830 : vector<16xi32>
      %and3A_832 = arith.andi %ge3A_828, %lt3A_831 : vector<16xi1>
      %jit3A_833 = arith.constant 25088 : i32
      %broadcast_in_dim3A_834 = vector.broadcast %jit3A_833 : i32 to vector<16xi32>
      %select_n3A_835 = arith.select %and3A_832, %sub3A_825, %broadcast_in_dim3A_834 : vector<16xi1>, vector<16xi32>
      %swap3A_836 = arith.constant 1 : i32
      %swap3A_837 = arith.constant 0 : i32
      %swap3A_838 = arith.index_cast %swap3A_836 : i32 to index
      %swap3A_839 = arith.index_cast %swap3A_837 : i32 to index
      %swap3A_840 = arith.constant 32 : index
      %swap3A_841 = tpu.vector_load %arg7[%swap3A_838, %swap3A_839, %swap3A_840] {strides = array<i32>} : memref<2x2x128xi32, #tpu.memory_space<vmem>>, vector<1x1x16xi32>,
      %swap3A_842 = vector.shape_cast %swap3A_841 : vector<1x1x16xi32> to vector<16xi32>
      %swap3A_843 = vector.shape_cast %select_n3A_835 : vector<16xi32> to vector<1x1x16xi32>
      tpu.vector_store %arg7[%swap3A_838, %swap3A_839, %swap3A_840], %swap3A_843 {strides = array<i32>} : memref<2x2x128xi32, #tpu.memory_space<vmem>>, vector<1x1x16xi32>,
      %get3A_844 = arith.constant 1 : i32
      %get3A_845 = arith.constant 0 : i32
      %get3A_846 = arith.constant 1 : i32
      %get3A_847 = arith.index_cast %get3A_844 : i32 to index
      %get3A_848 = arith.index_cast %get3A_845 : i32 to index
      %get3A_849 = arith.index_cast %get3A_846 : i32 to index
      %get3A_850 = arith.constant 48 : index
      %get3A_851 = tpu.vector_load %arg6[%get3A_847, %get3A_848, %get3A_849, %get3A_850] {strides = array<i32>} : memref<2x2x2x128xi32, #tpu.memory_space<vmem>>, vector<1x1x1x16xi32>,
      %get3A_852 = vector.shape_cast %get3A_851 : vector<1x1x1x16xi32> to vector<16xi32>
      %sub3A_853 = vector.broadcast %mul3A_0 : i32 to vector<16xi32>
      %sub3A_854 = arith.subi %get3A_852, %sub3A_853 : vector<16xi32>
      %ge3A_855 = arith.constant 0 : i32
      %ge3A_856 = vector.broadcast %ge3A_855 : i32 to vector<16xi32>
      %ge3A_857 = arith.cmpi sge, %sub3A_854, %ge3A_856 : vector<16xi32>
      %lt3A_858 = arith.constant 25088 : i32
      %lt3A_859 = vector.broadcast %lt3A_858 : i32 to vector<16xi32>
      %lt3A_860 = arith.cmpi slt, %sub3A_854, %lt3A_859 : vector<16xi32>
      %and3A_861 = arith.andi %ge3A_857, %lt3A_860 : vector<16xi1>
      %jit3A_862 = arith.constant 25088 : i32
      %broadcast_in_dim3A_863 = vector.broadcast %jit3A_862 : i32 to vector<16xi32>
      %select_n3A_864 = arith.select %and3A_861, %sub3A_854, %broadcast_in_dim3A_863 : vector<16xi1>, vector<16xi32>
      %swap3A_865 = arith.constant 1 : i32
      %swap3A_866 = arith.constant 0 : i32
      %swap3A_867 = arith.index_cast %swap3A_865 : i32 to index
      %swap3A_868 = arith.index_cast %swap3A_866 : i32 to index
      %swap3A_869 = arith.constant 48 : index
      %swap3A_870 = tpu.vector_load %arg7[%swap3A_867, %swap3A_868, %swap3A_869] {strides = array<i32>} : memref<2x2x128xi32, #tpu.memory_space<vmem>>, vector<1x1x16xi32>,
      %swap3A_871 = vector.shape_cast %swap3A_870 : vector<1x1x16xi32> to vector<16xi32>
      %swap3A_872 = vector.shape_cast %select_n3A_864 : vector<16xi32> to vector<1x1x16xi32>
      tpu.vector_store %arg7[%swap3A_867, %swap3A_868, %swap3A_869], %swap3A_872 {strides = array<i32>} : memref<2x2x128xi32, #tpu.memory_space<vmem>>, vector<1x1x16xi32>,
      %get3A_873 = arith.constant 1 : i32
      %get3A_874 = arith.constant 0 : i32
      %get3A_875 = arith.constant 1 : i32
      %get3A_876 = arith.index_cast %get3A_873 : i32 to index
      %get3A_877 = arith.index_cast %get3A_874 : i32 to index
      %get3A_878 = arith.index_cast %get3A_875 : i32 to index
      %get3A_879 = arith.constant 64 : index
      %get3A_880 = tpu.vector_load %arg6[%get3A_876, %get3A_877, %get3A_878, %get3A_879] {strides = array<i32>} : memref<2x2x2x128xi32, #tpu.memory_space<vmem>>, vector<1x1x1x16xi32>,
      %get3A_881 = vector.shape_cast %get3A_880 : vector<1x1x1x16xi32> to vector<16xi32>
      %sub3A_882 = vector.broadcast %mul3A_0 : i32 to vector<16xi32>
      %sub3A_883 = arith.subi %get3A_881, %sub3A_882 : vector<16xi32>
      %ge3A_884 = arith.constant 0 : i32
      %ge3A_885 = vector.broadcast %ge3A_884 : i32 to vector<16xi32>
      %ge3A_886 = arith.cmpi sge, %sub3A_883, %ge3A_885 : vector<16xi32>
      %lt3A_887 = arith.constant 25088 : i32
      %lt3A_888 = vector.broadcast %lt3A_887 : i32 to vector<16xi32>
      %lt3A_889 = arith.cmpi slt, %sub3A_883, %lt3A_888 : vector<16xi32>
      %and3A_890 = arith.andi %ge3A_886, %lt3A_889 : vector<16xi1>
      %jit3A_891 = arith.constant 25088 : i32
      %broadcast_in_dim3A_892 = vector.broadcast %jit3A_891 : i32 to vector<16xi32>
      %select_n3A_893 = arith.select %and3A_890, %sub3A_883, %broadcast_in_dim3A_892 : vector<16xi1>, vector<16xi32>
      %swap3A_894 = arith.constant 1 : i32
      %swap3A_895 = arith.constant 0 : i32
      %swap3A_896 = arith.index_cast %swap3A_894 : i32 to index
      %swap3A_897 = arith.index_cast %swap3A_895 : i32 to index
      %swap3A_898 = arith.constant 64 : index
      %swap3A_899 = tpu.vector_load %arg7[%swap3A_896, %swap3A_897, %swap3A_898] {strides = array<i32>} : memref<2x2x128xi32, #tpu.memory_space<vmem>>, vector<1x1x16xi32>,
      %swap3A_900 = vector.shape_cast %swap3A_899 : vector<1x1x16xi32> to vector<16xi32>
      %swap3A_901 = vector.shape_cast %select_n3A_893 : vector<16xi32> to vector<1x1x16xi32>
      tpu.vector_store %arg7[%swap3A_896, %swap3A_897, %swap3A_898], %swap3A_901 {strides = array<i32>} : memref<2x2x128xi32, #tpu.memory_space<vmem>>, vector<1x1x16xi32>,
      %get3A_902 = arith.constant 1 : i32
      %get3A_903 = arith.constant 0 : i32
      %get3A_904 = arith.constant 1 : i32
      %get3A_905 = arith.index_cast %get3A_902 : i32 to index
      %get3A_906 = arith.index_cast %get3A_903 : i32 to index
      %get3A_907 = arith.index_cast %get3A_904 : i32 to index
      %get3A_908 = arith.constant 80 : index
      %get3A_909 = tpu.vector_load %arg6[%get3A_905, %get3A_906, %get3A_907, %get3A_908] {strides = array<i32>} : memref<2x2x2x128xi32, #tpu.memory_space<vmem>>, vector<1x1x1x16xi32>,
      %get3A_910 = vector.shape_cast %get3A_909 : vector<1x1x1x16xi32> to vector<16xi32>
      %sub3A_911 = vector.broadcast %mul3A_0 : i32 to vector<16xi32>
      %sub3A_912 = arith.subi %get3A_910, %sub3A_911 : vector<16xi32>
      %ge3A_913 = arith.constant 0 : i32
      %ge3A_914 = vector.broadcast %ge3A_913 : i32 to vector<16xi32>
      %ge3A_915 = arith.cmpi sge, %sub3A_912, %ge3A_914 : vector<16xi32>
      %lt3A_916 = arith.constant 25088 : i32
      %lt3A_917 = vector.broadcast %lt3A_916 : i32 to vector<16xi32>
      %lt3A_918 = arith.cmpi slt, %sub3A_912, %lt3A_917 : vector<16xi32>
      %and3A_919 = arith.andi %ge3A_915, %lt3A_918 : vector<16xi1>
      %jit3A_920 = arith.constant 25088 : i32
      %broadcast_in_dim3A_921 = vector.broadcast %jit3A_920 : i32 to vector<16xi32>
      %select_n3A_922 = arith.select %and3A_919, %sub3A_912, %broadcast_in_dim3A_921 : vector<16xi1>, vector<16xi32>
      %swap3A_923 = arith.constant 1 : i32
      %swap3A_924 = arith.constant 0 : i32
      %swap3A_925 = arith.index_cast %swap3A_923 : i32 to index
      %swap3A_926 = arith.index_cast %swap3A_924 : i32 to index
      %swap3A_927 = arith.constant 80 : index
      %swap3A_928 = tpu.vector_load %arg7[%swap3A_925, %swap3A_926, %swap3A_927] {strides = array<i32>} : memref<2x2x128xi32, #tpu.memory_space<vmem>>, vector<1x1x16xi32>,
      %swap3A_929 = vector.shape_cast %swap3A_928 : vector<1x1x16xi32> to vector<16xi32>
      %swap3A_930 = vector.shape_cast %select_n3A_922 : vector<16xi32> to vector<1x1x16xi32>
      tpu.vector_store %arg7[%swap3A_925, %swap3A_926, %swap3A_927], %swap3A_930 {strides = array<i32>} : memref<2x2x128xi32, #tpu.memory_space<vmem>>, vector<1x1x16xi32>,
      %get3A_931 = arith.constant 1 : i32
      %get3A_932 = arith.constant 0 : i32
      %get3A_933 = arith.constant 1 : i32
      %get3A_934 = arith.index_cast %get3A_931 : i32 to index
      %get3A_935 = arith.index_cast %get3A_932 : i32 to index
      %get3A_936 = arith.index_cast %get3A_933 : i32 to index
      %get3A_937 = arith.constant 96 : index
      %get3A_938 = tpu.vector_load %arg6[%get3A_934, %get3A_935, %get3A_936, %get3A_937] {strides = array<i32>} : memref<2x2x2x128xi32, #tpu.memory_space<vmem>>, vector<1x1x1x16xi32>,
      %get3A_939 = vector.shape_cast %get3A_938 : vector<1x1x1x16xi32> to vector<16xi32>
      %sub3A_940 = vector.broadcast %mul3A_0 : i32 to vector<16xi32>
      %sub3A_941 = arith.subi %get3A_939, %sub3A_940 : vector<16xi32>
      %ge3A_942 = arith.constant 0 : i32
      %ge3A_943 = vector.broadcast %ge3A_942 : i32 to vector<16xi32>
      %ge3A_944 = arith.cmpi sge, %sub3A_941, %ge3A_943 : vector<16xi32>
      %lt3A_945 = arith.constant 25088 : i32
      %lt3A_946 = vector.broadcast %lt3A_945 : i32 to vector<16xi32>
      %lt3A_947 = arith.cmpi slt, %sub3A_941, %lt3A_946 : vector<16xi32>
      %and3A_948 = arith.andi %ge3A_944, %lt3A_947 : vector<16xi1>
      %jit3A_949 = arith.constant 25088 : i32
      %broadcast_in_dim3A_950 = vector.broadcast %jit3A_949 : i32 to vector<16xi32>
      %select_n3A_951 = arith.select %and3A_948, %sub3A_941, %broadcast_in_dim3A_950 : vector<16xi1>, vector<16xi32>
      %swap3A_952 = arith.constant 1 : i32
      %swap3A_953 = arith.constant 0 : i32
      %swap3A_954 = arith.index_cast %swap3A_952 : i32 to index
      %swap3A_955 = arith.index_cast %swap3A_953 : i32 to index
      %swap3A_956 = arith.constant 96 : index
      %swap3A_957 = tpu.vector_load %arg7[%swap3A_954, %swap3A_955, %swap3A_956] {strides = array<i32>} : memref<2x2x128xi32, #tpu.memory_space<vmem>>, vector<1x1x16xi32>,
      %swap3A_958 = vector.shape_cast %swap3A_957 : vector<1x1x16xi32> to vector<16xi32>
      %swap3A_959 = vector.shape_cast %select_n3A_951 : vector<16xi32> to vector<1x1x16xi32>
      tpu.vector_store %arg7[%swap3A_954, %swap3A_955, %swap3A_956], %swap3A_959 {strides = array<i32>} : memref<2x2x128xi32, #tpu.memory_space<vmem>>, vector<1x1x16xi32>,
      %get3A_960 = arith.constant 1 : i32
      %get3A_961 = arith.constant 0 : i32
      %get3A_962 = arith.constant 1 : i32
      %get3A_963 = arith.index_cast %get3A_960 : i32 to index
      %get3A_964 = arith.index_cast %get3A_961 : i32 to index
      %get3A_965 = arith.index_cast %get3A_962 : i32 to index
      %get3A_966 = arith.constant 112 : index
      %get3A_967 = tpu.vector_load %arg6[%get3A_963, %get3A_964, %get3A_965, %get3A_966] {strides = array<i32>} : memref<2x2x2x128xi32, #tpu.memory_space<vmem>>, vector<1x1x1x16xi32>,
      %get3A_968 = vector.shape_cast %get3A_967 : vector<1x1x1x16xi32> to vector<16xi32>
      %sub3A_969 = vector.broadcast %mul3A_0 : i32 to vector<16xi32>
      %sub3A_970 = arith.subi %get3A_968, %sub3A_969 : vector<16xi32>
      %ge3A_971 = arith.constant 0 : i32
      %ge3A_972 = vector.broadcast %ge3A_971 : i32 to vector<16xi32>
      %ge3A_973 = arith.cmpi sge, %sub3A_970, %ge3A_972 : vector<16xi32>
      %lt3A_974 = arith.constant 25088 : i32
      %lt3A_975 = vector.broadcast %lt3A_974 : i32 to vector<16xi32>
      %lt3A_976 = arith.cmpi slt, %sub3A_970, %lt3A_975 : vector<16xi32>
      %and3A_977 = arith.andi %ge3A_973, %lt3A_976 : vector<16xi1>
      %jit3A_978 = arith.constant 25088 : i32
      %broadcast_in_dim3A_979 = vector.broadcast %jit3A_978 : i32 to vector<16xi32>
      %select_n3A_980 = arith.select %and3A_977, %sub3A_970, %broadcast_in_dim3A_979 : vector<16xi1>, vector<16xi32>
      %swap3A_981 = arith.constant 1 : i32
      %swap3A_982 = arith.constant 0 : i32
      %swap3A_983 = arith.index_cast %swap3A_981 : i32 to index
      %swap3A_984 = arith.index_cast %swap3A_982 : i32 to index
      %swap3A_985 = arith.constant 112 : index
      %swap3A_986 = tpu.vector_load %arg7[%swap3A_983, %swap3A_984, %swap3A_985] {strides = array<i32>} : memref<2x2x128xi32, #tpu.memory_space<vmem>>, vector<1x1x16xi32>,
      %swap3A_987 = vector.shape_cast %swap3A_986 : vector<1x1x16xi32> to vector<16xi32>
      %swap3A_988 = vector.shape_cast %select_n3A_980 : vector<16xi32> to vector<1x1x16xi32>
      tpu.vector_store %arg7[%swap3A_983, %swap3A_984, %swap3A_985], %swap3A_988 {strides = array<i32>} : memref<2x2x128xi32, #tpu.memory_space<vmem>>, vector<1x1x16xi32>,
      %get3A_989 = arith.constant 1 : i32
      %get3A_990 = arith.constant 1 : i32
      %get3A_991 = arith.constant 1 : i32
      %get3A_992 = arith.index_cast %get3A_989 : i32 to index
      %get3A_993 = arith.index_cast %get3A_990 : i32 to index
      %get3A_994 = arith.index_cast %get3A_991 : i32 to index
      %get3A_995 = arith.constant 0 : index
      %get3A_996 = tpu.vector_load %arg6[%get3A_992, %get3A_993, %get3A_994, %get3A_995] {strides = array<i32>} : memref<2x2x2x128xi32, #tpu.memory_space<vmem>>, vector<1x1x1x16xi32>,
      %get3A_997 = vector.shape_cast %get3A_996 : vector<1x1x1x16xi32> to vector<16xi32>
      %sub3A_998 = vector.broadcast %mul3A_0 : i32 to vector<16xi32>
      %sub3A_999 = arith.subi %get3A_997, %sub3A_998 : vector<16xi32>
      %ge3A_1000 = arith.constant 0 : i32
      %ge3A_1001 = vector.broadcast %ge3A_1000 : i32 to vector<16xi32>
      %ge3A_1002 = arith.cmpi sge, %sub3A_999, %ge3A_1001 : vector<16xi32>
      %lt3A_1003 = arith.constant 25088 : i32
      %lt3A_1004 = vector.broadcast %lt3A_1003 : i32 to vector<16xi32>
      %lt3A_1005 = arith.cmpi slt, %sub3A_999, %lt3A_1004 : vector<16xi32>
      %and3A_1006 = arith.andi %ge3A_1002, %lt3A_1005 : vector<16xi1>
      %jit3A_1007 = arith.constant 25088 : i32
      %broadcast_in_dim3A_1008 = vector.broadcast %jit3A_1007 : i32 to vector<16xi32>
      %select_n3A_1009 = arith.select %and3A_1006, %sub3A_999, %broadcast_in_dim3A_1008 : vector<16xi1>, vector<16xi32>
      %swap3A_1010 = arith.constant 1 : i32
      %swap3A_1011 = arith.constant 1 : i32
      %swap3A_1012 = arith.index_cast %swap3A_1010 : i32 to index
      %swap3A_1013 = arith.index_cast %swap3A_1011 : i32 to index
      %swap3A_1014 = arith.constant 0 : index
      %swap3A_1015 = tpu.vector_load %arg7[%swap3A_1012, %swap3A_1013, %swap3A_1014] {strides = array<i32>} : memref<2x2x128xi32, #tpu.memory_space<vmem>>, vector<1x1x16xi32>,
      %swap3A_1016 = vector.shape_cast %swap3A_1015 : vector<1x1x16xi32> to vector<16xi32>
      %swap3A_1017 = vector.shape_cast %select_n3A_1009 : vector<16xi32> to vector<1x1x16xi32>
      tpu.vector_store %arg7[%swap3A_1012, %swap3A_1013, %swap3A_1014], %swap3A_1017 {strides = array<i32>} : memref<2x2x128xi32, #tpu.memory_space<vmem>>, vector<1x1x16xi32>,
      %get3A_1018 = arith.constant 1 : i32
      %get3A_1019 = arith.constant 1 : i32
      %get3A_1020 = arith.constant 1 : i32
      %get3A_1021 = arith.index_cast %get3A_1018 : i32 to index
      %get3A_1022 = arith.index_cast %get3A_1019 : i32 to index
      %get3A_1023 = arith.index_cast %get3A_1020 : i32 to index
      %get3A_1024 = arith.constant 16 : index
      %get3A_1025 = tpu.vector_load %arg6[%get3A_1021, %get3A_1022, %get3A_1023, %get3A_1024] {strides = array<i32>} : memref<2x2x2x128xi32, #tpu.memory_space<vmem>>, vector<1x1x1x16xi32>,
      %get3A_1026 = vector.shape_cast %get3A_1025 : vector<1x1x1x16xi32> to vector<16xi32>
      %sub3A_1027 = vector.broadcast %mul3A_0 : i32 to vector<16xi32>
      %sub3A_1028 = arith.subi %get3A_1026, %sub3A_1027 : vector<16xi32>
      %ge3A_1029 = arith.constant 0 : i32
      %ge3A_1030 = vector.broadcast %ge3A_1029 : i32 to vector<16xi32>
      %ge3A_1031 = arith.cmpi sge, %sub3A_1028, %ge3A_1030 : vector<16xi32>
      %lt3A_1032 = arith.constant 25088 : i32
      %lt3A_1033 = vector.broadcast %lt3A_1032 : i32 to vector<16xi32>
      %lt3A_1034 = arith.cmpi slt, %sub3A_1028, %lt3A_1033 : vector<16xi32>
      %and3A_1035 = arith.andi %ge3A_1031, %lt3A_1034 : vector<16xi1>
      %jit3A_1036 = arith.constant 25088 : i32
      %broadcast_in_dim3A_1037 = vector.broadcast %jit3A_1036 : i32 to vector<16xi32>
      %select_n3A_1038 = arith.select %and3A_1035, %sub3A_1028, %broadcast_in_dim3A_1037 : vector<16xi1>, vector<16xi32>
      %swap3A_1039 = arith.constant 1 : i32
      %swap3A_1040 = arith.constant 1 : i32
      %swap3A_1041 = arith.index_cast %swap3A_1039 : i32 to index
      %swap3A_1042 = arith.index_cast %swap3A_1040 : i32 to index
      %swap3A_1043 = arith.constant 16 : index
      %swap3A_1044 = tpu.vector_load %arg7[%swap3A_1041, %swap3A_1042, %swap3A_1043] {strides = array<i32>} : memref<2x2x128xi32, #tpu.memory_space<vmem>>, vector<1x1x16xi32>,
      %swap3A_1045 = vector.shape_cast %swap3A_1044 : vector<1x1x16xi32> to vector<16xi32>
      %swap3A_1046 = vector.shape_cast %select_n3A_1038 : vector<16xi32> to vector<1x1x16xi32>
      tpu.vector_store %arg7[%swap3A_1041, %swap3A_1042, %swap3A_1043], %swap3A_1046 {strides = array<i32>} : memref<2x2x128xi32, #tpu.memory_space<vmem>>, vector<1x1x16xi32>,
      %get3A_1047 = arith.constant 1 : i32
      %get3A_1048 = arith.constant 1 : i32
      %get3A_1049 = arith.constant 1 : i32
      %get3A_1050 = arith.index_cast %get3A_1047 : i32 to index
      %get3A_1051 = arith.index_cast %get3A_1048 : i32 to index
      %get3A_1052 = arith.index_cast %get3A_1049 : i32 to index
      %get3A_1053 = arith.constant 32 : index
      %get3A_1054 = tpu.vector_load %arg6[%get3A_1050, %get3A_1051, %get3A_1052, %get3A_1053] {strides = array<i32>} : memref<2x2x2x128xi32, #tpu.memory_space<vmem>>, vector<1x1x1x16xi32>,
      %get3A_1055 = vector.shape_cast %get3A_1054 : vector<1x1x1x16xi32> to vector<16xi32>
      %sub3A_1056 = vector.broadcast %mul3A_0 : i32 to vector<16xi32>
      %sub3A_1057 = arith.subi %get3A_1055, %sub3A_1056 : vector<16xi32>
      %ge3A_1058 = arith.constant 0 : i32
      %ge3A_1059 = vector.broadcast %ge3A_1058 : i32 to vector<16xi32>
      %ge3A_1060 = arith.cmpi sge, %sub3A_1057, %ge3A_1059 : vector<16xi32>
      %lt3A_1061 = arith.constant 25088 : i32
      %lt3A_1062 = vector.broadcast %lt3A_1061 : i32 to vector<16xi32>
      %lt3A_1063 = arith.cmpi slt, %sub3A_1057, %lt3A_1062 : vector<16xi32>
      %and3A_1064 = arith.andi %ge3A_1060, %lt3A_1063 : vector<16xi1>
      %jit3A_1065 = arith.constant 25088 : i32
      %broadcast_in_dim3A_1066 = vector.broadcast %jit3A_1065 : i32 to vector<16xi32>
      %select_n3A_1067 = arith.select %and3A_1064, %sub3A_1057, %broadcast_in_dim3A_1066 : vector<16xi1>, vector<16xi32>
      %swap3A_1068 = arith.constant 1 : i32
      %swap3A_1069 = arith.constant 1 : i32
      %swap3A_1070 = arith.index_cast %swap3A_1068 : i32 to index
      %swap3A_1071 = arith.index_cast %swap3A_1069 : i32 to index
      %swap3A_1072 = arith.constant 32 : index
      %swap3A_1073 = tpu.vector_load %arg7[%swap3A_1070, %swap3A_1071, %swap3A_1072] {strides = array<i32>} : memref<2x2x128xi32, #tpu.memory_space<vmem>>, vector<1x1x16xi32>,
      %swap3A_1074 = vector.shape_cast %swap3A_1073 : vector<1x1x16xi32> to vector<16xi32>
      %swap3A_1075 = vector.shape_cast %select_n3A_1067 : vector<16xi32> to vector<1x1x16xi32>
      tpu.vector_store %arg7[%swap3A_1070, %swap3A_1071, %swap3A_1072], %swap3A_1075 {strides = array<i32>} : memref<2x2x128xi32, #tpu.memory_space<vmem>>, vector<1x1x16xi32>,
      %get3A_1076 = arith.constant 1 : i32
      %get3A_1077 = arith.constant 1 : i32
      %get3A_1078 = arith.constant 1 : i32
      %get3A_1079 = arith.index_cast %get3A_1076 : i32 to index
      %get3A_1080 = arith.index_cast %get3A_1077 : i32 to index
      %get3A_1081 = arith.index_cast %get3A_1078 : i32 to index
      %get3A_1082 = arith.constant 48 : index
      %get3A_1083 = tpu.vector_load %arg6[%get3A_1079, %get3A_1080, %get3A_1081, %get3A_1082] {strides = array<i32>} : memref<2x2x2x128xi32, #tpu.memory_space<vmem>>, vector<1x1x1x16xi32>,
      %get3A_1084 = vector.shape_cast %get3A_1083 : vector<1x1x1x16xi32> to vector<16xi32>
      %sub3A_1085 = vector.broadcast %mul3A_0 : i32 to vector<16xi32>
      %sub3A_1086 = arith.subi %get3A_1084, %sub3A_1085 : vector<16xi32>
      %ge3A_1087 = arith.constant 0 : i32
      %ge3A_1088 = vector.broadcast %ge3A_1087 : i32 to vector<16xi32>
      %ge3A_1089 = arith.cmpi sge, %sub3A_1086, %ge3A_1088 : vector<16xi32>
      %lt3A_1090 = arith.constant 25088 : i32
      %lt3A_1091 = vector.broadcast %lt3A_1090 : i32 to vector<16xi32>
      %lt3A_1092 = arith.cmpi slt, %sub3A_1086, %lt3A_1091 : vector<16xi32>
      %and3A_1093 = arith.andi %ge3A_1089, %lt3A_1092 : vector<16xi1>
      %jit3A_1094 = arith.constant 25088 : i32
      %broadcast_in_dim3A_1095 = vector.broadcast %jit3A_1094 : i32 to vector<16xi32>
      %select_n3A_1096 = arith.select %and3A_1093, %sub3A_1086, %broadcast_in_dim3A_1095 : vector<16xi1>, vector<16xi32>
      %swap3A_1097 = arith.constant 1 : i32
      %swap3A_1098 = arith.constant 1 : i32
      %swap3A_1099 = arith.index_cast %swap3A_1097 : i32 to index
      %swap3A_1100 = arith.index_cast %swap3A_1098 : i32 to index
      %swap3A_1101 = arith.constant 48 : index
      %swap3A_1102 = tpu.vector_load %arg7[%swap3A_1099, %swap3A_1100, %swap3A_1101] {strides = array<i32>} : memref<2x2x128xi32, #tpu.memory_space<vmem>>, vector<1x1x16xi32>,
      %swap3A_1103 = vector.shape_cast %swap3A_1102 : vector<1x1x16xi32> to vector<16xi32>
      %swap3A_1104 = vector.shape_cast %select_n3A_1096 : vector<16xi32> to vector<1x1x16xi32>
      tpu.vector_store %arg7[%swap3A_1099, %swap3A_1100, %swap3A_1101], %swap3A_1104 {strides = array<i32>} : memref<2x2x128xi32, #tpu.memory_space<vmem>>, vector<1x1x16xi32>,
      %get3A_1105 = arith.constant 1 : i32
      %get3A_1106 = arith.constant 1 : i32
      %get3A_1107 = arith.constant 1 : i32
      %get3A_1108 = arith.index_cast %get3A_1105 : i32 to index
      %get3A_1109 = arith.index_cast %get3A_1106 : i32 to index
      %get3A_1110 = arith.index_cast %get3A_1107 : i32 to index
      %get3A_1111 = arith.constant 64 : index
      %get3A_1112 = tpu.vector_load %arg6[%get3A_1108, %get3A_1109, %get3A_1110, %get3A_1111] {strides = array<i32>} : memref<2x2x2x128xi32, #tpu.memory_space<vmem>>, vector<1x1x1x16xi32>,
      %get3A_1113 = vector.shape_cast %get3A_1112 : vector<1x1x1x16xi32> to vector<16xi32>
      %sub3A_1114 = vector.broadcast %mul3A_0 : i32 to vector<16xi32>
      %sub3A_1115 = arith.subi %get3A_1113, %sub3A_1114 : vector<16xi32>
      %ge3A_1116 = arith.constant 0 : i32
      %ge3A_1117 = vector.broadcast %ge3A_1116 : i32 to vector<16xi32>
      %ge3A_1118 = arith.cmpi sge, %sub3A_1115, %ge3A_1117 : vector<16xi32>
      %lt3A_1119 = arith.constant 25088 : i32
      %lt3A_1120 = vector.broadcast %lt3A_1119 : i32 to vector<16xi32>
      %lt3A_1121 = arith.cmpi slt, %sub3A_1115, %lt3A_1120 : vector<16xi32>
      %and3A_1122 = arith.andi %ge3A_1118, %lt3A_1121 : vector<16xi1>
      %jit3A_1123 = arith.constant 25088 : i32
      %broadcast_in_dim3A_1124 = vector.broadcast %jit3A_1123 : i32 to vector<16xi32>
      %select_n3A_1125 = arith.select %and3A_1122, %sub3A_1115, %broadcast_in_dim3A_1124 : vector<16xi1>, vector<16xi32>
      %swap3A_1126 = arith.constant 1 : i32
      %swap3A_1127 = arith.constant 1 : i32
      %swap3A_1128 = arith.index_cast %swap3A_1126 : i32 to index
      %swap3A_1129 = arith.index_cast %swap3A_1127 : i32 to index
      %swap3A_1130 = arith.constant 64 : index
      %swap3A_1131 = tpu.vector_load %arg7[%swap3A_1128, %swap3A_1129, %swap3A_1130] {strides = array<i32>} : memref<2x2x128xi32, #tpu.memory_space<vmem>>, vector<1x1x16xi32>,
      %swap3A_1132 = vector.shape_cast %swap3A_1131 : vector<1x1x16xi32> to vector<16xi32>
      %swap3A_1133 = vector.shape_cast %select_n3A_1125 : vector<16xi32> to vector<1x1x16xi32>
      tpu.vector_store %arg7[%swap3A_1128, %swap3A_1129, %swap3A_1130], %swap3A_1133 {strides = array<i32>} : memref<2x2x128xi32, #tpu.memory_space<vmem>>, vector<1x1x16xi32>,
      %get3A_1134 = arith.constant 1 : i32
      %get3A_1135 = arith.constant 1 : i32
      %get3A_1136 = arith.constant 1 : i32
      %get3A_1137 = arith.index_cast %get3A_1134 : i32 to index
      %get3A_1138 = arith.index_cast %get3A_1135 : i32 to index
      %get3A_1139 = arith.index_cast %get3A_1136 : i32 to index
      %get3A_1140 = arith.constant 80 : index
      %get3A_1141 = tpu.vector_load %arg6[%get3A_1137, %get3A_1138, %get3A_1139, %get3A_1140] {strides = array<i32>} : memref<2x2x2x128xi32, #tpu.memory_space<vmem>>, vector<1x1x1x16xi32>,
      %get3A_1142 = vector.shape_cast %get3A_1141 : vector<1x1x1x16xi32> to vector<16xi32>
      %sub3A_1143 = vector.broadcast %mul3A_0 : i32 to vector<16xi32>
      %sub3A_1144 = arith.subi %get3A_1142, %sub3A_1143 : vector<16xi32>
      %ge3A_1145 = arith.constant 0 : i32
      %ge3A_1146 = vector.broadcast %ge3A_1145 : i32 to vector<16xi32>
      %ge3A_1147 = arith.cmpi sge, %sub3A_1144, %ge3A_1146 : vector<16xi32>
      %lt3A_1148 = arith.constant 25088 : i32
      %lt3A_1149 = vector.broadcast %lt3A_1148 : i32 to vector<16xi32>
      %lt3A_1150 = arith.cmpi slt, %sub3A_1144, %lt3A_1149 : vector<16xi32>
      %and3A_1151 = arith.andi %ge3A_1147, %lt3A_1150 : vector<16xi1>
      %jit3A_1152 = arith.constant 25088 : i32
      %broadcast_in_dim3A_1153 = vector.broadcast %jit3A_1152 : i32 to vector<16xi32>
      %select_n3A_1154 = arith.select %and3A_1151, %sub3A_1144, %broadcast_in_dim3A_1153 : vector<16xi1>, vector<16xi32>
      %swap3A_1155 = arith.constant 1 : i32
      %swap3A_1156 = arith.constant 1 : i32
      %swap3A_1157 = arith.index_cast %swap3A_1155 : i32 to index
      %swap3A_1158 = arith.index_cast %swap3A_1156 : i32 to index
      %swap3A_1159 = arith.constant 80 : index
      %swap3A_1160 = tpu.vector_load %arg7[%swap3A_1157, %swap3A_1158, %swap3A_1159] {strides = array<i32>} : memref<2x2x128xi32, #tpu.memory_space<vmem>>, vector<1x1x16xi32>,
      %swap3A_1161 = vector.shape_cast %swap3A_1160 : vector<1x1x16xi32> to vector<16xi32>
      %swap3A_1162 = vector.shape_cast %select_n3A_1154 : vector<16xi32> to vector<1x1x16xi32>
      tpu.vector_store %arg7[%swap3A_1157, %swap3A_1158, %swap3A_1159], %swap3A_1162 {strides = array<i32>} : memref<2x2x128xi32, #tpu.memory_space<vmem>>, vector<1x1x16xi32>,
      %get3A_1163 = arith.constant 1 : i32
      %get3A_1164 = arith.constant 1 : i32
      %get3A_1165 = arith.constant 1 : i32
      %get3A_1166 = arith.index_cast %get3A_1163 : i32 to index
      %get3A_1167 = arith.index_cast %get3A_1164 : i32 to index
      %get3A_1168 = arith.index_cast %get3A_1165 : i32 to index
      %get3A_1169 = arith.constant 96 : index
      %get3A_1170 = tpu.vector_load %arg6[%get3A_1166, %get3A_1167, %get3A_1168, %get3A_1169] {strides = array<i32>} : memref<2x2x2x128xi32, #tpu.memory_space<vmem>>, vector<1x1x1x16xi32>,
      %get3A_1171 = vector.shape_cast %get3A_1170 : vector<1x1x1x16xi32> to vector<16xi32>
      %sub3A_1172 = vector.broadcast %mul3A_0 : i32 to vector<16xi32>
      %sub3A_1173 = arith.subi %get3A_1171, %sub3A_1172 : vector<16xi32>
      %ge3A_1174 = arith.constant 0 : i32
      %ge3A_1175 = vector.broadcast %ge3A_1174 : i32 to vector<16xi32>
      %ge3A_1176 = arith.cmpi sge, %sub3A_1173, %ge3A_1175 : vector<16xi32>
      %lt3A_1177 = arith.constant 25088 : i32
      %lt3A_1178 = vector.broadcast %lt3A_1177 : i32 to vector<16xi32>
      %lt3A_1179 = arith.cmpi slt, %sub3A_1173, %lt3A_1178 : vector<16xi32>
      %and3A_1180 = arith.andi %ge3A_1176, %lt3A_1179 : vector<16xi1>
      %jit3A_1181 = arith.constant 25088 : i32
      %broadcast_in_dim3A_1182 = vector.broadcast %jit3A_1181 : i32 to vector<16xi32>
      %select_n3A_1183 = arith.select %and3A_1180, %sub3A_1173, %broadcast_in_dim3A_1182 : vector<16xi1>, vector<16xi32>
      %swap3A_1184 = arith.constant 1 : i32
      %swap3A_1185 = arith.constant 1 : i32
      %swap3A_1186 = arith.index_cast %swap3A_1184 : i32 to index
      %swap3A_1187 = arith.index_cast %swap3A_1185 : i32 to index
      %swap3A_1188 = arith.constant 96 : index
      %swap3A_1189 = tpu.vector_load %arg7[%swap3A_1186, %swap3A_1187, %swap3A_1188] {strides = array<i32>} : memref<2x2x128xi32, #tpu.memory_space<vmem>>, vector<1x1x16xi32>,
      %swap3A_1190 = vector.shape_cast %swap3A_1189 : vector<1x1x16xi32> to vector<16xi32>
      %swap3A_1191 = vector.shape_cast %select_n3A_1183 : vector<16xi32> to vector<1x1x16xi32>
      tpu.vector_store %arg7[%swap3A_1186, %swap3A_1187, %swap3A_1188], %swap3A_1191 {strides = array<i32>} : memref<2x2x128xi32, #tpu.memory_space<vmem>>, vector<1x1x16xi32>,
      %get3A_1192 = arith.constant 1 : i32
      %get3A_1193 = arith.constant 1 : i32
      %get3A_1194 = arith.constant 1 : i32
      %get3A_1195 = arith.index_cast %get3A_1192 : i32 to index
      %get3A_1196 = arith.index_cast %get3A_1193 : i32 to index
      %get3A_1197 = arith.index_cast %get3A_1194 : i32 to index
      %get3A_1198 = arith.constant 112 : index
      %get3A_1199 = tpu.vector_load %arg6[%get3A_1195, %get3A_1196, %get3A_1197, %get3A_1198] {strides = array<i32>} : memref<2x2x2x128xi32, #tpu.memory_space<vmem>>, vector<1x1x1x16xi32>,
      %get3A_1200 = vector.shape_cast %get3A_1199 : vector<1x1x1x16xi32> to vector<16xi32>
      %sub3A_1201 = vector.broadcast %mul3A_0 : i32 to vector<16xi32>
      %sub3A_1202 = arith.subi %get3A_1200, %sub3A_1201 : vector<16xi32>
      %ge3A_1203 = arith.constant 0 : i32
      %ge3A_1204 = vector.broadcast %ge3A_1203 : i32 to vector<16xi32>
      %ge3A_1205 = arith.cmpi sge, %sub3A_1202, %ge3A_1204 : vector<16xi32>
      %lt3A_1206 = arith.constant 25088 : i32
      %lt3A_1207 = vector.broadcast %lt3A_1206 : i32 to vector<16xi32>
      %lt3A_1208 = arith.cmpi slt, %sub3A_1202, %lt3A_1207 : vector<16xi32>
      %and3A_1209 = arith.andi %ge3A_1205, %lt3A_1208 : vector<16xi1>
      %jit3A_1210 = arith.constant 25088 : i32
      %broadcast_in_dim3A_1211 = vector.broadcast %jit3A_1210 : i32 to vector<16xi32>
      %select_n3A_1212 = arith.select %and3A_1209, %sub3A_1202, %broadcast_in_dim3A_1211 : vector<16xi1>, vector<16xi32>
      %swap3A_1213 = arith.constant 1 : i32
      %swap3A_1214 = arith.constant 1 : i32
      %swap3A_1215 = arith.index_cast %swap3A_1213 : i32 to index
      %swap3A_1216 = arith.index_cast %swap3A_1214 : i32 to index
      %swap3A_1217 = arith.constant 112 : index
      %swap3A_1218 = tpu.vector_load %arg7[%swap3A_1215, %swap3A_1216, %swap3A_1217] {strides = array<i32>} : memref<2x2x128xi32, #tpu.memory_space<vmem>>, vector<1x1x16xi32>,
      %swap3A_1219 = vector.shape_cast %swap3A_1218 : vector<1x1x16xi32> to vector<16xi32>
      %swap3A_1220 = vector.shape_cast %select_n3A_1212 : vector<16xi32> to vector<1x1x16xi32>
      tpu.vector_store %arg7[%swap3A_1215, %swap3A_1216, %swap3A_1217], %swap3A_1220 {strides = array<i32>} : memref<2x2x128xi32, #tpu.memory_space<vmem>>, vector<1x1x16xi32>,
      %dma_wait3A_1221 = arith.constant 0 : i32
      %dma_wait3A_1222 = arith.constant 0 : i32
      %dma_wait3A_1223 = arith.constant 0 : i32
      %dma_wait3A_1224 = arith.constant 0 : i32
      %dma_wait3A_1225 = arith.constant 0 : i32
      %dma_wait3A_1226 = arith.constant 0 : i32
      %dma_wait3A_1227 = arith.constant 0 : i32
      %dma_wait3A_1228 = tpu.memref_slice %arg8[%dma_wait3A_1224, %dma_wait3A_1225, %dma_wait3A_1226, %dma_wait3A_1227] : memref<2x2x128x64xbf16, #tpu.memory_space<vmem>> -> memref<1x1x128x64xbf16, #tpu.memory_space<vmem>>
      %dma_wait3A_1229 = tpu.memref_squeeze %dma_wait3A_1228 : memref<1x1x128x64xbf16, #tpu.memory_space<vmem>> -> memref<128x64xbf16, #tpu.memory_space<vmem>>
      %dma_wait3A_1230 = arith.constant 0 : i32
      %dma_wait3A_1231 = tpu.memref_slice %arg6[%dma_wait3A_1221, %dma_wait3A_1222, %dma_wait3A_1223, %dma_wait3A_1230] : memref<2x2x2x128xi32, #tpu.memory_space<vmem>> -> memref<1x1x1x128xi32, #tpu.memory_space<vmem>>
      %dma_wait3A_1232 = tpu.memref_squeeze %dma_wait3A_1231 : memref<1x1x1x128xi32, #tpu.memory_space<vmem>> -> memref<128xi32, #tpu.memory_space<vmem>>
      %dma_wait3A_1233 = arith.constant 0 : i32
      %dma_wait3A_1234 = arith.constant 0 : i32
      %dma_wait3A_1235 = tpu.memref_slice %arg2[%dma_wait3A_1233, %dma_wait3A_1234] : memref<50176x64xbf16, #tpu.memory_space<hbm>> -> memref<50176x64xbf16, #tpu.memory_space<hbm>>
      tpu.wait_indirect_dma semaphore(%arg10 : memref<!tpu.dma_semaphore, #tpu.memory_space<semaphore_mem>>) src(%dma_wait3A_1235 : memref<50176x64xbf16, #tpu.memory_space<hbm>>) dst(%dma_wait3A_1229 : memref<128x64xbf16, #tpu.memory_space<vmem>>)
      %dma_wait3A_1236 = arith.constant 0 : i32
      %dma_wait3A_1237 = arith.constant 1 : i32
      %dma_wait3A_1238 = arith.constant 0 : i32
      %dma_wait3A_1239 = arith.constant 0 : i32
      %dma_wait3A_1240 = arith.constant 1 : i32
      %dma_wait3A_1241 = arith.constant 0 : i32
      %dma_wait3A_1242 = arith.constant 0 : i32
      %dma_wait3A_1243 = tpu.memref_slice %arg8[%dma_wait3A_1239, %dma_wait3A_1240, %dma_wait3A_1241, %dma_wait3A_1242] : memref<2x2x128x64xbf16, #tpu.memory_space<vmem>> -> memref<1x1x128x64xbf16, #tpu.memory_space<vmem>>
      %dma_wait3A_1244 = tpu.memref_squeeze %dma_wait3A_1243 : memref<1x1x128x64xbf16, #tpu.memory_space<vmem>> -> memref<128x64xbf16, #tpu.memory_space<vmem>>
      %dma_wait3A_1245 = arith.constant 0 : i32
      %dma_wait3A_1246 = tpu.memref_slice %arg6[%dma_wait3A_1236, %dma_wait3A_1237, %dma_wait3A_1238, %dma_wait3A_1245] : memref<2x2x2x128xi32, #tpu.memory_space<vmem>> -> memref<1x1x1x128xi32, #tpu.memory_space<vmem>>
      %dma_wait3A_1247 = tpu.memref_squeeze %dma_wait3A_1246 : memref<1x1x1x128xi32, #tpu.memory_space<vmem>> -> memref<128xi32, #tpu.memory_space<vmem>>
      %dma_wait3A_1248 = arith.constant 0 : i32
      %dma_wait3A_1249 = arith.constant 0 : i32
      %dma_wait3A_1250 = tpu.memref_slice %arg2[%dma_wait3A_1248, %dma_wait3A_1249] : memref<50176x64xbf16, #tpu.memory_space<hbm>> -> memref<50176x64xbf16, #tpu.memory_space<hbm>>
      tpu.wait_indirect_dma semaphore(%arg10 : memref<!tpu.dma_semaphore, #tpu.memory_space<semaphore_mem>>) src(%dma_wait3A_1250 : memref<50176x64xbf16, #tpu.memory_space<hbm>>) dst(%dma_wait3A_1244 : memref<128x64xbf16, #tpu.memory_space<vmem>>)
      %dma_start3A_1251 = arith.constant 1 : i32
      %dma_start3A_1252 = arith.constant 0 : i32
      %dma_start3A_1253 = arith.constant 0 : i32
      %dma_start3A_1254 = arith.constant 1 : i32
      %dma_start3A_1255 = arith.constant 0 : i32
      %dma_start3A_1256 = arith.constant 0 : i32
      %dma_start3A_1257 = arith.constant 0 : i32
      %dma_start3A_1258 = tpu.memref_slice %arg8[%dma_start3A_1254, %dma_start3A_1255, %dma_start3A_1256, %dma_start3A_1257] : memref<2x2x128x64xbf16, #tpu.memory_space<vmem>> -> memref<1x1x128x64xbf16, #tpu.memory_space<vmem>>
      %dma_start3A_1259 = tpu.memref_squeeze %dma_start3A_1258 : memref<1x1x128x64xbf16, #tpu.memory_space<vmem>> -> memref<128x64xbf16, #tpu.memory_space<vmem>>
      %dma_start3A_1260 = arith.constant 0 : i32
      %dma_start3A_1261 = tpu.memref_slice %arg6[%dma_start3A_1251, %dma_start3A_1252, %dma_start3A_1253, %dma_start3A_1260] : memref<2x2x2x128xi32, #tpu.memory_space<vmem>> -> memref<1x1x1x128xi32, #tpu.memory_space<vmem>>
      %dma_start3A_1262 = tpu.memref_squeeze %dma_start3A_1261 : memref<1x1x1x128xi32, #tpu.memory_space<vmem>> -> memref<128xi32, #tpu.memory_space<vmem>>
      %dma_start3A_1263 = arith.constant 0 : i32
      %dma_start3A_1264 = arith.constant 0 : i32
      %dma_start3A_1265 = tpu.memref_slice %arg2[%dma_start3A_1263, %dma_start3A_1264] : memref<50176x64xbf16, #tpu.memory_space<hbm>> -> memref<50176x64xbf16, #tpu.memory_space<hbm>>
      tpu.enqueue_indirect_dma source(%dma_start3A_1265 : memref<50176x64xbf16, #tpu.memory_space<hbm>>) target(%dma_start3A_1259 : memref<128x64xbf16, #tpu.memory_space<vmem>>) offsets(%dma_start3A_1262 : memref<128xi32, #tpu.memory_space<vmem>>) semaphore(%arg11 : memref<!tpu.dma_semaphore, #tpu.memory_space<semaphore_mem>>)
      %dma_start3A_1266 = arith.constant 1 : i32
      %dma_start3A_1267 = arith.constant 1 : i32
      %dma_start3A_1268 = arith.constant 0 : i32
      %dma_start3A_1269 = arith.constant 1 : i32
      %dma_start3A_1270 = arith.constant 1 : i32
      %dma_start3A_1271 = arith.constant 0 : i32
      %dma_start3A_1272 = arith.constant 0 : i32
      %dma_start3A_1273 = tpu.memref_slice %arg8[%dma_start3A_1269, %dma_start3A_1270, %dma_start3A_1271, %dma_start3A_1272] : memref<2x2x128x64xbf16, #tpu.memory_space<vmem>> -> memref<1x1x128x64xbf16, #tpu.memory_space<vmem>>
      %dma_start3A_1274 = tpu.memref_squeeze %dma_start3A_1273 : memref<1x1x128x64xbf16, #tpu.memory_space<vmem>> -> memref<128x64xbf16, #tpu.memory_space<vmem>>
      %dma_start3A_1275 = arith.constant 0 : i32
      %dma_start3A_1276 = tpu.memref_slice %arg6[%dma_start3A_1266, %dma_start3A_1267, %dma_start3A_1268, %dma_start3A_1275] : memref<2x2x2x128xi32, #tpu.memory_space<vmem>> -> memref<1x1x1x128xi32, #tpu.memory_space<vmem>>
      %dma_start3A_1277 = tpu.memref_squeeze %dma_start3A_1276 : memref<1x1x1x128xi32, #tpu.memory_space<vmem>> -> memref<128xi32, #tpu.memory_space<vmem>>
      %dma_start3A_1278 = arith.constant 0 : i32
      %dma_start3A_1279 = arith.constant 0 : i32
      %dma_start3A_1280 = tpu.memref_slice %arg2[%dma_start3A_1278, %dma_start3A_1279] : memref<50176x64xbf16, #tpu.memory_space<hbm>> -> memref<50176x64xbf16, #tpu.memory_space<hbm>>
      tpu.enqueue_indirect_dma source(%dma_start3A_1280 : memref<50176x64xbf16, #tpu.memory_space<hbm>>) target(%dma_start3A_1274 : memref<128x64xbf16, #tpu.memory_space<vmem>>) offsets(%dma_start3A_1277 : memref<128xi32, #tpu.memory_space<vmem>>) semaphore(%arg11 : memref<!tpu.dma_semaphore, #tpu.memory_space<semaphore_mem>>)
      %dma_start3A_1281 = arith.constant 0 : i32
      %dma_start3A_1282 = arith.constant 0 : i32
      %dma_start3A_1283 = arith.constant 0 : i32
      %dma_start3A_1284 = arith.constant 0 : i32
      %dma_start3A_1285 = arith.constant 0 : i32
      %dma_start3A_1286 = arith.constant 0 : i32
      %dma_start3A_1287 = tpu.memref_slice %arg8[%dma_start3A_1281, %dma_start3A_1282, %dma_start3A_1285, %dma_start3A_1286] : memref<2x2x128x64xbf16, #tpu.memory_space<vmem>> -> memref<1x1x128x64xbf16, #tpu.memory_space<vmem>>
      %dma_start3A_1288 = tpu.memref_squeeze %dma_start3A_1287 : memref<1x1x128x64xbf16, #tpu.memory_space<vmem>> -> memref<128x64xbf16, #tpu.memory_space<vmem>>
      %dma_start3A_1289 = arith.constant 0 : i32
      %dma_start3A_1290 = tpu.memref_slice %arg7[%dma_start3A_1283, %dma_start3A_1284, %dma_start3A_1289] : memref<2x2x128xi32, #tpu.memory_space<vmem>> -> memref<1x1x128xi32, #tpu.memory_space<vmem>>
      %dma_start3A_1291 = tpu.memref_squeeze %dma_start3A_1290 : memref<1x1x128xi32, #tpu.memory_space<vmem>> -> memref<128xi32, #tpu.memory_space<vmem>>
      %dma_start3A_1292 = arith.constant 0 : i32
      %dma_start3A_1293 = arith.constant 0 : i32
      %dma_start3A_1294 = tpu.memref_slice %arg9[%dma_start3A_1292, %dma_start3A_1293] : memref<25104x64xbf16, #tpu.memory_space<vmem_shared>> -> memref<25104x64xbf16, #tpu.memory_space<vmem_shared>>
      tpu.enqueue_indirect_dma source(%dma_start3A_1288 : memref<128x64xbf16, #tpu.memory_space<vmem>>) target(%dma_start3A_1294 : memref<25104x64xbf16, #tpu.memory_space<vmem_shared>>) offsets(%dma_start3A_1291 : memref<128xi32, #tpu.memory_space<vmem>>) semaphore(%arg12 : memref<!tpu.dma_semaphore, #tpu.memory_space<semaphore_mem>>) {add = true}
      %dma_start3A_1295 = arith.constant 0 : i32
      %dma_start3A_1296 = arith.constant 1 : i32
      %dma_start3A_1297 = arith.constant 0 : i32
      %dma_start3A_1298 = arith.constant 1 : i32
      %dma_start3A_1299 = arith.constant 0 : i32
      %dma_start3A_1300 = arith.constant 0 : i32
      %dma_start3A_1301 = tpu.memref_slice %arg8[%dma_start3A_1295, %dma_start3A_1296, %dma_start3A_1299, %dma_start3A_1300] : memref<2x2x128x64xbf16, #tpu.memory_space<vmem>> -> memref<1x1x128x64xbf16, #tpu.memory_space<vmem>>
      %dma_start3A_1302 = tpu.memref_squeeze %dma_start3A_1301 : memref<1x1x128x64xbf16, #tpu.memory_space<vmem>> -> memref<128x64xbf16, #tpu.memory_space<vmem>>
      %dma_start3A_1303 = arith.constant 0 : i32
      %dma_start3A_1304 = tpu.memref_slice %arg7[%dma_start3A_1297, %dma_start3A_1298, %dma_start3A_1303] : memref<2x2x128xi32, #tpu.memory_space<vmem>> -> memref<1x1x128xi32, #tpu.memory_space<vmem>>
      %dma_start3A_1305 = tpu.memref_squeeze %dma_start3A_1304 : memref<1x1x128xi32, #tpu.memory_space<vmem>> -> memref<128xi32, #tpu.memory_space<vmem>>
      %dma_start3A_1306 = arith.constant 0 : i32
      %dma_start3A_1307 = arith.constant 0 : i32
      %dma_start3A_1308 = tpu.memref_slice %arg9[%dma_start3A_1306, %dma_start3A_1307] : memref<25104x64xbf16, #tpu.memory_space<vmem_shared>> -> memref<25104x64xbf16, #tpu.memory_space<vmem_shared>>
      tpu.enqueue_indirect_dma source(%dma_start3A_1302 : memref<128x64xbf16, #tpu.memory_space<vmem>>) target(%dma_start3A_1308 : memref<25104x64xbf16, #tpu.memory_space<vmem_shared>>) offsets(%dma_start3A_1305 : memref<128xi32, #tpu.memory_space<vmem>>) semaphore(%arg12 : memref<!tpu.dma_semaphore, #tpu.memory_space<semaphore_mem>>) {add = true}
      %mul3A_1309 = arith.constant 2 : i32
      %mul3A_1310 = arith.muli %mul3A_1309, %scan3A_716 : i32
      %add3A_1311 = arith.constant 1 : i32
      %add3A_1312 = arith.addi %mul3A_1310, %add3A_1311 : i32
      %dma_wait3A_1313 = arith.constant 0 : i32
      %dma_wait3A_1314 = arith.constant 0 : i32
      %dma_wait3A_1315 = arith.constant 0 : i32
      %dma_wait3A_1316 = arith.constant 0 : i32
      %dma_wait3A_1317 = arith.constant 0 : i32
      %dma_wait3A_1318 = arith.constant 0 : i32
      %dma_wait3A_1319 = tpu.memref_slice %arg8[%dma_wait3A_1313, %dma_wait3A_1314, %dma_wait3A_1317, %dma_wait3A_1318] : memref<2x2x128x64xbf16, #tpu.memory_space<vmem>> -> memref<1x1x128x64xbf16, #tpu.memory_space<vmem>>
      %dma_wait3A_1320 = tpu.memref_squeeze %dma_wait3A_1319 : memref<1x1x128x64xbf16, #tpu.memory_space<vmem>> -> memref<128x64xbf16, #tpu.memory_space<vmem>>
      %dma_wait3A_1321 = arith.constant 0 : i32
      %dma_wait3A_1322 = tpu.memref_slice %arg7[%dma_wait3A_1315, %dma_wait3A_1316, %dma_wait3A_1321] : memref<2x2x128xi32, #tpu.memory_space<vmem>> -> memref<1x1x128xi32, #tpu.memory_space<vmem>>
      %dma_wait3A_1323 = tpu.memref_squeeze %dma_wait3A_1322 : memref<1x1x128xi32, #tpu.memory_space<vmem>> -> memref<128xi32, #tpu.memory_space<vmem>>
      %dma_wait3A_1324 = arith.constant 0 : i32
      %dma_wait3A_1325 = arith.constant 0 : i32
      %dma_wait3A_1326 = tpu.memref_slice %arg9[%dma_wait3A_1324, %dma_wait3A_1325] : memref<25104x64xbf16, #tpu.memory_space<vmem_shared>> -> memref<25104x64xbf16, #tpu.memory_space<vmem_shared>>
      tpu.wait_indirect_dma semaphore(%arg12 : memref<!tpu.dma_semaphore, #tpu.memory_space<semaphore_mem>>) src(%dma_wait3A_1320 : memref<128x64xbf16, #tpu.memory_space<vmem>>) dst(%dma_wait3A_1326 : memref<25104x64xbf16, #tpu.memory_space<vmem_shared>>)
      %dma_wait3A_1327 = arith.constant 0 : i32
      %dma_wait3A_1328 = arith.constant 1 : i32
      %dma_wait3A_1329 = arith.constant 0 : i32
      %dma_wait3A_1330 = arith.constant 1 : i32
      %dma_wait3A_1331 = arith.constant 0 : i32
      %dma_wait3A_1332 = arith.constant 0 : i32
      %dma_wait3A_1333 = tpu.memref_slice %arg8[%dma_wait3A_1327, %dma_wait3A_1328, %dma_wait3A_1331, %dma_wait3A_1332] : memref<2x2x128x64xbf16, #tpu.memory_space<vmem>> -> memref<1x1x128x64xbf16, #tpu.memory_space<vmem>>
      %dma_wait3A_1334 = tpu.memref_squeeze %dma_wait3A_1333 : memref<1x1x128x64xbf16, #tpu.memory_space<vmem>> -> memref<128x64xbf16, #tpu.memory_space<vmem>>
      %dma_wait3A_1335 = arith.constant 0 : i32
      %dma_wait3A_1336 = tpu.memref_slice %arg7[%dma_wait3A_1329, %dma_wait3A_1330, %dma_wait3A_1335] : memref<2x2x128xi32, #tpu.memory_space<vmem>> -> memref<1x1x128xi32, #tpu.memory_space<vmem>>
      %dma_wait3A_1337 = tpu.memref_squeeze %dma_wait3A_1336 : memref<1x1x128xi32, #tpu.memory_space<vmem>> -> memref<128xi32, #tpu.memory_space<vmem>>
      %dma_wait3A_1338 = arith.constant 0 : i32
      %dma_wait3A_1339 = arith.constant 0 : i32
      %dma_wait3A_1340 = tpu.memref_slice %arg9[%dma_wait3A_1338, %dma_wait3A_1339] : memref<25104x64xbf16, #tpu.memory_space<vmem_shared>> -> memref<25104x64xbf16, #tpu.memory_space<vmem_shared>>
      tpu.wait_indirect_dma semaphore(%arg12 : memref<!tpu.dma_semaphore, #tpu.memory_space<semaphore_mem>>) src(%dma_wait3A_1334 : memref<128x64xbf16, #tpu.memory_space<vmem>>) dst(%dma_wait3A_1340 : memref<25104x64xbf16, #tpu.memory_space<vmem_shared>>)
      %add3A_1341 = arith.constant 1 : i32
      %add3A_1342 = arith.addi %add3A_1312, %add3A_1341 : i32
      %mul3A_1343 = arith.constant 392 : i32
      %mul3A_1344 = arith.muli %arg1, %mul3A_1343 : i32
      %mul3A_1345 = arith.constant 2 : i32
      %mul3A_1346 = arith.muli %add3A_1342, %mul3A_1345 : i32
      %add3A_1347 = arith.addi %mul3A_1344, %mul3A_1346 : i32
      %run_scoped3A_1348 = arith.constant 0 : i32
      "tpu.region"() ({
        %run_scoped3A_1901 = tpu.sem_alloc : memref<!tpu.dma_semaphore, #tpu.memory_space<semaphore_mem>>
        %dma_start3A_1902 = arith.constant 0 : i32
        %dma_start3A_1903 = arith.constant 0 : i32
        %dma_start3A_1904 = arith.constant 0 : i32
        %dma_start3A_1905 = tpu.memref_slice %arg6[%run_scoped3A_1348, %dma_start3A_1902, %dma_start3A_1903, %dma_start3A_1904] : memref<2x2x2x128xi32, #tpu.memory_space<vmem>> -> memref<1x2x2x128xi32, #tpu.memory_space<vmem>>
        %dma_start3A_1906 = tpu.memref_squeeze %dma_start3A_1905 : memref<1x2x2x128xi32, #tpu.memory_space<vmem>> -> memref<2x2x128xi32, #tpu.memory_space<vmem>>
        %dma_start3A_1907 = arith.constant 0 : i32
        %dma_start3A_1908 = arith.constant 0 : i32
        %dma_start3A_1909 = tpu.memref_slice %arg3[%add3A_1347, %dma_start3A_1907, %dma_start3A_1908] : memref<6276x2x128xi32, #tpu.memory_space<hbm>> -> memref<2x2x128xi32, #tpu.memory_space<hbm>>
        %dma_start3A_1910 = arith.constant 0 : i32
        %dma_start3A_1911 = arith.constant 0 : i32
        %dma_start3A_1912 = arith.constant 0 : i32
        %dma_start3A_1913 = tpu.memref_slice %arg6[%run_scoped3A_1348, %dma_start3A_1910, %dma_start3A_1911, %dma_start3A_1912] : memref<2x2x2x128xi32, #tpu.memory_space<vmem>> -> memref<1x2x2x128xi32, #tpu.memory_space<vmem>>
        %dma_start3A_1914 = tpu.memref_squeeze %dma_start3A_1913 : memref<1x2x2x128xi32, #tpu.memory_space<vmem>> -> memref<2x2x128xi32, #tpu.memory_space<vmem>>
        %dma_start3A_1915 = arith.constant 0 : i32
        %dma_start3A_1916 = arith.constant 0 : i32
        %dma_start3A_1917 = tpu.memref_slice %arg3[%add3A_1347, %dma_start3A_1915, %dma_start3A_1916] : memref<6276x2x128xi32, #tpu.memory_space<hbm>> -> memref<2x2x128xi32, #tpu.memory_space<hbm>>
        tpu.enqueue_dma source(%dma_start3A_1917 : memref<2x2x128xi32, #tpu.memory_space<hbm>>) target(%dma_start3A_1914 : memref<2x2x128xi32, #tpu.memory_space<vmem>>) target_semaphore(%run_scoped3A_1901 : memref<!tpu.dma_semaphore, #tpu.memory_space<semaphore_mem>>)
        %dma_wait3A_1918 = arith.constant 0 : i32
        %dma_wait3A_1919 = arith.constant 0 : i32
        %dma_wait3A_1920 = arith.constant 0 : i32
        %dma_wait3A_1921 = tpu.memref_slice %arg6[%run_scoped3A_1348, %dma_wait3A_1918, %dma_wait3A_1919, %dma_wait3A_1920] : memref<2x2x2x128xi32, #tpu.memory_space<vmem>> -> memref<1x2x2x128xi32, #tpu.memory_space<vmem>>
        %dma_wait3A_1922 = tpu.memref_squeeze %dma_wait3A_1921 : memref<1x2x2x128xi32, #tpu.memory_space<vmem>> -> memref<2x2x128xi32, #tpu.memory_space<vmem>>
        %dma_wait3A_1923 = arith.constant 0 : i32
        %dma_wait3A_1924 = arith.constant 0 : i32
        %dma_wait3A_1925 = tpu.memref_slice %arg3[%add3A_1347, %dma_wait3A_1923, %dma_wait3A_1924] : memref<6276x2x128xi32, #tpu.memory_space<hbm>> -> memref<2x2x128xi32, #tpu.memory_space<hbm>>
        %dma_wait3A_1926 = arith.constant 0 : i32
        %dma_wait3A_1927 = arith.constant 0 : i32
        %dma_wait3A_1928 = arith.constant 0 : i32
        %dma_wait3A_1929 = tpu.memref_slice %arg6[%run_scoped3A_1348, %dma_wait3A_1926, %dma_wait3A_1927, %dma_wait3A_1928] : memref<2x2x2x128xi32, #tpu.memory_space<vmem>> -> memref<1x2x2x128xi32, #tpu.memory_space<vmem>>
        %dma_wait3A_1930 = tpu.memref_squeeze %dma_wait3A_1929 : memref<1x2x2x128xi32, #tpu.memory_space<vmem>> -> memref<2x2x128xi32, #tpu.memory_space<vmem>>
        %dma_wait3A_1931 = arith.constant 0 : i32
        %dma_wait3A_1932 = arith.constant 0 : i32
        %dma_wait3A_1933 = tpu.memref_slice %arg3[%add3A_1347, %dma_wait3A_1931, %dma_wait3A_1932] : memref<6276x2x128xi32, #tpu.memory_space<hbm>> -> memref<2x2x128xi32, #tpu.memory_space<hbm>>
        tpu.wait_dma2 semaphore(%run_scoped3A_1901 : memref<!tpu.dma_semaphore, #tpu.memory_space<semaphore_mem>>) src(%dma_wait3A_1933 : memref<2x2x128xi32, #tpu.memory_space<hbm>>) dst(%dma_wait3A_1930 : memref<2x2x128xi32, #tpu.memory_space<vmem>>)
        tpu.yield
      }) : () -> ()
      %get3A_1349 = arith.constant 0 : i32
      %get3A_1350 = arith.constant 0 : i32
      %get3A_1351 = arith.constant 1 : i32
      %get3A_1352 = arith.index_cast %get3A_1349 : i32 to index
      %get3A_1353 = arith.index_cast %get3A_1350 : i32 to index
      %get3A_1354 = arith.index_cast %get3A_1351 : i32 to index
      %get3A_1355 = arith.constant 0 : index
      %get3A_1356 = tpu.vector_load %arg6[%get3A_1352, %get3A_1353, %get3A_1354, %get3A_1355] {strides = array<i32>} : memref<2x2x2x128xi32, #tpu.memory_space<vmem>>, vector<1x1x1x16xi32>,
      %get3A_1357 = vector.shape_cast %get3A_1356 : vector<1x1x1x16xi32> to vector<16xi32>
      %sub3A_1358 = vector.broadcast %mul3A_0 : i32 to vector<16xi32>
      %sub3A_1359 = arith.subi %get3A_1357, %sub3A_1358 : vector<16xi32>
      %ge3A_1360 = arith.constant 0 : i32
      %ge3A_1361 = vector.broadcast %ge3A_1360 : i32 to vector<16xi32>
      %ge3A_1362 = arith.cmpi sge, %sub3A_1359, %ge3A_1361 : vector<16xi32>
      %lt3A_1363 = arith.constant 25088 : i32
      %lt3A_1364 = vector.broadcast %lt3A_1363 : i32 to vector<16xi32>
      %lt3A_1365 = arith.cmpi slt, %sub3A_1359, %lt3A_1364 : vector<16xi32>
      %and3A_1366 = arith.andi %ge3A_1362, %lt3A_1365 : vector<16xi1>
      %jit3A_1367 = arith.constant 25088 : i32
      %broadcast_in_dim3A_1368 = vector.broadcast %jit3A_1367 : i32 to vector<16xi32>
      %select_n3A_1369 = arith.select %and3A_1366, %sub3A_1359, %broadcast_in_dim3A_1368 : vector<16xi1>, vector<16xi32>
      %swap3A_1370 = arith.constant 0 : i32
      %swap3A_1371 = arith.constant 0 : i32
      %swap3A_1372 = arith.index_cast %swap3A_1370 : i32 to index
      %swap3A_1373 = arith.index_cast %swap3A_1371 : i32 to index
      %swap3A_1374 = arith.constant 0 : index
      %swap3A_1375 = tpu.vector_load %arg7[%swap3A_1372, %swap3A_1373, %swap3A_1374] {strides = array<i32>} : memref<2x2x128xi32, #tpu.memory_space<vmem>>, vector<1x1x16xi32>,
      %swap3A_1376 = vector.shape_cast %swap3A_1375 : vector<1x1x16xi32> to vector<16xi32>
      %swap3A_1377 = vector.shape_cast %select_n3A_1369 : vector<16xi32> to vector<1x1x16xi32>
      tpu.vector_store %arg7[%swap3A_1372, %swap3A_1373, %swap3A_1374], %swap3A_1377 {strides = array<i32>} : memref<2x2x128xi32, #tpu.memory_space<vmem>>, vector<1x1x16xi32>,
      %get3A_1378 = arith.constant 0 : i32
      %get3A_1379 = arith.constant 0 : i32
      %get3A_1380 = arith.constant 1 : i32
      %get3A_1381 = arith.index_cast %get3A_1378 : i32 to index
      %get3A_1382 = arith.index_cast %get3A_1379 : i32 to index
      %get3A_1383 = arith.index_cast %get3A_1380 : i32 to index
      %get3A_1384 = arith.constant 16 : index
      %get3A_1385 = tpu.vector_load %arg6[%get3A_1381, %get3A_1382, %get3A_1383, %get3A_1384] {strides = array<i32>} : memref<2x2x2x128xi32, #tpu.memory_space<vmem>>, vector<1x1x1x16xi32>,
      %get3A_1386 = vector.shape_cast %get3A_1385 : vector<1x1x1x16xi32> to vector<16xi32>
      %sub3A_1387 = vector.broadcast %mul3A_0 : i32 to vector<16xi32>
      %sub3A_1388 = arith.subi %get3A_1386, %sub3A_1387 : vector<16xi32>
      %ge3A_1389 = arith.constant 0 : i32
      %ge3A_1390 = vector.broadcast %ge3A_1389 : i32 to vector<16xi32>
      %ge3A_1391 = arith.cmpi sge, %sub3A_1388, %ge3A_1390 : vector<16xi32>
      %lt3A_1392 = arith.constant 25088 : i32
      %lt3A_1393 = vector.broadcast %lt3A_1392 : i32 to vector<16xi32>
      %lt3A_1394 = arith.cmpi slt, %sub3A_1388, %lt3A_1393 : vector<16xi32>
      %and3A_1395 = arith.andi %ge3A_1391, %lt3A_1394 : vector<16xi1>
      %jit3A_1396 = arith.constant 25088 : i32
      %broadcast_in_dim3A_1397 = vector.broadcast %jit3A_1396 : i32 to vector<16xi32>
      %select_n3A_1398 = arith.select %and3A_1395, %sub3A_1388, %broadcast_in_dim3A_1397 : vector<16xi1>, vector<16xi32>
      %swap3A_1399 = arith.constant 0 : i32
      %swap3A_1400 = arith.constant 0 : i32
      %swap3A_1401 = arith.index_cast %swap3A_1399 : i32 to index
      %swap3A_1402 = arith.index_cast %swap3A_1400 : i32 to index
      %swap3A_1403 = arith.constant 16 : index
      %swap3A_1404 = tpu.vector_load %arg7[%swap3A_1401, %swap3A_1402, %swap3A_1403] {strides = array<i32>} : memref<2x2x128xi32, #tpu.memory_space<vmem>>, vector<1x1x16xi32>,
      %swap3A_1405 = vector.shape_cast %swap3A_1404 : vector<1x1x16xi32> to vector<16xi32>
      %swap3A_1406 = vector.shape_cast %select_n3A_1398 : vector<16xi32> to vector<1x1x16xi32>
      tpu.vector_store %arg7[%swap3A_1401, %swap3A_1402, %swap3A_1403], %swap3A_1406 {strides = array<i32>} : memref<2x2x128xi32, #tpu.memory_space<vmem>>, vector<1x1x16xi32>,
      %get3A_1407 = arith.constant 0 : i32
      %get3A_1408 = arith.constant 0 : i32
      %get3A_1409 = arith.constant 1 : i32
      %get3A_1410 = arith.index_cast %get3A_1407 : i32 to index
      %get3A_1411 = arith.index_cast %get3A_1408 : i32 to index
      %get3A_1412 = arith.index_cast %get3A_1409 : i32 to index
      %get3A_1413 = arith.constant 32 : index
      %get3A_1414 = tpu.vector_load %arg6[%get3A_1410, %get3A_1411, %get3A_1412, %get3A_1413] {strides = array<i32>} : memref<2x2x2x128xi32, #tpu.memory_space<vmem>>, vector<1x1x1x16xi32>,
      %get3A_1415 = vector.shape_cast %get3A_1414 : vector<1x1x1x16xi32> to vector<16xi32>
      %sub3A_1416 = vector.broadcast %mul3A_0 : i32 to vector<16xi32>
      %sub3A_1417 = arith.subi %get3A_1415, %sub3A_1416 : vector<16xi32>
      %ge3A_1418 = arith.constant 0 : i32
      %ge3A_1419 = vector.broadcast %ge3A_1418 : i32 to vector<16xi32>
      %ge3A_1420 = arith.cmpi sge, %sub3A_1417, %ge3A_1419 : vector<16xi32>
      %lt3A_1421 = arith.constant 25088 : i32
      %lt3A_1422 = vector.broadcast %lt3A_1421 : i32 to vector<16xi32>
      %lt3A_1423 = arith.cmpi slt, %sub3A_1417, %lt3A_1422 : vector<16xi32>
      %and3A_1424 = arith.andi %ge3A_1420, %lt3A_1423 : vector<16xi1>
      %jit3A_1425 = arith.constant 25088 : i32
      %broadcast_in_dim3A_1426 = vector.broadcast %jit3A_1425 : i32 to vector<16xi32>
      %select_n3A_1427 = arith.select %and3A_1424, %sub3A_1417, %broadcast_in_dim3A_1426 : vector<16xi1>, vector<16xi32>
      %swap3A_1428 = arith.constant 0 : i32
      %swap3A_1429 = arith.constant 0 : i32
      %swap3A_1430 = arith.index_cast %swap3A_1428 : i32 to index
      %swap3A_1431 = arith.index_cast %swap3A_1429 : i32 to index
      %swap3A_1432 = arith.constant 32 : index
      %swap3A_1433 = tpu.vector_load %arg7[%swap3A_1430, %swap3A_1431, %swap3A_1432] {strides = array<i32>} : memref<2x2x128xi32, #tpu.memory_space<vmem>>, vector<1x1x16xi32>,
      %swap3A_1434 = vector.shape_cast %swap3A_1433 : vector<1x1x16xi32> to vector<16xi32>
      %swap3A_1435 = vector.shape_cast %select_n3A_1427 : vector<16xi32> to vector<1x1x16xi32>
      tpu.vector_store %arg7[%swap3A_1430, %swap3A_1431, %swap3A_1432], %swap3A_1435 {strides = array<i32>} : memref<2x2x128xi32, #tpu.memory_space<vmem>>, vector<1x1x16xi32>,
      %get3A_1436 = arith.constant 0 : i32
      %get3A_1437 = arith.constant 0 : i32
      %get3A_1438 = arith.constant 1 : i32
      %get3A_1439 = arith.index_cast %get3A_1436 : i32 to index
      %get3A_1440 = arith.index_cast %get3A_1437 : i32 to index
      %get3A_1441 = arith.index_cast %get3A_1438 : i32 to index
      %get3A_1442 = arith.constant 48 : index
      %get3A_1443 = tpu.vector_load %arg6[%get3A_1439, %get3A_1440, %get3A_1441, %get3A_1442] {strides = array<i32>} : memref<2x2x2x128xi32, #tpu.memory_space<vmem>>, vector<1x1x1x16xi32>,
      %get3A_1444 = vector.shape_cast %get3A_1443 : vector<1x1x1x16xi32> to vector<16xi32>
      %sub3A_1445 = vector.broadcast %mul3A_0 : i32 to vector<16xi32>
      %sub3A_1446 = arith.subi %get3A_1444, %sub3A_1445 : vector<16xi32>
      %ge3A_1447 = arith.constant 0 : i32
      %ge3A_1448 = vector.broadcast %ge3A_1447 : i32 to vector<16xi32>
      %ge3A_1449 = arith.cmpi sge, %sub3A_1446, %ge3A_1448 : vector<16xi32>
      %lt3A_1450 = arith.constant 25088 : i32
      %lt3A_1451 = vector.broadcast %lt3A_1450 : i32 to vector<16xi32>
      %lt3A_1452 = arith.cmpi slt, %sub3A_1446, %lt3A_1451 : vector<16xi32>
      %and3A_1453 = arith.andi %ge3A_1449, %lt3A_1452 : vector<16xi1>
      %jit3A_1454 = arith.constant 25088 : i32
      %broadcast_in_dim3A_1455 = vector.broadcast %jit3A_1454 : i32 to vector<16xi32>
      %select_n3A_1456 = arith.select %and3A_1453, %sub3A_1446, %broadcast_in_dim3A_1455 : vector<16xi1>, vector<16xi32>
      %swap3A_1457 = arith.constant 0 : i32
      %swap3A_1458 = arith.constant 0 : i32
      %swap3A_1459 = arith.index_cast %swap3A_1457 : i32 to index
      %swap3A_1460 = arith.index_cast %swap3A_1458 : i32 to index
      %swap3A_1461 = arith.constant 48 : index
      %swap3A_1462 = tpu.vector_load %arg7[%swap3A_1459, %swap3A_1460, %swap3A_1461] {strides = array<i32>} : memref<2x2x128xi32, #tpu.memory_space<vmem>>, vector<1x1x16xi32>,
      %swap3A_1463 = vector.shape_cast %swap3A_1462 : vector<1x1x16xi32> to vector<16xi32>
      %swap3A_1464 = vector.shape_cast %select_n3A_1456 : vector<16xi32> to vector<1x1x16xi32>
      tpu.vector_store %arg7[%swap3A_1459, %swap3A_1460, %swap3A_1461], %swap3A_1464 {strides = array<i32>} : memref<2x2x128xi32, #tpu.memory_space<vmem>>, vector<1x1x16xi32>,
      %get3A_1465 = arith.constant 0 : i32
      %get3A_1466 = arith.constant 0 : i32
      %get3A_1467 = arith.constant 1 : i32
      %get3A_1468 = arith.index_cast %get3A_1465 : i32 to index
      %get3A_1469 = arith.index_cast %get3A_1466 : i32 to index
      %get3A_1470 = arith.index_cast %get3A_1467 : i32 to index
      %get3A_1471 = arith.constant 64 : index
      %get3A_1472 = tpu.vector_load %arg6[%get3A_1468, %get3A_1469, %get3A_1470, %get3A_1471] {strides = array<i32>} : memref<2x2x2x128xi32, #tpu.memory_space<vmem>>, vector<1x1x1x16xi32>,
      %get3A_1473 = vector.shape_cast %get3A_1472 : vector<1x1x1x16xi32> to vector<16xi32>
      %sub3A_1474 = vector.broadcast %mul3A_0 : i32 to vector<16xi32>
      %sub3A_1475 = arith.subi %get3A_1473, %sub3A_1474 : vector<16xi32>
      %ge3A_1476 = arith.constant 0 : i32
      %ge3A_1477 = vector.broadcast %ge3A_1476 : i32 to vector<16xi32>
      %ge3A_1478 = arith.cmpi sge, %sub3A_1475, %ge3A_1477 : vector<16xi32>
      %lt3A_1479 = arith.constant 25088 : i32
      %lt3A_1480 = vector.broadcast %lt3A_1479 : i32 to vector<16xi32>
      %lt3A_1481 = arith.cmpi slt, %sub3A_1475, %lt3A_1480 : vector<16xi32>
      %and3A_1482 = arith.andi %ge3A_1478, %lt3A_1481 : vector<16xi1>
      %jit3A_1483 = arith.constant 25088 : i32
      %broadcast_in_dim3A_1484 = vector.broadcast %jit3A_1483 : i32 to vector<16xi32>
      %select_n3A_1485 = arith.select %and3A_1482, %sub3A_1475, %broadcast_in_dim3A_1484 : vector<16xi1>, vector<16xi32>
      %swap3A_1486 = arith.constant 0 : i32
      %swap3A_1487 = arith.constant 0 : i32
      %swap3A_1488 = arith.index_cast %swap3A_1486 : i32 to index
      %swap3A_1489 = arith.index_cast %swap3A_1487 : i32 to index
      %swap3A_1490 = arith.constant 64 : index
      %swap3A_1491 = tpu.vector_load %arg7[%swap3A_1488, %swap3A_1489, %swap3A_1490] {strides = array<i32>} : memref<2x2x128xi32, #tpu.memory_space<vmem>>, vector<1x1x16xi32>,
      %swap3A_1492 = vector.shape_cast %swap3A_1491 : vector<1x1x16xi32> to vector<16xi32>
      %swap3A_1493 = vector.shape_cast %select_n3A_1485 : vector<16xi32> to vector<1x1x16xi32>
      tpu.vector_store %arg7[%swap3A_1488, %swap3A_1489, %swap3A_1490], %swap3A_1493 {strides = array<i32>} : memref<2x2x128xi32, #tpu.memory_space<vmem>>, vector<1x1x16xi32>,
      %get3A_1494 = arith.constant 0 : i32
      %get3A_1495 = arith.constant 0 : i32
      %get3A_1496 = arith.constant 1 : i32
      %get3A_1497 = arith.index_cast %get3A_1494 : i32 to index
      %get3A_1498 = arith.index_cast %get3A_1495 : i32 to index
      %get3A_1499 = arith.index_cast %get3A_1496 : i32 to index
      %get3A_1500 = arith.constant 80 : index
      %get3A_1501 = tpu.vector_load %arg6[%get3A_1497, %get3A_1498, %get3A_1499, %get3A_1500] {strides = array<i32>} : memref<2x2x2x128xi32, #tpu.memory_space<vmem>>, vector<1x1x1x16xi32>,
      %get3A_1502 = vector.shape_cast %get3A_1501 : vector<1x1x1x16xi32> to vector<16xi32>
      %sub3A_1503 = vector.broadcast %mul3A_0 : i32 to vector<16xi32>
      %sub3A_1504 = arith.subi %get3A_1502, %sub3A_1503 : vector<16xi32>
      %ge3A_1505 = arith.constant 0 : i32
      %ge3A_1506 = vector.broadcast %ge3A_1505 : i32 to vector<16xi32>
      %ge3A_1507 = arith.cmpi sge, %sub3A_1504, %ge3A_1506 : vector<16xi32>
      %lt3A_1508 = arith.constant 25088 : i32
      %lt3A_1509 = vector.broadcast %lt3A_1508 : i32 to vector<16xi32>
      %lt3A_1510 = arith.cmpi slt, %sub3A_1504, %lt3A_1509 : vector<16xi32>
      %and3A_1511 = arith.andi %ge3A_1507, %lt3A_1510 : vector<16xi1>
      %jit3A_1512 = arith.constant 25088 : i32
      %broadcast_in_dim3A_1513 = vector.broadcast %jit3A_1512 : i32 to vector<16xi32>
      %select_n3A_1514 = arith.select %and3A_1511, %sub3A_1504, %broadcast_in_dim3A_1513 : vector<16xi1>, vector<16xi32>
      %swap3A_1515 = arith.constant 0 : i32
      %swap3A_1516 = arith.constant 0 : i32
      %swap3A_1517 = arith.index_cast %swap3A_1515 : i32 to index
      %swap3A_1518 = arith.index_cast %swap3A_1516 : i32 to index
      %swap3A_1519 = arith.constant 80 : index
      %swap3A_1520 = tpu.vector_load %arg7[%swap3A_1517, %swap3A_1518, %swap3A_1519] {strides = array<i32>} : memref<2x2x128xi32, #tpu.memory_space<vmem>>, vector<1x1x16xi32>,
      %swap3A_1521 = vector.shape_cast %swap3A_1520 : vector<1x1x16xi32> to vector<16xi32>
      %swap3A_1522 = vector.shape_cast %select_n3A_1514 : vector<16xi32> to vector<1x1x16xi32>
      tpu.vector_store %arg7[%swap3A_1517, %swap3A_1518, %swap3A_1519], %swap3A_1522 {strides = array<i32>} : memref<2x2x128xi32, #tpu.memory_space<vmem>>, vector<1x1x16xi32>,
      %get3A_1523 = arith.constant 0 : i32
      %get3A_1524 = arith.constant 0 : i32
      %get3A_1525 = arith.constant 1 : i32
      %get3A_1526 = arith.index_cast %get3A_1523 : i32 to index
      %get3A_1527 = arith.index_cast %get3A_1524 : i32 to index
      %get3A_1528 = arith.index_cast %get3A_1525 : i32 to index
      %get3A_1529 = arith.constant 96 : index
      %get3A_1530 = tpu.vector_load %arg6[%get3A_1526, %get3A_1527, %get3A_1528, %get3A_1529] {strides = array<i32>} : memref<2x2x2x128xi32, #tpu.memory_space<vmem>>, vector<1x1x1x16xi32>,
      %get3A_1531 = vector.shape_cast %get3A_1530 : vector<1x1x1x16xi32> to vector<16xi32>
      %sub3A_1532 = vector.broadcast %mul3A_0 : i32 to vector<16xi32>
      %sub3A_1533 = arith.subi %get3A_1531, %sub3A_1532 : vector<16xi32>
      %ge3A_1534 = arith.constant 0 : i32
      %ge3A_1535 = vector.broadcast %ge3A_1534 : i32 to vector<16xi32>
      %ge3A_1536 = arith.cmpi sge, %sub3A_1533, %ge3A_1535 : vector<16xi32>
      %lt3A_1537 = arith.constant 25088 : i32
      %lt3A_1538 = vector.broadcast %lt3A_1537 : i32 to vector<16xi32>
      %lt3A_1539 = arith.cmpi slt, %sub3A_1533, %lt3A_1538 : vector<16xi32>
      %and3A_1540 = arith.andi %ge3A_1536, %lt3A_1539 : vector<16xi1>
      %jit3A_1541 = arith.constant 25088 : i32
      %broadcast_in_dim3A_1542 = vector.broadcast %jit3A_1541 : i32 to vector<16xi32>
      %select_n3A_1543 = arith.select %and3A_1540, %sub3A_1533, %broadcast_in_dim3A_1542 : vector<16xi1>, vector<16xi32>
      %swap3A_1544 = arith.constant 0 : i32
      %swap3A_1545 = arith.constant 0 : i32
      %swap3A_1546 = arith.index_cast %swap3A_1544 : i32 to index
      %swap3A_1547 = arith.index_cast %swap3A_1545 : i32 to index
      %swap3A_1548 = arith.constant 96 : index
      %swap3A_1549 = tpu.vector_load %arg7[%swap3A_1546, %swap3A_1547, %swap3A_1548] {strides = array<i32>} : memref<2x2x128xi32, #tpu.memory_space<vmem>>, vector<1x1x16xi32>,
      %swap3A_1550 = vector.shape_cast %swap3A_1549 : vector<1x1x16xi32> to vector<16xi32>
      %swap3A_1551 = vector.shape_cast %select_n3A_1543 : vector<16xi32> to vector<1x1x16xi32>
      tpu.vector_store %arg7[%swap3A_1546, %swap3A_1547, %swap3A_1548], %swap3A_1551 {strides = array<i32>} : memref<2x2x128xi32, #tpu.memory_space<vmem>>, vector<1x1x16xi32>,
      %get3A_1552 = arith.constant 0 : i32
      %get3A_1553 = arith.constant 0 : i32
      %get3A_1554 = arith.constant 1 : i32
      %get3A_1555 = arith.index_cast %get3A_1552 : i32 to index
      %get3A_1556 = arith.index_cast %get3A_1553 : i32 to index
      %get3A_1557 = arith.index_cast %get3A_1554 : i32 to index
      %get3A_1558 = arith.constant 112 : index
      %get3A_1559 = tpu.vector_load %arg6[%get3A_1555, %get3A_1556, %get3A_1557, %get3A_1558] {strides = array<i32>} : memref<2x2x2x128xi32, #tpu.memory_space<vmem>>, vector<1x1x1x16xi32>,
      %get3A_1560 = vector.shape_cast %get3A_1559 : vector<1x1x1x16xi32> to vector<16xi32>
      %sub3A_1561 = vector.broadcast %mul3A_0 : i32 to vector<16xi32>
      %sub3A_1562 = arith.subi %get3A_1560, %sub3A_1561 : vector<16xi32>
      %ge3A_1563 = arith.constant 0 : i32
      %ge3A_1564 = vector.broadcast %ge3A_1563 : i32 to vector<16xi32>
      %ge3A_1565 = arith.cmpi sge, %sub3A_1562, %ge3A_1564 : vector<16xi32>
      %lt3A_1566 = arith.constant 25088 : i32
      %lt3A_1567 = vector.broadcast %lt3A_1566 : i32 to vector<16xi32>
      %lt3A_1568 = arith.cmpi slt, %sub3A_1562, %lt3A_1567 : vector<16xi32>
      %and3A_1569 = arith.andi %ge3A_1565, %lt3A_1568 : vector<16xi1>
      %jit3A_1570 = arith.constant 25088 : i32
      %broadcast_in_dim3A_1571 = vector.broadcast %jit3A_1570 : i32 to vector<16xi32>
      %select_n3A_1572 = arith.select %and3A_1569, %sub3A_1562, %broadcast_in_dim3A_1571 : vector<16xi1>, vector<16xi32>
      %swap3A_1573 = arith.constant 0 : i32
      %swap3A_1574 = arith.constant 0 : i32
      %swap3A_1575 = arith.index_cast %swap3A_1573 : i32 to index
      %swap3A_1576 = arith.index_cast %swap3A_1574 : i32 to index
      %swap3A_1577 = arith.constant 112 : index
      %swap3A_1578 = tpu.vector_load %arg7[%swap3A_1575, %swap3A_1576, %swap3A_1577] {strides = array<i32>} : memref<2x2x128xi32, #tpu.memory_space<vmem>>, vector<1x1x16xi32>,
      %swap3A_1579 = vector.shape_cast %swap3A_1578 : vector<1x1x16xi32> to vector<16xi32>
      %swap3A_1580 = vector.shape_cast %select_n3A_1572 : vector<16xi32> to vector<1x1x16xi32>
      tpu.vector_store %arg7[%swap3A_1575, %swap3A_1576, %swap3A_1577], %swap3A_1580 {strides = array<i32>} : memref<2x2x128xi32, #tpu.memory_space<vmem>>, vector<1x1x16xi32>,
      %get3A_1581 = arith.constant 0 : i32
      %get3A_1582 = arith.constant 1 : i32
      %get3A_1583 = arith.constant 1 : i32
      %get3A_1584 = arith.index_cast %get3A_1581 : i32 to index
      %get3A_1585 = arith.index_cast %get3A_1582 : i32 to index
      %get3A_1586 = arith.index_cast %get3A_1583 : i32 to index
      %get3A_1587 = arith.constant 0 : index
      %get3A_1588 = tpu.vector_load %arg6[%get3A_1584, %get3A_1585, %get3A_1586, %get3A_1587] {strides = array<i32>} : memref<2x2x2x128xi32, #tpu.memory_space<vmem>>, vector<1x1x1x16xi32>,
      %get3A_1589 = vector.shape_cast %get3A_1588 : vector<1x1x1x16xi32> to vector<16xi32>
      %sub3A_1590 = vector.broadcast %mul3A_0 : i32 to vector<16xi32>
      %sub3A_1591 = arith.subi %get3A_1589, %sub3A_1590 : vector<16xi32>
      %ge3A_1592 = arith.constant 0 : i32
      %ge3A_1593 = vector.broadcast %ge3A_1592 : i32 to vector<16xi32>
      %ge3A_1594 = arith.cmpi sge, %sub3A_1591, %ge3A_1593 : vector<16xi32>
      %lt3A_1595 = arith.constant 25088 : i32
      %lt3A_1596 = vector.broadcast %lt3A_1595 : i32 to vector<16xi32>
      %lt3A_1597 = arith.cmpi slt, %sub3A_1591, %lt3A_1596 : vector<16xi32>
      %and3A_1598 = arith.andi %ge3A_1594, %lt3A_1597 : vector<16xi1>
      %jit3A_1599 = arith.constant 25088 : i32
      %broadcast_in_dim3A_1600 = vector.broadcast %jit3A_1599 : i32 to vector<16xi32>
      %select_n3A_1601 = arith.select %and3A_1598, %sub3A_1591, %broadcast_in_dim3A_1600 : vector<16xi1>, vector<16xi32>
      %swap3A_1602 = arith.constant 0 : i32
      %swap3A_1603 = arith.constant 1 : i32
      %swap3A_1604 = arith.index_cast %swap3A_1602 : i32 to index
      %swap3A_1605 = arith.index_cast %swap3A_1603 : i32 to index
      %swap3A_1606 = arith.constant 0 : index
      %swap3A_1607 = tpu.vector_load %arg7[%swap3A_1604, %swap3A_1605, %swap3A_1606] {strides = array<i32>} : memref<2x2x128xi32, #tpu.memory_space<vmem>>, vector<1x1x16xi32>,
      %swap3A_1608 = vector.shape_cast %swap3A_1607 : vector<1x1x16xi32> to vector<16xi32>
      %swap3A_1609 = vector.shape_cast %select_n3A_1601 : vector<16xi32> to vector<1x1x16xi32>
      tpu.vector_store %arg7[%swap3A_1604, %swap3A_1605, %swap3A_1606], %swap3A_1609 {strides = array<i32>} : memref<2x2x128xi32, #tpu.memory_space<vmem>>, vector<1x1x16xi32>,
      %get3A_1610 = arith.constant 0 : i32
      %get3A_1611 = arith.constant 1 : i32
      %get3A_1612 = arith.constant 1 : i32
      %get3A_1613 = arith.index_cast %get3A_1610 : i32 to index
      %get3A_1614 = arith.index_cast %get3A_1611 : i32 to index
      %get3A_1615 = arith.index_cast %get3A_1612 : i32 to index
      %get3A_1616 = arith.constant 16 : index
      %get3A_1617 = tpu.vector_load %arg6[%get3A_1613, %get3A_1614, %get3A_1615, %get3A_1616] {strides = array<i32>} : memref<2x2x2x128xi32, #tpu.memory_space<vmem>>, vector<1x1x1x16xi32>,
      %get3A_1618 = vector.shape_cast %get3A_1617 : vector<1x1x1x16xi32> to vector<16xi32>
      %sub3A_1619 = vector.broadcast %mul3A_0 : i32 to vector<16xi32>
      %sub3A_1620 = arith.subi %get3A_1618, %sub3A_1619 : vector<16xi32>
      %ge3A_1621 = arith.constant 0 : i32
      %ge3A_1622 = vector.broadcast %ge3A_1621 : i32 to vector<16xi32>
      %ge3A_1623 = arith.cmpi sge, %sub3A_1620, %ge3A_1622 : vector<16xi32>
      %lt3A_1624 = arith.constant 25088 : i32
      %lt3A_1625 = vector.broadcast %lt3A_1624 : i32 to vector<16xi32>
      %lt3A_1626 = arith.cmpi slt, %sub3A_1620, %lt3A_1625 : vector<16xi32>
      %and3A_1627 = arith.andi %ge3A_1623, %lt3A_1626 : vector<16xi1>
      %jit3A_1628 = arith.constant 25088 : i32
      %broadcast_in_dim3A_1629 = vector.broadcast %jit3A_1628 : i32 to vector<16xi32>
      %select_n3A_1630 = arith.select %and3A_1627, %sub3A_1620, %broadcast_in_dim3A_1629 : vector<16xi1>, vector<16xi32>
      %swap3A_1631 = arith.constant 0 : i32
      %swap3A_1632 = arith.constant 1 : i32
      %swap3A_1633 = arith.index_cast %swap3A_1631 : i32 to index
      %swap3A_1634 = arith.index_cast %swap3A_1632 : i32 to index
      %swap3A_1635 = arith.constant 16 : index
      %swap3A_1636 = tpu.vector_load %arg7[%swap3A_1633, %swap3A_1634, %swap3A_1635] {strides = array<i32>} : memref<2x2x128xi32, #tpu.memory_space<vmem>>, vector<1x1x16xi32>,
      %swap3A_1637 = vector.shape_cast %swap3A_1636 : vector<1x1x16xi32> to vector<16xi32>
      %swap3A_1638 = vector.shape_cast %select_n3A_1630 : vector<16xi32> to vector<1x1x16xi32>
      tpu.vector_store %arg7[%swap3A_1633, %swap3A_1634, %swap3A_1635], %swap3A_1638 {strides = array<i32>} : memref<2x2x128xi32, #tpu.memory_space<vmem>>, vector<1x1x16xi32>,
      %get3A_1639 = arith.constant 0 : i32
      %get3A_1640 = arith.constant 1 : i32
      %get3A_1641 = arith.constant 1 : i32
      %get3A_1642 = arith.index_cast %get3A_1639 : i32 to index
      %get3A_1643 = arith.index_cast %get3A_1640 : i32 to index
      %get3A_1644 = arith.index_cast %get3A_1641 : i32 to index
      %get3A_1645 = arith.constant 32 : index
      %get3A_1646 = tpu.vector_load %arg6[%get3A_1642, %get3A_1643, %get3A_1644, %get3A_1645] {strides = array<i32>} : memref<2x2x2x128xi32, #tpu.memory_space<vmem>>, vector<1x1x1x16xi32>,
      %get3A_1647 = vector.shape_cast %get3A_1646 : vector<1x1x1x16xi32> to vector<16xi32>
      %sub3A_1648 = vector.broadcast %mul3A_0 : i32 to vector<16xi32>
      %sub3A_1649 = arith.subi %get3A_1647, %sub3A_1648 : vector<16xi32>
      %ge3A_1650 = arith.constant 0 : i32
      %ge3A_1651 = vector.broadcast %ge3A_1650 : i32 to vector<16xi32>
      %ge3A_1652 = arith.cmpi sge, %sub3A_1649, %ge3A_1651 : vector<16xi32>
      %lt3A_1653 = arith.constant 25088 : i32
      %lt3A_1654 = vector.broadcast %lt3A_1653 : i32 to vector<16xi32>
      %lt3A_1655 = arith.cmpi slt, %sub3A_1649, %lt3A_1654 : vector<16xi32>
      %and3A_1656 = arith.andi %ge3A_1652, %lt3A_1655 : vector<16xi1>
      %jit3A_1657 = arith.constant 25088 : i32
      %broadcast_in_dim3A_1658 = vector.broadcast %jit3A_1657 : i32 to vector<16xi32>
      %select_n3A_1659 = arith.select %and3A_1656, %sub3A_1649, %broadcast_in_dim3A_1658 : vector<16xi1>, vector<16xi32>
      %swap3A_1660 = arith.constant 0 : i32
      %swap3A_1661 = arith.constant 1 : i32
      %swap3A_1662 = arith.index_cast %swap3A_1660 : i32 to index
      %swap3A_1663 = arith.index_cast %swap3A_1661 : i32 to index
      %swap3A_1664 = arith.constant 32 : index
      %swap3A_1665 = tpu.vector_load %arg7[%swap3A_1662, %swap3A_1663, %swap3A_1664] {strides = array<i32>} : memref<2x2x128xi32, #tpu.memory_space<vmem>>, vector<1x1x16xi32>,
      %swap3A_1666 = vector.shape_cast %swap3A_1665 : vector<1x1x16xi32> to vector<16xi32>
      %swap3A_1667 = vector.shape_cast %select_n3A_1659 : vector<16xi32> to vector<1x1x16xi32>
      tpu.vector_store %arg7[%swap3A_1662, %swap3A_1663, %swap3A_1664], %swap3A_1667 {strides = array<i32>} : memref<2x2x128xi32, #tpu.memory_space<vmem>>, vector<1x1x16xi32>,
      %get3A_1668 = arith.constant 0 : i32
      %get3A_1669 = arith.constant 1 : i32
      %get3A_1670 = arith.constant 1 : i32
      %get3A_1671 = arith.index_cast %get3A_1668 : i32 to index
      %get3A_1672 = arith.index_cast %get3A_1669 : i32 to index
      %get3A_1673 = arith.index_cast %get3A_1670 : i32 to index
      %get3A_1674 = arith.constant 48 : index
      %get3A_1675 = tpu.vector_load %arg6[%get3A_1671, %get3A_1672, %get3A_1673, %get3A_1674] {strides = array<i32>} : memref<2x2x2x128xi32, #tpu.memory_space<vmem>>, vector<1x1x1x16xi32>,
      %get3A_1676 = vector.shape_cast %get3A_1675 : vector<1x1x1x16xi32> to vector<16xi32>
      %sub3A_1677 = vector.broadcast %mul3A_0 : i32 to vector<16xi32>
      %sub3A_1678 = arith.subi %get3A_1676, %sub3A_1677 : vector<16xi32>
      %ge3A_1679 = arith.constant 0 : i32
      %ge3A_1680 = vector.broadcast %ge3A_1679 : i32 to vector<16xi32>
      %ge3A_1681 = arith.cmpi sge, %sub3A_1678, %ge3A_1680 : vector<16xi32>
      %lt3A_1682 = arith.constant 25088 : i32
      %lt3A_1683 = vector.broadcast %lt3A_1682 : i32 to vector<16xi32>
      %lt3A_1684 = arith.cmpi slt, %sub3A_1678, %lt3A_1683 : vector<16xi32>
      %and3A_1685 = arith.andi %ge3A_1681, %lt3A_1684 : vector<16xi1>
      %jit3A_1686 = arith.constant 25088 : i32
      %broadcast_in_dim3A_1687 = vector.broadcast %jit3A_1686 : i32 to vector<16xi32>
      %select_n3A_1688 = arith.select %and3A_1685, %sub3A_1678, %broadcast_in_dim3A_1687 : vector<16xi1>, vector<16xi32>
      %swap3A_1689 = arith.constant 0 : i32
      %swap3A_1690 = arith.constant 1 : i32
      %swap3A_1691 = arith.index_cast %swap3A_1689 : i32 to index
      %swap3A_1692 = arith.index_cast %swap3A_1690 : i32 to index
      %swap3A_1693 = arith.constant 48 : index
      %swap3A_1694 = tpu.vector_load %arg7[%swap3A_1691, %swap3A_1692, %swap3A_1693] {strides = array<i32>} : memref<2x2x128xi32, #tpu.memory_space<vmem>>, vector<1x1x16xi32>,
      %swap3A_1695 = vector.shape_cast %swap3A_1694 : vector<1x1x16xi32> to vector<16xi32>
      %swap3A_1696 = vector.shape_cast %select_n3A_1688 : vector<16xi32> to vector<1x1x16xi32>
      tpu.vector_store %arg7[%swap3A_1691, %swap3A_1692, %swap3A_1693], %swap3A_1696 {strides = array<i32>} : memref<2x2x128xi32, #tpu.memory_space<vmem>>, vector<1x1x16xi32>,
      %get3A_1697 = arith.constant 0 : i32
      %get3A_1698 = arith.constant 1 : i32
      %get3A_1699 = arith.constant 1 : i32
      %get3A_1700 = arith.index_cast %get3A_1697 : i32 to index
      %get3A_1701 = arith.index_cast %get3A_1698 : i32 to index
      %get3A_1702 = arith.index_cast %get3A_1699 : i32 to index
      %get3A_1703 = arith.constant 64 : index
      %get3A_1704 = tpu.vector_load %arg6[%get3A_1700, %get3A_1701, %get3A_1702, %get3A_1703] {strides = array<i32>} : memref<2x2x2x128xi32, #tpu.memory_space<vmem>>, vector<1x1x1x16xi32>,
      %get3A_1705 = vector.shape_cast %get3A_1704 : vector<1x1x1x16xi32> to vector<16xi32>
      %sub3A_1706 = vector.broadcast %mul3A_0 : i32 to vector<16xi32>
      %sub3A_1707 = arith.subi %get3A_1705, %sub3A_1706 : vector<16xi32>
      %ge3A_1708 = arith.constant 0 : i32
      %ge3A_1709 = vector.broadcast %ge3A_1708 : i32 to vector<16xi32>
      %ge3A_1710 = arith.cmpi sge, %sub3A_1707, %ge3A_1709 : vector<16xi32>
      %lt3A_1711 = arith.constant 25088 : i32
      %lt3A_1712 = vector.broadcast %lt3A_1711 : i32 to vector<16xi32>
      %lt3A_1713 = arith.cmpi slt, %sub3A_1707, %lt3A_1712 : vector<16xi32>
      %and3A_1714 = arith.andi %ge3A_1710, %lt3A_1713 : vector<16xi1>
      %jit3A_1715 = arith.constant 25088 : i32
      %broadcast_in_dim3A_1716 = vector.broadcast %jit3A_1715 : i32 to vector<16xi32>
      %select_n3A_1717 = arith.select %and3A_1714, %sub3A_1707, %broadcast_in_dim3A_1716 : vector<16xi1>, vector<16xi32>
      %swap3A_1718 = arith.constant 0 : i32
      %swap3A_1719 = arith.constant 1 : i32
      %swap3A_1720 = arith.index_cast %swap3A_1718 : i32 to index
      %swap3A_1721 = arith.index_cast %swap3A_1719 : i32 to index
      %swap3A_1722 = arith.constant 64 : index
      %swap3A_1723 = tpu.vector_load %arg7[%swap3A_1720, %swap3A_1721, %swap3A_1722] {strides = array<i32>} : memref<2x2x128xi32, #tpu.memory_space<vmem>>, vector<1x1x16xi32>,
      %swap3A_1724 = vector.shape_cast %swap3A_1723 : vector<1x1x16xi32> to vector<16xi32>
      %swap3A_1725 = vector.shape_cast %select_n3A_1717 : vector<16xi32> to vector<1x1x16xi32>
      tpu.vector_store %arg7[%swap3A_1720, %swap3A_1721, %swap3A_1722], %swap3A_1725 {strides = array<i32>} : memref<2x2x128xi32, #tpu.memory_space<vmem>>, vector<1x1x16xi32>,
      %get3A_1726 = arith.constant 0 : i32
      %get3A_1727 = arith.constant 1 : i32
      %get3A_1728 = arith.constant 1 : i32
      %get3A_1729 = arith.index_cast %get3A_1726 : i32 to index
      %get3A_1730 = arith.index_cast %get3A_1727 : i32 to index
      %get3A_1731 = arith.index_cast %get3A_1728 : i32 to index
      %get3A_1732 = arith.constant 80 : index
      %get3A_1733 = tpu.vector_load %arg6[%get3A_1729, %get3A_1730, %get3A_1731, %get3A_1732] {strides = array<i32>} : memref<2x2x2x128xi32, #tpu.memory_space<vmem>>, vector<1x1x1x16xi32>,
      %get3A_1734 = vector.shape_cast %get3A_1733 : vector<1x1x1x16xi32> to vector<16xi32>
      %sub3A_1735 = vector.broadcast %mul3A_0 : i32 to vector<16xi32>
      %sub3A_1736 = arith.subi %get3A_1734, %sub3A_1735 : vector<16xi32>
      %ge3A_1737 = arith.constant 0 : i32
      %ge3A_1738 = vector.broadcast %ge3A_1737 : i32 to vector<16xi32>
      %ge3A_1739 = arith.cmpi sge, %sub3A_1736, %ge3A_1738 : vector<16xi32>
      %lt3A_1740 = arith.constant 25088 : i32
      %lt3A_1741 = vector.broadcast %lt3A_1740 : i32 to vector<16xi32>
      %lt3A_1742 = arith.cmpi slt, %sub3A_1736, %lt3A_1741 : vector<16xi32>
      %and3A_1743 = arith.andi %ge3A_1739, %lt3A_1742 : vector<16xi1>
      %jit3A_1744 = arith.constant 25088 : i32
      %broadcast_in_dim3A_1745 = vector.broadcast %jit3A_1744 : i32 to vector<16xi32>
      %select_n3A_1746 = arith.select %and3A_1743, %sub3A_1736, %broadcast_in_dim3A_1745 : vector<16xi1>, vector<16xi32>
      %swap3A_1747 = arith.constant 0 : i32
      %swap3A_1748 = arith.constant 1 : i32
      %swap3A_1749 = arith.index_cast %swap3A_1747 : i32 to index
      %swap3A_1750 = arith.index_cast %swap3A_1748 : i32 to index
      %swap3A_1751 = arith.constant 80 : index
      %swap3A_1752 = tpu.vector_load %arg7[%swap3A_1749, %swap3A_1750, %swap3A_1751] {strides = array<i32>} : memref<2x2x128xi32, #tpu.memory_space<vmem>>, vector<1x1x16xi32>,
      %swap3A_1753 = vector.shape_cast %swap3A_1752 : vector<1x1x16xi32> to vector<16xi32>
      %swap3A_1754 = vector.shape_cast %select_n3A_1746 : vector<16xi32> to vector<1x1x16xi32>
      tpu.vector_store %arg7[%swap3A_1749, %swap3A_1750, %swap3A_1751], %swap3A_1754 {strides = array<i32>} : memref<2x2x128xi32, #tpu.memory_space<vmem>>, vector<1x1x16xi32>,
      %get3A_1755 = arith.constant 0 : i32
      %get3A_1756 = arith.constant 1 : i32
      %get3A_1757 = arith.constant 1 : i32
      %get3A_1758 = arith.index_cast %get3A_1755 : i32 to index
      %get3A_1759 = arith.index_cast %get3A_1756 : i32 to index
      %get3A_1760 = arith.index_cast %get3A_1757 : i32 to index
      %get3A_1761 = arith.constant 96 : index
      %get3A_1762 = tpu.vector_load %arg6[%get3A_1758, %get3A_1759, %get3A_1760, %get3A_1761] {strides = array<i32>} : memref<2x2x2x128xi32, #tpu.memory_space<vmem>>, vector<1x1x1x16xi32>,
      %get3A_1763 = vector.shape_cast %get3A_1762 : vector<1x1x1x16xi32> to vector<16xi32>
      %sub3A_1764 = vector.broadcast %mul3A_0 : i32 to vector<16xi32>
      %sub3A_1765 = arith.subi %get3A_1763, %sub3A_1764 : vector<16xi32>
      %ge3A_1766 = arith.constant 0 : i32
      %ge3A_1767 = vector.broadcast %ge3A_1766 : i32 to vector<16xi32>
      %ge3A_1768 = arith.cmpi sge, %sub3A_1765, %ge3A_1767 : vector<16xi32>
      %lt3A_1769 = arith.constant 25088 : i32
      %lt3A_1770 = vector.broadcast %lt3A_1769 : i32 to vector<16xi32>
      %lt3A_1771 = arith.cmpi slt, %sub3A_1765, %lt3A_1770 : vector<16xi32>
      %and3A_1772 = arith.andi %ge3A_1768, %lt3A_1771 : vector<16xi1>
      %jit3A_1773 = arith.constant 25088 : i32
      %broadcast_in_dim3A_1774 = vector.broadcast %jit3A_1773 : i32 to vector<16xi32>
      %select_n3A_1775 = arith.select %and3A_1772, %sub3A_1765, %broadcast_in_dim3A_1774 : vector<16xi1>, vector<16xi32>
      %swap3A_1776 = arith.constant 0 : i32
      %swap3A_1777 = arith.constant 1 : i32
      %swap3A_1778 = arith.index_cast %swap3A_1776 : i32 to index
      %swap3A_1779 = arith.index_cast %swap3A_1777 : i32 to index
      %swap3A_1780 = arith.constant 96 : index
      %swap3A_1781 = tpu.vector_load %arg7[%swap3A_1778, %swap3A_1779, %swap3A_1780] {strides = array<i32>} : memref<2x2x128xi32, #tpu.memory_space<vmem>>, vector<1x1x16xi32>,
      %swap3A_1782 = vector.shape_cast %swap3A_1781 : vector<1x1x16xi32> to vector<16xi32>
      %swap3A_1783 = vector.shape_cast %select_n3A_1775 : vector<16xi32> to vector<1x1x16xi32>
      tpu.vector_store %arg7[%swap3A_1778, %swap3A_1779, %swap3A_1780], %swap3A_1783 {strides = array<i32>} : memref<2x2x128xi32, #tpu.memory_space<vmem>>, vector<1x1x16xi32>,
      %get3A_1784 = arith.constant 0 : i32
      %get3A_1785 = arith.constant 1 : i32
      %get3A_1786 = arith.constant 1 : i32
      %get3A_1787 = arith.index_cast %get3A_1784 : i32 to index
      %get3A_1788 = arith.index_cast %get3A_1785 : i32 to index
      %get3A_1789 = arith.index_cast %get3A_1786 : i32 to index
      %get3A_1790 = arith.constant 112 : index
      %get3A_1791 = tpu.vector_load %arg6[%get3A_1787, %get3A_1788, %get3A_1789, %get3A_1790] {strides = array<i32>} : memref<2x2x2x128xi32, #tpu.memory_space<vmem>>, vector<1x1x1x16xi32>,
      %get3A_1792 = vector.shape_cast %get3A_1791 : vector<1x1x1x16xi32> to vector<16xi32>
      %sub3A_1793 = vector.broadcast %mul3A_0 : i32 to vector<16xi32>
      %sub3A_1794 = arith.subi %get3A_1792, %sub3A_1793 : vector<16xi32>
      %ge3A_1795 = arith.constant 0 : i32
      %ge3A_1796 = vector.broadcast %ge3A_1795 : i32 to vector<16xi32>
      %ge3A_1797 = arith.cmpi sge, %sub3A_1794, %ge3A_1796 : vector<16xi32>
      %lt3A_1798 = arith.constant 25088 : i32
      %lt3A_1799 = vector.broadcast %lt3A_1798 : i32 to vector<16xi32>
      %lt3A_1800 = arith.cmpi slt, %sub3A_1794, %lt3A_1799 : vector<16xi32>
      %and3A_1801 = arith.andi %ge3A_1797, %lt3A_1800 : vector<16xi1>
      %jit3A_1802 = arith.constant 25088 : i32
      %broadcast_in_dim3A_1803 = vector.broadcast %jit3A_1802 : i32 to vector<16xi32>
      %select_n3A_1804 = arith.select %and3A_1801, %sub3A_1794, %broadcast_in_dim3A_1803 : vector<16xi1>, vector<16xi32>
      %swap3A_1805 = arith.constant 0 : i32
      %swap3A_1806 = arith.constant 1 : i32
      %swap3A_1807 = arith.index_cast %swap3A_1805 : i32 to index
      %swap3A_1808 = arith.index_cast %swap3A_1806 : i32 to index
      %swap3A_1809 = arith.constant 112 : index
      %swap3A_1810 = tpu.vector_load %arg7[%swap3A_1807, %swap3A_1808, %swap3A_1809] {strides = array<i32>} : memref<2x2x128xi32, #tpu.memory_space<vmem>>, vector<1x1x16xi32>,
      %swap3A_1811 = vector.shape_cast %swap3A_1810 : vector<1x1x16xi32> to vector<16xi32>
      %swap3A_1812 = vector.shape_cast %select_n3A_1804 : vector<16xi32> to vector<1x1x16xi32>
      tpu.vector_store %arg7[%swap3A_1807, %swap3A_1808, %swap3A_1809], %swap3A_1812 {strides = array<i32>} : memref<2x2x128xi32, #tpu.memory_space<vmem>>, vector<1x1x16xi32>,
      %dma_wait3A_1813 = arith.constant 1 : i32
      %dma_wait3A_1814 = arith.constant 0 : i32
      %dma_wait3A_1815 = arith.constant 0 : i32
      %dma_wait3A_1816 = arith.constant 1 : i32
      %dma_wait3A_1817 = arith.constant 0 : i32
      %dma_wait3A_1818 = arith.constant 0 : i32
      %dma_wait3A_1819 = arith.constant 0 : i32
      %dma_wait3A_1820 = tpu.memref_slice %arg8[%dma_wait3A_1816, %dma_wait3A_1817, %dma_wait3A_1818, %dma_wait3A_1819] : memref<2x2x128x64xbf16, #tpu.memory_space<vmem>> -> memref<1x1x128x64xbf16, #tpu.memory_space<vmem>>
      %dma_wait3A_1821 = tpu.memref_squeeze %dma_wait3A_1820 : memref<1x1x128x64xbf16, #tpu.memory_space<vmem>> -> memref<128x64xbf16, #tpu.memory_space<vmem>>
      %dma_wait3A_1822 = arith.constant 0 : i32
      %dma_wait3A_1823 = tpu.memref_slice %arg6[%dma_wait3A_1813, %dma_wait3A_1814, %dma_wait3A_1815, %dma_wait3A_1822] : memref<2x2x2x128xi32, #tpu.memory_space<vmem>> -> memref<1x1x1x128xi32, #tpu.memory_space<vmem>>
      %dma_wait3A_1824 = tpu.memref_squeeze %dma_wait3A_1823 : memref<1x1x1x128xi32, #tpu.memory_space<vmem>> -> memref<128xi32, #tpu.memory_space<vmem>>
      %dma_wait3A_1825 = arith.constant 0 : i32
      %dma_wait3A_1826 = arith.constant 0 : i32
      %dma_wait3A_1827 = tpu.memref_slice %arg2[%dma_wait3A_1825, %dma_wait3A_1826] : memref<50176x64xbf16, #tpu.memory_space<hbm>> -> memref<50176x64xbf16, #tpu.memory_space<hbm>>
      tpu.wait_indirect_dma semaphore(%arg11 : memref<!tpu.dma_semaphore, #tpu.memory_space<semaphore_mem>>) src(%dma_wait3A_1827 : memref<50176x64xbf16, #tpu.memory_space<hbm>>) dst(%dma_wait3A_1821 : memref<128x64xbf16, #tpu.memory_space<vmem>>)
      %dma_wait3A_1828 = arith.constant 1 : i32
      %dma_wait3A_1829 = arith.constant 1 : i32
      %dma_wait3A_1830 = arith.constant 0 : i32
      %dma_wait3A_1831 = arith.constant 1 : i32
      %dma_wait3A_1832 = arith.constant 1 : i32
      %dma_wait3A_1833 = arith.constant 0 : i32
      %dma_wait3A_1834 = arith.constant 0 : i32
      %dma_wait3A_1835 = tpu.memref_slice %arg8[%dma_wait3A_1831, %dma_wait3A_1832, %dma_wait3A_1833, %dma_wait3A_1834] : memref<2x2x128x64xbf16, #tpu.memory_space<vmem>> -> memref<1x1x128x64xbf16, #tpu.memory_space<vmem>>
      %dma_wait3A_1836 = tpu.memref_squeeze %dma_wait3A_1835 : memref<1x1x128x64xbf16, #tpu.memory_space<vmem>> -> memref<128x64xbf16, #tpu.memory_space<vmem>>
      %dma_wait3A_1837 = arith.constant 0 : i32
      %dma_wait3A_1838 = tpu.memref_slice %arg6[%dma_wait3A_1828, %dma_wait3A_1829, %dma_wait3A_1830, %dma_wait3A_1837] : memref<2x2x2x128xi32, #tpu.memory_space<vmem>> -> memref<1x1x1x128xi32, #tpu.memory_space<vmem>>
      %dma_wait3A_1839 = tpu.memref_squeeze %dma_wait3A_1838 : memref<1x1x1x128xi32, #tpu.memory_space<vmem>> -> memref<128xi32, #tpu.memory_space<vmem>>
      %dma_wait3A_1840 = arith.constant 0 : i32
      %dma_wait3A_1841 = arith.constant 0 : i32
      %dma_wait3A_1842 = tpu.memref_slice %arg2[%dma_wait3A_1840, %dma_wait3A_1841] : memref<50176x64xbf16, #tpu.memory_space<hbm>> -> memref<50176x64xbf16, #tpu.memory_space<hbm>>
      tpu.wait_indirect_dma semaphore(%arg11 : memref<!tpu.dma_semaphore, #tpu.memory_space<semaphore_mem>>) src(%dma_wait3A_1842 : memref<50176x64xbf16, #tpu.memory_space<hbm>>) dst(%dma_wait3A_1836 : memref<128x64xbf16, #tpu.memory_space<vmem>>)
      %dma_start3A_1843 = arith.constant 0 : i32
      %dma_start3A_1844 = arith.constant 0 : i32
      %dma_start3A_1845 = arith.constant 0 : i32
      %dma_start3A_1846 = arith.constant 0 : i32
      %dma_start3A_1847 = arith.constant 0 : i32
      %dma_start3A_1848 = arith.constant 0 : i32
      %dma_start3A_1849 = arith.constant 0 : i32
      %dma_start3A_1850 = tpu.memref_slice %arg8[%dma_start3A_1846, %dma_start3A_1847, %dma_start3A_1848, %dma_start3A_1849] : memref<2x2x128x64xbf16, #tpu.memory_space<vmem>> -> memref<1x1x128x64xbf16, #tpu.memory_space<vmem>>
      %dma_start3A_1851 = tpu.memref_squeeze %dma_start3A_1850 : memref<1x1x128x64xbf16, #tpu.memory_space<vmem>> -> memref<128x64xbf16, #tpu.memory_space<vmem>>
      %dma_start3A_1852 = arith.constant 0 : i32
      %dma_start3A_1853 = tpu.memref_slice %arg6[%dma_start3A_1843, %dma_start3A_1844, %dma_start3A_1845, %dma_start3A_1852] : memref<2x2x2x128xi32, #tpu.memory_space<vmem>> -> memref<1x1x1x128xi32, #tpu.memory_space<vmem>>
      %dma_start3A_1854 = tpu.memref_squeeze %dma_start3A_1853 : memref<1x1x1x128xi32, #tpu.memory_space<vmem>> -> memref<128xi32, #tpu.memory_space<vmem>>
      %dma_start3A_1855 = arith.constant 0 : i32
      %dma_start3A_1856 = arith.constant 0 : i32
      %dma_start3A_1857 = tpu.memref_slice %arg2[%dma_start3A_1855, %dma_start3A_1856] : memref<50176x64xbf16, #tpu.memory_space<hbm>> -> memref<50176x64xbf16, #tpu.memory_space<hbm>>
      tpu.enqueue_indirect_dma source(%dma_start3A_1857 : memref<50176x64xbf16, #tpu.memory_space<hbm>>) target(%dma_start3A_1851 : memref<128x64xbf16, #tpu.memory_space<vmem>>) offsets(%dma_start3A_1854 : memref<128xi32, #tpu.memory_space<vmem>>) semaphore(%arg10 : memref<!tpu.dma_semaphore, #tpu.memory_space<semaphore_mem>>)
      %dma_start3A_1858 = arith.constant 0 : i32
      %dma_start3A_1859 = arith.constant 1 : i32
      %dma_start3A_1860 = arith.constant 0 : i32
      %dma_start3A_1861 = arith.constant 0 : i32
      %dma_start3A_1862 = arith.constant 1 : i32
      %dma_start3A_1863 = arith.constant 0 : i32
      %dma_start3A_1864 = arith.constant 0 : i32
      %dma_start3A_1865 = tpu.memref_slice %arg8[%dma_start3A_1861, %dma_start3A_1862, %dma_start3A_1863, %dma_start3A_1864] : memref<2x2x128x64xbf16, #tpu.memory_space<vmem>> -> memref<1x1x128x64xbf16, #tpu.memory_space<vmem>>
      %dma_start3A_1866 = tpu.memref_squeeze %dma_start3A_1865 : memref<1x1x128x64xbf16, #tpu.memory_space<vmem>> -> memref<128x64xbf16, #tpu.memory_space<vmem>>
      %dma_start3A_1867 = arith.constant 0 : i32
      %dma_start3A_1868 = tpu.memref_slice %arg6[%dma_start3A_1858, %dma_start3A_1859, %dma_start3A_1860, %dma_start3A_1867] : memref<2x2x2x128xi32, #tpu.memory_space<vmem>> -> memref<1x1x1x128xi32, #tpu.memory_space<vmem>>
      %dma_start3A_1869 = tpu.memref_squeeze %dma_start3A_1868 : memref<1x1x1x128xi32, #tpu.memory_space<vmem>> -> memref<128xi32, #tpu.memory_space<vmem>>
      %dma_start3A_1870 = arith.constant 0 : i32
      %dma_start3A_1871 = arith.constant 0 : i32
      %dma_start3A_1872 = tpu.memref_slice %arg2[%dma_start3A_1870, %dma_start3A_1871] : memref<50176x64xbf16, #tpu.memory_space<hbm>> -> memref<50176x64xbf16, #tpu.memory_space<hbm>>
      tpu.enqueue_indirect_dma source(%dma_start3A_1872 : memref<50176x64xbf16, #tpu.memory_space<hbm>>) target(%dma_start3A_1866 : memref<128x64xbf16, #tpu.memory_space<vmem>>) offsets(%dma_start3A_1869 : memref<128xi32, #tpu.memory_space<vmem>>) semaphore(%arg10 : memref<!tpu.dma_semaphore, #tpu.memory_space<semaphore_mem>>)
      %dma_start3A_1873 = arith.constant 1 : i32
      %dma_start3A_1874 = arith.constant 0 : i32
      %dma_start3A_1875 = arith.constant 1 : i32
      %dma_start3A_1876 = arith.constant 0 : i32
      %dma_start3A_1877 = arith.constant 0 : i32
      %dma_start3A_1878 = arith.constant 0 : i32
      %dma_start3A_1879 = tpu.memref_slice %arg8[%dma_start3A_1873, %dma_start3A_1874, %dma_start3A_1877, %dma_start3A_1878] : memref<2x2x128x64xbf16, #tpu.memory_space<vmem>> -> memref<1x1x128x64xbf16, #tpu.memory_space<vmem>>
      %dma_start3A_1880 = tpu.memref_squeeze %dma_start3A_1879 : memref<1x1x128x64xbf16, #tpu.memory_space<vmem>> -> memref<128x64xbf16, #tpu.memory_space<vmem>>
      %dma_start3A_1881 = arith.constant 0 : i32
      %dma_start3A_1882 = tpu.memref_slice %arg7[%dma_start3A_1875, %dma_start3A_1876, %dma_start3A_1881] : memref<2x2x128xi32, #tpu.memory_space<vmem>> -> memref<1x1x128xi32, #tpu.memory_space<vmem>>
      %dma_start3A_1883 = tpu.memref_squeeze %dma_start3A_1882 : memref<1x1x128xi32, #tpu.memory_space<vmem>> -> memref<128xi32, #tpu.memory_space<vmem>>
      %dma_start3A_1884 = arith.constant 0 : i32
      %dma_start3A_1885 = arith.constant 0 : i32
      %dma_start3A_1886 = tpu.memref_slice %arg9[%dma_start3A_1884, %dma_start3A_1885] : memref<25104x64xbf16, #tpu.memory_space<vmem_shared>> -> memref<25104x64xbf16, #tpu.memory_space<vmem_shared>>
      tpu.enqueue_indirect_dma source(%dma_start3A_1880 : memref<128x64xbf16, #tpu.memory_space<vmem>>) target(%dma_start3A_1886 : memref<25104x64xbf16, #tpu.memory_space<vmem_shared>>) offsets(%dma_start3A_1883 : memref<128xi32, #tpu.memory_space<vmem>>) semaphore(%arg13 : memref<!tpu.dma_semaphore, #tpu.memory_space<semaphore_mem>>) {add = true}
      %dma_start3A_1887 = arith.constant 1 : i32
      %dma_start3A_1888 = arith.constant 1 : i32
      %dma_start3A_1889 = arith.constant 1 : i32
      %dma_start3A_1890 = arith.constant 1 : i32
      %dma_start3A_1891 = arith.constant 0 : i32
      %dma_start3A_1892 = arith.constant 0 : i32
      %dma_start3A_1893 = tpu.memref_slice %arg8[%dma_start3A_1887, %dma_start3A_1888, %dma_start3A_1891, %dma_start3A_1892] : memref<2x2x128x64xbf16, #tpu.memory_space<vmem>> -> memref<1x1x128x64xbf16, #tpu.memory_space<vmem>>
      %dma_start3A_1894 = tpu.memref_squeeze %dma_start3A_1893 : memref<1x1x128x64xbf16, #tpu.memory_space<vmem>> -> memref<128x64xbf16, #tpu.memory_space<vmem>>
      %dma_start3A_1895 = arith.constant 0 : i32
      %dma_start3A_1896 = tpu.memref_slice %arg7[%dma_start3A_1889, %dma_start3A_1890, %dma_start3A_1895] : memref<2x2x128xi32, #tpu.memory_space<vmem>> -> memref<1x1x128xi32, #tpu.memory_space<vmem>>
      %dma_start3A_1897 = tpu.memref_squeeze %dma_start3A_1896 : memref<1x1x128xi32, #tpu.memory_space<vmem>> -> memref<128xi32, #tpu.memory_space<vmem>>
      %dma_start3A_1898 = arith.constant 0 : i32
      %dma_start3A_1899 = arith.constant 0 : i32
      %dma_start3A_1900 = tpu.memref_slice %arg9[%dma_start3A_1898, %dma_start3A_1899] : memref<25104x64xbf16, #tpu.memory_space<vmem_shared>> -> memref<25104x64xbf16, #tpu.memory_space<vmem_shared>>
      tpu.enqueue_indirect_dma source(%dma_start3A_1894 : memref<128x64xbf16, #tpu.memory_space<vmem>>) target(%dma_start3A_1900 : memref<25104x64xbf16, #tpu.memory_space<vmem_shared>>) offsets(%dma_start3A_1897 : memref<128xi32, #tpu.memory_space<vmem>>) semaphore(%arg13 : memref<!tpu.dma_semaphore, #tpu.memory_space<semaphore_mem>>) {add = true}
    }
    %scan3A_652 = arith.constant 98 : i32
    %dma_wait3A = arith.constant 1 : i32
    %dma_wait3A_653 = arith.constant 0 : i32
    %dma_wait3A_654 = arith.constant 1 : i32
    %dma_wait3A_655 = arith.constant 0 : i32
    %dma_wait3A_656 = arith.constant 0 : i32
    %dma_wait3A_657 = arith.constant 0 : i32
    %dma_wait3A_658 = tpu.memref_slice %arg8[%dma_wait3A, %dma_wait3A_653, %dma_wait3A_656, %dma_wait3A_657] : memref<2x2x128x64xbf16, #tpu.memory_space<vmem>> -> memref<1x1x128x64xbf16, #tpu.memory_space<vmem>>
    %dma_wait3A_659 = tpu.memref_squeeze %dma_wait3A_658 : memref<1x1x128x64xbf16, #tpu.memory_space<vmem>> -> memref<128x64xbf16, #tpu.memory_space<vmem>>
    %dma_wait3A_660 = arith.constant 0 : i32
    %dma_wait3A_661 = tpu.memref_slice %arg7[%dma_wait3A_654, %dma_wait3A_655, %dma_wait3A_660] : memref<2x2x128xi32, #tpu.memory_space<vmem>> -> memref<1x1x128xi32, #tpu.memory_space<vmem>>
    %dma_wait3A_662 = tpu.memref_squeeze %dma_wait3A_661 : memref<1x1x128xi32, #tpu.memory_space<vmem>> -> memref<128xi32, #tpu.memory_space<vmem>>
    %dma_wait3A_663 = arith.constant 0 : i32
    %dma_wait3A_664 = arith.constant 0 : i32
    %dma_wait3A_665 = tpu.memref_slice %arg9[%dma_wait3A_663, %dma_wait3A_664] : memref<25104x64xbf16, #tpu.memory_space<vmem_shared>> -> memref<25104x64xbf16, #tpu.memory_space<vmem_shared>>
    tpu.wait_indirect_dma semaphore(%arg13 : memref<!tpu.dma_semaphore, #tpu.memory_space<semaphore_mem>>) src(%dma_wait3A_659 : memref<128x64xbf16, #tpu.memory_space<vmem>>) dst(%dma_wait3A_665 : memref<25104x64xbf16, #tpu.memory_space<vmem_shared>>)
    %dma_wait3A_666 = arith.constant 1 : i32
    %dma_wait3A_667 = arith.constant 1 : i32
    %dma_wait3A_668 = arith.constant 1 : i32
    %dma_wait3A_669 = arith.constant 1 : i32
    %dma_wait3A_670 = arith.constant 0 : i32
    %dma_wait3A_671 = arith.constant 0 : i32
    %dma_wait3A_672 = tpu.memref_slice %arg8[%dma_wait3A_666, %dma_wait3A_667, %dma_wait3A_670, %dma_wait3A_671] : memref<2x2x128x64xbf16, #tpu.memory_space<vmem>> -> memref<1x1x128x64xbf16, #tpu.memory_space<vmem>>
    %dma_wait3A_673 = tpu.memref_squeeze %dma_wait3A_672 : memref<1x1x128x64xbf16, #tpu.memory_space<vmem>> -> memref<128x64xbf16, #tpu.memory_space<vmem>>
    %dma_wait3A_674 = arith.constant 0 : i32
    %dma_wait3A_675 = tpu.memref_slice %arg7[%dma_wait3A_668, %dma_wait3A_669, %dma_wait3A_674] : memref<2x2x128xi32, #tpu.memory_space<vmem>> -> memref<1x1x128xi32, #tpu.memory_space<vmem>>
    %dma_wait3A_676 = tpu.memref_squeeze %dma_wait3A_675 : memref<1x1x128xi32, #tpu.memory_space<vmem>> -> memref<128xi32, #tpu.memory_space<vmem>>
    %dma_wait3A_677 = arith.constant 0 : i32
    %dma_wait3A_678 = arith.constant 0 : i32
    %dma_wait3A_679 = tpu.memref_slice %arg9[%dma_wait3A_677, %dma_wait3A_678] : memref<25104x64xbf16, #tpu.memory_space<vmem_shared>> -> memref<25104x64xbf16, #tpu.memory_space<vmem_shared>>
    tpu.wait_indirect_dma semaphore(%arg13 : memref<!tpu.dma_semaphore, #tpu.memory_space<semaphore_mem>>) src(%dma_wait3A_673 : memref<128x64xbf16, #tpu.memory_space<vmem>>) dst(%dma_wait3A_679 : memref<25104x64xbf16, #tpu.memory_space<vmem_shared>>)
    %dma_wait3A_680 = arith.constant 0 : i32
    %dma_wait3A_681 = arith.constant 0 : i32
    %dma_wait3A_682 = arith.constant 0 : i32
    %dma_wait3A_683 = arith.constant 0 : i32
    %dma_wait3A_684 = arith.constant 0 : i32
    %dma_wait3A_685 = arith.constant 0 : i32
    %dma_wait3A_686 = arith.constant 0 : i32
    %dma_wait3A_687 = tpu.memref_slice %arg8[%dma_wait3A_683, %dma_wait3A_684, %dma_wait3A_685, %dma_wait3A_686] : memref<2x2x128x64xbf16, #tpu.memory_space<vmem>> -> memref<1x1x128x64xbf16, #tpu.memory_space<vmem>>
    %dma_wait3A_688 = tpu.memref_squeeze %dma_wait3A_687 : memref<1x1x128x64xbf16, #tpu.memory_space<vmem>> -> memref<128x64xbf16, #tpu.memory_space<vmem>>
    %dma_wait3A_689 = arith.constant 0 : i32
    %dma_wait3A_690 = tpu.memref_slice %arg6[%dma_wait3A_680, %dma_wait3A_681, %dma_wait3A_682, %dma_wait3A_689] : memref<2x2x2x128xi32, #tpu.memory_space<vmem>> -> memref<1x1x1x128xi32, #tpu.memory_space<vmem>>
    %dma_wait3A_691 = tpu.memref_squeeze %dma_wait3A_690 : memref<1x1x1x128xi32, #tpu.memory_space<vmem>> -> memref<128xi32, #tpu.memory_space<vmem>>
    %dma_wait3A_692 = arith.constant 0 : i32
    %dma_wait3A_693 = arith.constant 0 : i32
    %dma_wait3A_694 = tpu.memref_slice %arg2[%dma_wait3A_692, %dma_wait3A_693] : memref<50176x64xbf16, #tpu.memory_space<hbm>> -> memref<50176x64xbf16, #tpu.memory_space<hbm>>
    tpu.wait_indirect_dma semaphore(%arg10 : memref<!tpu.dma_semaphore, #tpu.memory_space<semaphore_mem>>) src(%dma_wait3A_694 : memref<50176x64xbf16, #tpu.memory_space<hbm>>) dst(%dma_wait3A_688 : memref<128x64xbf16, #tpu.memory_space<vmem>>)
    %dma_wait3A_695 = arith.constant 0 : i32
    %dma_wait3A_696 = arith.constant 1 : i32
    %dma_wait3A_697 = arith.constant 0 : i32
    %dma_wait3A_698 = arith.constant 0 : i32
    %dma_wait3A_699 = arith.constant 1 : i32
    %dma_wait3A_700 = arith.constant 0 : i32
    %dma_wait3A_701 = arith.constant 0 : i32
    %dma_wait3A_702 = tpu.memref_slice %arg8[%dma_wait3A_698, %dma_wait3A_699, %dma_wait3A_700, %dma_wait3A_701] : memref<2x2x128x64xbf16, #tpu.memory_space<vmem>> -> memref<1x1x128x64xbf16, #tpu.memory_space<vmem>>
    %dma_wait3A_703 = tpu.memref_squeeze %dma_wait3A_702 : memref<1x1x128x64xbf16, #tpu.memory_space<vmem>> -> memref<128x64xbf16, #tpu.memory_space<vmem>>
    %dma_wait3A_704 = arith.constant 0 : i32
    %dma_wait3A_705 = tpu.memref_slice %arg6[%dma_wait3A_695, %dma_wait3A_696, %dma_wait3A_697, %dma_wait3A_704] : memref<2x2x2x128xi32, #tpu.memory_space<vmem>> -> memref<1x1x1x128xi32, #tpu.memory_space<vmem>>
    %dma_wait3A_706 = tpu.memref_squeeze %dma_wait3A_705 : memref<1x1x1x128xi32, #tpu.memory_space<vmem>> -> memref<128xi32, #tpu.memory_space<vmem>>
    %dma_wait3A_707 = arith.constant 0 : i32
    %dma_wait3A_708 = arith.constant 0 : i32
    %dma_wait3A_709 = tpu.memref_slice %arg2[%dma_wait3A_707, %dma_wait3A_708] : memref<50176x64xbf16, #tpu.memory_space<hbm>> -> memref<50176x64xbf16, #tpu.memory_space<hbm>>
    tpu.wait_indirect_dma semaphore(%arg10 : memref<!tpu.dma_semaphore, #tpu.memory_space<semaphore_mem>>) src(%dma_wait3A_709 : memref<50176x64xbf16, #tpu.memory_space<hbm>>) dst(%dma_wait3A_703 : memref<128x64xbf16, #tpu.memory_space<vmem>>)
    %barrier3A_710 = arith.constant 0 : index
    tpu.barrier barrier_id(%barrier3A_710)
    %mul3A_711 = arith.constant 1568 : i32
    %mul3A_712 = arith.muli %arg1, %mul3A_711 : i32
    %mul3A_713 = arith.constant 1568 : i32
    %mul3A_714 = arith.muli %arg1, %mul3A_713 : i32
    %add3A_715 = arith.addi %mul3A_0, %mul3A_714 : i32
    "tpu.region"() ({
      %run_scoped3A_716 = tpu.sem_alloc : memref<!tpu.dma_semaphore, #tpu.memory_space<semaphore_mem>>
      %dma_start3A_717 = arith.constant 0 : i32
      %dma_start3A_718 = tpu.memref_slice %arg5[%add3A_715, %dma_start3A_717] : memref<50176x64xbf16, #tpu.memory_space<hbm>> -> memref<1568x64xbf16, #tpu.memory_space<hbm>>
      %dma_start3A_719 = arith.constant 0 : i32
      %dma_start3A_720 = tpu.memref_slice %arg9[%mul3A_712, %dma_start3A_719] : memref<25104x64xbf16, #tpu.memory_space<vmem_shared>> -> memref<1568x64xbf16, #tpu.memory_space<vmem_shared>>
      tpu.enqueue_dma source(%dma_start3A_720 : memref<1568x64xbf16, #tpu.memory_space<vmem_shared>>) target(%dma_start3A_718 : memref<1568x64xbf16, #tpu.memory_space<hbm>>) target_semaphore(%run_scoped3A_716 : memref<!tpu.dma_semaphore, #tpu.memory_space<semaphore_mem>>)
      %dma_wait3A_721 = arith.constant 0 : i32
      %dma_wait3A_722 = tpu.memref_slice %arg5[%add3A_715, %dma_wait3A_721] : memref<50176x64xbf16, #tpu.memory_space<hbm>> -> memref<1568x64xbf16, #tpu.memory_space<hbm>>
      %dma_wait3A_723 = arith.constant 0 : i32
      %dma_wait3A_724 = tpu.memref_slice %arg9[%mul3A_712, %dma_wait3A_723] : memref<25104x64xbf16, #tpu.memory_space<vmem_shared>> -> memref<1568x64xbf16, #tpu.memory_space<vmem_shared>>
      tpu.wait_dma2 semaphore(%run_scoped3A_716 : memref<!tpu.dma_semaphore, #tpu.memory_space<semaphore_mem>>) src(%dma_wait3A_724 : memref<1568x64xbf16, #tpu.memory_space<vmem_shared>>) dst(%dma_wait3A_722 : memref<1568x64xbf16, #tpu.memory_space<hbm>>)
      tpu.yield
    }) : () -> ()
    return
  }
}

module attributes {stable_mosaic.version = 14 : i64} {
  func.func @body(%arg0: i32, %arg1: memref<512x64xf32, #tpu.memory_space<vmem>>, %arg2: memref<512x64xbf16, #tpu.memory_space<vmem>>, %arg3: memref<1x1x512xi32, #tpu.memory_space<vmem>>, %arg4: memref<64x64xf32, #tpu.memory_space<vmem>>, %arg5: memref<1x64xf32, #tpu.memory_space<vmem>>, %arg6: memref<1x64xf32, #tpu.memory_space<vmem>>, %arg7: memref<1x64xf32, #tpu.memory_space<vmem>>, %arg8: memref<1x64xf32, #tpu.memory_space<vmem>>, %arg9: memref<1x64xf32, #tpu.memory_space<vmem>>, %arg10: memref<64x64xf32, #tpu.memory_space<vmem>>, %arg11: memref<1x64xf32, #tpu.memory_space<vmem>>, %arg12: memref<512x64xf32, #tpu.memory_space<vmem>>, %arg13: memref<512x64xbf16, #tpu.memory_space<vmem>>, %arg14: memref<512x64xf32, #tpu.memory_space<vmem>>) attributes {dimension_semantics = [#tpu.dimension_semantics<arbitrary>], iteration_bounds = array<i64: 98>, scalar_prefetch = 0 : i64, scratch_operands = 0 : i64, tpu.core_type = #tpu.core_type<tc>, window_params = [{transform_indices = @transform_0, window_bounds = array<i64: 512, 64>}, {transform_indices = @transform_1, window_bounds = array<i64: 512, 64>}, {transform_indices = @transform_2, window_bounds = array<i64: 1, 1, 512>}, {pipeline_mode = #tpu.pipeline_mode<synchronous>, transform_indices = @transform_3, window_bounds = array<i64: 64, 64>}, {pipeline_mode = #tpu.pipeline_mode<synchronous>, transform_indices = @transform_4, window_bounds = array<i64: 1, 64>}, {pipeline_mode = #tpu.pipeline_mode<synchronous>, transform_indices = @transform_5, window_bounds = array<i64: 1, 64>}, {pipeline_mode = #tpu.pipeline_mode<synchronous>, transform_indices = @transform_6, window_bounds = array<i64: 1, 64>}, {pipeline_mode = #tpu.pipeline_mode<synchronous>, transform_indices = @transform_7, window_bounds = array<i64: 1, 64>}, {pipeline_mode = #tpu.pipeline_mode<synchronous>, transform_indices = @transform_8, window_bounds = array<i64: 1, 64>}, {pipeline_mode = #tpu.pipeline_mode<synchronous>, transform_indices = @transform_9, window_bounds = array<i64: 64, 64>}, {pipeline_mode = #tpu.pipeline_mode<synchronous>, transform_indices = @transform_10, window_bounds = array<i64: 1, 64>}, {transform_indices = @transform_11, window_bounds = array<i64: 512, 64>}, {transform_indices = @transform_12, window_bounds = array<i64: 512, 64>}, {pipeline_mode = #tpu.pipeline_mode<synchronous>, transform_indices = @transform_13, window_bounds = array<i64: 512, 64>}]} {
    %get3A = arith.constant 0 : index
    %get3A_0 = arith.constant 0 : index
    %get3A_1 = vector.load %arg1[%get3A, %get3A_0] : memref<512x64xf32, #tpu.memory_space<vmem>>, vector<512x64xf32>
    %get3A_2 = arith.constant 0 : index
    %get3A_3 = arith.constant 0 : index
    %get3A_4 = vector.load %arg2[%get3A_2, %get3A_3] : memref<512x64xbf16, #tpu.memory_space<vmem>>, vector<512x64xbf16>
    %convert_element_type3A = arith.extf %get3A_4 : vector<512x64xbf16> to vector<512x64xf32>
    %add3A = arith.addf %get3A_1, %convert_element_type3A : vector<512x64xf32>
    %get3A_5 = arith.constant 0 : index
    %get3A_6 = arith.constant 0 : index
    %get3A_7 = vector.load %arg4[%get3A_5, %get3A_6] : memref<64x64xf32, #tpu.memory_space<vmem>>, vector<64x64xf32>
    %dot_general3A = arith.constant dense<0.000000e+00> : vector<512x64xf32>
    %dot_general3A_8 = tpu.matmul %add3A, %get3A_7, %dot_general3A {dimension_numbers = #tpu.dot_dimension_numbers<[1], [0], [0], [1], [0, 0, 1, 1], [], []>, transpose_lhs_hint = false} : vector<512x64xf32>, vector<64x64xf32>, vector<512x64xf32> -> vector<512x64xf32>
    %get3A_9 = arith.constant 0 : index
    %get3A_10 = arith.constant 0 : index
    %get3A_11 = vector.load %arg5[%get3A_9, %get3A_10] : memref<1x64xf32, #tpu.memory_space<vmem>>, vector<1x64xf32>
    %add3A_12 = vector.broadcast %get3A_11 : vector<1x64xf32> to vector<512x64xf32>
    %add3A_13 = arith.addf %dot_general3A_8, %add3A_12 : vector<512x64xf32>
    %get3A_14 = arith.constant 0 : index
    %get3A_15 = arith.constant 0 : index
    %get3A_16 = vector.load %arg6[%get3A_14, %get3A_15] : memref<1x64xf32, #tpu.memory_space<vmem>>, vector<1x64xf32>
    %get3A_17 = arith.constant 0 : index
    %get3A_18 = arith.constant 0 : index
    %get3A_19 = vector.load %arg9[%get3A_17, %get3A_18] : memref<1x64xf32, #tpu.memory_space<vmem>>, vector<1x64xf32>
    %add3A_20 = arith.constant 9.99999974E-6 : f32
    %add3A_21 = vector.broadcast %add3A_20 : f32 to vector<1x64xf32>
    %add3A_22 = arith.addf %get3A_19, %add3A_21 : vector<1x64xf32>
    %rsqrt3A = math.rsqrt %add3A_22 : vector<1x64xf32>
    %mul3A = arith.mulf %get3A_16, %rsqrt3A : vector<1x64xf32>
    %get3A_23 = arith.constant 0 : index
    %get3A_24 = arith.constant 0 : index
    %get3A_25 = vector.load %arg8[%get3A_23, %get3A_24] : memref<1x64xf32, #tpu.memory_space<vmem>>, vector<1x64xf32>
    %sub3A = vector.broadcast %get3A_25 : vector<1x64xf32> to vector<512x64xf32>
    %sub3A_26 = arith.subf %add3A_13, %sub3A : vector<512x64xf32>
    %mul3A_27 = vector.broadcast %mul3A : vector<1x64xf32> to vector<512x64xf32>
    %mul3A_28 = arith.mulf %mul3A_27, %sub3A_26 : vector<512x64xf32>
    %get3A_29 = arith.constant 0 : index
    %get3A_30 = arith.constant 0 : index
    %get3A_31 = vector.load %arg7[%get3A_29, %get3A_30] : memref<1x64xf32, #tpu.memory_space<vmem>>, vector<1x64xf32>
    %add3A_32 = vector.broadcast %get3A_31 : vector<1x64xf32> to vector<512x64xf32>
    %add3A_33 = arith.addf %mul3A_28, %add3A_32 : vector<512x64xf32>
    %max3A = arith.constant 0.000000e+00 : f32
    %max3A_34 = vector.broadcast %max3A : f32 to vector<512x64xf32>
    %max3A_35 = arith.maximumf %add3A_33, %max3A_34 : vector<512x64xf32>
    %get3A_36 = arith.constant 0 : index
    %get3A_37 = arith.constant 0 : index
    %get3A_38 = vector.load %arg10[%get3A_36, %get3A_37] : memref<64x64xf32, #tpu.memory_space<vmem>>, vector<64x64xf32>
    %dot_general3A_39 = arith.constant dense<0.000000e+00> : vector<512x64xf32>
    %dot_general3A_40 = tpu.matmul %max3A_35, %get3A_38, %dot_general3A_39 {dimension_numbers = #tpu.dot_dimension_numbers<[1], [0], [0], [1], [0, 0, 1, 1], [], []>, transpose_lhs_hint = false} : vector<512x64xf32>, vector<64x64xf32>, vector<512x64xf32> -> vector<512x64xf32>
    %get3A_41 = arith.constant 0 : index
    %get3A_42 = arith.constant 0 : index
    %get3A_43 = vector.load %arg11[%get3A_41, %get3A_42] : memref<1x64xf32, #tpu.memory_space<vmem>>, vector<1x64xf32>
    %add3A_44 = vector.broadcast %get3A_43 : vector<1x64xf32> to vector<512x64xf32>
    %add3A_45 = arith.addf %dot_general3A_40, %add3A_44 : vector<512x64xf32>
    %max3A_46 = arith.constant 0.000000e+00 : f32
    %max3A_47 = vector.broadcast %max3A_46 : f32 to vector<512x64xf32>
    %max3A_48 = arith.maximumf %add3A_45, %max3A_47 : vector<512x64xf32>
    %swap3A = arith.constant 0 : index
    %swap3A_49 = arith.constant 0 : index
    %swap3A_50 = vector.load %arg12[%swap3A, %swap3A_49] : memref<512x64xf32, #tpu.memory_space<vmem>>, vector<512x64xf32>
    tpu.vector_store %arg12[%swap3A, %swap3A_49], %max3A_48 {strides = array<i32>} : memref<512x64xf32, #tpu.memory_space<vmem>>, vector<512x64xf32>,
    %convert_element_type3A_51 = arith.truncf %max3A_48 : vector<512x64xf32> to vector<512x64xbf16>
    %swap3A_52 = arith.constant 0 : index
    %swap3A_53 = arith.constant 0 : index
    %swap3A_54 = vector.load %arg13[%swap3A_52, %swap3A_53] : memref<512x64xbf16, #tpu.memory_space<vmem>>, vector<512x64xbf16>
    tpu.vector_store %arg13[%swap3A_52, %swap3A_53], %convert_element_type3A_51 {strides = array<i32>} : memref<512x64xbf16, #tpu.memory_space<vmem>>, vector<512x64xbf16>,
    %get3A_55 = arith.constant 0 : index
    %get3A_56 = arith.constant 0 : index
    %get3A_57 = arith.constant 0 : index
    %get3A_58 = vector.load %arg3[%get3A_55, %get3A_56, %get3A_57] : memref<1x1x512xi32, #tpu.memory_space<vmem>>, vector<1x1x512xi32>
    %get3A_59 = vector.shape_cast %get3A_58 : vector<1x1x512xi32> to vector<512xi32>
    %iota3A = tpu.iota {dimensions = array<i32: 0>} : vector<512x512xi32>
    %broadcast_in_dim3A = vector.shape_cast %get3A_59 : vector<512xi32> to vector<1x512xi32>
    %eq3A = vector.broadcast %broadcast_in_dim3A : vector<1x512xi32> to vector<512x512xi32>
    %eq3A_60 = arith.cmpi eq, %iota3A, %eq3A : vector<512x512xi32>
    %convert_element_type3A_61 = arith.extui %eq3A_60 : vector<512x512xi1> to vector<512x512xi32>
    %convert_element_type3A_62 = arith.sitofp %convert_element_type3A_61 : vector<512x512xi32> to vector<512x512xf32>
    %dot_general3A_63 = arith.constant dense<0.000000e+00> : vector<512x64xf32>
    %dot_general3A_64 = tpu.matmul %convert_element_type3A_62, %max3A_48, %dot_general3A_63 {dimension_numbers = #tpu.dot_dimension_numbers<[1], [0], [0], [1], [0, 0, 1, 1], [], []>, transpose_lhs_hint = false} : vector<512x512xf32>, vector<512x64xf32>, vector<512x64xf32> -> vector<512x64xf32>
    %eq3A_65 = arith.constant 0 : i32
    %eq3A_66 = arith.cmpi eq, %arg0, %eq3A_65 : i32
    %convert_element_type3A_67 = arith.extui %eq3A_66 : i1 to i32
    %cond3A = arith.constant 0 : i32
    %cond3A_68 = arith.cmpi ne, %convert_element_type3A_67, %cond3A : i32
    scf.if %cond3A_68 {
      %swap3A_73 = arith.constant 0 : index
      %swap3A_74 = arith.constant 0 : index
      %swap3A_75 = vector.load %arg14[%swap3A_73, %swap3A_74] : memref<512x64xf32, #tpu.memory_space<vmem>>, vector<512x64xf32>
      tpu.vector_store %arg14[%swap3A_73, %swap3A_74], %dot_general3A_64 {strides = array<i32>} : memref<512x64xf32, #tpu.memory_space<vmem>>, vector<512x64xf32>,
    } else {
    }
    %ne3A = arith.constant 0 : i32
    %ne3A_69 = arith.cmpi ne, %arg0, %ne3A : i32
    %convert_element_type3A_70 = arith.extui %ne3A_69 : i1 to i32
    %cond3A_71 = arith.constant 0 : i32
    %cond3A_72 = arith.cmpi ne, %convert_element_type3A_70, %cond3A_71 : i32
    scf.if %cond3A_72 {
      %get3A_73 = arith.constant 0 : index
      %get3A_74 = arith.constant 0 : index
      %get3A_75 = vector.load %arg14[%get3A_73, %get3A_74] : memref<512x64xf32, #tpu.memory_space<vmem>>, vector<512x64xf32>
      %add3A_76 = arith.addf %get3A_75, %dot_general3A_64 : vector<512x64xf32>
      %swap3A_77 = arith.constant 0 : index
      %swap3A_78 = arith.constant 0 : index
      %swap3A_79 = vector.load %arg14[%swap3A_77, %swap3A_78] : memref<512x64xf32, #tpu.memory_space<vmem>>, vector<512x64xf32>
      tpu.vector_store %arg14[%swap3A_77, %swap3A_78], %add3A_76 {strides = array<i32>} : memref<512x64xf32, #tpu.memory_space<vmem>>, vector<512x64xf32>,
    } else {
    }
    return
  }
  func.func @transform_0(%arg0: i32) -> (i32, i32) {
    %c0_i32 = arith.constant 0 : i32
    %c0_i32_0 = arith.constant 0 : i32
    return %arg0, %c0_i32 : i32, i32
  }
  func.func @transform_1(%arg0: i32) -> (i32, i32) {
    %c0_i32 = arith.constant 0 : i32
    %c0_i32_0 = arith.constant 0 : i32
    return %arg0, %c0_i32 : i32, i32
  }
  func.func @transform_2(%arg0: i32) -> (i32, i32, i32) {
    %c0_i32 = arith.constant 0 : i32
    %c0_i32_0 = arith.constant 0 : i32
    %c0_i32_1 = arith.constant 0 : i32
    return %arg0, %c0_i32, %c0_i32_0 : i32, i32, i32
  }
  func.func @transform_3(%arg0: i32) -> (i32, i32) {
    %c0_i32 = arith.constant 0 : i32
    %c0_i32_0 = arith.constant 0 : i32
    %c0_i32_1 = arith.constant 0 : i32
    return %c0_i32, %c0_i32_0 : i32, i32
  }
  func.func @transform_4(%arg0: i32) -> (i32, i32) {
    %c0_i32 = arith.constant 0 : i32
    %c0_i32_0 = arith.constant 0 : i32
    %c0_i32_1 = arith.constant 0 : i32
    return %c0_i32, %c0_i32_0 : i32, i32
  }
  func.func @transform_5(%arg0: i32) -> (i32, i32) {
    %c0_i32 = arith.constant 0 : i32
    %c0_i32_0 = arith.constant 0 : i32
    %c0_i32_1 = arith.constant 0 : i32
    return %c0_i32, %c0_i32_0 : i32, i32
  }
  func.func @transform_6(%arg0: i32) -> (i32, i32) {
    %c0_i32 = arith.constant 0 : i32
    %c0_i32_0 = arith.constant 0 : i32
    %c0_i32_1 = arith.constant 0 : i32
    return %c0_i32, %c0_i32_0 : i32, i32
  }
  func.func @transform_7(%arg0: i32) -> (i32, i32) {
    %c0_i32 = arith.constant 0 : i32
    %c0_i32_0 = arith.constant 0 : i32
    %c0_i32_1 = arith.constant 0 : i32
    return %c0_i32, %c0_i32_0 : i32, i32
  }
  func.func @transform_8(%arg0: i32) -> (i32, i32) {
    %c0_i32 = arith.constant 0 : i32
    %c0_i32_0 = arith.constant 0 : i32
    %c0_i32_1 = arith.constant 0 : i32
    return %c0_i32, %c0_i32_0 : i32, i32
  }
  func.func @transform_9(%arg0: i32) -> (i32, i32) {
    %c0_i32 = arith.constant 0 : i32
    %c0_i32_0 = arith.constant 0 : i32
    %c0_i32_1 = arith.constant 0 : i32
    return %c0_i32, %c0_i32_0 : i32, i32
  }
  func.func @transform_10(%arg0: i32) -> (i32, i32) {
    %c0_i32 = arith.constant 0 : i32
    %c0_i32_0 = arith.constant 0 : i32
    %c0_i32_1 = arith.constant 0 : i32
    return %c0_i32, %c0_i32_0 : i32, i32
  }
  func.func @transform_11(%arg0: i32) -> (i32, i32) {
    %c0_i32 = arith.constant 0 : i32
    %c0_i32_0 = arith.constant 0 : i32
    return %arg0, %c0_i32 : i32, i32
  }
  func.func @transform_12(%arg0: i32) -> (i32, i32) {
    %c0_i32 = arith.constant 0 : i32
    %c0_i32_0 = arith.constant 0 : i32
    return %arg0, %c0_i32 : i32, i32
  }
  func.func @transform_13(%arg0: i32) -> (i32, i32) {
    %c0_i32 = arith.constant 0 : i32
    %c0_i32_0 = arith.constant 0 : i32
    %c0_i32_1 = arith.constant 0 : i32
    return %c0_i32, %c0_i32_0 : i32, i32
  }
}

module attributes {stable_mosaic.version = 14 : i64} {
  func.func @body(%arg0: i32, %arg1: memref<512x64xf32, #tpu.memory_space<vmem>>, %arg2: memref<512x64xbf16, #tpu.memory_space<vmem>>, %arg3: memref<1x1x512xi32, #tpu.memory_space<vmem>>, %arg4: memref<64x64xf32, #tpu.memory_space<vmem>>, %arg5: memref<1x64xf32, #tpu.memory_space<vmem>>, %arg6: memref<1x64xf32, #tpu.memory_space<vmem>>, %arg7: memref<1x64xf32, #tpu.memory_space<vmem>>, %arg8: memref<1x64xf32, #tpu.memory_space<vmem>>, %arg9: memref<1x64xf32, #tpu.memory_space<vmem>>, %arg10: memref<64x64xf32, #tpu.memory_space<vmem>>, %arg11: memref<1x64xf32, #tpu.memory_space<vmem>>, %arg12: memref<512x64xf32, #tpu.memory_space<vmem>>) attributes {dimension_semantics = [#tpu.dimension_semantics<arbitrary>], iteration_bounds = array<i64: 98>, scalar_prefetch = 0 : i64, scratch_operands = 0 : i64, tpu.core_type = #tpu.core_type<tc>, window_params = [{transform_indices = @transform_0, window_bounds = array<i64: 512, 64>}, {transform_indices = @transform_1, window_bounds = array<i64: 512, 64>}, {transform_indices = @transform_2, window_bounds = array<i64: 1, 1, 512>}, {pipeline_mode = #tpu.pipeline_mode<synchronous>, transform_indices = @transform_3, window_bounds = array<i64: 64, 64>}, {pipeline_mode = #tpu.pipeline_mode<synchronous>, transform_indices = @transform_4, window_bounds = array<i64: 1, 64>}, {pipeline_mode = #tpu.pipeline_mode<synchronous>, transform_indices = @transform_5, window_bounds = array<i64: 1, 64>}, {pipeline_mode = #tpu.pipeline_mode<synchronous>, transform_indices = @transform_6, window_bounds = array<i64: 1, 64>}, {pipeline_mode = #tpu.pipeline_mode<synchronous>, transform_indices = @transform_7, window_bounds = array<i64: 1, 64>}, {pipeline_mode = #tpu.pipeline_mode<synchronous>, transform_indices = @transform_8, window_bounds = array<i64: 1, 64>}, {pipeline_mode = #tpu.pipeline_mode<synchronous>, transform_indices = @transform_9, window_bounds = array<i64: 64, 64>}, {pipeline_mode = #tpu.pipeline_mode<synchronous>, transform_indices = @transform_10, window_bounds = array<i64: 1, 64>}, {pipeline_mode = #tpu.pipeline_mode<synchronous>, transform_indices = @transform_11, window_bounds = array<i64: 512, 64>}]} {
    %get3A = arith.constant 0 : index
    %get3A_0 = arith.constant 0 : index
    %get3A_1 = vector.load %arg1[%get3A, %get3A_0] : memref<512x64xf32, #tpu.memory_space<vmem>>, vector<512x64xf32>
    %get3A_2 = arith.constant 0 : index
    %get3A_3 = arith.constant 0 : index
    %get3A_4 = vector.load %arg2[%get3A_2, %get3A_3] : memref<512x64xbf16, #tpu.memory_space<vmem>>, vector<512x64xbf16>
    %convert_element_type3A = arith.extf %get3A_4 : vector<512x64xbf16> to vector<512x64xf32>
    %add3A = arith.addf %get3A_1, %convert_element_type3A : vector<512x64xf32>
    %get3A_5 = arith.constant 0 : index
    %get3A_6 = arith.constant 0 : index
    %get3A_7 = vector.load %arg4[%get3A_5, %get3A_6] : memref<64x64xf32, #tpu.memory_space<vmem>>, vector<64x64xf32>
    %dot_general3A = arith.constant dense<0.000000e+00> : vector<512x64xf32>
    %dot_general3A_8 = tpu.matmul %add3A, %get3A_7, %dot_general3A {dimension_numbers = #tpu.dot_dimension_numbers<[1], [0], [0], [1], [0, 0, 1, 1], [], []>, transpose_lhs_hint = false} : vector<512x64xf32>, vector<64x64xf32>, vector<512x64xf32> -> vector<512x64xf32>
    %get3A_9 = arith.constant 0 : index
    %get3A_10 = arith.constant 0 : index
    %get3A_11 = vector.load %arg5[%get3A_9, %get3A_10] : memref<1x64xf32, #tpu.memory_space<vmem>>, vector<1x64xf32>
    %add3A_12 = vector.broadcast %get3A_11 : vector<1x64xf32> to vector<512x64xf32>
    %add3A_13 = arith.addf %dot_general3A_8, %add3A_12 : vector<512x64xf32>
    %get3A_14 = arith.constant 0 : index
    %get3A_15 = arith.constant 0 : index
    %get3A_16 = vector.load %arg6[%get3A_14, %get3A_15] : memref<1x64xf32, #tpu.memory_space<vmem>>, vector<1x64xf32>
    %get3A_17 = arith.constant 0 : index
    %get3A_18 = arith.constant 0 : index
    %get3A_19 = vector.load %arg9[%get3A_17, %get3A_18] : memref<1x64xf32, #tpu.memory_space<vmem>>, vector<1x64xf32>
    %add3A_20 = arith.constant 9.99999974E-6 : f32
    %add3A_21 = vector.broadcast %add3A_20 : f32 to vector<1x64xf32>
    %add3A_22 = arith.addf %get3A_19, %add3A_21 : vector<1x64xf32>
    %rsqrt3A = math.rsqrt %add3A_22 : vector<1x64xf32>
    %mul3A = arith.mulf %get3A_16, %rsqrt3A : vector<1x64xf32>
    %get3A_23 = arith.constant 0 : index
    %get3A_24 = arith.constant 0 : index
    %get3A_25 = vector.load %arg8[%get3A_23, %get3A_24] : memref<1x64xf32, #tpu.memory_space<vmem>>, vector<1x64xf32>
    %sub3A = vector.broadcast %get3A_25 : vector<1x64xf32> to vector<512x64xf32>
    %sub3A_26 = arith.subf %add3A_13, %sub3A : vector<512x64xf32>
    %mul3A_27 = vector.broadcast %mul3A : vector<1x64xf32> to vector<512x64xf32>
    %mul3A_28 = arith.mulf %mul3A_27, %sub3A_26 : vector<512x64xf32>
    %get3A_29 = arith.constant 0 : index
    %get3A_30 = arith.constant 0 : index
    %get3A_31 = vector.load %arg7[%get3A_29, %get3A_30] : memref<1x64xf32, #tpu.memory_space<vmem>>, vector<1x64xf32>
    %add3A_32 = vector.broadcast %get3A_31 : vector<1x64xf32> to vector<512x64xf32>
    %add3A_33 = arith.addf %mul3A_28, %add3A_32 : vector<512x64xf32>
    %max3A = arith.constant 0.000000e+00 : f32
    %max3A_34 = vector.broadcast %max3A : f32 to vector<512x64xf32>
    %max3A_35 = arith.maximumf %add3A_33, %max3A_34 : vector<512x64xf32>
    %get3A_36 = arith.constant 0 : index
    %get3A_37 = arith.constant 0 : index
    %get3A_38 = vector.load %arg10[%get3A_36, %get3A_37] : memref<64x64xf32, #tpu.memory_space<vmem>>, vector<64x64xf32>
    %dot_general3A_39 = arith.constant dense<0.000000e+00> : vector<512x64xf32>
    %dot_general3A_40 = tpu.matmul %max3A_35, %get3A_38, %dot_general3A_39 {dimension_numbers = #tpu.dot_dimension_numbers<[1], [0], [0], [1], [0, 0, 1, 1], [], []>, transpose_lhs_hint = false} : vector<512x64xf32>, vector<64x64xf32>, vector<512x64xf32> -> vector<512x64xf32>
    %get3A_41 = arith.constant 0 : index
    %get3A_42 = arith.constant 0 : index
    %get3A_43 = vector.load %arg11[%get3A_41, %get3A_42] : memref<1x64xf32, #tpu.memory_space<vmem>>, vector<1x64xf32>
    %add3A_44 = vector.broadcast %get3A_43 : vector<1x64xf32> to vector<512x64xf32>
    %add3A_45 = arith.addf %dot_general3A_40, %add3A_44 : vector<512x64xf32>
    %max3A_46 = arith.constant 0.000000e+00 : f32
    %max3A_47 = vector.broadcast %max3A_46 : f32 to vector<512x64xf32>
    %max3A_48 = arith.maximumf %add3A_45, %max3A_47 : vector<512x64xf32>
    %get3A_49 = arith.constant 0 : index
    %get3A_50 = arith.constant 0 : index
    %get3A_51 = arith.constant 0 : index
    %get3A_52 = vector.load %arg3[%get3A_49, %get3A_50, %get3A_51] : memref<1x1x512xi32, #tpu.memory_space<vmem>>, vector<1x1x512xi32>
    %get3A_53 = vector.shape_cast %get3A_52 : vector<1x1x512xi32> to vector<512xi32>
    %iota3A = tpu.iota {dimensions = array<i32: 0>} : vector<512x512xi32>
    %broadcast_in_dim3A = vector.shape_cast %get3A_53 : vector<512xi32> to vector<1x512xi32>
    %eq3A = vector.broadcast %broadcast_in_dim3A : vector<1x512xi32> to vector<512x512xi32>
    %eq3A_54 = arith.cmpi eq, %iota3A, %eq3A : vector<512x512xi32>
    %convert_element_type3A_55 = arith.extui %eq3A_54 : vector<512x512xi1> to vector<512x512xi32>
    %convert_element_type3A_56 = arith.sitofp %convert_element_type3A_55 : vector<512x512xi32> to vector<512x512xf32>
    %dot_general3A_57 = arith.constant dense<0.000000e+00> : vector<512x64xf32>
    %dot_general3A_58 = tpu.matmul %convert_element_type3A_56, %max3A_48, %dot_general3A_57 {dimension_numbers = #tpu.dot_dimension_numbers<[1], [0], [0], [1], [0, 0, 1, 1], [], []>, transpose_lhs_hint = false} : vector<512x512xf32>, vector<512x64xf32>, vector<512x64xf32> -> vector<512x64xf32>
    %eq3A_59 = arith.constant 0 : i32
    %eq3A_60 = arith.cmpi eq, %arg0, %eq3A_59 : i32
    %convert_element_type3A_61 = arith.extui %eq3A_60 : i1 to i32
    %cond3A = arith.constant 0 : i32
    %cond3A_62 = arith.cmpi ne, %convert_element_type3A_61, %cond3A : i32
    scf.if %cond3A_62 {
      %swap3A = arith.constant 0 : index
      %swap3A_67 = arith.constant 0 : index
      %swap3A_68 = vector.load %arg12[%swap3A, %swap3A_67] : memref<512x64xf32, #tpu.memory_space<vmem>>, vector<512x64xf32>
      tpu.vector_store %arg12[%swap3A, %swap3A_67], %dot_general3A_58 {strides = array<i32>} : memref<512x64xf32, #tpu.memory_space<vmem>>, vector<512x64xf32>,
    } else {
    }
    %ne3A = arith.constant 0 : i32
    %ne3A_63 = arith.cmpi ne, %arg0, %ne3A : i32
    %convert_element_type3A_64 = arith.extui %ne3A_63 : i1 to i32
    %cond3A_65 = arith.constant 0 : i32
    %cond3A_66 = arith.cmpi ne, %convert_element_type3A_64, %cond3A_65 : i32
    scf.if %cond3A_66 {
      %get3A_67 = arith.constant 0 : index
      %get3A_68 = arith.constant 0 : index
      %get3A_69 = vector.load %arg12[%get3A_67, %get3A_68] : memref<512x64xf32, #tpu.memory_space<vmem>>, vector<512x64xf32>
      %add3A_70 = arith.addf %get3A_69, %dot_general3A_58 : vector<512x64xf32>
      %swap3A = arith.constant 0 : index
      %swap3A_71 = arith.constant 0 : index
      %swap3A_72 = vector.load %arg12[%swap3A, %swap3A_71] : memref<512x64xf32, #tpu.memory_space<vmem>>, vector<512x64xf32>
      tpu.vector_store %arg12[%swap3A, %swap3A_71], %add3A_70 {strides = array<i32>} : memref<512x64xf32, #tpu.memory_space<vmem>>, vector<512x64xf32>,
    } else {
    }
    return
  }
  func.func @transform_0(%arg0: i32) -> (i32, i32) {
    %c0_i32 = arith.constant 0 : i32
    %c0_i32_0 = arith.constant 0 : i32
    return %arg0, %c0_i32 : i32, i32
  }
  func.func @transform_1(%arg0: i32) -> (i32, i32) {
    %c0_i32 = arith.constant 0 : i32
    %c0_i32_0 = arith.constant 0 : i32
    return %arg0, %c0_i32 : i32, i32
  }
  func.func @transform_2(%arg0: i32) -> (i32, i32, i32) {
    %c0_i32 = arith.constant 0 : i32
    %c0_i32_0 = arith.constant 0 : i32
    %c0_i32_1 = arith.constant 0 : i32
    return %arg0, %c0_i32, %c0_i32_0 : i32, i32, i32
  }
  func.func @transform_3(%arg0: i32) -> (i32, i32) {
    %c0_i32 = arith.constant 0 : i32
    %c0_i32_0 = arith.constant 0 : i32
    %c0_i32_1 = arith.constant 0 : i32
    return %c0_i32, %c0_i32_0 : i32, i32
  }
  func.func @transform_4(%arg0: i32) -> (i32, i32) {
    %c0_i32 = arith.constant 0 : i32
    %c0_i32_0 = arith.constant 0 : i32
    %c0_i32_1 = arith.constant 0 : i32
    return %c0_i32, %c0_i32_0 : i32, i32
  }
  func.func @transform_5(%arg0: i32) -> (i32, i32) {
    %c0_i32 = arith.constant 0 : i32
    %c0_i32_0 = arith.constant 0 : i32
    %c0_i32_1 = arith.constant 0 : i32
    return %c0_i32, %c0_i32_0 : i32, i32
  }
  func.func @transform_6(%arg0: i32) -> (i32, i32) {
    %c0_i32 = arith.constant 0 : i32
    %c0_i32_0 = arith.constant 0 : i32
    %c0_i32_1 = arith.constant 0 : i32
    return %c0_i32, %c0_i32_0 : i32, i32
  }
  func.func @transform_7(%arg0: i32) -> (i32, i32) {
    %c0_i32 = arith.constant 0 : i32
    %c0_i32_0 = arith.constant 0 : i32
    %c0_i32_1 = arith.constant 0 : i32
    return %c0_i32, %c0_i32_0 : i32, i32
  }
  func.func @transform_8(%arg0: i32) -> (i32, i32) {
    %c0_i32 = arith.constant 0 : i32
    %c0_i32_0 = arith.constant 0 : i32
    %c0_i32_1 = arith.constant 0 : i32
    return %c0_i32, %c0_i32_0 : i32, i32
  }
  func.func @transform_9(%arg0: i32) -> (i32, i32) {
    %c0_i32 = arith.constant 0 : i32
    %c0_i32_0 = arith.constant 0 : i32
    %c0_i32_1 = arith.constant 0 : i32
    return %c0_i32, %c0_i32_0 : i32, i32
  }
  func.func @transform_10(%arg0: i32) -> (i32, i32) {
    %c0_i32 = arith.constant 0 : i32
    %c0_i32_0 = arith.constant 0 : i32
    %c0_i32_1 = arith.constant 0 : i32
    return %c0_i32, %c0_i32_0 : i32, i32
  }
  func.func @transform_11(%arg0: i32) -> (i32, i32) {
    %c0_i32 = arith.constant 0 : i32
    %c0_i32_0 = arith.constant 0 : i32
    %c0_i32_1 = arith.constant 0 : i32
    return %c0_i32, %c0_i32_0 : i32, i32
  }
}

module attributes {stable_mosaic.version = 14 : i64} {
  func.func @_final_body(%arg0: memref<512x64xf32, #tpu.memory_space<vmem>>, %arg1: memref<512x64xf32, #tpu.memory_space<vmem>>, %arg2: memref<128x6xf32, #tpu.memory_space<vmem>>, %arg3: memref<1x6xf32, #tpu.memory_space<vmem>>, %arg4: memref<512x6xf32, #tpu.memory_space<vmem>>) attributes {dimension_semantics = [], scalar_prefetch = 0 : i64, scratch_operands = 0 : i64, tpu.core_type = #tpu.core_type<tc>} {
    %get3A = arith.constant 0 : index
    %get3A_0 = arith.constant 0 : index
    %get3A_1 = vector.load %arg0[%get3A, %get3A_0] : memref<512x64xf32, #tpu.memory_space<vmem>>, vector<512x64xf32>
    %get3A_2 = arith.constant 0 : index
    %get3A_3 = arith.constant 0 : index
    %get3A_4 = vector.load %arg2[%get3A_2, %get3A_3] : memref<128x6xf32, #tpu.memory_space<vmem>>, vector<64x6xf32>
    %dot_general3A = arith.constant dense<0.000000e+00> : vector<512x6xf32>
    %dot_general3A_5 = tpu.matmul %get3A_1, %get3A_4, %dot_general3A {dimension_numbers = #tpu.dot_dimension_numbers<[1], [0], [0], [1], [0, 0, 1, 1], [], []>, transpose_lhs_hint = false} : vector<512x64xf32>, vector<64x6xf32>, vector<512x6xf32> -> vector<512x6xf32>
    %get3A_6 = arith.constant 0 : index
    %get3A_7 = arith.constant 0 : index
    %get3A_8 = vector.load %arg1[%get3A_6, %get3A_7] : memref<512x64xf32, #tpu.memory_space<vmem>>, vector<512x64xf32>
    %get3A_9 = arith.constant 64 : index
    %get3A_10 = arith.constant 0 : index
    %get3A_11 = vector.load %arg2[%get3A_9, %get3A_10] : memref<128x6xf32, #tpu.memory_space<vmem>>, vector<64x6xf32>
    %dot_general3A_12 = arith.constant dense<0.000000e+00> : vector<512x6xf32>
    %dot_general3A_13 = tpu.matmul %get3A_8, %get3A_11, %dot_general3A_12 {dimension_numbers = #tpu.dot_dimension_numbers<[1], [0], [0], [1], [0, 0, 1, 1], [], []>, transpose_lhs_hint = false} : vector<512x64xf32>, vector<64x6xf32>, vector<512x6xf32> -> vector<512x6xf32>
    %add3A = arith.addf %dot_general3A_5, %dot_general3A_13 : vector<512x6xf32>
    %get3A_14 = arith.constant 0 : index
    %get3A_15 = arith.constant 0 : index
    %get3A_16 = vector.load %arg3[%get3A_14, %get3A_15] : memref<1x6xf32, #tpu.memory_space<vmem>>, vector<1x6xf32>
    %add3A_17 = vector.broadcast %get3A_16 : vector<1x6xf32> to vector<512x6xf32>
    %add3A_18 = arith.addf %add3A, %add3A_17 : vector<512x6xf32>
    %swap3A = arith.constant 0 : index
    %swap3A_19 = arith.constant 0 : index
    %swap3A_20 = vector.load %arg4[%swap3A, %swap3A_19] : memref<512x6xf32, #tpu.memory_space<vmem>>, vector<512x6xf32>
    tpu.vector_store %arg4[%swap3A, %swap3A_19], %add3A_18 {strides = array<i32>} : memref<512x6xf32, #tpu.memory_space<vmem>>, vector<512x6xf32>,
    return
  }
}

</mosaic_0001>

<sc_bundles>
// kernel: _impl.10.cloned.1.call-start
scs
__scs_entry_jumppad:
0x0: {  	(pc) =	sbr.rel $0x88, $3  }
0x1: {  	(tag) =	ssettag $0x0;
	lr =	simm.s32 $0x1  }
0x2: {  	[smem:$0x3F8C] =	sst lr;
	_ =	strace $0xD0000000  }
0x3: {  	_ = 	snop  }
0x4: {  	_ = 	snop  }
0x5: {  	_ = 	snop  }
0x6: {  	_ = 	snop  }
0x7: {  	_ = 	snop  }
__scs_overlays_trampoline_lowered:
0x8: {  	[smem:$0x3F9B] =	sst s0  }
0x9: {  	[smem:$0x3F9C] =	sst s1  }
0xa: {  	[smem:$0x3F9D] =	sst s2  }
0xb: {  	[smem:$0x3F9E] =	sst s3  }
0xc: {  	[smem:$0x3F9F] =	sst s4  }
0xd: {  	[smem:$0x3FA0] =	sst s5  }
0xe: {  	[smem:$0x3FA1] =	sst s6  }
0xf: {  	[smem:$0x3FA2] =	sst s7  }
0x10: {  	[smem:$0x3FA3] =	sst s8  }
0x11: {  	[smem:$0x3FA4] =	sst s9;
	s0 =	simm.s32 @!p0 $0x0  }
0x12: {  	s1 =	sld [smem:$0x3F8A];
	s0 =	simm.s32 @p0 $0x1  }
0x13: {  	[smem:$0x3FA5] =	sst s0;
	s0 =	simm.s32 @!p1 $0x0  }
0x14: {  	s2 =	sld [smem:$0x3F89];
	s0 =	simm.s32 @p1 $0x1  }
0x15: {  	[smem:$0x3FA6] =	sst s0;
	s0 =	simm.s32 @!p2 $0x0  }
0x16: {  	s3 =	sld [smem:$0x3FDB];
	s0 =	simm.s32 @p2 $0x1  }
0x17: {  	s4 =	simm.s32 $0x1BF5;
	[smem:$0x3FA8] =	sst s0  }
0x18: {  	s0 =	sld [smem:$0x3F8B];
	_ =	swait.ge [sflag:s4], $0x0  }
0x19: {  	s7 =	sld [smem:$0x3F8C]  }
0x1a: {  	s8 =	sadd.s32 $0xFFFFE003, lr  }
0x1b: {  	s9 =	sadd.s32 $0xFFFFFEF7, lr;
	s5 =	simm.s32 $0xFFFFFFFF;
	p2 =	slt.u32 s8, $0xFFFFF086  }
0x1c: {  	p1 =	slt.u32 s9, $0xF7A;
	s5 =	simm.s32 @!p2 $0x0  }
0x1d: {  	s5 =	simm.s32 @p1 $0x1;
	p0 =	seq.s32 s7, s2  }
0x1e: {  	s7 =	smul.u32 @!p0 $0xF7A, s2;
	p2 =	seq.s32 @!p0 s5, $0x0  }
0x1f: {  	s9 =	smul.u32 $0xF7A, s1;
	s8 =	simm.s32 @!p0 $0x1BF5;
	p2 =	por !p2, p0  }
0x20: {  	[sflag:s8] =	ssyncset.s32 @!p0 $0xFFFFF086;
	s6 =	sadd.s32 @!p0 s3, s7;
	s7 =	simm.s32 @!p0 $0x108  }
0x21: {  	s3 =	sadd.s32 s3, s9;
	s6 =	sadd.s32 @!p0 $0x88, s6;
	s7 =	simm.s32 @p2 $0x1082  }
0x22: {  	[simem:s7], [sflag:s8] =	dma.local @!p0 [hbm:s6], $0xF7A  }
0x23: {  	s9 =	sor.u32 $0xD0000000, s2;
	s6 =	simm.s32 $0x108;
	_ =	swait.ge @!p0 [sflag:s8], $0x0  }
0x24: {  	s3 =	sadd.s32 $0x88, s3;
	s6 =	simm.s32 @!p1 $0x1082;
	[sflag:s4] =	ssyncset.s32 $0xFFFFF086  }
0x25: {  	[simem:s6], [sflag:s4] =	dma.local [hbm:s3], $0xF7A  }
0x26: {  	[smem:$0x3F8C] =	sst s1;
	(tag) =	ssettag s2;
	_ =	strace s9  }
0x27: {  	s1 =	sld [smem:$0x3F9C]  }
0x28: {  	s2 =	sld [smem:$0x3F9D]  }
0x29: {  	s4 =	sld [smem:$0x3F9F]  }
0x2a: {  	p0 =	seq.s32 s5, $0x0;
	s5 =	sld [smem:$0x3FA0]  }
0x2b: {  	s6 =	sld [smem:$0x3FA1]  }
0x2c: {  	s7 =	sld [smem:$0x3FA2]  }
0x2d: {  	s3 =	simm.s32 $0x108;
	s8 =	sld [smem:$0x3FA3]  }
0x2e: {  	s3 =	simm.s32 @!p0 $0x1082;
	s9 =	sld [smem:$0x3FA4]  }
0x2f: {  	lr =	sadd.s32 s0, s3;
	s0 =	sld [smem:$0x3F9B]  }
0x30: {  	s3 =	sld [smem:$0x3F9E]  }
0x31: {  	[smem:$0x3FA7] =	sst s10  }
0x32: {  	s10 =	sld [smem:$0x3FA5];
	_ =	sdelay $0x3  }
0x33: {  	p0 =	seq.s32 s10, $0x1;
	s10 =	sld [smem:$0x3FA7];
	_ =	sdelay $0x3  }
0x34: {  	[smem:$0x3FA7] =	sst s10  }
0x35: {  	s10 =	sld [smem:$0x3FA6];
	_ =	sdelay $0x3  }
0x36: {  	p1 =	seq.s32 s10, $0x1;
	s10 =	sld [smem:$0x3FA7];
	_ =	sdelay $0x3  }
0x37: {  	[smem:$0x3FA7] =	sst s10  }
0x38: {  	s10 =	sld [smem:$0x3FA8]  }
0x39: {  	_ = 	snop;
	(pc) =	sbr.ind lr, $3  }
0x3a: {  	_ = 	snop  }
0x3b: {  	_ = 	snop  }
0x3c: {  	p2 =	seq.s32 s10, $0x1;
	s10 =	sld [smem:$0x3FA7]  }
0x3d: {  	_ =	shalt  }
0x3e: {  	_ =	shalt  }
0x3f: {  	_ =	shalt  }
0x40: {  	_ =	shalt  }
0x41: {  	_ =	shalt  }
0x42: {  	_ =	shalt  }
0x43: {  	_ =	shalt  }
0x44: {  	_ =	shalt  }
0x45: {  	_ =	shalt  }
0x46: {  	_ =	shalt  }
0x47: {  	_ =	shalt  }
0x48: {  	_ =	shalt  }
0x49: {  	_ =	shalt  }
0x4a: {  	_ =	shalt  }
0x4b: {  	_ =	shalt  }
0x4c: {  	_ =	shalt  }
0x4d: {  	_ =	shalt  }
0x4e: {  	_ =	shalt  }
0x4f: {  	_ =	shalt  }
0x50: {  	_ =	shalt  }
0x51: {  	_ =	shalt  }
0x52: {  	_ =	shalt  }
0x53: {  	_ =	shalt  }
0x54: {  	_ =	shalt  }
0x55: {  	_ =	shalt  }
0x56: {  	_ =	shalt  }
0x57: {  	_ =	shalt  }
0x58: {  	_ =	shalt  }
0x59: {  	_ =	shalt  }
0x5a: {  	_ =	shalt  }
0x5b: {  	_ =	shalt  }
0x5c: {  	_ =	shalt  }
0x5d: {  	_ =	shalt  }
0x5e: {  	_ =	shalt  }
0x5f: {  	_ =	shalt  }
0x60: {  	_ =	shalt  }
0x61: {  	_ =	shalt  }
0x62: {  	_ =	shalt  }
0x63: {  	_ =	shalt  }
0x64: {  	_ =	shalt  }
0x65: {  	_ =	shalt  }
0x66: {  	_ =	shalt  }
0x67: {  	_ =	shalt  }
0x68: {  	_ =	shalt  }
0x69: {  	_ =	shalt  }
0x6a: {  	_ =	shalt  }
0x6b: {  	_ =	shalt  }
0x6c: {  	_ =	shalt  }
0x6d: {  	_ =	shalt  }
0x6e: {  	_ =	shalt  }
0x6f: {  	_ =	shalt  }
0x70: {  	_ =	shalt  }
0x71: {  	_ =	shalt  }
0x72: {  	_ =	shalt  }
0x73: {  	_ =	shalt  }
0x74: {  	_ =	shalt  }
0x75: {  	_ =	shalt  }
0x76: {  	_ =	shalt  }
0x77: {  	_ =	shalt  }
0x78: {  	_ =	shalt  }
0x79: {  	_ =	shalt  }
0x7a: {  	_ =	shalt  }
0x7b: {  	_ =	shalt  }
0x7c: {  	_ =	shalt  }
0x7d: {  	_ =	shalt  }
0x7e: {  	_ =	shalt  }
0x7f: {  	_ =	shalt  }
0x80: {  	_ =	shalt  }
0x81: {  	_ =	shalt  }
0x82: {  	_ =	shalt  }
0x83: {  	_ =	shalt  }
0x84: {  	_ =	shalt  }
0x85: {  	_ =	shalt  }
0x86: {  	_ =	shalt  }
0x87: {  	_ =	shalt  }
.Lfunc_end0:
.L_simem_size_0:
called_computation.1_lowered:
.L_overlay_start_0:
0x88: {  	s2 =	sld [smem:$0x3FD9]  }
0x89: {  	s3 =	sld [smem:$0x3FFE];
	_ =	sdelay $0x1  }
0x8a: {  	s1 =	srdreg.scid  }
0x8b: {  	s0 =	sand.u32 $0x1, s1  }
0x8c: {  	s16 =	sshll.u32 s0, $0xA;
	s2 =	sadd.s32 s3, s2  }
0x8d: {  	s2 =	sadd.s32 s2, s16  }
0x8e: {  	[smem:$0x3FB3] =	sst s2  }
0x8f: {  	_ = 	snop  }
0x90: {  	(tm) =	ssettm $0x1  }
0x91: {  	s17 =	sld [smem:$0x3FFB];
	_ =	sdelay $0x3  }
0x92: {  	_ =	strace s17  }
0x93: {  	s2 =	sld [smem:$0x3FFC];
	_ =	sdelay $0x3  }
0x94: {  	_ =	strace s2  }
0x95: {  	s2 =	sld [smem:$0x3FFD];
	_ =	sdelay $0x3  }
0x96: {  	_ =	strace s2  }
0x97: {  	_ =	strace $0x8FFFFFFF  }
0x98: {  	s18 =	sld [smem:$0x3FDB];
	_ =	sdelay $0x1  }
0x99: {  	s19 =	simm.s32 $_scs_section_size  }
0x9a: {  	s4 =	simm.s32 $_size__tile_overlayer_lowered;
	s5 =	simm.s32 $_tile_overlayer_lowered  }
0x9b: {  	s22 =	simm.s32 $0x1BFF;
	s21 =	sshll.u32 s5, $0x1;
	s2 =	sadd.s32 s19, s18  }
0x9c: {  	s6 =	simm.s32 $0x0;
	s20 =	sshll.u32 s4, $0x1;
	s4 =	sadd.s32 s21, s2  }
0x9d: {  	[timem:s6], [sflag:s22] =	dma.local [hbm:s4], s20  }
0x9e: {  	_ =	swait.ge [sflag:s22], s20  }
0x9f: {  	s3 =	ssub.s32 $0x0, s20;
	[sflag:s22] =	ssyncset.done $0x0  }
0xa0: {  	[sflag:s22] =	ssyncadd.s32 s3;
	_ =	sdelay $0x1  }
0xa1: {  	s23 =	simm.s32 $0x1B8B  }
0xa2: {  	_ =	swait.ge [sflag:s23], $0x1  }
0xa3: {  	[sflag:s23] =	ssyncset.done $0x0  }
0xa4: {  	s25 =	simm.s32 $0x1B8E;
	s24 =	sld [smem:$0x3FFE];
	[sflag:s23] =	ssyncadd.s32 $0xFFFFFFFF  }
0xa5: {  	s26 =	simm.s32 $execute0_lowered;
	[smem:$0x3FD2] =	sst s25  }
0xa6: {  	s4 =	sshll.u32 s26, $0x1;
	_ =	strace $0x80000049;
	[dreg:$0x1] =	wrdreg $0xFFFFFFFF  }
0xa7: {  	s28 =	simm.s32 $_size_execute0_lowered;
	s2 =	sadd.s32 s2, s4;
	[dreg:$0x0] =	wrdreg $0x0  }
0xa8: {  	s4 =	sshll.u32 s28, $0x1;
	[dreg:$0x2] =	wrdreg s2  }
0xa9: {  	[dreg:$0x3] =	wrdreg s4  }
0xaa: {  	[dreg:$0x4] =	wrdreg $0xC0  }
0xab: {  	_ =	task [dreg:s6], $0x5FFFF  }
0xac: {  	[dreg:$0x1] =	wrdreg $0xFFFFFFFF  }
0xad: {  	[dreg:$0x0] =	wrdreg $0x60  }
0xae: {  	[dreg:$0x2] =	wrdreg s24  }
0xaf: {  	[dreg:$0x3] =	wrdreg $0x46000  }
0xb0: {  	[dreg:$0x4] =	wrdreg $0x9  }
0xb1: {  	_ =	task.clear_ibuf [dreg:s6], $0x5FFFF;
	_ =	strace $0x90000049  }
0xb2: {  	s29 =	simm.s32 $0x9;
	_ =	strace $0x8000004B  }
0xb3: {  	_ =	swait.ge [sflag:s29], $0x1  }
0xb4: {  	[sflag:s29] =	ssyncadd.s32 $0xFFFFFFFF  }
0xb5: {  	_ =	strace $0x9000004B  }
0xb6: {  	_ =	sfence  }
0xb7: {  	s30 =	sld [smem:$0x0];
	_ =	sdelay $0x2  }
0xb8: {  	s31 =	sshll.u32 s1, $0xD;
	s1 =	sshrl.u32 s1, $0x2  }
0xb9: {  	s3 =	sand.u32 $0x4000, s31;
	s1 =	sadd.s32 s1, s30  }
0xba: {  	s0 =	sor.u32 s3, s0;
	s1 =	sshll.u32 s1, $0x11  }
0xbb: {  	s0 =	sor.u32 s1, s0  }
0xbc: {  	s0 =	sadd.s32 $0x8F2B, s0  }
0xbd: {  	[sflag:s0] =	ssyncadd.remote.s32 $0x1  }
0xbe: {  	_ =	sfence.sel $0xFFFF  }
0xbf: {  	[dreg:$0x0] =	wrdreg $0xFFFFFFFF;
	(pc) =	sbr.abs _section_cstart, $3  }
0xc0: {  	[dreg:$0x1] =	wrdreg $0xFFFFFFFF  }
0xc1: {  	_ =	task.clear_ibuf [dreg:s6], $0x2FFFF;
	_ =	strace $0x9FFFFFFF  }
0xc2: {  	(tm) =	ssettm $0x7FFFFFFF  }
0xc3: {  	_ =	shalt  }
tec
execute0_lowered:
.L_overlay_start_1:
0x0: {  	(tag) =	ssettag $0x1  }
0x1: {  	s1 =	rddreg [dreg:$0x0]  }
0x2: {  	s0 =	stileid.u32;
	s3 =	srdreg.scid  }
0x3: {  	s2 =	rddreg [dreg:$0x1];
	s13 =	simm.s32 $0x500;
	s14 =	simm.s32 $0x2600  }
0x4: {  	s15 =	simm.s32 $0x580;
	s16 =	simm.s32 $0x3600;
	s17 =	simm.s32 $0x600  }
0x5: {  	s18 =	simm.s32 $0x100;
	s19 =	simm.s32 $0x1600;
	s20 =	simm.s32 $0x4  }
0x6: {  	s21 =	simm.s32 $0x200;
	s22 =	simm.s32 $0x1;
	s5 =	smul.u32 $0x3100, s0  }
0x7: {  	s29 =	simm.s32 $0x2;
	s30 =	simm.s32 $0x0;
	s7 =	smul.u32 $0x620, s0  }
0x8: {  	s6 =	sand.u32 $0x1, s3;
	s3 =	simm.s32 $0x0;
	s9 =	smul.u32 $0x31080, s0  }
0x9: {  	s4 =	sadd.s32 $0x4200, s1;
	s10 =	smul.u32 $0x31000, s0;
	s25 =	sshll.u32 s0, $0x6  }
0xa: {  	s28 =	smul.u32 $0x6200, s6;
	[smem:$0x7FF] =	sst s3;
	s6 =	ssub.s32 $0x2, s6  }
0xb: {  	_ =	strace $0x8000004A;
	s8 =	sadd.s32 s5, s1;
	s5 =	sadd.s32 $0x2800, s1  }
0xc: {  	s23 =	sshrl.u32 s6, $0x1;
	s24 =	sshrl.u32 s9, $0x2;
	s26 =	sshrl.u32 s10, $0x2  }
0xd: {  	s7 =	sadd.s32 s7, s28;
	s11 =	ssub.s32 s6, s23;
	s12 =	sadd.s32 s24, s2  }
0xe: {  	s6 =	sor.u32 $0x1C05, s25;
	s31 =	sadd.s32 s26, s2;
	s23 =	simm.s32 $0x300  }
0xf: {  	s25 =	simm.s32 $0x400;
	s26 =	simm.s32 $0x480;
	v0 =	vmov s28;
	s28 =	simm.s32 $0x3  }
0x10: {  	s7 =	sshll.u32 s7, $0x2;
	s9 =	smax.u32 s11, $0x1;
	s10 =	sshrl.u32 s12, $0x3  }
0x11: {  	s11 =	simm.s32 $0x5;
	s12 =	simm.s32 $0x80;
	s1 =	sadd.s32 s7, s1  }
0x12: {  	v1 =	vimm.s32 $0x6200;
	s24 =	sshrl.u32 s31, $0x3;
	s7 =	sadd.s32 $0x64800, s8;
	s8 =	sadd.s32 $0x95A00, s1  }
.LBB2_1:
0x13: {  	[spmem:s10], [sflag:s6] =	dma.local [hbm:s5], $0x1884  }
0x14: {  	_ =	swait.ge [sflag:s11], $0x1884  }
0x15: {  	[sflag:s11] =	ssyncset.done $0x0  }
0x16: {  	[sflag:s11] =	ssyncadd.s32 $0xFFFFE77C  }
0x17: {  	[bflag:$0x0] =	sbarrier.arrive $0xFFFF  }
0x18: {  	[tilespmem:$0x500] =	vst v1  }
0x19: {  	[tilespmem:$0x510] =	vst v1  }
0x1a: {  	[tilespmem:$0x520] =	vst v1  }
0x1b: {  	[tilespmem:$0x530] =	vst v1  }
0x1c: {  	[tilespmem:$0x540] =	vst v1  }
0x1d: {  	[tilespmem:$0x550] =	vst v1  }
0x1e: {  	[tilespmem:$0x560] =	vst v1  }
0x1f: {  	[tilespmem:$0x570] =	vst v1  }
0x20: {  	[tilespmem:$0x580] =	vst v1  }
0x21: {  	[tilespmem:$0x590] =	vst v1  }
0x22: {  	[tilespmem:$0x5A0] =	vst v1  }
0x23: {  	[tilespmem:$0x5B0] =	vst v1  }
0x24: {  	[tilespmem:$0x5C0] =	vst v1  }
0x25: {  	[tilespmem:$0x5D0] =	vst v1  }
0x26: {  	[tilespmem:$0x5E0] =	vst v1  }
0x27: {  	[tilespmem:$0x5F0] =	vst v1  }
0x28: {  	[spmem:s2] =	stream.indirect.scatter.add.bf16 [tilespmem:s14], [sflag:$0x4], $0x20, s13, s12, $0xb8;
	[tilespmem:$0x10A20] =	vst v63  }
0x29: {  	_ = 	snop  }
0x2a: {  	[spmem:s2] =	stream.indirect.scatter.add.bf16 [tilespmem:s16], [sflag:$0x4], $0x20, s15, s12, $0xb8;
	[tilespmem:$0x10A20] =	vst v63  }
0x2b: {  	_ = 	snop  }
0x2c: {  	[tilespmem:s3], [sflag:$0x5] =	stream.linear.gather [hbm4b:s7+s3], $0x200, $0x38;
	[tilespmem:$0x10A20] =	vst v63  }
0x2d: {  	_ =	swait.ge [sflag:s11], $0x200  }
0x2e: {  	[sflag:s11] =	ssyncset.done $0x0  }
0x2f: {  	[sflag:s11] =	ssyncadd.s32 $0xFFFFFE00  }
0x30: {  	v2 =	vld [tilespmem:$0x80]  }
0x31: {  	v3 =	vld [tilespmem:$0x90]  }
0x32: {  	v4 =	vld [tilespmem:$0xA0]  }
0x33: {  	v5 =	vld [tilespmem:$0xB0]  }
0x34: {  	v6 =	vld [tilespmem:$0xC0]  }
0x35: {  	v7 =	vld [tilespmem:$0xD0];
	v2 =	vsub.s32 v2, v0  }
0x36: {  	v8 =	vld [tilespmem:$0xE0];
	v3 =	vsub.s32 v3, v0;
	v2 =	vmin.u32 v2, $0x6200  }
0x37: {  	v38 =	vld [tilespmem:$0xF0];
	[tilespmem:$0x400] =	vst v2;
	v2 =	vmin.u32 v3, $0x6200;
	v3 =	vsub.s32 v4, v0  }
0x38: {  	v39 =	vld [tilespmem:$0x180];
	[tilespmem:$0x410] =	vst v2;
	v2 =	vmin.u32 v3, $0x6200;
	v3 =	vsub.s32 v5, v0  }
0x39: {  	v40 =	vld [tilespmem:$0x190];
	[tilespmem:$0x420] =	vst v2;
	v2 =	vmin.u32 v3, $0x6200;
	v3 =	vsub.s32 v6, v0  }
0x3a: {  	v41 =	vld [tilespmem:$0x1A0];
	[tilespmem:$0x430] =	vst v2;
	v2 =	vmin.u32 v3, $0x6200;
	v3 =	vsub.s32 v7, v0  }
0x3b: {  	v42 =	vld [tilespmem:$0x1B0];
	[tilespmem:$0x440] =	vst v2;
	v2 =	vmin.u32 v3, $0x6200;
	v3 =	vsub.s32 v8, v0  }
0x3c: {  	v43 =	vld [tilespmem:$0x1C0];
	[tilespmem:$0x450] =	vst v2;
	v2 =	vmin.u32 v3, $0x6200;
	v3 =	vsub.s32 v38, v0  }
0x3d: {  	v44 =	vld [tilespmem:$0x1D0];
	[tilespmem:$0x460] =	vst v2;
	v2 =	vmin.u32 v3, $0x6200;
	v3 =	vsub.s32 v39, v0  }
0x3e: {  	v45 =	vld [tilespmem:$0x1E0];
	[tilespmem:$0x470] =	vst v2;
	v2 =	vmin.u32 v3, $0x6200;
	v3 =	vsub.s32 v40, v0  }
0x3f: {  	v46 =	vld [tilespmem:$0x1F0];
	[tilespmem:$0x480] =	vst v2;
	v2 =	vmin.u32 v3, $0x6200;
	v3 =	vsub.s32 v41, v0  }
0x40: {  	[tilespmem:$0x490] =	vst v2;
	v2 =	vmin.u32 v3, $0x6200;
	v3 =	vsub.s32 v42, v0  }
0x41: {  	[tilespmem:$0x4A0] =	vst v2;
	v2 =	vmin.u32 v3, $0x6200;
	v3 =	vsub.s32 v43, v0  }
0x42: {  	[tilespmem:$0x4B0] =	vst v2;
	v2 =	vmin.u32 v3, $0x6200;
	v3 =	vsub.s32 v44, v0  }
0x43: {  	[tilespmem:$0x4C0] =	vst v2;
	v2 =	vmin.u32 v3, $0x6200;
	v3 =	vsub.s32 v45, v0  }
0x44: {  	[tilespmem:$0x4D0] =	vst v2;
	v2 =	vmin.u32 v3, $0x6200;
	v3 =	vsub.s32 v46, v0  }
0x45: {  	[tilespmem:$0x4E0] =	vst v2;
	v2 =	vmin.u32 v3, $0x6200  }
0x46: {  	[tilespmem:$0x4F0] =	vst v2  }
0x47: {  	[tilespmem:s17], [sflag:$0x1] =	stream.indirect.gather [hbm4b:s4+s12], $0x20, s3, s12, $0xb8;
	[tilespmem:$0x10A20] =	vst v63  }
0x48: {  	_ = 	snop  }
0x49: {  	[tilespmem:s19], [sflag:$0x1] =	stream.indirect.gather [hbm4b:s4+s12], $0x20, s18, s12, $0xb8;
	[tilespmem:$0x10A20] =	vst v63  }
0x4a: {  	_ =	swait.ge [sflag:s20], $0x1000  }
0x4b: {  	[sflag:s20] =	ssyncset.done $0x0  }
0x4c: {  	[sflag:s20] =	ssyncadd.s32 $0xFFFFF000  }
0x4d: {  	_ =	swait.ge [sflag:s20], $0x1000  }
0x4e: {  	s1 =	sadd.s32 $0xFFFFCF00, s7;
	[sflag:s20] =	ssyncset.done $0x0  }
0x4f: {  	s31 =	sadd.s32 $0x3140, s1;
	[sflag:s20] =	ssyncadd.s32 $0xFFFFF000  }
0x50: {  	[tilespmem:s21], [sflag:$0x5] =	stream.linear.gather [hbm4b:s31+s3], $0x200, $0x38;
	[tilespmem:$0x10A20] =	vst v63  }
0x51: {  	_ =	swait.ge [sflag:s11], $0x200  }
0x52: {  	[sflag:s11] =	ssyncset.done $0x0  }
0x53: {  	[sflag:s11] =	ssyncadd.s32 $0xFFFFFE00  }
0x54: {  	v2 =	vld [tilespmem:$0x3D0]  }
0x55: {  	v3 =	vld [tilespmem:$0x390]  }
0x56: {  	v9 =	vld [tilespmem:$0x2D0]  }
0x57: {  	v47 =	vld [tilespmem:$0x380]  }
0x58: {  	v48 =	vld [tilespmem:$0x3E0]  }
0x59: {  	v49 =	vld [tilespmem:$0x2E0];
	v2 =	vsub.s32 v2, v0  }
0x5a: {  	v50 =	vld [tilespmem:$0x280];
	v3 =	vsub.s32 v3, v0;
	v2 =	vmin.u32 v2, $0x6200  }
0x5b: {  	v51 =	vld [tilespmem:$0x2F0];
	v56 =	vsub.s32 v9, v0;
	v3 =	vmin.u32 v3, $0x6200;
	[tilespmem:$0x5D0] =	vst v2  }
0x5c: {  	v52 =	vld [tilespmem:$0x2B0];
	v8 =	vmin.u32 v56, $0x6200;
	v2 =	vsub.s32 v47, v0;
	[tilespmem:$0x590] =	vst v3  }
0x5d: {  	v53 =	vld [tilespmem:$0x3C0];
	v3 =	vsub.s32 v48, v0;
	[tilespmem:$0x550] =	vst v8;
	v2 =	vmin.u32 v2, $0x6200  }
0x5e: {  	v55 =	vld [tilespmem:$0x3F0];
	[tilespmem:$0x580] =	vst v2;
	v2 =	vmin.u32 v3, $0x6200;
	v3 =	vsub.s32 v49, v0  }
0x5f: {  	v57 =	vld [tilespmem:$0x2A0];
	[tilespmem:$0x5E0] =	vst v2;
	v2 =	vsub.s32 v50, v0;
	v3 =	vmin.u32 v3, $0x6200  }
0x60: {  	v54 =	vld [tilespmem:$0x3A0];
	v2 =	vmin.u32 v2, $0x6200;
	[tilespmem:$0x560] =	vst v3;
	v3 =	vsub.s32 v51, v0  }
0x61: {  	v4 =	vsub.s32 v52, v0;
	[tilespmem:$0x500] =	vst v2;
	v2 =	vmin.u32 v3, $0x6200;
	v3 =	vld [tilespmem:$0x3B0]  }
0x62: {  	v5 =	vsub.s32 v53, v0;
	v4 =	vmin.u32 v4, $0x6200;
	[tilespmem:$0x570] =	vst v2;
	v2 =	vld [tilespmem:$0x2C0]  }
0x63: {  	v58 =	vld [tilespmem:$0x290];
	v60 =	vsub.s32 v55, v0;
	v5 =	vmin.u32 v5, $0x6200;
	[tilespmem:$0x530] =	vst v4  }
0x64: {  	v62 =	vsub.s32 v57, v0;
	v61 =	vmin.u32 v60, $0x6200;
	[tilespmem:$0x5C0] =	vst v5  }
0x65: {  	v59 =	vsub.s32 v54, v0;
	v63 =	vmin.u32 v62, $0x6200;
	[tilespmem:$0x5F0] =	vst v61  }
0x66: {  	v4 =	vmin.u32 v59, $0x6200;
	[tilespmem:$0x520] =	vst v63;
	v3 =	vsub.s32 v3, v0  }
0x67: {  	[tilespmem:$0x5A0] =	vst v4;
	v3 =	vmin.u32 v3, $0x6200;
	v2 =	vsub.s32 v2, v0  }
0x68: {  	[tilespmem:$0x5B0] =	vst v3;
	v3 =	vsub.s32 v58, v0;
	v2 =	vmin.u32 v2, $0x6200  }
0x69: {  	v3 =	vmin.u32 v3, $0x6200;
	[tilespmem:$0x540] =	vst v2  }
0x6a: {  	[tilespmem:$0x510] =	vst v3  }
0x6b: {  	_ =	swait.ge [sflag:s22], $0x1000  }
0x6c: {  	[sflag:s22] =	ssyncset.done $0x0  }
0x6d: {  	[sflag:s22] =	ssyncadd.s32 $0xFFFFF000  }
0x6e: {  	_ =	swait.ge [sflag:s22], $0x1000  }
0x6f: {  	[sflag:s22] =	ssyncset.done $0x0  }
0x70: {  	[sflag:s22] =	ssyncadd.s32 $0xFFFFF000  }
0x71: {  	[tilespmem:s14], [sflag:$0x2] =	stream.indirect.gather [hbm4b:s4+s12], $0x20, s21, s12, $0xb8;
	[tilespmem:$0x10A20] =	vst v63  }
0x72: {  	_ = 	snop  }
0x73: {  	[tilespmem:s16], [sflag:$0x2] =	stream.indirect.gather [hbm4b:s4+s12], $0x20, s23, s12, $0xb8;
	[tilespmem:$0x10A20] =	vst v63  }
0x74: {  	_ = 	snop  }
0x75: {  	[spmem:s2] =	stream.indirect.scatter.add.bf16 [tilespmem:s17], [sflag:$0x3], $0x20, s25, s12, $0xb8;
	[tilespmem:$0x10A20] =	vst v63  }
0x76: {  	_ = 	snop  }
0x77: {  	[spmem:s2] =	stream.indirect.scatter.add.bf16 [tilespmem:s19], [sflag:$0x3], $0x20, s26, s12, $0xb8;
	[tilespmem:$0x10A20] =	vst v63  }
0x78: {  	_ =	swait.ge [sflag:s28], $0x1000  }
0x79: {  	[sflag:s28] =	ssyncset.done $0x0  }
0x7a: {  	[sflag:s28] =	ssyncadd.s32 $0xFFFFF000  }
0x7b: {  	_ =	swait.ge [sflag:s28], $0x1000  }
0x7c: {  	[sflag:s28] =	ssyncset.done $0x0  }
0x7d: {  	s1 =	sadd.s32 $0x3180, s1;
	[sflag:s28] =	ssyncadd.s32 $0xFFFFF000  }
0x7e: {  	[tilespmem:s3], [sflag:$0x5] =	stream.linear.gather [hbm4b:s1+s3], $0x200, $0x38;
	[tilespmem:$0x10A20] =	vst v63  }
0x7f: {  	_ =	swait.ge [sflag:s11], $0x200  }
0x80: {  	[sflag:s11] =	ssyncset.done $0x0  }
0x81: {  	s31 =	simm.s32 $0xFFFFCF80;
	[sflag:s11] =	ssyncadd.s32 $0xFFFFFE00  }
.LBB2_2:
0x82: {  	p0 =	sne.s32 s31, $0xFFFFFF80;
	s1 =	smov.u32 s31;
	s31 =	sadd.s32 $0x80, s31  }
0x83: {  	v2 =	vld [tilespmem:$0x1F0]  }
0x84: {  	v3 =	vld [tilespmem:$0x1E0]  }
0x85: {  	v4 =	vld [tilespmem:$0x1D0]  }
0x86: {  	v5 =	vld [tilespmem:$0x1C0]  }
0x87: {  	v6 =	vld [tilespmem:$0x1B0]  }
0x88: {  	v7 =	vld [tilespmem:$0x1A0];
	v2 =	vsub.s32 v2, v0  }
0x89: {  	v8 =	vld [tilespmem:$0x190];
	v3 =	vsub.s32 v3, v0;
	v2 =	vmin.u32 v2, $0x6200  }
0x8a: {  	v9 =	vld [tilespmem:$0x180];
	v4 =	vsub.s32 v4, v0;
	v3 =	vmin.u32 v3, $0x6200;
	[tilespmem:$0x4F0] =	vst v2  }
0x8b: {  	v2 =	vld [tilespmem:$0xF0];
	v5 =	vsub.s32 v5, v0;
	v4 =	vmin.u32 v4, $0x6200;
	[tilespmem:$0x4E0] =	vst v3  }
0x8c: {  	v3 =	vld [tilespmem:$0xE0];
	v6 =	vsub.s32 v6, v0;
	v5 =	vmin.u32 v5, $0x6200;
	[tilespmem:$0x4D0] =	vst v4  }
0x8d: {  	v4 =	vld [tilespmem:$0xD0];
	v7 =	vsub.s32 v7, v0;
	v6 =	vmin.u32 v6, $0x6200;
	[tilespmem:$0x4C0] =	vst v5  }
0x8e: {  	v5 =	vld [tilespmem:$0xC0];
	v8 =	vsub.s32 v8, v0;
	v7 =	vmin.u32 v7, $0x6200;
	[tilespmem:$0x4B0] =	vst v6  }
0x8f: {  	v6 =	vld [tilespmem:$0xB0];
	v9 =	vsub.s32 v9, v0;
	v8 =	vmin.u32 v8, $0x6200;
	[tilespmem:$0x4A0] =	vst v7  }
0x90: {  	v7 =	vld [tilespmem:$0xA0];
	v2 =	vsub.s32 v2, v0;
	v9 =	vmin.u32 v9, $0x6200;
	[tilespmem:$0x490] =	vst v8  }
0x91: {  	v8 =	vld [tilespmem:$0x90];
	v3 =	vsub.s32 v3, v0;
	v2 =	vmin.u32 v2, $0x6200;
	[tilespmem:$0x480] =	vst v9  }
0x92: {  	v9 =	vld [tilespmem:$0x80];
	v4 =	vsub.s32 v4, v0;
	v3 =	vmin.u32 v3, $0x6200;
	[tilespmem:$0x470] =	vst v2  }
0x93: {  	v2 =	vsub.s32 v5, v0;
	v4 =	vmin.u32 v4, $0x6200;
	[tilespmem:$0x460] =	vst v3  }
0x94: {  	v3 =	vsub.s32 v6, v0;
	v2 =	vmin.u32 v2, $0x6200;
	[tilespmem:$0x450] =	vst v4  }
0x95: {  	v4 =	vsub.s32 v7, v0;
	v3 =	vmin.u32 v3, $0x6200;
	[tilespmem:$0x440] =	vst v2  }
0x96: {  	v2 =	vsub.s32 v8, v0;
	v4 =	vmin.u32 v4, $0x6200;
	[tilespmem:$0x430] =	vst v3  }
0x97: {  	v3 =	vsub.s32 v9, v0;
	v2 =	vmin.u32 v2, $0x6200;
	[tilespmem:$0x420] =	vst v4  }
0x98: {  	v3 =	vmin.u32 v3, $0x6200;
	[tilespmem:$0x410] =	vst v2  }
0x99: {  	[tilespmem:$0x400] =	vst v3  }
0x9a: {  	_ =	swait.ge [sflag:s29], $0x1000  }
0x9b: {  	[sflag:s29] =	ssyncset.done $0x0  }
0x9c: {  	[sflag:s29] =	ssyncadd.s32 $0xFFFFF000  }
0x9d: {  	_ =	swait.ge [sflag:s29], $0x1000  }
0x9e: {  	[sflag:s29] =	ssyncset.done $0x0  }
0x9f: {  	[sflag:s29] =	ssyncadd.s32 $0xFFFFF000  }
0xa0: {  	[tilespmem:s17], [sflag:$0x1] =	stream.indirect.gather [hbm4b:s4+s12], $0x20, s3, s12, $0xb8;
	[tilespmem:$0x10A20] =	vst v63  }
0xa1: {  	_ = 	snop  }
0xa2: {  	[tilespmem:s19], [sflag:$0x1] =	stream.indirect.gather [hbm4b:s4+s12], $0x20, s18, s12, $0xb8;
	[tilespmem:$0x10A20] =	vst v63  }
0xa3: {  	_ = 	snop  }
0xa4: {  	[spmem:s2] =	stream.indirect.scatter.add.bf16 [tilespmem:s14], [sflag:$0x4], $0x20, s13, s12, $0xb8;
	[tilespmem:$0x10A20] =	vst v63  }
0xa5: {  	_ = 	snop  }
0xa6: {  	[spmem:s2] =	stream.indirect.scatter.add.bf16 [tilespmem:s16], [sflag:$0x4], $0x20, s15, s12, $0xb8;
	[tilespmem:$0x10A20] =	vst v63  }
0xa7: {  	_ =	swait.ge [sflag:s20], $0x1000  }
0xa8: {  	[sflag:s20] =	ssyncset.done $0x0  }
0xa9: {  	[sflag:s20] =	ssyncadd.s32 $0xFFFFF000  }
0xaa: {  	_ =	swait.ge [sflag:s20], $0x1000  }
0xab: {  	s1 =	sadd.s32 s1, s7;
	[sflag:s20] =	ssyncset.done $0x0  }
0xac: {  	s0 =	sadd.s32 $0x3140, s1;
	[sflag:s20] =	ssyncadd.s32 $0xFFFFF000  }
0xad: {  	[tilespmem:s21], [sflag:$0x5] =	stream.linear.gather [hbm4b:s0+s3], $0x200, $0x38;
	[tilespmem:$0x10A20] =	vst v63  }
0xae: {  	_ =	swait.ge [sflag:s11], $0x200  }
0xaf: {  	[sflag:s11] =	ssyncset.done $0x0  }
0xb0: {  	[sflag:s11] =	ssyncadd.s32 $0xFFFFFE00  }
0xb1: {  	v2 =	vld [tilespmem:$0x3D0]  }
0xb2: {  	v3 =	vld [tilespmem:$0x2F0]  }
0xb3: {  	v4 =	vld [tilespmem:$0x2E0]  }
0xb4: {  	v5 =	vld [tilespmem:$0x390]  }
0xb5: {  	v6 =	vld [tilespmem:$0x380]  }
0xb6: {  	v2 =	vsub.s32 v2, v0;
	v7 =	vld [tilespmem:$0x3E0]  }
0xb7: {  	v8 =	vld [tilespmem:$0x280]  }
0xb8: {  	v2 =	vmin.u32 v2, $0x6200;
	v9 =	vld [tilespmem:$0x2D0]  }
0xb9: {  	v10 =	vld [tilespmem:$0x2B0];
	v5 =	vsub.s32 v5, v0;
	[tilespmem:$0x5D0] =	vst v2  }
0xba: {  	v2 =	vsub.s32 v6, v0;
	v5 =	vmin.u32 v5, $0x6200;
	v6 =	vld [tilespmem:$0x3C0]  }
0xbb: {  	v11 =	vld [tilespmem:$0x2A0];
	v2 =	vmin.u32 v2, $0x6200;
	[tilespmem:$0x590] =	vst v5;
	v5 =	vsub.s32 v7, v0  }
0xbc: {  	v7 =	vld [tilespmem:$0x2C0];
	[tilespmem:$0x580] =	vst v2;
	v2 =	vmin.u32 v5, $0x6200  }
0xbd: {  	v4 =	vsub.s32 v4, v0;
	v5 =	vld [tilespmem:$0x290];
	v9 =	vsub.s32 v9, v0;
	[tilespmem:$0x5E0] =	vst v2  }
0xbe: {  	v4 =	vmin.u32 v4, $0x6200;
	v2 =	vsub.s32 v8, v0;
	v8 =	vsub.s32 v10, v0;
	v10 =	vld [tilespmem:$0x3A0]  }
0xbf: {  	v3 =	vsub.s32 v3, v0;
	v2 =	vmin.u32 v2, $0x6200;
	v8 =	vmin.u32 v8, $0x6200;
	[tilespmem:$0x560] =	vst v4;
	v4 =	vld [tilespmem:$0x3F0]  }
0xc0: {  	v3 =	vmin.u32 v3, $0x6200;
	v6 =	vsub.s32 v6, v0;
	[tilespmem:$0x500] =	vst v2;
	v2 =	vsub.s32 v11, v0;
	v11 =	vld [tilespmem:$0x3B0]  }
0xc1: {  	v9 =	vmin.u32 v9, $0x6200;
	v2 =	vmin.u32 v2, $0x6200;
	v7 =	vsub.s32 v7, v0;
	[tilespmem:$0x570] =	vst v3  }
0xc2: {  	v6 =	vmin.u32 v6, $0x6200;
	v3 =	vsub.s32 v5, v0;
	v5 =	vmin.u32 v7, $0x6200;
	[tilespmem:$0x550] =	vst v9  }
0xc3: {  	v3 =	vmin.u32 v3, $0x6200;
	[tilespmem:$0x530] =	vst v8;
	v7 =	vsub.s32 v10, v0  }
0xc4: {  	v7 =	vmin.u32 v7, $0x6200;
	[tilespmem:$0x5C0] =	vst v6;
	v4 =	vsub.s32 v4, v0  }
0xc5: {  	[tilespmem:$0x5A0] =	vst v7;
	v6 =	vsub.s32 v11, v0;
	v4 =	vmin.u32 v4, $0x6200  }
0xc6: {  	v6 =	vmin.u32 v6, $0x6200;
	[tilespmem:$0x5F0] =	vst v4  }
0xc7: {  	[tilespmem:$0x5B0] =	vst v6  }
0xc8: {  	[tilespmem:$0x520] =	vst v2  }
0xc9: {  	[tilespmem:$0x540] =	vst v5  }
0xca: {  	[tilespmem:$0x510] =	vst v3  }
0xcb: {  	_ =	swait.ge [sflag:s22], $0x1000  }
0xcc: {  	[sflag:s22] =	ssyncset.done $0x0  }
0xcd: {  	[sflag:s22] =	ssyncadd.s32 $0xFFFFF000  }
0xce: {  	_ =	swait.ge [sflag:s22], $0x1000  }
0xcf: {  	[sflag:s22] =	ssyncset.done $0x0  }
0xd0: {  	[sflag:s22] =	ssyncadd.s32 $0xFFFFF000  }
0xd1: {  	[tilespmem:s14], [sflag:$0x2] =	stream.indirect.gather [hbm4b:s4+s12], $0x20, s21, s12, $0xb8;
	[tilespmem:$0x10A20] =	vst v63  }
0xd2: {  	_ = 	snop  }
0xd3: {  	[tilespmem:s16], [sflag:$0x2] =	stream.indirect.gather [hbm4b:s4+s12], $0x20, s23, s12, $0xb8;
	[tilespmem:$0x10A20] =	vst v63  }
0xd4: {  	_ = 	snop  }
0xd5: {  	[spmem:s2] =	stream.indirect.scatter.add.bf16 [tilespmem:s17], [sflag:$0x3], $0x20, s25, s12, $0xb8;
	[tilespmem:$0x10A20] =	vst v63  }
0xd6: {  	_ = 	snop  }
0xd7: {  	[spmem:s2] =	stream.indirect.scatter.add.bf16 [tilespmem:s19], [sflag:$0x3], $0x20, s26, s12, $0xb8;
	[tilespmem:$0x10A20] =	vst v63  }
0xd8: {  	_ =	swait.ge [sflag:s28], $0x1000  }
0xd9: {  	[sflag:s28] =	ssyncset.done $0x0  }
0xda: {  	[sflag:s28] =	ssyncadd.s32 $0xFFFFF000  }
0xdb: {  	_ =	swait.ge [sflag:s28], $0x1000  }
0xdc: {  	[sflag:s28] =	ssyncset.done $0x0  }
.Ltmp0:
0xdd: {  	s0 =	sadd.s32 $0x3180, s1;
	[sflag:s28] =	ssyncadd.s32 $0xFFFFF000;
	(pc) =	sbr.rel @p0 .LBB2_2-.Ltmp0, $4  }
0xde: {  	[tilespmem:s3], [sflag:$0x5] =	stream.linear.gather [hbm4b:s0+s3], $0x200, $0x38;
	[tilespmem:$0x10A20] =	vst v63  }
0xdf: {  	_ =	swait.ge [sflag:s11], $0x200  }
0xe0: {  	[sflag:s11] =	ssyncset.done $0x0  }
0xe1: {  	[sflag:s11] =	ssyncadd.s32 $0xFFFFFE00  }
0xe2: {  	v2 =	vld [tilespmem:$0x1F0]  }
0xe3: {  	v3 =	vld [tilespmem:$0x1E0]  }
0xe4: {  	v4 =	vld [tilespmem:$0x1D0]  }
0xe5: {  	v5 =	vld [tilespmem:$0x1C0]  }
0xe6: {  	v6 =	vld [tilespmem:$0x1B0]  }
0xe7: {  	v7 =	vld [tilespmem:$0x1A0];
	v2 =	vsub.s32 v2, v0  }
0xe8: {  	v8 =	vld [tilespmem:$0x190];
	v3 =	vsub.s32 v3, v0;
	v2 =	vmin.u32 v2, $0x6200  }
0xe9: {  	v9 =	vld [tilespmem:$0x180];
	v4 =	vsub.s32 v4, v0;
	v3 =	vmin.u32 v3, $0x6200;
	[tilespmem:$0x4F0] =	vst v2  }
0xea: {  	v57 =	vld [tilespmem:$0xD0];
	v5 =	vsub.s32 v5, v0;
	v4 =	vmin.u32 v4, $0x6200;
	[tilespmem:$0x4E0] =	vst v3  }
0xeb: {  	v60 =	vld [tilespmem:$0xA0];
	v6 =	vsub.s32 v6, v0;
	v5 =	vmin.u32 v5, $0x6200;
	[tilespmem:$0x4D0] =	vst v4  }
0xec: {  	v7 =	vsub.s32 v7, v0;
	v6 =	vmin.u32 v6, $0x6200;
	v2 =	vld [tilespmem:$0xF0];
	[tilespmem:$0x4C0] =	vst v5  }
0xed: {  	v8 =	vsub.s32 v8, v0;
	v7 =	vmin.u32 v7, $0x6200;
	v3 =	vld [tilespmem:$0xE0];
	[tilespmem:$0x4B0] =	vst v6  }
0xee: {  	v58 =	vld [tilespmem:$0xC0];
	v9 =	vsub.s32 v9, v0;
	v8 =	vmin.u32 v8, $0x6200;
	[tilespmem:$0x4A0] =	vst v7  }
0xef: {  	v59 =	vld [tilespmem:$0xB0];
	v9 =	vmin.u32 v9, $0x6200;
	[tilespmem:$0x490] =	vst v8;
	v4 =	vsub.s32 v57, v0  }
0xf0: {  	v61 =	vld [tilespmem:$0x90];
	v63 =	vsub.s32 v60, v0;
	[tilespmem:$0x480] =	vst v9;
	v4 =	vmin.u32 v4, $0x6200  }
0xf1: {  	v62 =	vld [tilespmem:$0x80];
	[tilespmem:$0x450] =	vst v4;
	v4 =	vmin.u32 v63, $0x6200;
	v2 =	vsub.s32 v2, v0  }
0xf2: {  	[tilespmem:$0x420] =	vst v4;
	v3 =	vsub.s32 v3, v0;
	v2 =	vmin.u32 v2, $0x6200  }
0xf3: {  	v3 =	vmin.u32 v3, $0x6200;
	[tilespmem:$0x470] =	vst v2;
	v2 =	vsub.s32 v58, v0  }
0xf4: {  	[tilespmem:$0x460] =	vst v3;
	v3 =	vsub.s32 v59, v0;
	v2 =	vmin.u32 v2, $0x6200  }
0xf5: {  	v3 =	vmin.u32 v3, $0x6200;
	[tilespmem:$0x440] =	vst v2;
	v2 =	vsub.s32 v61, v0  }
0xf6: {  	[tilespmem:$0x430] =	vst v3;
	v3 =	vsub.s32 v62, v0;
	v2 =	vmin.u32 v2, $0x6200  }
0xf7: {  	v3 =	vmin.u32 v3, $0x6200;
	[tilespmem:$0x410] =	vst v2  }
0xf8: {  	[tilespmem:$0x400] =	vst v3  }
0xf9: {  	_ =	swait.ge [sflag:s29], $0x1000  }
0xfa: {  	[sflag:s29] =	ssyncset.done $0x0  }
0xfb: {  	[sflag:s29] =	ssyncadd.s32 $0xFFFFF000  }
0xfc: {  	_ =	swait.ge [sflag:s29], $0x1000  }
0xfd: {  	[sflag:s29] =	ssyncset.done $0x0  }
0xfe: {  	[sflag:s29] =	ssyncadd.s32 $0xFFFFF000  }
0xff: {  	[tilespmem:s17], [sflag:$0x1] =	stream.indirect.gather [hbm4b:s4+s12], $0x20, s3, s12, $0xb8;
	[tilespmem:$0x10A20] =	vst v63  }
0x100: {  	_ = 	snop  }
0x101: {  	[tilespmem:s19], [sflag:$0x1] =	stream.indirect.gather [hbm4b:s4+s12], $0x20, s18, s12, $0xb8;
	[tilespmem:$0x10A20] =	vst v63  }
0x102: {  	_ = 	snop  }
0x103: {  	[spmem:s2] =	stream.indirect.scatter.add.bf16 [tilespmem:s14], [sflag:$0x4], $0x20, s13, s12, $0xb8;
	[tilespmem:$0x10A20] =	vst v63  }
0x104: {  	_ = 	snop  }
0x105: {  	[spmem:s2] =	stream.indirect.scatter.add.bf16 [tilespmem:s16], [sflag:$0x4], $0x20, s15, s12, $0xb8;
	[tilespmem:$0x10A20] =	vst v63  }
0x106: {  	_ =	swait.ge [sflag:s20], $0x1000  }
0x107: {  	[sflag:s20] =	ssyncset.done $0x0  }
0x108: {  	[sflag:s20] =	ssyncadd.s32 $0xFFFFF000  }
0x109: {  	_ =	swait.ge [sflag:s20], $0x1000  }
0x10a: {  	[sflag:s20] =	ssyncset.done $0x0  }
0x10b: {  	[sflag:s20] =	ssyncadd.s32 $0xFFFFF000  }
0x10c: {  	_ =	swait.ge [sflag:s22], $0x1000  }
0x10d: {  	[sflag:s22] =	ssyncset.done $0x0  }
0x10e: {  	[sflag:s22] =	ssyncadd.s32 $0xFFFFF000  }
0x10f: {  	_ =	swait.ge [sflag:s22], $0x1000  }
0x110: {  	s30 =	sadd.s32 $0x1, s30;
	[sflag:s22] =	ssyncset.done $0x0  }
0x111: {  	p0 =	sne.s32 s30, s9;
	[sflag:s22] =	ssyncadd.s32 $0xFFFFF000  }
.Ltmp1:
0x112: {  	[bflag:$0x0] =	sbarrier.arrive $0xFFFF;
	(pc) =	sbr.rel @p0 .LBB2_1-.Ltmp1, $4  }
0x113: {  	[hbm:s8], [sflag:s6] =	dma.local [spmem:s24], $0x1880  }
0x114: {  	_ =	swait.ge [sflag:s11], $0x1880  }
0x115: {  	[sflag:s11] =	ssyncset.done $0x0  }
0x116: {  	[sflag:s11] =	ssyncadd.s32 $0xFFFFE780  }
0x117: {  	_ =	sfence.sel $0x180000  }
0x118: {  	[bflag:$0x0] =	sbarrier.arrive $0xFFFF  }
0x119: {  	_ =	strace $0x9000004A  }
0x11a: {  	s0 =	stileid.u32;
	[bflag:$0x2] =	sbarrier.arrive $0xFFFF  }
0x11b: {  	p0 =	sne.s32 s0, $0x0;
	s0 =	rddreg [dreg:$0x2]  }
0x11c: {  	s0 =	sadd.s32 @!p0 $0x100000, s0  }
0x11d: {  	[sflag:s0] =	ssyncadd.tile.s32 @!p0 $0x1;
	_ =	shalt  }
.Lfunc_end2:
_tile_overlayer_lowered:
.L_overlay_start_2:
0x11e: {  	(tag) =	ssettag $0x2  }
0x11f: {  	s0 =	rddreg [dreg:$0x0];
	s2 =	stileid.u32  }
0x120: {  	s1 =	rddreg [dreg:$0x1];
	p0 =	sne.s32 s2, $0x0  }
0x121: {  	s3 =	rddreg [dreg:$0x2];
	[bflag:$0x3] =	sbarrier.arrive $0xFFFF;
	s2 =	simm.s32 @!p0 $0x1C05  }
0x122: {  	[timem:s3], [sflag:s2] =	dma.local @!p0 [hbm:s0], s1  }
0x123: {  	s0 =	simm.s32 @!p0 $0x5  }
0x124: {  	_ =	swait.ge @!p0 [sflag:s0], s1  }
0x125: {  	s1 =	ssub.s32 @!p0 $0x0, s1;
	[sflag:s0] =	ssyncset.done @!p0 $0x0  }
0x126: {  	[sflag:s0] =	ssyncadd.s32 @!p0 s1  }
0x127: {  	[bflag:$0x3] =	sbarrier.arrive $0xFFFF  }
0x128: {  	_ =	shalt  }

// kernel: _impl.7.cloned.1.call-start
scs
__scs_entry_jumppad:
0x0: {  	(pc) =	sbr.rel $0x88, $3  }
0x1: {  	(tag) =	ssettag $0x0;
	lr =	simm.s32 $0x1  }
0x2: {  	[smem:$0x3F8C] =	sst lr;
	_ =	strace $0xD0000000  }
0x3: {  	_ = 	snop  }
0x4: {  	_ = 	snop  }
0x5: {  	_ = 	snop  }
0x6: {  	_ = 	snop  }
0x7: {  	_ = 	snop  }
__scs_overlays_trampoline_lowered:
0x8: {  	[smem:$0x3F9B] =	sst s0  }
0x9: {  	[smem:$0x3F9C] =	sst s1  }
0xa: {  	[smem:$0x3F9D] =	sst s2  }
0xb: {  	[smem:$0x3F9E] =	sst s3  }
0xc: {  	[smem:$0x3F9F] =	sst s4  }
0xd: {  	[smem:$0x3FA0] =	sst s5  }
0xe: {  	[smem:$0x3FA1] =	sst s6  }
0xf: {  	[smem:$0x3FA2] =	sst s7  }
0x10: {  	[smem:$0x3FA3] =	sst s8  }
0x11: {  	[smem:$0x3FA4] =	sst s9;
	s0 =	simm.s32 @!p0 $0x0  }
0x12: {  	s1 =	sld [smem:$0x3F8A];
	s0 =	simm.s32 @p0 $0x1  }
0x13: {  	[smem:$0x3FA5] =	sst s0;
	s0 =	simm.s32 @!p1 $0x0  }
0x14: {  	s2 =	sld [smem:$0x3F89];
	s0 =	simm.s32 @p1 $0x1  }
0x15: {  	[smem:$0x3FA6] =	sst s0;
	s0 =	simm.s32 @!p2 $0x0  }
0x16: {  	s3 =	sld [smem:$0x3FDB];
	s0 =	simm.s32 @p2 $0x1  }
0x17: {  	s4 =	simm.s32 $0x1BF5;
	[smem:$0x3FA8] =	sst s0  }
0x18: {  	s0 =	sld [smem:$0x3F8B];
	_ =	swait.ge [sflag:s4], $0x0  }
0x19: {  	s7 =	sld [smem:$0x3F8C]  }
0x1a: {  	s8 =	sadd.s32 $0xFFFFE003, lr  }
0x1b: {  	s9 =	sadd.s32 $0xFFFFFEF7, lr;
	s5 =	simm.s32 $0xFFFFFFFF;
	p2 =	slt.u32 s8, $0xFFFFF086  }
0x1c: {  	p1 =	slt.u32 s9, $0xF7A;
	s5 =	simm.s32 @!p2 $0x0  }
0x1d: {  	s5 =	simm.s32 @p1 $0x1;
	p0 =	seq.s32 s7, s2  }
0x1e: {  	s7 =	smul.u32 @!p0 $0xF7A, s2;
	p2 =	seq.s32 @!p0 s5, $0x0  }
0x1f: {  	s9 =	smul.u32 $0xF7A, s1;
	s8 =	simm.s32 @!p0 $0x1BF5;
	p2 =	por !p2, p0  }
0x20: {  	[sflag:s8] =	ssyncset.s32 @!p0 $0xFFFFF086;
	s6 =	sadd.s32 @!p0 s3, s7;
	s7 =	simm.s32 @!p0 $0x108  }
0x21: {  	s3 =	sadd.s32 s3, s9;
	s6 =	sadd.s32 @!p0 $0x88, s6;
	s7 =	simm.s32 @p2 $0x1082  }
0x22: {  	[simem:s7], [sflag:s8] =	dma.local @!p0 [hbm:s6], $0xF7A  }
0x23: {  	s9 =	sor.u32 $0xD0000000, s2;
	s6 =	simm.s32 $0x108;
	_ =	swait.ge @!p0 [sflag:s8], $0x0  }
0x24: {  	s3 =	sadd.s32 $0x88, s3;
	s6 =	simm.s32 @!p1 $0x1082;
	[sflag:s4] =	ssyncset.s32 $0xFFFFF086  }
0x25: {  	[simem:s6], [sflag:s4] =	dma.local [hbm:s3], $0xF7A  }
0x26: {  	[smem:$0x3F8C] =	sst s1;
	(tag) =	ssettag s2;
	_ =	strace s9  }
0x27: {  	s1 =	sld [smem:$0x3F9C]  }
0x28: {  	s2 =	sld [smem:$0x3F9D]  }
0x29: {  	s4 =	sld [smem:$0x3F9F]  }
0x2a: {  	p0 =	seq.s32 s5, $0x0;
	s5 =	sld [smem:$0x3FA0]  }
0x2b: {  	s6 =	sld [smem:$0x3FA1]  }
0x2c: {  	s7 =	sld [smem:$0x3FA2]  }
0x2d: {  	s3 =	simm.s32 $0x108;
	s8 =	sld [smem:$0x3FA3]  }
0x2e: {  	s3 =	simm.s32 @!p0 $0x1082;
	s9 =	sld [smem:$0x3FA4]  }
0x2f: {  	lr =	sadd.s32 s0, s3;
	s0 =	sld [smem:$0x3F9B]  }
0x30: {  	s3 =	sld [smem:$0x3F9E]  }
0x31: {  	[smem:$0x3FA7] =	sst s10  }
0x32: {  	s10 =	sld [smem:$0x3FA5];
	_ =	sdelay $0x3  }
0x33: {  	p0 =	seq.s32 s10, $0x1;
	s10 =	sld [smem:$0x3FA7];
	_ =	sdelay $0x3  }
0x34: {  	[smem:$0x3FA7] =	sst s10  }
0x35: {  	s10 =	sld [smem:$0x3FA6];
	_ =	sdelay $0x3  }
0x36: {  	p1 =	seq.s32 s10, $0x1;
	s10 =	sld [smem:$0x3FA7];
	_ =	sdelay $0x3  }
0x37: {  	[smem:$0x3FA7] =	sst s10  }
0x38: {  	s10 =	sld [smem:$0x3FA8]  }
0x39: {  	_ = 	snop;
	(pc) =	sbr.ind lr, $3  }
0x3a: {  	_ = 	snop  }
0x3b: {  	_ = 	snop  }
0x3c: {  	p2 =	seq.s32 s10, $0x1;
	s10 =	sld [smem:$0x3FA7]  }
0x3d: {  	_ =	shalt  }
0x3e: {  	_ =	shalt  }
0x3f: {  	_ =	shalt  }
0x40: {  	_ =	shalt  }
0x41: {  	_ =	shalt  }
0x42: {  	_ =	shalt  }
0x43: {  	_ =	shalt  }
0x44: {  	_ =	shalt  }
0x45: {  	_ =	shalt  }
0x46: {  	_ =	shalt  }
0x47: {  	_ =	shalt  }
0x48: {  	_ =	shalt  }
0x49: {  	_ =	shalt  }
0x4a: {  	_ =	shalt  }
0x4b: {  	_ =	shalt  }
0x4c: {  	_ =	shalt  }
0x4d: {  	_ =	shalt  }
0x4e: {  	_ =	shalt  }
0x4f: {  	_ =	shalt  }
0x50: {  	_ =	shalt  }
0x51: {  	_ =	shalt  }
0x52: {  	_ =	shalt  }
0x53: {  	_ =	shalt  }
0x54: {  	_ =	shalt  }
0x55: {  	_ =	shalt  }
0x56: {  	_ =	shalt  }
0x57: {  	_ =	shalt  }
0x58: {  	_ =	shalt  }
0x59: {  	_ =	shalt  }
0x5a: {  	_ =	shalt  }
0x5b: {  	_ =	shalt  }
0x5c: {  	_ =	shalt  }
0x5d: {  	_ =	shalt  }
0x5e: {  	_ =	shalt  }
0x5f: {  	_ =	shalt  }
0x60: {  	_ =	shalt  }
0x61: {  	_ =	shalt  }
0x62: {  	_ =	shalt  }
0x63: {  	_ =	shalt  }
0x64: {  	_ =	shalt  }
0x65: {  	_ =	shalt  }
0x66: {  	_ =	shalt  }
0x67: {  	_ =	shalt  }
0x68: {  	_ =	shalt  }
0x69: {  	_ =	shalt  }
0x6a: {  	_ =	shalt  }
0x6b: {  	_ =	shalt  }
0x6c: {  	_ =	shalt  }
0x6d: {  	_ =	shalt  }
0x6e: {  	_ =	shalt  }
0x6f: {  	_ =	shalt  }
0x70: {  	_ =	shalt  }
0x71: {  	_ =	shalt  }
0x72: {  	_ =	shalt  }
0x73: {  	_ =	shalt  }
0x74: {  	_ =	shalt  }
0x75: {  	_ =	shalt  }
0x76: {  	_ =	shalt  }
0x77: {  	_ =	shalt  }
0x78: {  	_ =	shalt  }
0x79: {  	_ =	shalt  }
0x7a: {  	_ =	shalt  }
0x7b: {  	_ =	shalt  }
0x7c: {  	_ =	shalt  }
0x7d: {  	_ =	shalt  }
0x7e: {  	_ =	shalt  }
0x7f: {  	_ =	shalt  }
0x80: {  	_ =	shalt  }
0x81: {  	_ =	shalt  }
0x82: {  	_ =	shalt  }
0x83: {  	_ =	shalt  }
0x84: {  	_ =	shalt  }
0x85: {  	_ =	shalt  }
0x86: {  	_ =	shalt  }
0x87: {  	_ =	shalt  }
.Lfunc_end0:
.L_simem_size_0:
called_computation_lowered:
.L_overlay_start_0:
0x88: {  	s2 =	sld [smem:$0x3FD9]  }
0x89: {  	s3 =	sld [smem:$0x3FFE];
	_ =	sdelay $0x1  }
0x8a: {  	s1 =	srdreg.scid  }
0x8b: {  	s0 =	sand.u32 $0x1, s1  }
0x8c: {  	s16 =	sshll.u32 s0, $0xA;
	s2 =	sadd.s32 s3, s2  }
0x8d: {  	s2 =	sadd.s32 s2, s16  }
0x8e: {  	[smem:$0x3FB3] =	sst s2  }
0x8f: {  	_ = 	snop  }
0x90: {  	(tm) =	ssettm $0x1  }
0x91: {  	s17 =	sld [smem:$0x3FFB];
	_ =	sdelay $0x3  }
0x92: {  	_ =	strace s17  }
0x93: {  	s2 =	sld [smem:$0x3FFC];
	_ =	sdelay $0x3  }
0x94: {  	_ =	strace s2  }
0x95: {  	s2 =	sld [smem:$0x3FFD];
	_ =	sdelay $0x3  }
0x96: {  	_ =	strace s2  }
0x97: {  	_ =	strace $0x8FFFFFFF  }
0x98: {  	s18 =	sld [smem:$0x3FDB];
	_ =	sdelay $0x1  }
0x99: {  	s19 =	simm.s32 $_scs_section_size  }
0x9a: {  	s4 =	simm.s32 $_size__tile_overlayer_lowered;
	s5 =	simm.s32 $_tile_overlayer_lowered  }
0x9b: {  	s22 =	simm.s32 $0x1BFF;
	s21 =	sshll.u32 s5, $0x1;
	s2 =	sadd.s32 s19, s18  }
0x9c: {  	s6 =	simm.s32 $0x0;
	s20 =	sshll.u32 s4, $0x1;
	s4 =	sadd.s32 s21, s2  }
0x9d: {  	[timem:s6], [sflag:s22] =	dma.local [hbm:s4], s20  }
0x9e: {  	_ =	swait.ge [sflag:s22], s20  }
0x9f: {  	s3 =	ssub.s32 $0x0, s20;
	[sflag:s22] =	ssyncset.done $0x0  }
0xa0: {  	[sflag:s22] =	ssyncadd.s32 s3;
	_ =	sdelay $0x1  }
0xa1: {  	s23 =	simm.s32 $0x1B8B  }
0xa2: {  	_ =	swait.ge [sflag:s23], $0x1  }
0xa3: {  	[sflag:s23] =	ssyncset.done $0x0  }
0xa4: {  	s25 =	simm.s32 $0x1B8E;
	s24 =	sld [smem:$0x3FFE];
	[sflag:s23] =	ssyncadd.s32 $0xFFFFFFFF  }
0xa5: {  	s26 =	simm.s32 $execute0_lowered;
	[smem:$0x3FD2] =	sst s25  }
0xa6: {  	s4 =	sshll.u32 s26, $0x1;
	_ =	strace $0x80000046;
	[dreg:$0x1] =	wrdreg $0xFFFFFFFF  }
0xa7: {  	s28 =	simm.s32 $_size_execute0_lowered;
	s2 =	sadd.s32 s2, s4;
	[dreg:$0x0] =	wrdreg $0x0  }
0xa8: {  	s4 =	sshll.u32 s28, $0x1;
	[dreg:$0x2] =	wrdreg s2  }
0xa9: {  	[dreg:$0x3] =	wrdreg s4  }
0xaa: {  	[dreg:$0x4] =	wrdreg $0xC0  }
0xab: {  	_ =	task [dreg:s6], $0x5FFFF  }
0xac: {  	[dreg:$0x1] =	wrdreg $0xFFFFFFFF  }
0xad: {  	[dreg:$0x0] =	wrdreg $0x60  }
0xae: {  	[dreg:$0x2] =	wrdreg s24  }
0xaf: {  	[dreg:$0x3] =	wrdreg $0x46000  }
0xb0: {  	[dreg:$0x4] =	wrdreg $0x9  }
0xb1: {  	_ =	task.clear_ibuf [dreg:s6], $0x5FFFF;
	_ =	strace $0x90000046  }
0xb2: {  	s29 =	simm.s32 $0x9;
	_ =	strace $0x80000048  }
0xb3: {  	_ =	swait.ge [sflag:s29], $0x1  }
0xb4: {  	[sflag:s29] =	ssyncadd.s32 $0xFFFFFFFF  }
0xb5: {  	_ =	strace $0x90000048  }
0xb6: {  	_ =	sfence  }
0xb7: {  	s30 =	sld [smem:$0x0];
	_ =	sdelay $0x2  }
0xb8: {  	s31 =	sshll.u32 s1, $0xD;
	s1 =	sshrl.u32 s1, $0x2  }
0xb9: {  	s3 =	sand.u32 $0x4000, s31;
	s1 =	sadd.s32 s1, s30  }
0xba: {  	s0 =	sor.u32 s3, s0;
	s1 =	sshll.u32 s1, $0x11  }
0xbb: {  	s0 =	sor.u32 s1, s0  }
0xbc: {  	s0 =	sadd.s32 $0x8F2B, s0  }
0xbd: {  	[sflag:s0] =	ssyncadd.remote.s32 $0x1  }
0xbe: {  	_ =	sfence.sel $0xFFFF  }
0xbf: {  	[dreg:$0x0] =	wrdreg $0xFFFFFFFF;
	(pc) =	sbr.abs _section_cstart, $3  }
0xc0: {  	[dreg:$0x1] =	wrdreg $0xFFFFFFFF  }
0xc1: {  	_ =	task.clear_ibuf [dreg:s6], $0x2FFFF;
	_ =	strace $0x9FFFFFFF  }
0xc2: {  	(tm) =	ssettm $0x7FFFFFFF  }
0xc3: {  	_ =	shalt  }
tec
execute0_lowered:
.L_overlay_start_1:
0x0: {  	(tag) =	ssettag $0x1  }
0x1: {  	s1 =	rddreg [dreg:$0x0]  }
0x2: {  	s0 =	stileid.u32;
	s3 =	srdreg.scid  }
0x3: {  	s2 =	rddreg [dreg:$0x1];
	s13 =	simm.s32 $0x500;
	s14 =	simm.s32 $0x2600  }
0x4: {  	s15 =	simm.s32 $0x580;
	s16 =	simm.s32 $0x3600;
	s17 =	simm.s32 $0x600  }
0x5: {  	s18 =	simm.s32 $0x100;
	s19 =	simm.s32 $0x1600;
	s20 =	simm.s32 $0x4  }
0x6: {  	s21 =	simm.s32 $0x200;
	s22 =	simm.s32 $0x1;
	s5 =	smul.u32 $0x3100, s0  }
0x7: {  	s29 =	simm.s32 $0x2;
	s30 =	simm.s32 $0x0;
	s7 =	smul.u32 $0x620, s0  }
0x8: {  	s6 =	sand.u32 $0x1, s3;
	s3 =	simm.s32 $0x0;
	s9 =	smul.u32 $0x31080, s0  }
0x9: {  	s4 =	sadd.s32 $0x33800, s1;
	s10 =	smul.u32 $0x31000, s0;
	s25 =	sshll.u32 s0, $0x6  }
0xa: {  	s28 =	smul.u32 $0x6200, s6;
	[smem:$0x7FF] =	sst s3;
	s6 =	ssub.s32 $0x2, s6  }
0xb: {  	_ =	strace $0x80000047;
	s8 =	sadd.s32 s5, s1;
	s5 =	sadd.s32 $0x2800, s1  }
0xc: {  	s23 =	sshrl.u32 s6, $0x1;
	s24 =	sshrl.u32 s9, $0x2;
	s26 =	sshrl.u32 s10, $0x2  }
0xd: {  	s7 =	sadd.s32 s7, s28;
	s11 =	ssub.s32 s6, s23;
	s12 =	sadd.s32 s24, s2  }
0xe: {  	s6 =	sor.u32 $0x1C05, s25;
	s31 =	sadd.s32 s26, s2;
	s23 =	simm.s32 $0x300  }
0xf: {  	s25 =	simm.s32 $0x400;
	s26 =	simm.s32 $0x480;
	v0 =	vmov s28;
	s28 =	simm.s32 $0x3  }
0x10: {  	s7 =	sshll.u32 s7, $0x2;
	s9 =	smax.u32 s11, $0x1;
	s10 =	sshrl.u32 s12, $0x3  }
0x11: {  	s11 =	simm.s32 $0x5;
	s12 =	simm.s32 $0x80;
	s1 =	sadd.s32 s7, s1  }
0x12: {  	v1 =	vimm.s32 $0x6200;
	s24 =	sshrl.u32 s31, $0x3;
	s7 =	sadd.s32 $0x64800, s8;
	s8 =	sadd.s32 $0x95A00, s1  }
.LBB2_1:
0x13: {  	[spmem:s10], [sflag:s6] =	dma.local [hbm:s5], $0x1884  }
0x14: {  	_ =	swait.ge [sflag:s11], $0x1884  }
0x15: {  	[sflag:s11] =	ssyncset.done $0x0  }
0x16: {  	[sflag:s11] =	ssyncadd.s32 $0xFFFFE77C  }
0x17: {  	[bflag:$0x0] =	sbarrier.arrive $0xFFFF  }
0x18: {  	[tilespmem:$0x500] =	vst v1  }
0x19: {  	[tilespmem:$0x510] =	vst v1  }
0x1a: {  	[tilespmem:$0x520] =	vst v1  }
0x1b: {  	[tilespmem:$0x530] =	vst v1  }
0x1c: {  	[tilespmem:$0x540] =	vst v1  }
0x1d: {  	[tilespmem:$0x550] =	vst v1  }
0x1e: {  	[tilespmem:$0x560] =	vst v1  }
0x1f: {  	[tilespmem:$0x570] =	vst v1  }
0x20: {  	[tilespmem:$0x580] =	vst v1  }
0x21: {  	[tilespmem:$0x590] =	vst v1  }
0x22: {  	[tilespmem:$0x5A0] =	vst v1  }
0x23: {  	[tilespmem:$0x5B0] =	vst v1  }
0x24: {  	[tilespmem:$0x5C0] =	vst v1  }
0x25: {  	[tilespmem:$0x5D0] =	vst v1  }
0x26: {  	[tilespmem:$0x5E0] =	vst v1  }
0x27: {  	[tilespmem:$0x5F0] =	vst v1  }
0x28: {  	[spmem:s2] =	stream.indirect.scatter.add.bf16 [tilespmem:s14], [sflag:$0x4], $0x20, s13, s12, $0xb8;
	[tilespmem:$0x10A20] =	vst v63  }
0x29: {  	_ = 	snop  }
0x2a: {  	[spmem:s2] =	stream.indirect.scatter.add.bf16 [tilespmem:s16], [sflag:$0x4], $0x20, s15, s12, $0xb8;
	[tilespmem:$0x10A20] =	vst v63  }
0x2b: {  	_ = 	snop  }
0x2c: {  	[tilespmem:s3], [sflag:$0x5] =	stream.linear.gather [hbm4b:s7+s3], $0x200, $0x38;
	[tilespmem:$0x10A20] =	vst v63  }
0x2d: {  	_ =	swait.ge [sflag:s11], $0x200  }
0x2e: {  	[sflag:s11] =	ssyncset.done $0x0  }
0x2f: {  	[sflag:s11] =	ssyncadd.s32 $0xFFFFFE00  }
0x30: {  	v2 =	vld [tilespmem:$0x80]  }
0x31: {  	v3 =	vld [tilespmem:$0x90]  }
0x32: {  	v4 =	vld [tilespmem:$0xA0]  }
0x33: {  	v5 =	vld [tilespmem:$0xB0]  }
0x34: {  	v6 =	vld [tilespmem:$0xC0]  }
0x35: {  	v7 =	vld [tilespmem:$0xD0];
	v2 =	vsub.s32 v2, v0  }
0x36: {  	v8 =	vld [tilespmem:$0xE0];
	v3 =	vsub.s32 v3, v0;
	v2 =	vmin.u32 v2, $0x6200  }
0x37: {  	v38 =	vld [tilespmem:$0xF0];
	[tilespmem:$0x400] =	vst v2;
	v2 =	vmin.u32 v3, $0x6200;
	v3 =	vsub.s32 v4, v0  }
0x38: {  	v39 =	vld [tilespmem:$0x180];
	[tilespmem:$0x410] =	vst v2;
	v2 =	vmin.u32 v3, $0x6200;
	v3 =	vsub.s32 v5, v0  }
0x39: {  	v40 =	vld [tilespmem:$0x190];
	[tilespmem:$0x420] =	vst v2;
	v2 =	vmin.u32 v3, $0x6200;
	v3 =	vsub.s32 v6, v0  }
0x3a: {  	v41 =	vld [tilespmem:$0x1A0];
	[tilespmem:$0x430] =	vst v2;
	v2 =	vmin.u32 v3, $0x6200;
	v3 =	vsub.s32 v7, v0  }
0x3b: {  	v42 =	vld [tilespmem:$0x1B0];
	[tilespmem:$0x440] =	vst v2;
	v2 =	vmin.u32 v3, $0x6200;
	v3 =	vsub.s32 v8, v0  }
0x3c: {  	v43 =	vld [tilespmem:$0x1C0];
	[tilespmem:$0x450] =	vst v2;
	v2 =	vmin.u32 v3, $0x6200;
	v3 =	vsub.s32 v38, v0  }
0x3d: {  	v44 =	vld [tilespmem:$0x1D0];
	[tilespmem:$0x460] =	vst v2;
	v2 =	vmin.u32 v3, $0x6200;
	v3 =	vsub.s32 v39, v0  }
0x3e: {  	v45 =	vld [tilespmem:$0x1E0];
	[tilespmem:$0x470] =	vst v2;
	v2 =	vmin.u32 v3, $0x6200;
	v3 =	vsub.s32 v40, v0  }
0x3f: {  	v46 =	vld [tilespmem:$0x1F0];
	[tilespmem:$0x480] =	vst v2;
	v2 =	vmin.u32 v3, $0x6200;
	v3 =	vsub.s32 v41, v0  }
0x40: {  	[tilespmem:$0x490] =	vst v2;
	v2 =	vmin.u32 v3, $0x6200;
	v3 =	vsub.s32 v42, v0  }
0x41: {  	[tilespmem:$0x4A0] =	vst v2;
	v2 =	vmin.u32 v3, $0x6200;
	v3 =	vsub.s32 v43, v0  }
0x42: {  	[tilespmem:$0x4B0] =	vst v2;
	v2 =	vmin.u32 v3, $0x6200;
	v3 =	vsub.s32 v44, v0  }
0x43: {  	[tilespmem:$0x4C0] =	vst v2;
	v2 =	vmin.u32 v3, $0x6200;
	v3 =	vsub.s32 v45, v0  }
0x44: {  	[tilespmem:$0x4D0] =	vst v2;
	v2 =	vmin.u32 v3, $0x6200;
	v3 =	vsub.s32 v46, v0  }
0x45: {  	[tilespmem:$0x4E0] =	vst v2;
	v2 =	vmin.u32 v3, $0x6200  }
0x46: {  	[tilespmem:$0x4F0] =	vst v2  }
0x47: {  	[tilespmem:s17], [sflag:$0x1] =	stream.indirect.gather [hbm4b:s4+s12], $0x20, s3, s12, $0xb8;
	[tilespmem:$0x10A20] =	vst v63  }
0x48: {  	_ = 	snop  }
0x49: {  	[tilespmem:s19], [sflag:$0x1] =	stream.indirect.gather [hbm4b:s4+s12], $0x20, s18, s12, $0xb8;
	[tilespmem:$0x10A20] =	vst v63  }
0x4a: {  	_ =	swait.ge [sflag:s20], $0x1000  }
0x4b: {  	[sflag:s20] =	ssyncset.done $0x0  }
0x4c: {  	[sflag:s20] =	ssyncadd.s32 $0xFFFFF000  }
0x4d: {  	_ =	swait.ge [sflag:s20], $0x1000  }
0x4e: {  	s1 =	sadd.s32 $0xFFFFCF00, s7;
	[sflag:s20] =	ssyncset.done $0x0  }
0x4f: {  	s31 =	sadd.s32 $0x3140, s1;
	[sflag:s20] =	ssyncadd.s32 $0xFFFFF000  }
0x50: {  	[tilespmem:s21], [sflag:$0x5] =	stream.linear.gather [hbm4b:s31+s3], $0x200, $0x38;
	[tilespmem:$0x10A20] =	vst v63  }
0x51: {  	_ =	swait.ge [sflag:s11], $0x200  }
0x52: {  	[sflag:s11] =	ssyncset.done $0x0  }
0x53: {  	[sflag:s11] =	ssyncadd.s32 $0xFFFFFE00  }
0x54: {  	v2 =	vld [tilespmem:$0x3D0]  }
0x55: {  	v3 =	vld [tilespmem:$0x390]  }
0x56: {  	v9 =	vld [tilespmem:$0x2D0]  }
0x57: {  	v47 =	vld [tilespmem:$0x380]  }
0x58: {  	v48 =	vld [tilespmem:$0x3E0]  }
0x59: {  	v49 =	vld [tilespmem:$0x2E0];
	v2 =	vsub.s32 v2, v0  }
0x5a: {  	v50 =	vld [tilespmem:$0x280];
	v3 =	vsub.s32 v3, v0;
	v2 =	vmin.u32 v2, $0x6200  }
0x5b: {  	v51 =	vld [tilespmem:$0x2F0];
	v56 =	vsub.s32 v9, v0;
	v3 =	vmin.u32 v3, $0x6200;
	[tilespmem:$0x5D0] =	vst v2  }
0x5c: {  	v52 =	vld [tilespmem:$0x2B0];
	v8 =	vmin.u32 v56, $0x6200;
	v2 =	vsub.s32 v47, v0;
	[tilespmem:$0x590] =	vst v3  }
0x5d: {  	v53 =	vld [tilespmem:$0x3C0];
	v3 =	vsub.s32 v48, v0;
	[tilespmem:$0x550] =	vst v8;
	v2 =	vmin.u32 v2, $0x6200  }
0x5e: {  	v55 =	vld [tilespmem:$0x3F0];
	[tilespmem:$0x580] =	vst v2;
	v2 =	vmin.u32 v3, $0x6200;
	v3 =	vsub.s32 v49, v0  }
0x5f: {  	v57 =	vld [tilespmem:$0x2A0];
	[tilespmem:$0x5E0] =	vst v2;
	v2 =	vsub.s32 v50, v0;
	v3 =	vmin.u32 v3, $0x6200  }
0x60: {  	v54 =	vld [tilespmem:$0x3A0];
	v2 =	vmin.u32 v2, $0x6200;
	[tilespmem:$0x560] =	vst v3;
	v3 =	vsub.s32 v51, v0  }
0x61: {  	v4 =	vsub.s32 v52, v0;
	[tilespmem:$0x500] =	vst v2;
	v2 =	vmin.u32 v3, $0x6200;
	v3 =	vld [tilespmem:$0x3B0]  }
0x62: {  	v5 =	vsub.s32 v53, v0;
	v4 =	vmin.u32 v4, $0x6200;
	[tilespmem:$0x570] =	vst v2;
	v2 =	vld [tilespmem:$0x2C0]  }
0x63: {  	v58 =	vld [tilespmem:$0x290];
	v60 =	vsub.s32 v55, v0;
	v5 =	vmin.u32 v5, $0x6200;
	[tilespmem:$0x530] =	vst v4  }
0x64: {  	v62 =	vsub.s32 v57, v0;
	v61 =	vmin.u32 v60, $0x6200;
	[tilespmem:$0x5C0] =	vst v5  }
0x65: {  	v59 =	vsub.s32 v54, v0;
	v63 =	vmin.u32 v62, $0x6200;
	[tilespmem:$0x5F0] =	vst v61  }
0x66: {  	v4 =	vmin.u32 v59, $0x6200;
	[tilespmem:$0x520] =	vst v63;
	v3 =	vsub.s32 v3, v0  }
0x67: {  	[tilespmem:$0x5A0] =	vst v4;
	v3 =	vmin.u32 v3, $0x6200;
	v2 =	vsub.s32 v2, v0  }
0x68: {  	[tilespmem:$0x5B0] =	vst v3;
	v3 =	vsub.s32 v58, v0;
	v2 =	vmin.u32 v2, $0x6200  }
0x69: {  	v3 =	vmin.u32 v3, $0x6200;
	[tilespmem:$0x540] =	vst v2  }
0x6a: {  	[tilespmem:$0x510] =	vst v3  }
0x6b: {  	_ =	swait.ge [sflag:s22], $0x1000  }
0x6c: {  	[sflag:s22] =	ssyncset.done $0x0  }
0x6d: {  	[sflag:s22] =	ssyncadd.s32 $0xFFFFF000  }
0x6e: {  	_ =	swait.ge [sflag:s22], $0x1000  }
0x6f: {  	[sflag:s22] =	ssyncset.done $0x0  }
0x70: {  	[sflag:s22] =	ssyncadd.s32 $0xFFFFF000  }
0x71: {  	[tilespmem:s14], [sflag:$0x2] =	stream.indirect.gather [hbm4b:s4+s12], $0x20, s21, s12, $0xb8;
	[tilespmem:$0x10A20] =	vst v63  }
0x72: {  	_ = 	snop  }
0x73: {  	[tilespmem:s16], [sflag:$0x2] =	stream.indirect.gather [hbm4b:s4+s12], $0x20, s23, s12, $0xb8;
	[tilespmem:$0x10A20] =	vst v63  }
0x74: {  	_ = 	snop  }
0x75: {  	[spmem:s2] =	stream.indirect.scatter.add.bf16 [tilespmem:s17], [sflag:$0x3], $0x20, s25, s12, $0xb8;
	[tilespmem:$0x10A20] =	vst v63  }
0x76: {  	_ = 	snop  }
0x77: {  	[spmem:s2] =	stream.indirect.scatter.add.bf16 [tilespmem:s19], [sflag:$0x3], $0x20, s26, s12, $0xb8;
	[tilespmem:$0x10A20] =	vst v63  }
0x78: {  	_ =	swait.ge [sflag:s28], $0x1000  }
0x79: {  	[sflag:s28] =	ssyncset.done $0x0  }
0x7a: {  	[sflag:s28] =	ssyncadd.s32 $0xFFFFF000  }
0x7b: {  	_ =	swait.ge [sflag:s28], $0x1000  }
0x7c: {  	[sflag:s28] =	ssyncset.done $0x0  }
0x7d: {  	s1 =	sadd.s32 $0x3180, s1;
	[sflag:s28] =	ssyncadd.s32 $0xFFFFF000  }
0x7e: {  	[tilespmem:s3], [sflag:$0x5] =	stream.linear.gather [hbm4b:s1+s3], $0x200, $0x38;
	[tilespmem:$0x10A20] =	vst v63  }
0x7f: {  	_ =	swait.ge [sflag:s11], $0x200  }
0x80: {  	[sflag:s11] =	ssyncset.done $0x0  }
0x81: {  	s31 =	simm.s32 $0xFFFFCF80;
	[sflag:s11] =	ssyncadd.s32 $0xFFFFFE00  }
.LBB2_2:
0x82: {  	p0 =	sne.s32 s31, $0xFFFFFF80;
	s1 =	smov.u32 s31;
	s31 =	sadd.s32 $0x80, s31  }
0x83: {  	v2 =	vld [tilespmem:$0x1F0]  }
0x84: {  	v3 =	vld [tilespmem:$0x1E0]  }
0x85: {  	v4 =	vld [tilespmem:$0x1D0]  }
0x86: {  	v5 =	vld [tilespmem:$0x1C0]  }
0x87: {  	v6 =	vld [tilespmem:$0x1B0]  }
0x88: {  	v7 =	vld [tilespmem:$0x1A0];
	v2 =	vsub.s32 v2, v0  }
0x89: {  	v8 =	vld [tilespmem:$0x190];
	v3 =	vsub.s32 v3, v0;
	v2 =	vmin.u32 v2, $0x6200  }
0x8a: {  	v9 =	vld [tilespmem:$0x180];
	v4 =	vsub.s32 v4, v0;
	v3 =	vmin.u32 v3, $0x6200;
	[tilespmem:$0x4F0] =	vst v2  }
0x8b: {  	v2 =	vld [tilespmem:$0xF0];
	v5 =	vsub.s32 v5, v0;
	v4 =	vmin.u32 v4, $0x6200;
	[tilespmem:$0x4E0] =	vst v3  }
0x8c: {  	v3 =	vld [tilespmem:$0xE0];
	v6 =	vsub.s32 v6, v0;
	v5 =	vmin.u32 v5, $0x6200;
	[tilespmem:$0x4D0] =	vst v4  }
0x8d: {  	v4 =	vld [tilespmem:$0xD0];
	v7 =	vsub.s32 v7, v0;
	v6 =	vmin.u32 v6, $0x6200;
	[tilespmem:$0x4C0] =	vst v5  }
0x8e: {  	v5 =	vld [tilespmem:$0xC0];
	v8 =	vsub.s32 v8, v0;
	v7 =	vmin.u32 v7, $0x6200;
	[tilespmem:$0x4B0] =	vst v6  }
0x8f: {  	v6 =	vld [tilespmem:$0xB0];
	v9 =	vsub.s32 v9, v0;
	v8 =	vmin.u32 v8, $0x6200;
	[tilespmem:$0x4A0] =	vst v7  }
0x90: {  	v7 =	vld [tilespmem:$0xA0];
	v2 =	vsub.s32 v2, v0;
	v9 =	vmin.u32 v9, $0x6200;
	[tilespmem:$0x490] =	vst v8  }
0x91: {  	v8 =	vld [tilespmem:$0x90];
	v3 =	vsub.s32 v3, v0;
	v2 =	vmin.u32 v2, $0x6200;
	[tilespmem:$0x480] =	vst v9  }
0x92: {  	v9 =	vld [tilespmem:$0x80];
	v4 =	vsub.s32 v4, v0;
	v3 =	vmin.u32 v3, $0x6200;
	[tilespmem:$0x470] =	vst v2  }
0x93: {  	v2 =	vsub.s32 v5, v0;
	v4 =	vmin.u32 v4, $0x6200;
	[tilespmem:$0x460] =	vst v3  }
0x94: {  	v3 =	vsub.s32 v6, v0;
	v2 =	vmin.u32 v2, $0x6200;
	[tilespmem:$0x450] =	vst v4  }
0x95: {  	v4 =	vsub.s32 v7, v0;
	v3 =	vmin.u32 v3, $0x6200;
	[tilespmem:$0x440] =	vst v2  }
0x96: {  	v2 =	vsub.s32 v8, v0;
	v4 =	vmin.u32 v4, $0x6200;
	[tilespmem:$0x430] =	vst v3  }
0x97: {  	v3 =	vsub.s32 v9, v0;
	v2 =	vmin.u32 v2, $0x6200;
	[tilespmem:$0x420] =	vst v4  }
0x98: {  	v3 =	vmin.u32 v3, $0x6200;
	[tilespmem:$0x410] =	vst v2  }
0x99: {  	[tilespmem:$0x400] =	vst v3  }
0x9a: {  	_ =	swait.ge [sflag:s29], $0x1000  }
0x9b: {  	[sflag:s29] =	ssyncset.done $0x0  }
0x9c: {  	[sflag:s29] =	ssyncadd.s32 $0xFFFFF000  }
0x9d: {  	_ =	swait.ge [sflag:s29], $0x1000  }
0x9e: {  	[sflag:s29] =	ssyncset.done $0x0  }
0x9f: {  	[sflag:s29] =	ssyncadd.s32 $0xFFFFF000  }
0xa0: {  	[tilespmem:s17], [sflag:$0x1] =	stream.indirect.gather [hbm4b:s4+s12], $0x20, s3, s12, $0xb8;
	[tilespmem:$0x10A20] =	vst v63  }
0xa1: {  	_ = 	snop  }
0xa2: {  	[tilespmem:s19], [sflag:$0x1] =	stream.indirect.gather [hbm4b:s4+s12], $0x20, s18, s12, $0xb8;
	[tilespmem:$0x10A20] =	vst v63  }
0xa3: {  	_ = 	snop  }
0xa4: {  	[spmem:s2] =	stream.indirect.scatter.add.bf16 [tilespmem:s14], [sflag:$0x4], $0x20, s13, s12, $0xb8;
	[tilespmem:$0x10A20] =	vst v63  }
0xa5: {  	_ = 	snop  }
0xa6: {  	[spmem:s2] =	stream.indirect.scatter.add.bf16 [tilespmem:s16], [sflag:$0x4], $0x20, s15, s12, $0xb8;
	[tilespmem:$0x10A20] =	vst v63  }
0xa7: {  	_ =	swait.ge [sflag:s20], $0x1000  }
0xa8: {  	[sflag:s20] =	ssyncset.done $0x0  }
0xa9: {  	[sflag:s20] =	ssyncadd.s32 $0xFFFFF000  }
0xaa: {  	_ =	swait.ge [sflag:s20], $0x1000  }
0xab: {  	s1 =	sadd.s32 s1, s7;
	[sflag:s20] =	ssyncset.done $0x0  }
0xac: {  	s0 =	sadd.s32 $0x3140, s1;
	[sflag:s20] =	ssyncadd.s32 $0xFFFFF000  }
0xad: {  	[tilespmem:s21], [sflag:$0x5] =	stream.linear.gather [hbm4b:s0+s3], $0x200, $0x38;
	[tilespmem:$0x10A20] =	vst v63  }
0xae: {  	_ =	swait.ge [sflag:s11], $0x200  }
0xaf: {  	[sflag:s11] =	ssyncset.done $0x0  }
0xb0: {  	[sflag:s11] =	ssyncadd.s32 $0xFFFFFE00  }
0xb1: {  	v2 =	vld [tilespmem:$0x3D0]  }
0xb2: {  	v3 =	vld [tilespmem:$0x2F0]  }
0xb3: {  	v4 =	vld [tilespmem:$0x2E0]  }
0xb4: {  	v5 =	vld [tilespmem:$0x390]  }
0xb5: {  	v6 =	vld [tilespmem:$0x380]  }
0xb6: {  	v2 =	vsub.s32 v2, v0;
	v7 =	vld [tilespmem:$0x3E0]  }
0xb7: {  	v8 =	vld [tilespmem:$0x280]  }
0xb8: {  	v2 =	vmin.u32 v2, $0x6200;
	v9 =	vld [tilespmem:$0x2D0]  }
0xb9: {  	v10 =	vld [tilespmem:$0x2B0];
	v5 =	vsub.s32 v5, v0;
	[tilespmem:$0x5D0] =	vst v2  }
0xba: {  	v2 =	vsub.s32 v6, v0;
	v5 =	vmin.u32 v5, $0x6200;
	v6 =	vld [tilespmem:$0x3C0]  }
0xbb: {  	v11 =	vld [tilespmem:$0x2A0];
	v2 =	vmin.u32 v2, $0x6200;
	[tilespmem:$0x590] =	vst v5;
	v5 =	vsub.s32 v7, v0  }
0xbc: {  	v7 =	vld [tilespmem:$0x2C0];
	[tilespmem:$0x580] =	vst v2;
	v2 =	vmin.u32 v5, $0x6200  }
0xbd: {  	v4 =	vsub.s32 v4, v0;
	v5 =	vld [tilespmem:$0x290];
	v9 =	vsub.s32 v9, v0;
	[tilespmem:$0x5E0] =	vst v2  }
0xbe: {  	v4 =	vmin.u32 v4, $0x6200;
	v2 =	vsub.s32 v8, v0;
	v8 =	vsub.s32 v10, v0;
	v10 =	vld [tilespmem:$0x3A0]  }
0xbf: {  	v3 =	vsub.s32 v3, v0;
	v2 =	vmin.u32 v2, $0x6200;
	v8 =	vmin.u32 v8, $0x6200;
	[tilespmem:$0x560] =	vst v4;
	v4 =	vld [tilespmem:$0x3F0]  }
0xc0: {  	v3 =	vmin.u32 v3, $0x6200;
	v6 =	vsub.s32 v6, v0;
	[tilespmem:$0x500] =	vst v2;
	v2 =	vsub.s32 v11, v0;
	v11 =	vld [tilespmem:$0x3B0]  }
0xc1: {  	v9 =	vmin.u32 v9, $0x6200;
	v2 =	vmin.u32 v2, $0x6200;
	v7 =	vsub.s32 v7, v0;
	[tilespmem:$0x570] =	vst v3  }
0xc2: {  	v6 =	vmin.u32 v6, $0x6200;
	v3 =	vsub.s32 v5, v0;
	v5 =	vmin.u32 v7, $0x6200;
	[tilespmem:$0x550] =	vst v9  }
0xc3: {  	v3 =	vmin.u32 v3, $0x6200;
	[tilespmem:$0x530] =	vst v8;
	v7 =	vsub.s32 v10, v0  }
0xc4: {  	v7 =	vmin.u32 v7, $0x6200;
	[tilespmem:$0x5C0] =	vst v6;
	v4 =	vsub.s32 v4, v0  }
0xc5: {  	[tilespmem:$0x5A0] =	vst v7;
	v6 =	vsub.s32 v11, v0;
	v4 =	vmin.u32 v4, $0x6200  }
0xc6: {  	v6 =	vmin.u32 v6, $0x6200;
	[tilespmem:$0x5F0] =	vst v4  }
0xc7: {  	[tilespmem:$0x5B0] =	vst v6  }
0xc8: {  	[tilespmem:$0x520] =	vst v2  }
0xc9: {  	[tilespmem:$0x540] =	vst v5  }
0xca: {  	[tilespmem:$0x510] =	vst v3  }
0xcb: {  	_ =	swait.ge [sflag:s22], $0x1000  }
0xcc: {  	[sflag:s22] =	ssyncset.done $0x0  }
0xcd: {  	[sflag:s22] =	ssyncadd.s32 $0xFFFFF000  }
0xce: {  	_ =	swait.ge [sflag:s22], $0x1000  }
0xcf: {  	[sflag:s22] =	ssyncset.done $0x0  }
0xd0: {  	[sflag:s22] =	ssyncadd.s32 $0xFFFFF000  }
0xd1: {  	[tilespmem:s14], [sflag:$0x2] =	stream.indirect.gather [hbm4b:s4+s12], $0x20, s21, s12, $0xb8;
	[tilespmem:$0x10A20] =	vst v63  }
0xd2: {  	_ = 	snop  }
0xd3: {  	[tilespmem:s16], [sflag:$0x2] =	stream.indirect.gather [hbm4b:s4+s12], $0x20, s23, s12, $0xb8;
	[tilespmem:$0x10A20] =	vst v63  }
0xd4: {  	_ = 	snop  }
0xd5: {  	[spmem:s2] =	stream.indirect.scatter.add.bf16 [tilespmem:s17], [sflag:$0x3], $0x20, s25, s12, $0xb8;
	[tilespmem:$0x10A20] =	vst v63  }
0xd6: {  	_ = 	snop  }
0xd7: {  	[spmem:s2] =	stream.indirect.scatter.add.bf16 [tilespmem:s19], [sflag:$0x3], $0x20, s26, s12, $0xb8;
	[tilespmem:$0x10A20] =	vst v63  }
0xd8: {  	_ =	swait.ge [sflag:s28], $0x1000  }
0xd9: {  	[sflag:s28] =	ssyncset.done $0x0  }
0xda: {  	[sflag:s28] =	ssyncadd.s32 $0xFFFFF000  }
0xdb: {  	_ =	swait.ge [sflag:s28], $0x1000  }
0xdc: {  	[sflag:s28] =	ssyncset.done $0x0  }
.Ltmp0:
0xdd: {  	s0 =	sadd.s32 $0x3180, s1;
	[sflag:s28] =	ssyncadd.s32 $0xFFFFF000;
	(pc) =	sbr.rel @p0 .LBB2_2-.Ltmp0, $4  }
0xde: {  	[tilespmem:s3], [sflag:$0x5] =	stream.linear.gather [hbm4b:s0+s3], $0x200, $0x38;
	[tilespmem:$0x10A20] =	vst v63  }
0xdf: {  	_ =	swait.ge [sflag:s11], $0x200  }
0xe0: {  	[sflag:s11] =	ssyncset.done $0x0  }
0xe1: {  	[sflag:s11] =	ssyncadd.s32 $0xFFFFFE00  }
0xe2: {  	v2 =	vld [tilespmem:$0x1F0]  }
0xe3: {  	v3 =	vld [tilespmem:$0x1E0]  }
0xe4: {  	v4 =	vld [tilespmem:$0x1D0]  }
0xe5: {  	v5 =	vld [tilespmem:$0x1C0]  }
0xe6: {  	v6 =	vld [tilespmem:$0x1B0]  }
0xe7: {  	v7 =	vld [tilespmem:$0x1A0];
	v2 =	vsub.s32 v2, v0  }
0xe8: {  	v8 =	vld [tilespmem:$0x190];
	v3 =	vsub.s32 v3, v0;
	v2 =	vmin.u32 v2, $0x6200  }
0xe9: {  	v9 =	vld [tilespmem:$0x180];
	v4 =	vsub.s32 v4, v0;
	v3 =	vmin.u32 v3, $0x6200;
	[tilespmem:$0x4F0] =	vst v2  }
0xea: {  	v57 =	vld [tilespmem:$0xD0];
	v5 =	vsub.s32 v5, v0;
	v4 =	vmin.u32 v4, $0x6200;
	[tilespmem:$0x4E0] =	vst v3  }
0xeb: {  	v60 =	vld [tilespmem:$0xA0];
	v6 =	vsub.s32 v6, v0;
	v5 =	vmin.u32 v5, $0x6200;
	[tilespmem:$0x4D0] =	vst v4  }
0xec: {  	v7 =	vsub.s32 v7, v0;
	v6 =	vmin.u32 v6, $0x6200;
	v2 =	vld [tilespmem:$0xF0];
	[tilespmem:$0x4C0] =	vst v5  }
0xed: {  	v8 =	vsub.s32 v8, v0;
	v7 =	vmin.u32 v7, $0x6200;
	v3 =	vld [tilespmem:$0xE0];
	[tilespmem:$0x4B0] =	vst v6  }
0xee: {  	v58 =	vld [tilespmem:$0xC0];
	v9 =	vsub.s32 v9, v0;
	v8 =	vmin.u32 v8, $0x6200;
	[tilespmem:$0x4A0] =	vst v7  }
0xef: {  	v59 =	vld [tilespmem:$0xB0];
	v9 =	vmin.u32 v9, $0x6200;
	[tilespmem:$0x490] =	vst v8;
	v4 =	vsub.s32 v57, v0  }
0xf0: {  	v61 =	vld [tilespmem:$0x90];
	v63 =	vsub.s32 v60, v0;
	[tilespmem:$0x480] =	vst v9;
	v4 =	vmin.u32 v4, $0x6200  }
0xf1: {  	v62 =	vld [tilespmem:$0x80];
	[tilespmem:$0x450] =	vst v4;
	v4 =	vmin.u32 v63, $0x6200;
	v2 =	vsub.s32 v2, v0  }
0xf2: {  	[tilespmem:$0x420] =	vst v4;
	v3 =	vsub.s32 v3, v0;
	v2 =	vmin.u32 v2, $0x6200  }
0xf3: {  	v3 =	vmin.u32 v3, $0x6200;
	[tilespmem:$0x470] =	vst v2;
	v2 =	vsub.s32 v58, v0  }
0xf4: {  	[tilespmem:$0x460] =	vst v3;
	v3 =	vsub.s32 v59, v0;
	v2 =	vmin.u32 v2, $0x6200  }
0xf5: {  	v3 =	vmin.u32 v3, $0x6200;
	[tilespmem:$0x440] =	vst v2;
	v2 =	vsub.s32 v61, v0  }
0xf6: {  	[tilespmem:$0x430] =	vst v3;
	v3 =	vsub.s32 v62, v0;
	v2 =	vmin.u32 v2, $0x6200  }
0xf7: {  	v3 =	vmin.u32 v3, $0x6200;
	[tilespmem:$0x410] =	vst v2  }
0xf8: {  	[tilespmem:$0x400] =	vst v3  }
0xf9: {  	_ =	swait.ge [sflag:s29], $0x1000  }
0xfa: {  	[sflag:s29] =	ssyncset.done $0x0  }
0xfb: {  	[sflag:s29] =	ssyncadd.s32 $0xFFFFF000  }
0xfc: {  	_ =	swait.ge [sflag:s29], $0x1000  }
0xfd: {  	[sflag:s29] =	ssyncset.done $0x0  }
0xfe: {  	[sflag:s29] =	ssyncadd.s32 $0xFFFFF000  }
0xff: {  	[tilespmem:s17], [sflag:$0x1] =	stream.indirect.gather [hbm4b:s4+s12], $0x20, s3, s12, $0xb8;
	[tilespmem:$0x10A20] =	vst v63  }
0x100: {  	_ = 	snop  }
0x101: {  	[tilespmem:s19], [sflag:$0x1] =	stream.indirect.gather [hbm4b:s4+s12], $0x20, s18, s12, $0xb8;
	[tilespmem:$0x10A20] =	vst v63  }
0x102: {  	_ = 	snop  }
0x103: {  	[spmem:s2] =	stream.indirect.scatter.add.bf16 [tilespmem:s14], [sflag:$0x4], $0x20, s13, s12, $0xb8;
	[tilespmem:$0x10A20] =	vst v63  }
0x104: {  	_ = 	snop  }
0x105: {  	[spmem:s2] =	stream.indirect.scatter.add.bf16 [tilespmem:s16], [sflag:$0x4], $0x20, s15, s12, $0xb8;
	[tilespmem:$0x10A20] =	vst v63  }
0x106: {  	_ =	swait.ge [sflag:s20], $0x1000  }
0x107: {  	[sflag:s20] =	ssyncset.done $0x0  }
0x108: {  	[sflag:s20] =	ssyncadd.s32 $0xFFFFF000  }
0x109: {  	_ =	swait.ge [sflag:s20], $0x1000  }
0x10a: {  	[sflag:s20] =	ssyncset.done $0x0  }
0x10b: {  	[sflag:s20] =	ssyncadd.s32 $0xFFFFF000  }
0x10c: {  	_ =	swait.ge [sflag:s22], $0x1000  }
0x10d: {  	[sflag:s22] =	ssyncset.done $0x0  }
0x10e: {  	[sflag:s22] =	ssyncadd.s32 $0xFFFFF000  }
0x10f: {  	_ =	swait.ge [sflag:s22], $0x1000  }
0x110: {  	s30 =	sadd.s32 $0x1, s30;
	[sflag:s22] =	ssyncset.done $0x0  }
0x111: {  	p0 =	sne.s32 s30, s9;
	[sflag:s22] =	ssyncadd.s32 $0xFFFFF000  }
.Ltmp1:
0x112: {  	[bflag:$0x0] =	sbarrier.arrive $0xFFFF;
	(pc) =	sbr.rel @p0 .LBB2_1-.Ltmp1, $4  }
0x113: {  	[hbm:s8], [sflag:s6] =	dma.local [spmem:s24], $0x1880  }
0x114: {  	_ =	swait.ge [sflag:s11], $0x1880  }
0x115: {  	[sflag:s11] =	ssyncset.done $0x0  }
0x116: {  	[sflag:s11] =	ssyncadd.s32 $0xFFFFE780  }
0x117: {  	_ =	sfence.sel $0x180000  }
0x118: {  	[bflag:$0x0] =	sbarrier.arrive $0xFFFF  }
0x119: {  	_ =	strace $0x90000047  }
0x11a: {  	s0 =	stileid.u32;
	[bflag:$0x2] =	sbarrier.arrive $0xFFFF  }
0x11b: {  	p0 =	sne.s32 s0, $0x0;
	s0 =	rddreg [dreg:$0x2]  }
0x11c: {  	s0 =	sadd.s32 @!p0 $0x100000, s0  }
0x11d: {  	[sflag:s0] =	ssyncadd.tile.s32 @!p0 $0x1;
	_ =	shalt  }
.Lfunc_end2:
_tile_overlayer_lowered:
.L_overlay_start_2:
0x11e: {  	(tag) =	ssettag $0x2  }
0x11f: {  	s0 =	rddreg [dreg:$0x0];
	s2 =	stileid.u32  }
0x120: {  	s1 =	rddreg [dreg:$0x1];
	p0 =	sne.s32 s2, $0x0  }
0x121: {  	s3 =	rddreg [dreg:$0x2];
	[bflag:$0x3] =	sbarrier.arrive $0xFFFF;
	s2 =	simm.s32 @!p0 $0x1C05  }
0x122: {  	[timem:s3], [sflag:s2] =	dma.local @!p0 [hbm:s0], s1  }
0x123: {  	s0 =	simm.s32 @!p0 $0x5  }
0x124: {  	_ =	swait.ge @!p0 [sflag:s0], s1  }
0x125: {  	s1 =	ssub.s32 @!p0 $0x0, s1;
	[sflag:s0] =	ssyncset.done @!p0 $0x0  }
0x126: {  	[sflag:s0] =	ssyncadd.s32 @!p0 s1  }
0x127: {  	[bflag:$0x3] =	sbarrier.arrive $0xFFFF  }
0x128: {  	_ =	shalt  }

</sc_bundles>
